<compile_context>
chip_gen: v7x
topology: tpu7x:2x2x1
jax: 0.10.2.dev20260603
libtpu: 0.0.44.dev20260713+nightly
codegen_flags: <defaults>
</compile_context>

<pallas_src>
import functools

import jax
import jax.numpy as jnp
from jax import lax
from jax.experimental import pallas as pl
from jax.experimental.pallas import tpu as pltpu
from jax.experimental.pallas import tpu_sc as plsc

NUM_TCRS = 100000
MAX_HLAS = 16
NUM_DONORS = 1024
NUM_HLAS = 200
BATCH = 1024
NUM_POS = 8
BETA = 4.0
L2_LAMBDA = 1e-05

_C_PAD = 256
_ZSQ_COL = 208
_M_COL = 224
_NC, _NS = 2, 16
_NW = _NC * _NS
_BPW = BATCH // _NW
_GRP = 16

_HALF_LOG_2PI = 0.9189385332046727
_LN2 = 0.6931471805599453


def _lgamma(x):
    y = x + 8.0
    yi = 1.0 / y
    yi2 = yi * yi
    s = (y - 0.5) * jnp.log(y) - y + _HALF_LOG_2PI
    s = s + yi * (8.333333333333333e-2
                  - yi2 * (2.777777777777778e-3 - yi2 * 7.936507936507937e-4))
    prod = (x * (x + 1.0) * (x + 2.0) * (x + 3.0)
            * (x + 4.0) * (x + 5.0) * (x + 6.0) * (x + 7.0))
    return s - jnp.log(prod)


def _sc_log(y):
    bits = plsc.bitcast(y, jnp.int32)
    e = lax.shift_right_logical(bits, 23) - 127
    mant = plsc.bitcast((bits & 0x007FFFFF) | 0x3F800000, jnp.float32)
    big = mant > 1.4142135381698608
    mant = jnp.where(big, mant * 0.5, mant)
    e = jnp.where(big, e + 1, e)
    t = mant - 1.0
    s = t / (2.0 + t)
    z2 = s * s
    poly = 1.0 + z2 * (0.33333333 + z2 * (0.2 + z2 * 0.14285715))
    return e.astype(jnp.float32) * _LN2 + 2.0 * s * poly


@functools.cache
def _make_sc_scatter():
    mesh = plsc.VectorSubcoreMesh(
        core_axis_name="c", subcore_axis_name="s",
        num_cores=_NC, num_subcores=_NS)

    @functools.partial(
        pl.kernel,
        out_type=jax.ShapeDtypeStruct((BATCH, _C_PAD), jnp.float32),
        mesh=mesh,
        scratch_types=(
            pltpu.VMEM((_BPW,), jnp.int32),
            pltpu.VMEM((_GRP, MAX_HLAS, 128), jnp.float32),
            pltpu.VMEM((_GRP, MAX_HLAS, 128), jnp.int32),
            pltpu.VMEM((_BPW, _C_PAD), jnp.float32),
            pltpu.SemaphoreType.DMA,
            pltpu.SemaphoreType.DMA,
        ),
        compiler_params=pltpu.CompilerParams(needs_layout_passes=False),
    )
    def _sc_scatter(idx_hbm, zt_hbm, bt_hbm, s_out,
                    idx_v, z_blk, b_blk, s_buf, sem_z, sem_b):
        wid = lax.axis_index("s") * _NC + lax.axis_index("c")
        base = wid * _BPW
        pltpu.sync_copy(idx_hbm.at[pl.ds(base, _BPW)], idx_v)
        lanes = lax.iota(jnp.int32, 16)
        zeros16 = jnp.zeros((16,), jnp.float32)
        zsq_acc = jnp.zeros((16,), jnp.float32)
        m_acc = jnp.zeros((16,), jnp.float32)
        for g in range(_BPW // _GRP):
            chunk = idx_v[pl.ds(g * _GRP, _GRP)]
            cbase = lax.shift_left(lax.shift_right_logical(chunk, 7), 7)
            descs = []
            for e in range(_GRP):
                cb = pl.multiple_of(cbase[e], 128)
                descs.append(pltpu.async_copy(
                    zt_hbm.at[:, pl.ds(cb, 128)],
                    z_blk.at[e], sem_z))
                descs.append(pltpu.async_copy(
                    bt_hbm.at[:, pl.ds(cb, 128)],
                    b_blk.at[e], sem_b))
            if g == 0:
                def _zero_row(i):
                    for j in range(_C_PAD // 16):
                        s_buf[i, pl.ds(j * 16, 16)] = zeros16
                pl.loop(0, _BPW)(_zero_row)
            for d in descs:
                d.wait()
            lane_vec = chunk & 127
            rows = lanes + g * _GRP

            def _one_h(h, carry):
                zsq, msum = carry
                hv = jnp.full((16,), h, jnp.int32)
                zc = plsc.load_gather(z_blk, [lanes, hv, lane_vec])
                bc = plsc.load_gather(b_blk, [lanes, hv, lane_vec])
                valid = bc != -1
                mf = jnp.where(valid, 1.0, 0.0)
                zp = mf / (1.0 + jnp.exp(-zc))
                w = _sc_log(jnp.maximum(1.0 - zp, 1e-7))
                plsc.addupdate_scatter(s_buf, [rows, bc], w, mask=valid)
                return zsq + zc * zc * mf, msum + mf

            zsq_acc, m_acc = lax.fori_loop(
                0, MAX_HLAS, _one_h, (zsq_acc, m_acc), unroll=4)
        s_buf[0, pl.ds(_ZSQ_COL, 16)] = zsq_acc
        s_buf[0, pl.ds(_M_COL, 16)] = m_acc
        pltpu.sync_copy(s_buf, s_out.at[pl.ds(base, _BPW)])

    return _sc_scatter


def _tc_body(s_ref, xt_ref, pos_ref, nll_ref, reg_ref):
    s_full = s_ref[...]
    pos = pos_ref[...]

    lp = jnp.dot(s_full[:, :NUM_HLAS], xt_ref[...],
                 preferred_element_type=jnp.float32)
    p = jnp.maximum(1.0 - jnp.exp(lp), 1e-7)
    sum_p_all = jnp.sum(p, axis=1, keepdims=True)

    dcol = lax.broadcasted_iota(jnp.int32, (BATCH, NUM_DONORS), 1)
    cnt = jnp.zeros((BATCH, NUM_DONORS), jnp.float32)
    n_i = jnp.zeros((BATCH, 1), jnp.float32)
    for j in range(NUM_POS):
        pj = pos[:, j:j + 1]
        mj = (pj != -1).astype(jnp.float32)
        enc = jnp.where(pj != -1, pj, NUM_DONORS)
        cnt = cnt + jnp.where(dcol == enc, 1.0, 0.0)
        n_i = n_i + mj
    sum_p_pos = jnp.sum(cnt * p, axis=1, keepdims=True)
    reward = jnp.sum(cnt * jnp.log(p), axis=1, keepdims=True)

    n_tilde = sum_p_all - sum_p_pos
    pen = _lgamma(n_tilde + BETA) - _lgamma(n_i + n_tilde + BETA + 1.0)
    nll = -jnp.sum(reward + pen)
    zsq_total = jnp.sum(s_full[:, _ZSQ_COL:_ZSQ_COL + 16])
    m_total = jnp.sum(s_full[:, _M_COL:_M_COL + 16])
    reg = L2_LAMBDA * zsq_total / jnp.maximum(m_total, 1.0)
    nll_ref[...] = jnp.reshape(nll, (1, 1))
    reg_ref[...] = jnp.reshape(reg, (1, 1))


def _tc_compute(s, xt, pos):
    return pl.pallas_call(
        _tc_body,
        out_shape=(jax.ShapeDtypeStruct((1, 1), jnp.float32),
                   jax.ShapeDtypeStruct((1, 1), jnp.float32)),
    )(s, xt, pos)


def kernel(tcr_idx, pos_donor_indices, donor_hla_matrix, binder_sets, z_table):
    s = _make_sc_scatter()(tcr_idx, z_table.T, binder_sets.T)
    nll, reg = _tc_compute(s, donor_hla_matrix.T, pos_donor_indices)
    return (nll[0, 0], reg[0, 0])

# --- scband reference (transcript-rebuilt; emitter-appended) ---
"""Pipeline reference for scband-sparse-tcrmodel-46557445488690 (READ-ONLY COPY).

The authoritative reference and input builder live on the scoring server;
editing this copy changes nothing except your own understanding.
"""

import jax, jax.numpy as jnp
import numpy as np
from jax.scipy.special import gammaln

NUM_TCRS = 100000
MAX_HLAS = 16
NUM_DONORS = 1024
NUM_HLAS = 200
BATCH = 1024
NUM_POS = 8
BETA = 4.0
L2_LAMBDA = 1e-05


def setup_inputs(seed: int = 0) -> dict:
    key = jax.random.key(seed)
    k1, k2, k3, k4, k5 = jax.random.split(key, 5)
    tcr_idx = jax.random.randint(k1, (BATCH,), 0, NUM_TCRS, dtype=jnp.int32)
    pos_donor_indices = jax.random.randint(k2, (BATCH, NUM_POS), 0, NUM_DONORS, dtype=jnp.int32)
    donor_hla_matrix = (jax.random.uniform(k3, (NUM_DONORS, NUM_HLAS)) < 0.1).astype(jnp.float32)
    binder_sets = jax.random.randint(k4, (NUM_TCRS, MAX_HLAS), 0, NUM_HLAS, dtype=jnp.int32)
    z_table = jax.random.normal(k5, (NUM_TCRS, MAX_HLAS), dtype=jnp.float32) * 0.75 - 1.25
    return {"tcr_idx": tcr_idx, "pos_donor_indices": pos_donor_indices, "donor_hla_matrix": donor_hla_matrix, "binder_sets": binder_sets, "z_table": z_table}


def reference(tcr_idx, pos_donor_indices, donor_hla_matrix, binder_sets, z_table):
    X_T = donor_hla_matrix.T  # [NUM_HLAS, NUM_DONORS]
    binder_mask = (binder_sets != -1).astype(jnp.float32)
    batch_binder = jnp.take(binder_sets, tcr_idx, axis=0)  # [B, H] int gather
    batch_mask = jnp.take(binder_mask, tcr_idx, axis=0)  # [B, H]
    z_logits = jnp.take(z_table, tcr_idx, axis=0)  # [B, H] embedding lookup
    relevant_x = jnp.take(X_T, batch_binder, axis=0)  # [B, H, D] gather
    z_prob = jax.nn.sigmoid(z_logits) * batch_mask
    z_prob_expanded = z_prob[..., None]
    n_valid = jnp.maximum(jnp.sum(batch_mask), 1.0)
    regularization_term = L2_LAMBDA * jnp.sum(jnp.square(z_logits) * batch_mask) / n_valid
    term_raw = 1.0 - relevant_x * z_prob_expanded
    term_safe = jnp.maximum(term_raw, 1e-07)
    log_prod = jnp.sum(jnp.log(term_safe), axis=1)  # [B, D]
    p_ni = 1.0 - jnp.exp(log_prod)
    p_ni_safe = jnp.maximum(p_ni, 1e-07)
    safe_pos_indices = jnp.maximum(pos_donor_indices, 0)
    pos_mask = (pos_donor_indices != -1).astype(jnp.float32)
    p_pos = jnp.take_along_axis(p_ni_safe, safe_pos_indices, axis=1)  # [B, P] batched gather
    reward = jnp.sum(jnp.log(p_pos) * pos_mask, axis=1)
    n_i = jnp.sum(pos_mask, axis=1)
    sum_p_all = jnp.sum(p_ni_safe, axis=1)
    sum_p_pos = jnp.sum(p_pos * pos_mask, axis=1)
    n_tilde = sum_p_all - sum_p_pos
    penalty = gammaln(n_tilde + BETA) - gammaln(n_i + n_tilde + BETA + 1.0)
    log_likelihood = reward + penalty
    nll = -jnp.sum(log_likelihood)
    return (nll, regularization_term)

if __name__ == "__main__":
    import jax
    _d = setup_inputs()
    print(jax.jit(kernel)(*tuple(_d.values())))

</pallas_src>

<mosaic_0001>
#map = affine_map<(d0, d1) -> (0)>
#map1 = affine_map<(d0, d1) -> (0, 0)>
module attributes {stable_mosaic.version = 14 : i64} {
  func.func @_sc_scatter(%arg0: i32, %arg1: i32, %arg2: memref<1024xi32, #tpu.memory_space<hbm>>, %arg3: memref<16x100000xf32, #tpu.memory_space<hbm>>, %arg4: memref<16x100000xi32, #tpu.memory_space<hbm>>, %arg5: memref<1024x256xf32, #tpu.memory_space<hbm>>, %arg6: memref<32xi32, #tpu.memory_space<vmem>>, %arg7: memref<16x16x128xf32, #tpu.memory_space<vmem>>, %arg8: memref<16x16x128xi32, #tpu.memory_space<vmem>>, %arg9: memref<32x256xf32, #tpu.memory_space<vmem>>, %arg10: memref<!tpu.dma_semaphore, #tpu.memory_space<semaphore_mem>>, %arg11: memref<!tpu.dma_semaphore, #tpu.memory_space<semaphore_mem>>) attributes {dimension_semantics = [#tpu.dimension_semantics<core_parallel>, #tpu.dimension_semantics<subcore_parallel>], iteration_bounds = array<i64: 2, 16>, scalar_prefetch = 0 : i64, scratch_operands = 6 : i64, tpu.core_type = #tpu.core_type<sc_vector_subcore>, window_params = [{transform_indices = #map}, {transform_indices = #map1}, {transform_indices = #map1}, {transform_indices = #map1}]} {
    %mul3A = arith.constant 2 : i32
    %mul3A_0 = arith.muli %arg1, %mul3A : i32
    %add3A = arith.addi %mul3A_0, %arg0 : i32
    %mul3A_1 = arith.constant 32 : i32
    %mul3A_2 = arith.muli %add3A, %mul3A_1 : i32
    "tpu.region"() ({
      %run_scoped3A = tpu.sem_alloc : memref<!tpu.dma_semaphore, #tpu.memory_space<semaphore_mem>>
      %dma_start3A_1810 = tpu.memref_slice %arg2[%mul3A_2] : memref<1024xi32, #tpu.memory_space<hbm>> -> memref<32xi32, #tpu.memory_space<hbm>>
      %dma_start3A_1811 = tpu.memref_slice %arg2[%mul3A_2] : memref<1024xi32, #tpu.memory_space<hbm>> -> memref<32xi32, #tpu.memory_space<hbm>>
      tpu.enqueue_dma source(%dma_start3A_1811 : memref<32xi32, #tpu.memory_space<hbm>>) target(%arg6 : memref<32xi32, #tpu.memory_space<vmem>>) target_semaphore(%run_scoped3A : memref<!tpu.dma_semaphore, #tpu.memory_space<semaphore_mem>>)
      %dma_wait3A_1812 = tpu.memref_slice %arg2[%mul3A_2] : memref<1024xi32, #tpu.memory_space<hbm>> -> memref<32xi32, #tpu.memory_space<hbm>>
      %dma_wait3A_1813 = tpu.memref_slice %arg2[%mul3A_2] : memref<1024xi32, #tpu.memory_space<hbm>> -> memref<32xi32, #tpu.memory_space<hbm>>
      tpu.wait_dma2 semaphore(%run_scoped3A : memref<!tpu.dma_semaphore, #tpu.memory_space<semaphore_mem>>) src(%dma_wait3A_1813 : memref<32xi32, #tpu.memory_space<hbm>>) dst(%arg6 : memref<32xi32, #tpu.memory_space<vmem>>)
      tpu.yield
    }) : () -> ()
    %iota3A = tpu.iota {dimensions = array<i32: 0>} : vector<16xi32>
    %broadcast_in_dim3A = arith.constant 0.000000e+00 : f32
    %broadcast_in_dim3A_3 = vector.broadcast %broadcast_in_dim3A : f32 to vector<16xf32>
    %broadcast_in_dim3A_4 = arith.constant 0.000000e+00 : f32
    %broadcast_in_dim3A_5 = vector.broadcast %broadcast_in_dim3A_4 : f32 to vector<16xf32>
    %broadcast_in_dim3A_6 = arith.constant 0.000000e+00 : f32
    %broadcast_in_dim3A_7 = vector.broadcast %broadcast_in_dim3A_6 : f32 to vector<16xf32>
    %get3A = arith.constant 0 : index
    %get3A_8 = tpu.vector_load %arg6[%get3A] {strides = array<i32>} : memref<32xi32, #tpu.memory_space<vmem>>, vector<16xi32>,
    %shift_right_logical3A = arith.constant 7 : i32
    %shift_right_logical3A_9 = vector.broadcast %shift_right_logical3A : i32 to vector<16xi32>
    %shift_right_logical3A_10 = arith.shrui %get3A_8, %shift_right_logical3A_9 : vector<16xi32>
    %shift_left3A = arith.constant 7 : i32
    %shift_left3A_11 = vector.broadcast %shift_left3A : i32 to vector<16xi32>
    %shift_left3A_12 = arith.shli %shift_right_logical3A_10, %shift_left3A_11 : vector<16xi32>
    %slice3A = vector.extract_strided_slice %shift_left3A_12 {offsets = [0], sizes = [1], strides = [1]} : vector<16xi32> to vector<1xi32>
    %squeeze3A = vector.extract %slice3A[0] : i32 from vector<1xi32>
    %multiple_of3A = tpu.assume_multiple %squeeze3A, 128 : i32
    %dma_start3A = arith.constant 0 : i32
    %dma_start3A_13 = arith.constant 0 : i32
    %dma_start3A_14 = arith.constant 0 : i32
    %dma_start3A_15 = tpu.memref_slice %arg7[%dma_start3A, %dma_start3A_13, %dma_start3A_14] : memref<16x16x128xf32, #tpu.memory_space<vmem>> -> memref<1x16x128xf32, #tpu.memory_space<vmem>>
    %dma_start3A_16 = tpu.memref_squeeze %dma_start3A_15 : memref<1x16x128xf32, #tpu.memory_space<vmem>> -> memref<16x128xf32, #tpu.memory_space<vmem>>
    %dma_start3A_17 = arith.constant 0 : i32
    %dma_start3A_18 = tpu.memref_slice %arg3[%dma_start3A_17, %multiple_of3A] : memref<16x100000xf32, #tpu.memory_space<hbm>> -> memref<16x128xf32, #tpu.memory_space<hbm>>
    %dma_start3A_19 = arith.constant 0 : i32
    %dma_start3A_20 = arith.constant 0 : i32
    %dma_start3A_21 = tpu.memref_slice %arg7[%dma_start3A, %dma_start3A_19, %dma_start3A_20] : memref<16x16x128xf32, #tpu.memory_space<vmem>> -> memref<1x16x128xf32, #tpu.memory_space<vmem>>
    %dma_start3A_22 = tpu.memref_squeeze %dma_start3A_21 : memref<1x16x128xf32, #tpu.memory_space<vmem>> -> memref<16x128xf32, #tpu.memory_space<vmem>>
    %dma_start3A_23 = arith.constant 0 : i32
    %dma_start3A_24 = tpu.memref_slice %arg3[%dma_start3A_23, %multiple_of3A] : memref<16x100000xf32, #tpu.memory_space<hbm>> -> memref<16x128xf32, #tpu.memory_space<hbm>>
    tpu.enqueue_dma source(%dma_start3A_24 : memref<16x128xf32, #tpu.memory_space<hbm>>) target(%dma_start3A_22 : memref<16x128xf32, #tpu.memory_space<vmem>>) target_semaphore(%arg10 : memref<!tpu.dma_semaphore, #tpu.memory_space<semaphore_mem>>)
    %dma_start3A_25 = arith.constant 0 : i32
    %dma_start3A_26 = arith.constant 0 : i32
    %dma_start3A_27 = arith.constant 0 : i32
    %dma_start3A_28 = tpu.memref_slice %arg8[%dma_start3A_25, %dma_start3A_26, %dma_start3A_27] : memref<16x16x128xi32, #tpu.memory_space<vmem>> -> memref<1x16x128xi32, #tpu.memory_space<vmem>>
    %dma_start3A_29 = tpu.memref_squeeze %dma_start3A_28 : memref<1x16x128xi32, #tpu.memory_space<vmem>> -> memref<16x128xi32, #tpu.memory_space<vmem>>
    %dma_start3A_30 = arith.constant 0 : i32
    %dma_start3A_31 = tpu.memref_slice %arg4[%dma_start3A_30, %multiple_of3A] : memref<16x100000xi32, #tpu.memory_space<hbm>> -> memref<16x128xi32, #tpu.memory_space<hbm>>
    %dma_start3A_32 = arith.constant 0 : i32
    %dma_start3A_33 = arith.constant 0 : i32
    %dma_start3A_34 = tpu.memref_slice %arg8[%dma_start3A_25, %dma_start3A_32, %dma_start3A_33] : memref<16x16x128xi32, #tpu.memory_space<vmem>> -> memref<1x16x128xi32, #tpu.memory_space<vmem>>
    %dma_start3A_35 = tpu.memref_squeeze %dma_start3A_34 : memref<1x16x128xi32, #tpu.memory_space<vmem>> -> memref<16x128xi32, #tpu.memory_space<vmem>>
    %dma_start3A_36 = arith.constant 0 : i32
    %dma_start3A_37 = tpu.memref_slice %arg4[%dma_start3A_36, %multiple_of3A] : memref<16x100000xi32, #tpu.memory_space<hbm>> -> memref<16x128xi32, #tpu.memory_space<hbm>>
    tpu.enqueue_dma source(%dma_start3A_37 : memref<16x128xi32, #tpu.memory_space<hbm>>) target(%dma_start3A_35 : memref<16x128xi32, #tpu.memory_space<vmem>>) target_semaphore(%arg11 : memref<!tpu.dma_semaphore, #tpu.memory_space<semaphore_mem>>)
    %slice3A_38 = vector.extract_strided_slice %shift_left3A_12 {offsets = [1], sizes = [1], strides = [1]} : vector<16xi32> to vector<1xi32>
    %squeeze3A_39 = vector.extract %slice3A_38[0] : i32 from vector<1xi32>
    %multiple_of3A_40 = tpu.assume_multiple %squeeze3A_39, 128 : i32
    %dma_start3A_41 = arith.constant 1 : i32
    %dma_start3A_42 = arith.constant 0 : i32
    %dma_start3A_43 = arith.constant 0 : i32
    %dma_start3A_44 = tpu.memref_slice %arg7[%dma_start3A_41, %dma_start3A_42, %dma_start3A_43] : memref<16x16x128xf32, #tpu.memory_space<vmem>> -> memref<1x16x128xf32, #tpu.memory_space<vmem>>
    %dma_start3A_45 = tpu.memref_squeeze %dma_start3A_44 : memref<1x16x128xf32, #tpu.memory_space<vmem>> -> memref<16x128xf32, #tpu.memory_space<vmem>>
    %dma_start3A_46 = arith.constant 0 : i32
    %dma_start3A_47 = tpu.memref_slice %arg3[%dma_start3A_46, %multiple_of3A_40] : memref<16x100000xf32, #tpu.memory_space<hbm>> -> memref<16x128xf32, #tpu.memory_space<hbm>>
    %dma_start3A_48 = arith.constant 0 : i32
    %dma_start3A_49 = arith.constant 0 : i32
    %dma_start3A_50 = tpu.memref_slice %arg7[%dma_start3A_41, %dma_start3A_48, %dma_start3A_49] : memref<16x16x128xf32, #tpu.memory_space<vmem>> -> memref<1x16x128xf32, #tpu.memory_space<vmem>>
    %dma_start3A_51 = tpu.memref_squeeze %dma_start3A_50 : memref<1x16x128xf32, #tpu.memory_space<vmem>> -> memref<16x128xf32, #tpu.memory_space<vmem>>
    %dma_start3A_52 = arith.constant 0 : i32
    %dma_start3A_53 = tpu.memref_slice %arg3[%dma_start3A_52, %multiple_of3A_40] : memref<16x100000xf32, #tpu.memory_space<hbm>> -> memref<16x128xf32, #tpu.memory_space<hbm>>
    tpu.enqueue_dma source(%dma_start3A_53 : memref<16x128xf32, #tpu.memory_space<hbm>>) target(%dma_start3A_51 : memref<16x128xf32, #tpu.memory_space<vmem>>) target_semaphore(%arg10 : memref<!tpu.dma_semaphore, #tpu.memory_space<semaphore_mem>>)
    %dma_start3A_54 = arith.constant 1 : i32
    %dma_start3A_55 = arith.constant 0 : i32
    %dma_start3A_56 = arith.constant 0 : i32
    %dma_start3A_57 = tpu.memref_slice %arg8[%dma_start3A_54, %dma_start3A_55, %dma_start3A_56] : memref<16x16x128xi32, #tpu.memory_space<vmem>> -> memref<1x16x128xi32, #tpu.memory_space<vmem>>
    %dma_start3A_58 = tpu.memref_squeeze %dma_start3A_57 : memref<1x16x128xi32, #tpu.memory_space<vmem>> -> memref<16x128xi32, #tpu.memory_space<vmem>>
    %dma_start3A_59 = arith.constant 0 : i32
    %dma_start3A_60 = tpu.memref_slice %arg4[%dma_start3A_59, %multiple_of3A_40] : memref<16x100000xi32, #tpu.memory_space<hbm>> -> memref<16x128xi32, #tpu.memory_space<hbm>>
    %dma_start3A_61 = arith.constant 0 : i32
    %dma_start3A_62 = arith.constant 0 : i32
    %dma_start3A_63 = tpu.memref_slice %arg8[%dma_start3A_54, %dma_start3A_61, %dma_start3A_62] : memref<16x16x128xi32, #tpu.memory_space<vmem>> -> memref<1x16x128xi32, #tpu.memory_space<vmem>>
    %dma_start3A_64 = tpu.memref_squeeze %dma_start3A_63 : memref<1x16x128xi32, #tpu.memory_space<vmem>> -> memref<16x128xi32, #tpu.memory_space<vmem>>
    %dma_start3A_65 = arith.constant 0 : i32
    %dma_start3A_66 = tpu.memref_slice %arg4[%dma_start3A_65, %multiple_of3A_40] : memref<16x100000xi32, #tpu.memory_space<hbm>> -> memref<16x128xi32, #tpu.memory_space<hbm>>
    tpu.enqueue_dma source(%dma_start3A_66 : memref<16x128xi32, #tpu.memory_space<hbm>>) target(%dma_start3A_64 : memref<16x128xi32, #tpu.memory_space<vmem>>) target_semaphore(%arg11 : memref<!tpu.dma_semaphore, #tpu.memory_space<semaphore_mem>>)
    %slice3A_67 = vector.extract_strided_slice %shift_left3A_12 {offsets = [2], sizes = [1], strides = [1]} : vector<16xi32> to vector<1xi32>
    %squeeze3A_68 = vector.extract %slice3A_67[0] : i32 from vector<1xi32>
    %multiple_of3A_69 = tpu.assume_multiple %squeeze3A_68, 128 : i32
    %dma_start3A_70 = arith.constant 2 : i32
    %dma_start3A_71 = arith.constant 0 : i32
    %dma_start3A_72 = arith.constant 0 : i32
    %dma_start3A_73 = tpu.memref_slice %arg7[%dma_start3A_70, %dma_start3A_71, %dma_start3A_72] : memref<16x16x128xf32, #tpu.memory_space<vmem>> -> memref<1x16x128xf32, #tpu.memory_space<vmem>>
    %dma_start3A_74 = tpu.memref_squeeze %dma_start3A_73 : memref<1x16x128xf32, #tpu.memory_space<vmem>> -> memref<16x128xf32, #tpu.memory_space<vmem>>
    %dma_start3A_75 = arith.constant 0 : i32
    %dma_start3A_76 = tpu.memref_slice %arg3[%dma_start3A_75, %multiple_of3A_69] : memref<16x100000xf32, #tpu.memory_space<hbm>> -> memref<16x128xf32, #tpu.memory_space<hbm>>
    %dma_start3A_77 = arith.constant 0 : i32
    %dma_start3A_78 = arith.constant 0 : i32
    %dma_start3A_79 = tpu.memref_slice %arg7[%dma_start3A_70, %dma_start3A_77, %dma_start3A_78] : memref<16x16x128xf32, #tpu.memory_space<vmem>> -> memref<1x16x128xf32, #tpu.memory_space<vmem>>
    %dma_start3A_80 = tpu.memref_squeeze %dma_start3A_79 : memref<1x16x128xf32, #tpu.memory_space<vmem>> -> memref<16x128xf32, #tpu.memory_space<vmem>>
    %dma_start3A_81 = arith.constant 0 : i32
    %dma_start3A_82 = tpu.memref_slice %arg3[%dma_start3A_81, %multiple_of3A_69] : memref<16x100000xf32, #tpu.memory_space<hbm>> -> memref<16x128xf32, #tpu.memory_space<hbm>>
    tpu.enqueue_dma source(%dma_start3A_82 : memref<16x128xf32, #tpu.memory_space<hbm>>) target(%dma_start3A_80 : memref<16x128xf32, #tpu.memory_space<vmem>>) target_semaphore(%arg10 : memref<!tpu.dma_semaphore, #tpu.memory_space<semaphore_mem>>)
    %dma_start3A_83 = arith.constant 2 : i32
    %dma_start3A_84 = arith.constant 0 : i32
    %dma_start3A_85 = arith.constant 0 : i32
    %dma_start3A_86 = tpu.memref_slice %arg8[%dma_start3A_83, %dma_start3A_84, %dma_start3A_85] : memref<16x16x128xi32, #tpu.memory_space<vmem>> -> memref<1x16x128xi32, #tpu.memory_space<vmem>>
    %dma_start3A_87 = tpu.memref_squeeze %dma_start3A_86 : memref<1x16x128xi32, #tpu.memory_space<vmem>> -> memref<16x128xi32, #tpu.memory_space<vmem>>
    %dma_start3A_88 = arith.constant 0 : i32
    %dma_start3A_89 = tpu.memref_slice %arg4[%dma_start3A_88, %multiple_of3A_69] : memref<16x100000xi32, #tpu.memory_space<hbm>> -> memref<16x128xi32, #tpu.memory_space<hbm>>
    %dma_start3A_90 = arith.constant 0 : i32
    %dma_start3A_91 = arith.constant 0 : i32
    %dma_start3A_92 = tpu.memref_slice %arg8[%dma_start3A_83, %dma_start3A_90, %dma_start3A_91] : memref<16x16x128xi32, #tpu.memory_space<vmem>> -> memref<1x16x128xi32, #tpu.memory_space<vmem>>
    %dma_start3A_93 = tpu.memref_squeeze %dma_start3A_92 : memref<1x16x128xi32, #tpu.memory_space<vmem>> -> memref<16x128xi32, #tpu.memory_space<vmem>>
    %dma_start3A_94 = arith.constant 0 : i32
    %dma_start3A_95 = tpu.memref_slice %arg4[%dma_start3A_94, %multiple_of3A_69] : memref<16x100000xi32, #tpu.memory_space<hbm>> -> memref<16x128xi32, #tpu.memory_space<hbm>>
    tpu.enqueue_dma source(%dma_start3A_95 : memref<16x128xi32, #tpu.memory_space<hbm>>) target(%dma_start3A_93 : memref<16x128xi32, #tpu.memory_space<vmem>>) target_semaphore(%arg11 : memref<!tpu.dma_semaphore, #tpu.memory_space<semaphore_mem>>)
    %slice3A_96 = vector.extract_strided_slice %shift_left3A_12 {offsets = [3], sizes = [1], strides = [1]} : vector<16xi32> to vector<1xi32>
    %squeeze3A_97 = vector.extract %slice3A_96[0] : i32 from vector<1xi32>
    %multiple_of3A_98 = tpu.assume_multiple %squeeze3A_97, 128 : i32
    %dma_start3A_99 = arith.constant 3 : i32
    %dma_start3A_100 = arith.constant 0 : i32
    %dma_start3A_101 = arith.constant 0 : i32
    %dma_start3A_102 = tpu.memref_slice %arg7[%dma_start3A_99, %dma_start3A_100, %dma_start3A_101] : memref<16x16x128xf32, #tpu.memory_space<vmem>> -> memref<1x16x128xf32, #tpu.memory_space<vmem>>
    %dma_start3A_103 = tpu.memref_squeeze %dma_start3A_102 : memref<1x16x128xf32, #tpu.memory_space<vmem>> -> memref<16x128xf32, #tpu.memory_space<vmem>>
    %dma_start3A_104 = arith.constant 0 : i32
    %dma_start3A_105 = tpu.memref_slice %arg3[%dma_start3A_104, %multiple_of3A_98] : memref<16x100000xf32, #tpu.memory_space<hbm>> -> memref<16x128xf32, #tpu.memory_space<hbm>>
    %dma_start3A_106 = arith.constant 0 : i32
    %dma_start3A_107 = arith.constant 0 : i32
    %dma_start3A_108 = tpu.memref_slice %arg7[%dma_start3A_99, %dma_start3A_106, %dma_start3A_107] : memref<16x16x128xf32, #tpu.memory_space<vmem>> -> memref<1x16x128xf32, #tpu.memory_space<vmem>>
    %dma_start3A_109 = tpu.memref_squeeze %dma_start3A_108 : memref<1x16x128xf32, #tpu.memory_space<vmem>> -> memref<16x128xf32, #tpu.memory_space<vmem>>
    %dma_start3A_110 = arith.constant 0 : i32
    %dma_start3A_111 = tpu.memref_slice %arg3[%dma_start3A_110, %multiple_of3A_98] : memref<16x100000xf32, #tpu.memory_space<hbm>> -> memref<16x128xf32, #tpu.memory_space<hbm>>
    tpu.enqueue_dma source(%dma_start3A_111 : memref<16x128xf32, #tpu.memory_space<hbm>>) target(%dma_start3A_109 : memref<16x128xf32, #tpu.memory_space<vmem>>) target_semaphore(%arg10 : memref<!tpu.dma_semaphore, #tpu.memory_space<semaphore_mem>>)
    %dma_start3A_112 = arith.constant 3 : i32
    %dma_start3A_113 = arith.constant 0 : i32
    %dma_start3A_114 = arith.constant 0 : i32
    %dma_start3A_115 = tpu.memref_slice %arg8[%dma_start3A_112, %dma_start3A_113, %dma_start3A_114] : memref<16x16x128xi32, #tpu.memory_space<vmem>> -> memref<1x16x128xi32, #tpu.memory_space<vmem>>
    %dma_start3A_116 = tpu.memref_squeeze %dma_start3A_115 : memref<1x16x128xi32, #tpu.memory_space<vmem>> -> memref<16x128xi32, #tpu.memory_space<vmem>>
    %dma_start3A_117 = arith.constant 0 : i32
    %dma_start3A_118 = tpu.memref_slice %arg4[%dma_start3A_117, %multiple_of3A_98] : memref<16x100000xi32, #tpu.memory_space<hbm>> -> memref<16x128xi32, #tpu.memory_space<hbm>>
    %dma_start3A_119 = arith.constant 0 : i32
    %dma_start3A_120 = arith.constant 0 : i32
    %dma_start3A_121 = tpu.memref_slice %arg8[%dma_start3A_112, %dma_start3A_119, %dma_start3A_120] : memref<16x16x128xi32, #tpu.memory_space<vmem>> -> memref<1x16x128xi32, #tpu.memory_space<vmem>>
    %dma_start3A_122 = tpu.memref_squeeze %dma_start3A_121 : memref<1x16x128xi32, #tpu.memory_space<vmem>> -> memref<16x128xi32, #tpu.memory_space<vmem>>
    %dma_start3A_123 = arith.constant 0 : i32
    %dma_start3A_124 = tpu.memref_slice %arg4[%dma_start3A_123, %multiple_of3A_98] : memref<16x100000xi32, #tpu.memory_space<hbm>> -> memref<16x128xi32, #tpu.memory_space<hbm>>
    tpu.enqueue_dma source(%dma_start3A_124 : memref<16x128xi32, #tpu.memory_space<hbm>>) target(%dma_start3A_122 : memref<16x128xi32, #tpu.memory_space<vmem>>) target_semaphore(%arg11 : memref<!tpu.dma_semaphore, #tpu.memory_space<semaphore_mem>>)
    %slice3A_125 = vector.extract_strided_slice %shift_left3A_12 {offsets = [4], sizes = [1], strides = [1]} : vector<16xi32> to vector<1xi32>
    %squeeze3A_126 = vector.extract %slice3A_125[0] : i32 from vector<1xi32>
    %multiple_of3A_127 = tpu.assume_multiple %squeeze3A_126, 128 : i32
    %dma_start3A_128 = arith.constant 4 : i32
    %dma_start3A_129 = arith.constant 0 : i32
    %dma_start3A_130 = arith.constant 0 : i32
    %dma_start3A_131 = tpu.memref_slice %arg7[%dma_start3A_128, %dma_start3A_129, %dma_start3A_130] : memref<16x16x128xf32, #tpu.memory_space<vmem>> -> memref<1x16x128xf32, #tpu.memory_space<vmem>>
    %dma_start3A_132 = tpu.memref_squeeze %dma_start3A_131 : memref<1x16x128xf32, #tpu.memory_space<vmem>> -> memref<16x128xf32, #tpu.memory_space<vmem>>
    %dma_start3A_133 = arith.constant 0 : i32
    %dma_start3A_134 = tpu.memref_slice %arg3[%dma_start3A_133, %multiple_of3A_127] : memref<16x100000xf32, #tpu.memory_space<hbm>> -> memref<16x128xf32, #tpu.memory_space<hbm>>
    %dma_start3A_135 = arith.constant 0 : i32
    %dma_start3A_136 = arith.constant 0 : i32
    %dma_start3A_137 = tpu.memref_slice %arg7[%dma_start3A_128, %dma_start3A_135, %dma_start3A_136] : memref<16x16x128xf32, #tpu.memory_space<vmem>> -> memref<1x16x128xf32, #tpu.memory_space<vmem>>
    %dma_start3A_138 = tpu.memref_squeeze %dma_start3A_137 : memref<1x16x128xf32, #tpu.memory_space<vmem>> -> memref<16x128xf32, #tpu.memory_space<vmem>>
    %dma_start3A_139 = arith.constant 0 : i32
    %dma_start3A_140 = tpu.memref_slice %arg3[%dma_start3A_139, %multiple_of3A_127] : memref<16x100000xf32, #tpu.memory_space<hbm>> -> memref<16x128xf32, #tpu.memory_space<hbm>>
    tpu.enqueue_dma source(%dma_start3A_140 : memref<16x128xf32, #tpu.memory_space<hbm>>) target(%dma_start3A_138 : memref<16x128xf32, #tpu.memory_space<vmem>>) target_semaphore(%arg10 : memref<!tpu.dma_semaphore, #tpu.memory_space<semaphore_mem>>)
    %dma_start3A_141 = arith.constant 4 : i32
    %dma_start3A_142 = arith.constant 0 : i32
    %dma_start3A_143 = arith.constant 0 : i32
    %dma_start3A_144 = tpu.memref_slice %arg8[%dma_start3A_141, %dma_start3A_142, %dma_start3A_143] : memref<16x16x128xi32, #tpu.memory_space<vmem>> -> memref<1x16x128xi32, #tpu.memory_space<vmem>>
    %dma_start3A_145 = tpu.memref_squeeze %dma_start3A_144 : memref<1x16x128xi32, #tpu.memory_space<vmem>> -> memref<16x128xi32, #tpu.memory_space<vmem>>
    %dma_start3A_146 = arith.constant 0 : i32
    %dma_start3A_147 = tpu.memref_slice %arg4[%dma_start3A_146, %multiple_of3A_127] : memref<16x100000xi32, #tpu.memory_space<hbm>> -> memref<16x128xi32, #tpu.memory_space<hbm>>
    %dma_start3A_148 = arith.constant 0 : i32
    %dma_start3A_149 = arith.constant 0 : i32
    %dma_start3A_150 = tpu.memref_slice %arg8[%dma_start3A_141, %dma_start3A_148, %dma_start3A_149] : memref<16x16x128xi32, #tpu.memory_space<vmem>> -> memref<1x16x128xi32, #tpu.memory_space<vmem>>
    %dma_start3A_151 = tpu.memref_squeeze %dma_start3A_150 : memref<1x16x128xi32, #tpu.memory_space<vmem>> -> memref<16x128xi32, #tpu.memory_space<vmem>>
    %dma_start3A_152 = arith.constant 0 : i32
    %dma_start3A_153 = tpu.memref_slice %arg4[%dma_start3A_152, %multiple_of3A_127] : memref<16x100000xi32, #tpu.memory_space<hbm>> -> memref<16x128xi32, #tpu.memory_space<hbm>>
    tpu.enqueue_dma source(%dma_start3A_153 : memref<16x128xi32, #tpu.memory_space<hbm>>) target(%dma_start3A_151 : memref<16x128xi32, #tpu.memory_space<vmem>>) target_semaphore(%arg11 : memref<!tpu.dma_semaphore, #tpu.memory_space<semaphore_mem>>)
    %slice3A_154 = vector.extract_strided_slice %shift_left3A_12 {offsets = [5], sizes = [1], strides = [1]} : vector<16xi32> to vector<1xi32>
    %squeeze3A_155 = vector.extract %slice3A_154[0] : i32 from vector<1xi32>
    %multiple_of3A_156 = tpu.assume_multiple %squeeze3A_155, 128 : i32
    %dma_start3A_157 = arith.constant 5 : i32
    %dma_start3A_158 = arith.constant 0 : i32
    %dma_start3A_159 = arith.constant 0 : i32
    %dma_start3A_160 = tpu.memref_slice %arg7[%dma_start3A_157, %dma_start3A_158, %dma_start3A_159] : memref<16x16x128xf32, #tpu.memory_space<vmem>> -> memref<1x16x128xf32, #tpu.memory_space<vmem>>
    %dma_start3A_161 = tpu.memref_squeeze %dma_start3A_160 : memref<1x16x128xf32, #tpu.memory_space<vmem>> -> memref<16x128xf32, #tpu.memory_space<vmem>>
    %dma_start3A_162 = arith.constant 0 : i32
    %dma_start3A_163 = tpu.memref_slice %arg3[%dma_start3A_162, %multiple_of3A_156] : memref<16x100000xf32, #tpu.memory_space<hbm>> -> memref<16x128xf32, #tpu.memory_space<hbm>>
    %dma_start3A_164 = arith.constant 0 : i32
    %dma_start3A_165 = arith.constant 0 : i32
    %dma_start3A_166 = tpu.memref_slice %arg7[%dma_start3A_157, %dma_start3A_164, %dma_start3A_165] : memref<16x16x128xf32, #tpu.memory_space<vmem>> -> memref<1x16x128xf32, #tpu.memory_space<vmem>>
    %dma_start3A_167 = tpu.memref_squeeze %dma_start3A_166 : memref<1x16x128xf32, #tpu.memory_space<vmem>> -> memref<16x128xf32, #tpu.memory_space<vmem>>
    %dma_start3A_168 = arith.constant 0 : i32
    %dma_start3A_169 = tpu.memref_slice %arg3[%dma_start3A_168, %multiple_of3A_156] : memref<16x100000xf32, #tpu.memory_space<hbm>> -> memref<16x128xf32, #tpu.memory_space<hbm>>
    tpu.enqueue_dma source(%dma_start3A_169 : memref<16x128xf32, #tpu.memory_space<hbm>>) target(%dma_start3A_167 : memref<16x128xf32, #tpu.memory_space<vmem>>) target_semaphore(%arg10 : memref<!tpu.dma_semaphore, #tpu.memory_space<semaphore_mem>>)
    %dma_start3A_170 = arith.constant 5 : i32
    %dma_start3A_171 = arith.constant 0 : i32
    %dma_start3A_172 = arith.constant 0 : i32
    %dma_start3A_173 = tpu.memref_slice %arg8[%dma_start3A_170, %dma_start3A_171, %dma_start3A_172] : memref<16x16x128xi32, #tpu.memory_space<vmem>> -> memref<1x16x128xi32, #tpu.memory_space<vmem>>
    %dma_start3A_174 = tpu.memref_squeeze %dma_start3A_173 : memref<1x16x128xi32, #tpu.memory_space<vmem>> -> memref<16x128xi32, #tpu.memory_space<vmem>>
    %dma_start3A_175 = arith.constant 0 : i32
    %dma_start3A_176 = tpu.memref_slice %arg4[%dma_start3A_175, %multiple_of3A_156] : memref<16x100000xi32, #tpu.memory_space<hbm>> -> memref<16x128xi32, #tpu.memory_space<hbm>>
    %dma_start3A_177 = arith.constant 0 : i32
    %dma_start3A_178 = arith.constant 0 : i32
    %dma_start3A_179 = tpu.memref_slice %arg8[%dma_start3A_170, %dma_start3A_177, %dma_start3A_178] : memref<16x16x128xi32, #tpu.memory_space<vmem>> -> memref<1x16x128xi32, #tpu.memory_space<vmem>>
    %dma_start3A_180 = tpu.memref_squeeze %dma_start3A_179 : memref<1x16x128xi32, #tpu.memory_space<vmem>> -> memref<16x128xi32, #tpu.memory_space<vmem>>
    %dma_start3A_181 = arith.constant 0 : i32
    %dma_start3A_182 = tpu.memref_slice %arg4[%dma_start3A_181, %multiple_of3A_156] : memref<16x100000xi32, #tpu.memory_space<hbm>> -> memref<16x128xi32, #tpu.memory_space<hbm>>
    tpu.enqueue_dma source(%dma_start3A_182 : memref<16x128xi32, #tpu.memory_space<hbm>>) target(%dma_start3A_180 : memref<16x128xi32, #tpu.memory_space<vmem>>) target_semaphore(%arg11 : memref<!tpu.dma_semaphore, #tpu.memory_space<semaphore_mem>>)
    %slice3A_183 = vector.extract_strided_slice %shift_left3A_12 {offsets = [6], sizes = [1], strides = [1]} : vector<16xi32> to vector<1xi32>
    %squeeze3A_184 = vector.extract %slice3A_183[0] : i32 from vector<1xi32>
    %multiple_of3A_185 = tpu.assume_multiple %squeeze3A_184, 128 : i32
    %dma_start3A_186 = arith.constant 6 : i32
    %dma_start3A_187 = arith.constant 0 : i32
    %dma_start3A_188 = arith.constant 0 : i32
    %dma_start3A_189 = tpu.memref_slice %arg7[%dma_start3A_186, %dma_start3A_187, %dma_start3A_188] : memref<16x16x128xf32, #tpu.memory_space<vmem>> -> memref<1x16x128xf32, #tpu.memory_space<vmem>>
    %dma_start3A_190 = tpu.memref_squeeze %dma_start3A_189 : memref<1x16x128xf32, #tpu.memory_space<vmem>> -> memref<16x128xf32, #tpu.memory_space<vmem>>
    %dma_start3A_191 = arith.constant 0 : i32
    %dma_start3A_192 = tpu.memref_slice %arg3[%dma_start3A_191, %multiple_of3A_185] : memref<16x100000xf32, #tpu.memory_space<hbm>> -> memref<16x128xf32, #tpu.memory_space<hbm>>
    %dma_start3A_193 = arith.constant 0 : i32
    %dma_start3A_194 = arith.constant 0 : i32
    %dma_start3A_195 = tpu.memref_slice %arg7[%dma_start3A_186, %dma_start3A_193, %dma_start3A_194] : memref<16x16x128xf32, #tpu.memory_space<vmem>> -> memref<1x16x128xf32, #tpu.memory_space<vmem>>
    %dma_start3A_196 = tpu.memref_squeeze %dma_start3A_195 : memref<1x16x128xf32, #tpu.memory_space<vmem>> -> memref<16x128xf32, #tpu.memory_space<vmem>>
    %dma_start3A_197 = arith.constant 0 : i32
    %dma_start3A_198 = tpu.memref_slice %arg3[%dma_start3A_197, %multiple_of3A_185] : memref<16x100000xf32, #tpu.memory_space<hbm>> -> memref<16x128xf32, #tpu.memory_space<hbm>>
    tpu.enqueue_dma source(%dma_start3A_198 : memref<16x128xf32, #tpu.memory_space<hbm>>) target(%dma_start3A_196 : memref<16x128xf32, #tpu.memory_space<vmem>>) target_semaphore(%arg10 : memref<!tpu.dma_semaphore, #tpu.memory_space<semaphore_mem>>)
    %dma_start3A_199 = arith.constant 6 : i32
    %dma_start3A_200 = arith.constant 0 : i32
    %dma_start3A_201 = arith.constant 0 : i32
    %dma_start3A_202 = tpu.memref_slice %arg8[%dma_start3A_199, %dma_start3A_200, %dma_start3A_201] : memref<16x16x128xi32, #tpu.memory_space<vmem>> -> memref<1x16x128xi32, #tpu.memory_space<vmem>>
    %dma_start3A_203 = tpu.memref_squeeze %dma_start3A_202 : memref<1x16x128xi32, #tpu.memory_space<vmem>> -> memref<16x128xi32, #tpu.memory_space<vmem>>
    %dma_start3A_204 = arith.constant 0 : i32
    %dma_start3A_205 = tpu.memref_slice %arg4[%dma_start3A_204, %multiple_of3A_185] : memref<16x100000xi32, #tpu.memory_space<hbm>> -> memref<16x128xi32, #tpu.memory_space<hbm>>
    %dma_start3A_206 = arith.constant 0 : i32
    %dma_start3A_207 = arith.constant 0 : i32
    %dma_start3A_208 = tpu.memref_slice %arg8[%dma_start3A_199, %dma_start3A_206, %dma_start3A_207] : memref<16x16x128xi32, #tpu.memory_space<vmem>> -> memref<1x16x128xi32, #tpu.memory_space<vmem>>
    %dma_start3A_209 = tpu.memref_squeeze %dma_start3A_208 : memref<1x16x128xi32, #tpu.memory_space<vmem>> -> memref<16x128xi32, #tpu.memory_space<vmem>>
    %dma_start3A_210 = arith.constant 0 : i32
    %dma_start3A_211 = tpu.memref_slice %arg4[%dma_start3A_210, %multiple_of3A_185] : memref<16x100000xi32, #tpu.memory_space<hbm>> -> memref<16x128xi32, #tpu.memory_space<hbm>>
    tpu.enqueue_dma source(%dma_start3A_211 : memref<16x128xi32, #tpu.memory_space<hbm>>) target(%dma_start3A_209 : memref<16x128xi32, #tpu.memory_space<vmem>>) target_semaphore(%arg11 : memref<!tpu.dma_semaphore, #tpu.memory_space<semaphore_mem>>)
    %slice3A_212 = vector.extract_strided_slice %shift_left3A_12 {offsets = [7], sizes = [1], strides = [1]} : vector<16xi32> to vector<1xi32>
    %squeeze3A_213 = vector.extract %slice3A_212[0] : i32 from vector<1xi32>
    %multiple_of3A_214 = tpu.assume_multiple %squeeze3A_213, 128 : i32
    %dma_start3A_215 = arith.constant 7 : i32
    %dma_start3A_216 = arith.constant 0 : i32
    %dma_start3A_217 = arith.constant 0 : i32
    %dma_start3A_218 = tpu.memref_slice %arg7[%dma_start3A_215, %dma_start3A_216, %dma_start3A_217] : memref<16x16x128xf32, #tpu.memory_space<vmem>> -> memref<1x16x128xf32, #tpu.memory_space<vmem>>
    %dma_start3A_219 = tpu.memref_squeeze %dma_start3A_218 : memref<1x16x128xf32, #tpu.memory_space<vmem>> -> memref<16x128xf32, #tpu.memory_space<vmem>>
    %dma_start3A_220 = arith.constant 0 : i32
    %dma_start3A_221 = tpu.memref_slice %arg3[%dma_start3A_220, %multiple_of3A_214] : memref<16x100000xf32, #tpu.memory_space<hbm>> -> memref<16x128xf32, #tpu.memory_space<hbm>>
    %dma_start3A_222 = arith.constant 0 : i32
    %dma_start3A_223 = arith.constant 0 : i32
    %dma_start3A_224 = tpu.memref_slice %arg7[%dma_start3A_215, %dma_start3A_222, %dma_start3A_223] : memref<16x16x128xf32, #tpu.memory_space<vmem>> -> memref<1x16x128xf32, #tpu.memory_space<vmem>>
    %dma_start3A_225 = tpu.memref_squeeze %dma_start3A_224 : memref<1x16x128xf32, #tpu.memory_space<vmem>> -> memref<16x128xf32, #tpu.memory_space<vmem>>
    %dma_start3A_226 = arith.constant 0 : i32
    %dma_start3A_227 = tpu.memref_slice %arg3[%dma_start3A_226, %multiple_of3A_214] : memref<16x100000xf32, #tpu.memory_space<hbm>> -> memref<16x128xf32, #tpu.memory_space<hbm>>
    tpu.enqueue_dma source(%dma_start3A_227 : memref<16x128xf32, #tpu.memory_space<hbm>>) target(%dma_start3A_225 : memref<16x128xf32, #tpu.memory_space<vmem>>) target_semaphore(%arg10 : memref<!tpu.dma_semaphore, #tpu.memory_space<semaphore_mem>>)
    %dma_start3A_228 = arith.constant 7 : i32
    %dma_start3A_229 = arith.constant 0 : i32
    %dma_start3A_230 = arith.constant 0 : i32
    %dma_start3A_231 = tpu.memref_slice %arg8[%dma_start3A_228, %dma_start3A_229, %dma_start3A_230] : memref<16x16x128xi32, #tpu.memory_space<vmem>> -> memref<1x16x128xi32, #tpu.memory_space<vmem>>
    %dma_start3A_232 = tpu.memref_squeeze %dma_start3A_231 : memref<1x16x128xi32, #tpu.memory_space<vmem>> -> memref<16x128xi32, #tpu.memory_space<vmem>>
    %dma_start3A_233 = arith.constant 0 : i32
    %dma_start3A_234 = tpu.memref_slice %arg4[%dma_start3A_233, %multiple_of3A_214] : memref<16x100000xi32, #tpu.memory_space<hbm>> -> memref<16x128xi32, #tpu.memory_space<hbm>>
    %dma_start3A_235 = arith.constant 0 : i32
    %dma_start3A_236 = arith.constant 0 : i32
    %dma_start3A_237 = tpu.memref_slice %arg8[%dma_start3A_228, %dma_start3A_235, %dma_start3A_236] : memref<16x16x128xi32, #tpu.memory_space<vmem>> -> memref<1x16x128xi32, #tpu.memory_space<vmem>>
    %dma_start3A_238 = tpu.memref_squeeze %dma_start3A_237 : memref<1x16x128xi32, #tpu.memory_space<vmem>> -> memref<16x128xi32, #tpu.memory_space<vmem>>
    %dma_start3A_239 = arith.constant 0 : i32
    %dma_start3A_240 = tpu.memref_slice %arg4[%dma_start3A_239, %multiple_of3A_214] : memref<16x100000xi32, #tpu.memory_space<hbm>> -> memref<16x128xi32, #tpu.memory_space<hbm>>
    tpu.enqueue_dma source(%dma_start3A_240 : memref<16x128xi32, #tpu.memory_space<hbm>>) target(%dma_start3A_238 : memref<16x128xi32, #tpu.memory_space<vmem>>) target_semaphore(%arg11 : memref<!tpu.dma_semaphore, #tpu.memory_space<semaphore_mem>>)
    %slice3A_241 = vector.extract_strided_slice %shift_left3A_12 {offsets = [8], sizes = [1], strides = [1]} : vector<16xi32> to vector<1xi32>
    %squeeze3A_242 = vector.extract %slice3A_241[0] : i32 from vector<1xi32>
    %multiple_of3A_243 = tpu.assume_multiple %squeeze3A_242, 128 : i32
    %dma_start3A_244 = arith.constant 8 : i32
    %dma_start3A_245 = arith.constant 0 : i32
    %dma_start3A_246 = arith.constant 0 : i32
    %dma_start3A_247 = tpu.memref_slice %arg7[%dma_start3A_244, %dma_start3A_245, %dma_start3A_246] : memref<16x16x128xf32, #tpu.memory_space<vmem>> -> memref<1x16x128xf32, #tpu.memory_space<vmem>>
    %dma_start3A_248 = tpu.memref_squeeze %dma_start3A_247 : memref<1x16x128xf32, #tpu.memory_space<vmem>> -> memref<16x128xf32, #tpu.memory_space<vmem>>
    %dma_start3A_249 = arith.constant 0 : i32
    %dma_start3A_250 = tpu.memref_slice %arg3[%dma_start3A_249, %multiple_of3A_243] : memref<16x100000xf32, #tpu.memory_space<hbm>> -> memref<16x128xf32, #tpu.memory_space<hbm>>
    %dma_start3A_251 = arith.constant 0 : i32
    %dma_start3A_252 = arith.constant 0 : i32
    %dma_start3A_253 = tpu.memref_slice %arg7[%dma_start3A_244, %dma_start3A_251, %dma_start3A_252] : memref<16x16x128xf32, #tpu.memory_space<vmem>> -> memref<1x16x128xf32, #tpu.memory_space<vmem>>
    %dma_start3A_254 = tpu.memref_squeeze %dma_start3A_253 : memref<1x16x128xf32, #tpu.memory_space<vmem>> -> memref<16x128xf32, #tpu.memory_space<vmem>>
    %dma_start3A_255 = arith.constant 0 : i32
    %dma_start3A_256 = tpu.memref_slice %arg3[%dma_start3A_255, %multiple_of3A_243] : memref<16x100000xf32, #tpu.memory_space<hbm>> -> memref<16x128xf32, #tpu.memory_space<hbm>>
    tpu.enqueue_dma source(%dma_start3A_256 : memref<16x128xf32, #tpu.memory_space<hbm>>) target(%dma_start3A_254 : memref<16x128xf32, #tpu.memory_space<vmem>>) target_semaphore(%arg10 : memref<!tpu.dma_semaphore, #tpu.memory_space<semaphore_mem>>)
    %dma_start3A_257 = arith.constant 8 : i32
    %dma_start3A_258 = arith.constant 0 : i32
    %dma_start3A_259 = arith.constant 0 : i32
    %dma_start3A_260 = tpu.memref_slice %arg8[%dma_start3A_257, %dma_start3A_258, %dma_start3A_259] : memref<16x16x128xi32, #tpu.memory_space<vmem>> -> memref<1x16x128xi32, #tpu.memory_space<vmem>>
    %dma_start3A_261 = tpu.memref_squeeze %dma_start3A_260 : memref<1x16x128xi32, #tpu.memory_space<vmem>> -> memref<16x128xi32, #tpu.memory_space<vmem>>
    %dma_start3A_262 = arith.constant 0 : i32
    %dma_start3A_263 = tpu.memref_slice %arg4[%dma_start3A_262, %multiple_of3A_243] : memref<16x100000xi32, #tpu.memory_space<hbm>> -> memref<16x128xi32, #tpu.memory_space<hbm>>
    %dma_start3A_264 = arith.constant 0 : i32
    %dma_start3A_265 = arith.constant 0 : i32
    %dma_start3A_266 = tpu.memref_slice %arg8[%dma_start3A_257, %dma_start3A_264, %dma_start3A_265] : memref<16x16x128xi32, #tpu.memory_space<vmem>> -> memref<1x16x128xi32, #tpu.memory_space<vmem>>
    %dma_start3A_267 = tpu.memref_squeeze %dma_start3A_266 : memref<1x16x128xi32, #tpu.memory_space<vmem>> -> memref<16x128xi32, #tpu.memory_space<vmem>>
    %dma_start3A_268 = arith.constant 0 : i32
    %dma_start3A_269 = tpu.memref_slice %arg4[%dma_start3A_268, %multiple_of3A_243] : memref<16x100000xi32, #tpu.memory_space<hbm>> -> memref<16x128xi32, #tpu.memory_space<hbm>>
    tpu.enqueue_dma source(%dma_start3A_269 : memref<16x128xi32, #tpu.memory_space<hbm>>) target(%dma_start3A_267 : memref<16x128xi32, #tpu.memory_space<vmem>>) target_semaphore(%arg11 : memref<!tpu.dma_semaphore, #tpu.memory_space<semaphore_mem>>)
    %slice3A_270 = vector.extract_strided_slice %shift_left3A_12 {offsets = [9], sizes = [1], strides = [1]} : vector<16xi32> to vector<1xi32>
    %squeeze3A_271 = vector.extract %slice3A_270[0] : i32 from vector<1xi32>
    %multiple_of3A_272 = tpu.assume_multiple %squeeze3A_271, 128 : i32
    %dma_start3A_273 = arith.constant 9 : i32
    %dma_start3A_274 = arith.constant 0 : i32
    %dma_start3A_275 = arith.constant 0 : i32
    %dma_start3A_276 = tpu.memref_slice %arg7[%dma_start3A_273, %dma_start3A_274, %dma_start3A_275] : memref<16x16x128xf32, #tpu.memory_space<vmem>> -> memref<1x16x128xf32, #tpu.memory_space<vmem>>
    %dma_start3A_277 = tpu.memref_squeeze %dma_start3A_276 : memref<1x16x128xf32, #tpu.memory_space<vmem>> -> memref<16x128xf32, #tpu.memory_space<vmem>>
    %dma_start3A_278 = arith.constant 0 : i32
    %dma_start3A_279 = tpu.memref_slice %arg3[%dma_start3A_278, %multiple_of3A_272] : memref<16x100000xf32, #tpu.memory_space<hbm>> -> memref<16x128xf32, #tpu.memory_space<hbm>>
    %dma_start3A_280 = arith.constant 0 : i32
    %dma_start3A_281 = arith.constant 0 : i32
    %dma_start3A_282 = tpu.memref_slice %arg7[%dma_start3A_273, %dma_start3A_280, %dma_start3A_281] : memref<16x16x128xf32, #tpu.memory_space<vmem>> -> memref<1x16x128xf32, #tpu.memory_space<vmem>>
    %dma_start3A_283 = tpu.memref_squeeze %dma_start3A_282 : memref<1x16x128xf32, #tpu.memory_space<vmem>> -> memref<16x128xf32, #tpu.memory_space<vmem>>
    %dma_start3A_284 = arith.constant 0 : i32
    %dma_start3A_285 = tpu.memref_slice %arg3[%dma_start3A_284, %multiple_of3A_272] : memref<16x100000xf32, #tpu.memory_space<hbm>> -> memref<16x128xf32, #tpu.memory_space<hbm>>
    tpu.enqueue_dma source(%dma_start3A_285 : memref<16x128xf32, #tpu.memory_space<hbm>>) target(%dma_start3A_283 : memref<16x128xf32, #tpu.memory_space<vmem>>) target_semaphore(%arg10 : memref<!tpu.dma_semaphore, #tpu.memory_space<semaphore_mem>>)
    %dma_start3A_286 = arith.constant 9 : i32
    %dma_start3A_287 = arith.constant 0 : i32
    %dma_start3A_288 = arith.constant 0 : i32
    %dma_start3A_289 = tpu.memref_slice %arg8[%dma_start3A_286, %dma_start3A_287, %dma_start3A_288] : memref<16x16x128xi32, #tpu.memory_space<vmem>> -> memref<1x16x128xi32, #tpu.memory_space<vmem>>
    %dma_start3A_290 = tpu.memref_squeeze %dma_start3A_289 : memref<1x16x128xi32, #tpu.memory_space<vmem>> -> memref<16x128xi32, #tpu.memory_space<vmem>>
    %dma_start3A_291 = arith.constant 0 : i32
    %dma_start3A_292 = tpu.memref_slice %arg4[%dma_start3A_291, %multiple_of3A_272] : memref<16x100000xi32, #tpu.memory_space<hbm>> -> memref<16x128xi32, #tpu.memory_space<hbm>>
    %dma_start3A_293 = arith.constant 0 : i32
    %dma_start3A_294 = arith.constant 0 : i32
    %dma_start3A_295 = tpu.memref_slice %arg8[%dma_start3A_286, %dma_start3A_293, %dma_start3A_294] : memref<16x16x128xi32, #tpu.memory_space<vmem>> -> memref<1x16x128xi32, #tpu.memory_space<vmem>>
    %dma_start3A_296 = tpu.memref_squeeze %dma_start3A_295 : memref<1x16x128xi32, #tpu.memory_space<vmem>> -> memref<16x128xi32, #tpu.memory_space<vmem>>
    %dma_start3A_297 = arith.constant 0 : i32
    %dma_start3A_298 = tpu.memref_slice %arg4[%dma_start3A_297, %multiple_of3A_272] : memref<16x100000xi32, #tpu.memory_space<hbm>> -> memref<16x128xi32, #tpu.memory_space<hbm>>
    tpu.enqueue_dma source(%dma_start3A_298 : memref<16x128xi32, #tpu.memory_space<hbm>>) target(%dma_start3A_296 : memref<16x128xi32, #tpu.memory_space<vmem>>) target_semaphore(%arg11 : memref<!tpu.dma_semaphore, #tpu.memory_space<semaphore_mem>>)
    %slice3A_299 = vector.extract_strided_slice %shift_left3A_12 {offsets = [10], sizes = [1], strides = [1]} : vector<16xi32> to vector<1xi32>
    %squeeze3A_300 = vector.extract %slice3A_299[0] : i32 from vector<1xi32>
    %multiple_of3A_301 = tpu.assume_multiple %squeeze3A_300, 128 : i32
    %dma_start3A_302 = arith.constant 10 : i32
    %dma_start3A_303 = arith.constant 0 : i32
    %dma_start3A_304 = arith.constant 0 : i32
    %dma_start3A_305 = tpu.memref_slice %arg7[%dma_start3A_302, %dma_start3A_303, %dma_start3A_304] : memref<16x16x128xf32, #tpu.memory_space<vmem>> -> memref<1x16x128xf32, #tpu.memory_space<vmem>>
    %dma_start3A_306 = tpu.memref_squeeze %dma_start3A_305 : memref<1x16x128xf32, #tpu.memory_space<vmem>> -> memref<16x128xf32, #tpu.memory_space<vmem>>
    %dma_start3A_307 = arith.constant 0 : i32
    %dma_start3A_308 = tpu.memref_slice %arg3[%dma_start3A_307, %multiple_of3A_301] : memref<16x100000xf32, #tpu.memory_space<hbm>> -> memref<16x128xf32, #tpu.memory_space<hbm>>
    %dma_start3A_309 = arith.constant 0 : i32
    %dma_start3A_310 = arith.constant 0 : i32
    %dma_start3A_311 = tpu.memref_slice %arg7[%dma_start3A_302, %dma_start3A_309, %dma_start3A_310] : memref<16x16x128xf32, #tpu.memory_space<vmem>> -> memref<1x16x128xf32, #tpu.memory_space<vmem>>
    %dma_start3A_312 = tpu.memref_squeeze %dma_start3A_311 : memref<1x16x128xf32, #tpu.memory_space<vmem>> -> memref<16x128xf32, #tpu.memory_space<vmem>>
    %dma_start3A_313 = arith.constant 0 : i32
    %dma_start3A_314 = tpu.memref_slice %arg3[%dma_start3A_313, %multiple_of3A_301] : memref<16x100000xf32, #tpu.memory_space<hbm>> -> memref<16x128xf32, #tpu.memory_space<hbm>>
    tpu.enqueue_dma source(%dma_start3A_314 : memref<16x128xf32, #tpu.memory_space<hbm>>) target(%dma_start3A_312 : memref<16x128xf32, #tpu.memory_space<vmem>>) target_semaphore(%arg10 : memref<!tpu.dma_semaphore, #tpu.memory_space<semaphore_mem>>)
    %dma_start3A_315 = arith.constant 10 : i32
    %dma_start3A_316 = arith.constant 0 : i32
    %dma_start3A_317 = arith.constant 0 : i32
    %dma_start3A_318 = tpu.memref_slice %arg8[%dma_start3A_315, %dma_start3A_316, %dma_start3A_317] : memref<16x16x128xi32, #tpu.memory_space<vmem>> -> memref<1x16x128xi32, #tpu.memory_space<vmem>>
    %dma_start3A_319 = tpu.memref_squeeze %dma_start3A_318 : memref<1x16x128xi32, #tpu.memory_space<vmem>> -> memref<16x128xi32, #tpu.memory_space<vmem>>
    %dma_start3A_320 = arith.constant 0 : i32
    %dma_start3A_321 = tpu.memref_slice %arg4[%dma_start3A_320, %multiple_of3A_301] : memref<16x100000xi32, #tpu.memory_space<hbm>> -> memref<16x128xi32, #tpu.memory_space<hbm>>
    %dma_start3A_322 = arith.constant 0 : i32
    %dma_start3A_323 = arith.constant 0 : i32
    %dma_start3A_324 = tpu.memref_slice %arg8[%dma_start3A_315, %dma_start3A_322, %dma_start3A_323] : memref<16x16x128xi32, #tpu.memory_space<vmem>> -> memref<1x16x128xi32, #tpu.memory_space<vmem>>
    %dma_start3A_325 = tpu.memref_squeeze %dma_start3A_324 : memref<1x16x128xi32, #tpu.memory_space<vmem>> -> memref<16x128xi32, #tpu.memory_space<vmem>>
    %dma_start3A_326 = arith.constant 0 : i32
    %dma_start3A_327 = tpu.memref_slice %arg4[%dma_start3A_326, %multiple_of3A_301] : memref<16x100000xi32, #tpu.memory_space<hbm>> -> memref<16x128xi32, #tpu.memory_space<hbm>>
    tpu.enqueue_dma source(%dma_start3A_327 : memref<16x128xi32, #tpu.memory_space<hbm>>) target(%dma_start3A_325 : memref<16x128xi32, #tpu.memory_space<vmem>>) target_semaphore(%arg11 : memref<!tpu.dma_semaphore, #tpu.memory_space<semaphore_mem>>)
    %slice3A_328 = vector.extract_strided_slice %shift_left3A_12 {offsets = [11], sizes = [1], strides = [1]} : vector<16xi32> to vector<1xi32>
    %squeeze3A_329 = vector.extract %slice3A_328[0] : i32 from vector<1xi32>
    %multiple_of3A_330 = tpu.assume_multiple %squeeze3A_329, 128 : i32
    %dma_start3A_331 = arith.constant 11 : i32
    %dma_start3A_332 = arith.constant 0 : i32
    %dma_start3A_333 = arith.constant 0 : i32
    %dma_start3A_334 = tpu.memref_slice %arg7[%dma_start3A_331, %dma_start3A_332, %dma_start3A_333] : memref<16x16x128xf32, #tpu.memory_space<vmem>> -> memref<1x16x128xf32, #tpu.memory_space<vmem>>
    %dma_start3A_335 = tpu.memref_squeeze %dma_start3A_334 : memref<1x16x128xf32, #tpu.memory_space<vmem>> -> memref<16x128xf32, #tpu.memory_space<vmem>>
    %dma_start3A_336 = arith.constant 0 : i32
    %dma_start3A_337 = tpu.memref_slice %arg3[%dma_start3A_336, %multiple_of3A_330] : memref<16x100000xf32, #tpu.memory_space<hbm>> -> memref<16x128xf32, #tpu.memory_space<hbm>>
    %dma_start3A_338 = arith.constant 0 : i32
    %dma_start3A_339 = arith.constant 0 : i32
    %dma_start3A_340 = tpu.memref_slice %arg7[%dma_start3A_331, %dma_start3A_338, %dma_start3A_339] : memref<16x16x128xf32, #tpu.memory_space<vmem>> -> memref<1x16x128xf32, #tpu.memory_space<vmem>>
    %dma_start3A_341 = tpu.memref_squeeze %dma_start3A_340 : memref<1x16x128xf32, #tpu.memory_space<vmem>> -> memref<16x128xf32, #tpu.memory_space<vmem>>
    %dma_start3A_342 = arith.constant 0 : i32
    %dma_start3A_343 = tpu.memref_slice %arg3[%dma_start3A_342, %multiple_of3A_330] : memref<16x100000xf32, #tpu.memory_space<hbm>> -> memref<16x128xf32, #tpu.memory_space<hbm>>
    tpu.enqueue_dma source(%dma_start3A_343 : memref<16x128xf32, #tpu.memory_space<hbm>>) target(%dma_start3A_341 : memref<16x128xf32, #tpu.memory_space<vmem>>) target_semaphore(%arg10 : memref<!tpu.dma_semaphore, #tpu.memory_space<semaphore_mem>>)
    %dma_start3A_344 = arith.constant 11 : i32
    %dma_start3A_345 = arith.constant 0 : i32
    %dma_start3A_346 = arith.constant 0 : i32
    %dma_start3A_347 = tpu.memref_slice %arg8[%dma_start3A_344, %dma_start3A_345, %dma_start3A_346] : memref<16x16x128xi32, #tpu.memory_space<vmem>> -> memref<1x16x128xi32, #tpu.memory_space<vmem>>
    %dma_start3A_348 = tpu.memref_squeeze %dma_start3A_347 : memref<1x16x128xi32, #tpu.memory_space<vmem>> -> memref<16x128xi32, #tpu.memory_space<vmem>>
    %dma_start3A_349 = arith.constant 0 : i32
    %dma_start3A_350 = tpu.memref_slice %arg4[%dma_start3A_349, %multiple_of3A_330] : memref<16x100000xi32, #tpu.memory_space<hbm>> -> memref<16x128xi32, #tpu.memory_space<hbm>>
    %dma_start3A_351 = arith.constant 0 : i32
    %dma_start3A_352 = arith.constant 0 : i32
    %dma_start3A_353 = tpu.memref_slice %arg8[%dma_start3A_344, %dma_start3A_351, %dma_start3A_352] : memref<16x16x128xi32, #tpu.memory_space<vmem>> -> memref<1x16x128xi32, #tpu.memory_space<vmem>>
    %dma_start3A_354 = tpu.memref_squeeze %dma_start3A_353 : memref<1x16x128xi32, #tpu.memory_space<vmem>> -> memref<16x128xi32, #tpu.memory_space<vmem>>
    %dma_start3A_355 = arith.constant 0 : i32
    %dma_start3A_356 = tpu.memref_slice %arg4[%dma_start3A_355, %multiple_of3A_330] : memref<16x100000xi32, #tpu.memory_space<hbm>> -> memref<16x128xi32, #tpu.memory_space<hbm>>
    tpu.enqueue_dma source(%dma_start3A_356 : memref<16x128xi32, #tpu.memory_space<hbm>>) target(%dma_start3A_354 : memref<16x128xi32, #tpu.memory_space<vmem>>) target_semaphore(%arg11 : memref<!tpu.dma_semaphore, #tpu.memory_space<semaphore_mem>>)
    %slice3A_357 = vector.extract_strided_slice %shift_left3A_12 {offsets = [12], sizes = [1], strides = [1]} : vector<16xi32> to vector<1xi32>
    %squeeze3A_358 = vector.extract %slice3A_357[0] : i32 from vector<1xi32>
    %multiple_of3A_359 = tpu.assume_multiple %squeeze3A_358, 128 : i32
    %dma_start3A_360 = arith.constant 12 : i32
    %dma_start3A_361 = arith.constant 0 : i32
    %dma_start3A_362 = arith.constant 0 : i32
    %dma_start3A_363 = tpu.memref_slice %arg7[%dma_start3A_360, %dma_start3A_361, %dma_start3A_362] : memref<16x16x128xf32, #tpu.memory_space<vmem>> -> memref<1x16x128xf32, #tpu.memory_space<vmem>>
    %dma_start3A_364 = tpu.memref_squeeze %dma_start3A_363 : memref<1x16x128xf32, #tpu.memory_space<vmem>> -> memref<16x128xf32, #tpu.memory_space<vmem>>
    %dma_start3A_365 = arith.constant 0 : i32
    %dma_start3A_366 = tpu.memref_slice %arg3[%dma_start3A_365, %multiple_of3A_359] : memref<16x100000xf32, #tpu.memory_space<hbm>> -> memref<16x128xf32, #tpu.memory_space<hbm>>
    %dma_start3A_367 = arith.constant 0 : i32
    %dma_start3A_368 = arith.constant 0 : i32
    %dma_start3A_369 = tpu.memref_slice %arg7[%dma_start3A_360, %dma_start3A_367, %dma_start3A_368] : memref<16x16x128xf32, #tpu.memory_space<vmem>> -> memref<1x16x128xf32, #tpu.memory_space<vmem>>
    %dma_start3A_370 = tpu.memref_squeeze %dma_start3A_369 : memref<1x16x128xf32, #tpu.memory_space<vmem>> -> memref<16x128xf32, #tpu.memory_space<vmem>>
    %dma_start3A_371 = arith.constant 0 : i32
    %dma_start3A_372 = tpu.memref_slice %arg3[%dma_start3A_371, %multiple_of3A_359] : memref<16x100000xf32, #tpu.memory_space<hbm>> -> memref<16x128xf32, #tpu.memory_space<hbm>>
    tpu.enqueue_dma source(%dma_start3A_372 : memref<16x128xf32, #tpu.memory_space<hbm>>) target(%dma_start3A_370 : memref<16x128xf32, #tpu.memory_space<vmem>>) target_semaphore(%arg10 : memref<!tpu.dma_semaphore, #tpu.memory_space<semaphore_mem>>)
    %dma_start3A_373 = arith.constant 12 : i32
    %dma_start3A_374 = arith.constant 0 : i32
    %dma_start3A_375 = arith.constant 0 : i32
    %dma_start3A_376 = tpu.memref_slice %arg8[%dma_start3A_373, %dma_start3A_374, %dma_start3A_375] : memref<16x16x128xi32, #tpu.memory_space<vmem>> -> memref<1x16x128xi32, #tpu.memory_space<vmem>>
    %dma_start3A_377 = tpu.memref_squeeze %dma_start3A_376 : memref<1x16x128xi32, #tpu.memory_space<vmem>> -> memref<16x128xi32, #tpu.memory_space<vmem>>
    %dma_start3A_378 = arith.constant 0 : i32
    %dma_start3A_379 = tpu.memref_slice %arg4[%dma_start3A_378, %multiple_of3A_359] : memref<16x100000xi32, #tpu.memory_space<hbm>> -> memref<16x128xi32, #tpu.memory_space<hbm>>
    %dma_start3A_380 = arith.constant 0 : i32
    %dma_start3A_381 = arith.constant 0 : i32
    %dma_start3A_382 = tpu.memref_slice %arg8[%dma_start3A_373, %dma_start3A_380, %dma_start3A_381] : memref<16x16x128xi32, #tpu.memory_space<vmem>> -> memref<1x16x128xi32, #tpu.memory_space<vmem>>
    %dma_start3A_383 = tpu.memref_squeeze %dma_start3A_382 : memref<1x16x128xi32, #tpu.memory_space<vmem>> -> memref<16x128xi32, #tpu.memory_space<vmem>>
    %dma_start3A_384 = arith.constant 0 : i32
    %dma_start3A_385 = tpu.memref_slice %arg4[%dma_start3A_384, %multiple_of3A_359] : memref<16x100000xi32, #tpu.memory_space<hbm>> -> memref<16x128xi32, #tpu.memory_space<hbm>>
    tpu.enqueue_dma source(%dma_start3A_385 : memref<16x128xi32, #tpu.memory_space<hbm>>) target(%dma_start3A_383 : memref<16x128xi32, #tpu.memory_space<vmem>>) target_semaphore(%arg11 : memref<!tpu.dma_semaphore, #tpu.memory_space<semaphore_mem>>)
    %slice3A_386 = vector.extract_strided_slice %shift_left3A_12 {offsets = [13], sizes = [1], strides = [1]} : vector<16xi32> to vector<1xi32>
    %squeeze3A_387 = vector.extract %slice3A_386[0] : i32 from vector<1xi32>
    %multiple_of3A_388 = tpu.assume_multiple %squeeze3A_387, 128 : i32
    %dma_start3A_389 = arith.constant 13 : i32
    %dma_start3A_390 = arith.constant 0 : i32
    %dma_start3A_391 = arith.constant 0 : i32
    %dma_start3A_392 = tpu.memref_slice %arg7[%dma_start3A_389, %dma_start3A_390, %dma_start3A_391] : memref<16x16x128xf32, #tpu.memory_space<vmem>> -> memref<1x16x128xf32, #tpu.memory_space<vmem>>
    %dma_start3A_393 = tpu.memref_squeeze %dma_start3A_392 : memref<1x16x128xf32, #tpu.memory_space<vmem>> -> memref<16x128xf32, #tpu.memory_space<vmem>>
    %dma_start3A_394 = arith.constant 0 : i32
    %dma_start3A_395 = tpu.memref_slice %arg3[%dma_start3A_394, %multiple_of3A_388] : memref<16x100000xf32, #tpu.memory_space<hbm>> -> memref<16x128xf32, #tpu.memory_space<hbm>>
    %dma_start3A_396 = arith.constant 0 : i32
    %dma_start3A_397 = arith.constant 0 : i32
    %dma_start3A_398 = tpu.memref_slice %arg7[%dma_start3A_389, %dma_start3A_396, %dma_start3A_397] : memref<16x16x128xf32, #tpu.memory_space<vmem>> -> memref<1x16x128xf32, #tpu.memory_space<vmem>>
    %dma_start3A_399 = tpu.memref_squeeze %dma_start3A_398 : memref<1x16x128xf32, #tpu.memory_space<vmem>> -> memref<16x128xf32, #tpu.memory_space<vmem>>
    %dma_start3A_400 = arith.constant 0 : i32
    %dma_start3A_401 = tpu.memref_slice %arg3[%dma_start3A_400, %multiple_of3A_388] : memref<16x100000xf32, #tpu.memory_space<hbm>> -> memref<16x128xf32, #tpu.memory_space<hbm>>
    tpu.enqueue_dma source(%dma_start3A_401 : memref<16x128xf32, #tpu.memory_space<hbm>>) target(%dma_start3A_399 : memref<16x128xf32, #tpu.memory_space<vmem>>) target_semaphore(%arg10 : memref<!tpu.dma_semaphore, #tpu.memory_space<semaphore_mem>>)
    %dma_start3A_402 = arith.constant 13 : i32
    %dma_start3A_403 = arith.constant 0 : i32
    %dma_start3A_404 = arith.constant 0 : i32
    %dma_start3A_405 = tpu.memref_slice %arg8[%dma_start3A_402, %dma_start3A_403, %dma_start3A_404] : memref<16x16x128xi32, #tpu.memory_space<vmem>> -> memref<1x16x128xi32, #tpu.memory_space<vmem>>
    %dma_start3A_406 = tpu.memref_squeeze %dma_start3A_405 : memref<1x16x128xi32, #tpu.memory_space<vmem>> -> memref<16x128xi32, #tpu.memory_space<vmem>>
    %dma_start3A_407 = arith.constant 0 : i32
    %dma_start3A_408 = tpu.memref_slice %arg4[%dma_start3A_407, %multiple_of3A_388] : memref<16x100000xi32, #tpu.memory_space<hbm>> -> memref<16x128xi32, #tpu.memory_space<hbm>>
    %dma_start3A_409 = arith.constant 0 : i32
    %dma_start3A_410 = arith.constant 0 : i32
    %dma_start3A_411 = tpu.memref_slice %arg8[%dma_start3A_402, %dma_start3A_409, %dma_start3A_410] : memref<16x16x128xi32, #tpu.memory_space<vmem>> -> memref<1x16x128xi32, #tpu.memory_space<vmem>>
    %dma_start3A_412 = tpu.memref_squeeze %dma_start3A_411 : memref<1x16x128xi32, #tpu.memory_space<vmem>> -> memref<16x128xi32, #tpu.memory_space<vmem>>
    %dma_start3A_413 = arith.constant 0 : i32
    %dma_start3A_414 = tpu.memref_slice %arg4[%dma_start3A_413, %multiple_of3A_388] : memref<16x100000xi32, #tpu.memory_space<hbm>> -> memref<16x128xi32, #tpu.memory_space<hbm>>
    tpu.enqueue_dma source(%dma_start3A_414 : memref<16x128xi32, #tpu.memory_space<hbm>>) target(%dma_start3A_412 : memref<16x128xi32, #tpu.memory_space<vmem>>) target_semaphore(%arg11 : memref<!tpu.dma_semaphore, #tpu.memory_space<semaphore_mem>>)
    %slice3A_415 = vector.extract_strided_slice %shift_left3A_12 {offsets = [14], sizes = [1], strides = [1]} : vector<16xi32> to vector<1xi32>
    %squeeze3A_416 = vector.extract %slice3A_415[0] : i32 from vector<1xi32>
    %multiple_of3A_417 = tpu.assume_multiple %squeeze3A_416, 128 : i32
    %dma_start3A_418 = arith.constant 14 : i32
    %dma_start3A_419 = arith.constant 0 : i32
    %dma_start3A_420 = arith.constant 0 : i32
    %dma_start3A_421 = tpu.memref_slice %arg7[%dma_start3A_418, %dma_start3A_419, %dma_start3A_420] : memref<16x16x128xf32, #tpu.memory_space<vmem>> -> memref<1x16x128xf32, #tpu.memory_space<vmem>>
    %dma_start3A_422 = tpu.memref_squeeze %dma_start3A_421 : memref<1x16x128xf32, #tpu.memory_space<vmem>> -> memref<16x128xf32, #tpu.memory_space<vmem>>
    %dma_start3A_423 = arith.constant 0 : i32
    %dma_start3A_424 = tpu.memref_slice %arg3[%dma_start3A_423, %multiple_of3A_417] : memref<16x100000xf32, #tpu.memory_space<hbm>> -> memref<16x128xf32, #tpu.memory_space<hbm>>
    %dma_start3A_425 = arith.constant 0 : i32
    %dma_start3A_426 = arith.constant 0 : i32
    %dma_start3A_427 = tpu.memref_slice %arg7[%dma_start3A_418, %dma_start3A_425, %dma_start3A_426] : memref<16x16x128xf32, #tpu.memory_space<vmem>> -> memref<1x16x128xf32, #tpu.memory_space<vmem>>
    %dma_start3A_428 = tpu.memref_squeeze %dma_start3A_427 : memref<1x16x128xf32, #tpu.memory_space<vmem>> -> memref<16x128xf32, #tpu.memory_space<vmem>>
    %dma_start3A_429 = arith.constant 0 : i32
    %dma_start3A_430 = tpu.memref_slice %arg3[%dma_start3A_429, %multiple_of3A_417] : memref<16x100000xf32, #tpu.memory_space<hbm>> -> memref<16x128xf32, #tpu.memory_space<hbm>>
    tpu.enqueue_dma source(%dma_start3A_430 : memref<16x128xf32, #tpu.memory_space<hbm>>) target(%dma_start3A_428 : memref<16x128xf32, #tpu.memory_space<vmem>>) target_semaphore(%arg10 : memref<!tpu.dma_semaphore, #tpu.memory_space<semaphore_mem>>)
    %dma_start3A_431 = arith.constant 14 : i32
    %dma_start3A_432 = arith.constant 0 : i32
    %dma_start3A_433 = arith.constant 0 : i32
    %dma_start3A_434 = tpu.memref_slice %arg8[%dma_start3A_431, %dma_start3A_432, %dma_start3A_433] : memref<16x16x128xi32, #tpu.memory_space<vmem>> -> memref<1x16x128xi32, #tpu.memory_space<vmem>>
    %dma_start3A_435 = tpu.memref_squeeze %dma_start3A_434 : memref<1x16x128xi32, #tpu.memory_space<vmem>> -> memref<16x128xi32, #tpu.memory_space<vmem>>
    %dma_start3A_436 = arith.constant 0 : i32
    %dma_start3A_437 = tpu.memref_slice %arg4[%dma_start3A_436, %multiple_of3A_417] : memref<16x100000xi32, #tpu.memory_space<hbm>> -> memref<16x128xi32, #tpu.memory_space<hbm>>
    %dma_start3A_438 = arith.constant 0 : i32
    %dma_start3A_439 = arith.constant 0 : i32
    %dma_start3A_440 = tpu.memref_slice %arg8[%dma_start3A_431, %dma_start3A_438, %dma_start3A_439] : memref<16x16x128xi32, #tpu.memory_space<vmem>> -> memref<1x16x128xi32, #tpu.memory_space<vmem>>
    %dma_start3A_441 = tpu.memref_squeeze %dma_start3A_440 : memref<1x16x128xi32, #tpu.memory_space<vmem>> -> memref<16x128xi32, #tpu.memory_space<vmem>>
    %dma_start3A_442 = arith.constant 0 : i32
    %dma_start3A_443 = tpu.memref_slice %arg4[%dma_start3A_442, %multiple_of3A_417] : memref<16x100000xi32, #tpu.memory_space<hbm>> -> memref<16x128xi32, #tpu.memory_space<hbm>>
    tpu.enqueue_dma source(%dma_start3A_443 : memref<16x128xi32, #tpu.memory_space<hbm>>) target(%dma_start3A_441 : memref<16x128xi32, #tpu.memory_space<vmem>>) target_semaphore(%arg11 : memref<!tpu.dma_semaphore, #tpu.memory_space<semaphore_mem>>)
    %slice3A_444 = vector.extract_strided_slice %shift_left3A_12 {offsets = [15], sizes = [1], strides = [1]} : vector<16xi32> to vector<1xi32>
    %squeeze3A_445 = vector.extract %slice3A_444[0] : i32 from vector<1xi32>
    %multiple_of3A_446 = tpu.assume_multiple %squeeze3A_445, 128 : i32
    %dma_start3A_447 = arith.constant 15 : i32
    %dma_start3A_448 = arith.constant 0 : i32
    %dma_start3A_449 = arith.constant 0 : i32
    %dma_start3A_450 = tpu.memref_slice %arg7[%dma_start3A_447, %dma_start3A_448, %dma_start3A_449] : memref<16x16x128xf32, #tpu.memory_space<vmem>> -> memref<1x16x128xf32, #tpu.memory_space<vmem>>
    %dma_start3A_451 = tpu.memref_squeeze %dma_start3A_450 : memref<1x16x128xf32, #tpu.memory_space<vmem>> -> memref<16x128xf32, #tpu.memory_space<vmem>>
    %dma_start3A_452 = arith.constant 0 : i32
    %dma_start3A_453 = tpu.memref_slice %arg3[%dma_start3A_452, %multiple_of3A_446] : memref<16x100000xf32, #tpu.memory_space<hbm>> -> memref<16x128xf32, #tpu.memory_space<hbm>>
    %dma_start3A_454 = arith.constant 0 : i32
    %dma_start3A_455 = arith.constant 0 : i32
    %dma_start3A_456 = tpu.memref_slice %arg7[%dma_start3A_447, %dma_start3A_454, %dma_start3A_455] : memref<16x16x128xf32, #tpu.memory_space<vmem>> -> memref<1x16x128xf32, #tpu.memory_space<vmem>>
    %dma_start3A_457 = tpu.memref_squeeze %dma_start3A_456 : memref<1x16x128xf32, #tpu.memory_space<vmem>> -> memref<16x128xf32, #tpu.memory_space<vmem>>
    %dma_start3A_458 = arith.constant 0 : i32
    %dma_start3A_459 = tpu.memref_slice %arg3[%dma_start3A_458, %multiple_of3A_446] : memref<16x100000xf32, #tpu.memory_space<hbm>> -> memref<16x128xf32, #tpu.memory_space<hbm>>
    tpu.enqueue_dma source(%dma_start3A_459 : memref<16x128xf32, #tpu.memory_space<hbm>>) target(%dma_start3A_457 : memref<16x128xf32, #tpu.memory_space<vmem>>) target_semaphore(%arg10 : memref<!tpu.dma_semaphore, #tpu.memory_space<semaphore_mem>>)
    %dma_start3A_460 = arith.constant 15 : i32
    %dma_start3A_461 = arith.constant 0 : i32
    %dma_start3A_462 = arith.constant 0 : i32
    %dma_start3A_463 = tpu.memref_slice %arg8[%dma_start3A_460, %dma_start3A_461, %dma_start3A_462] : memref<16x16x128xi32, #tpu.memory_space<vmem>> -> memref<1x16x128xi32, #tpu.memory_space<vmem>>
    %dma_start3A_464 = tpu.memref_squeeze %dma_start3A_463 : memref<1x16x128xi32, #tpu.memory_space<vmem>> -> memref<16x128xi32, #tpu.memory_space<vmem>>
    %dma_start3A_465 = arith.constant 0 : i32
    %dma_start3A_466 = tpu.memref_slice %arg4[%dma_start3A_465, %multiple_of3A_446] : memref<16x100000xi32, #tpu.memory_space<hbm>> -> memref<16x128xi32, #tpu.memory_space<hbm>>
    %dma_start3A_467 = arith.constant 0 : i32
    %dma_start3A_468 = arith.constant 0 : i32
    %dma_start3A_469 = tpu.memref_slice %arg8[%dma_start3A_460, %dma_start3A_467, %dma_start3A_468] : memref<16x16x128xi32, #tpu.memory_space<vmem>> -> memref<1x16x128xi32, #tpu.memory_space<vmem>>
    %dma_start3A_470 = tpu.memref_squeeze %dma_start3A_469 : memref<1x16x128xi32, #tpu.memory_space<vmem>> -> memref<16x128xi32, #tpu.memory_space<vmem>>
    %dma_start3A_471 = arith.constant 0 : i32
    %dma_start3A_472 = tpu.memref_slice %arg4[%dma_start3A_471, %multiple_of3A_446] : memref<16x100000xi32, #tpu.memory_space<hbm>> -> memref<16x128xi32, #tpu.memory_space<hbm>>
    tpu.enqueue_dma source(%dma_start3A_472 : memref<16x128xi32, #tpu.memory_space<hbm>>) target(%dma_start3A_470 : memref<16x128xi32, #tpu.memory_space<vmem>>) target_semaphore(%arg11 : memref<!tpu.dma_semaphore, #tpu.memory_space<semaphore_mem>>)
    %scan3A = arith.constant 0 : i32
    %scan3A_473 = arith.constant 32 : i32
    %scan3A_474 = arith.addi %scan3A, %scan3A_473 : i32
    %scan3A_475 = arith.constant 1 : i32
    scf.for %scan3A_1810 = %scan3A to %scan3A_474 step %scan3A_475  : i32 {
      %mul3A_1811 = arith.constant 1 : i32
      %mul3A_1812 = arith.muli %scan3A_1810, %mul3A_1811 : i32
      %add3A_1813 = arith.constant 0 : i32
      %add3A_1814 = arith.addi %add3A_1813, %mul3A_1812 : i32
      %swap3A_1815 = arith.index_cast %add3A_1814 : i32 to index
      %swap3A_1816 = arith.constant 0 : index
      %swap3A_1817 = tpu.vector_load %arg9[%swap3A_1815, %swap3A_1816] {strides = array<i32>} : memref<32x256xf32, #tpu.memory_space<vmem>>, vector<16xf32>,
      tpu.vector_store %arg9[%swap3A_1815, %swap3A_1816], %broadcast_in_dim3A_3 {strides = array<i32>} : memref<32x256xf32, #tpu.memory_space<vmem>>, vector<16xf32>,
      %swap3A_1818 = arith.index_cast %add3A_1814 : i32 to index
      %swap3A_1819 = arith.constant 16 : index
      %swap3A_1820 = tpu.vector_load %arg9[%swap3A_1818, %swap3A_1819] {strides = array<i32>} : memref<32x256xf32, #tpu.memory_space<vmem>>, vector<16xf32>,
      tpu.vector_store %arg9[%swap3A_1818, %swap3A_1819], %broadcast_in_dim3A_3 {strides = array<i32>} : memref<32x256xf32, #tpu.memory_space<vmem>>, vector<16xf32>,
      %swap3A_1821 = arith.index_cast %add3A_1814 : i32 to index
      %swap3A_1822 = arith.constant 32 : index
      %swap3A_1823 = tpu.vector_load %arg9[%swap3A_1821, %swap3A_1822] {strides = array<i32>} : memref<32x256xf32, #tpu.memory_space<vmem>>, vector<16xf32>,
      tpu.vector_store %arg9[%swap3A_1821, %swap3A_1822], %broadcast_in_dim3A_3 {strides = array<i32>} : memref<32x256xf32, #tpu.memory_space<vmem>>, vector<16xf32>,
      %swap3A_1824 = arith.index_cast %add3A_1814 : i32 to index
      %swap3A_1825 = arith.constant 48 : index
      %swap3A_1826 = tpu.vector_load %arg9[%swap3A_1824, %swap3A_1825] {strides = array<i32>} : memref<32x256xf32, #tpu.memory_space<vmem>>, vector<16xf32>,
      tpu.vector_store %arg9[%swap3A_1824, %swap3A_1825], %broadcast_in_dim3A_3 {strides = array<i32>} : memref<32x256xf32, #tpu.memory_space<vmem>>, vector<16xf32>,
      %swap3A_1827 = arith.index_cast %add3A_1814 : i32 to index
      %swap3A_1828 = arith.constant 64 : index
      %swap3A_1829 = tpu.vector_load %arg9[%swap3A_1827, %swap3A_1828] {strides = array<i32>} : memref<32x256xf32, #tpu.memory_space<vmem>>, vector<16xf32>,
      tpu.vector_store %arg9[%swap3A_1827, %swap3A_1828], %broadcast_in_dim3A_3 {strides = array<i32>} : memref<32x256xf32, #tpu.memory_space<vmem>>, vector<16xf32>,
      %swap3A_1830 = arith.index_cast %add3A_1814 : i32 to index
      %swap3A_1831 = arith.constant 80 : index
      %swap3A_1832 = tpu.vector_load %arg9[%swap3A_1830, %swap3A_1831] {strides = array<i32>} : memref<32x256xf32, #tpu.memory_space<vmem>>, vector<16xf32>,
      tpu.vector_store %arg9[%swap3A_1830, %swap3A_1831], %broadcast_in_dim3A_3 {strides = array<i32>} : memref<32x256xf32, #tpu.memory_space<vmem>>, vector<16xf32>,
      %swap3A_1833 = arith.index_cast %add3A_1814 : i32 to index
      %swap3A_1834 = arith.constant 96 : index
      %swap3A_1835 = tpu.vector_load %arg9[%swap3A_1833, %swap3A_1834] {strides = array<i32>} : memref<32x256xf32, #tpu.memory_space<vmem>>, vector<16xf32>,
      tpu.vector_store %arg9[%swap3A_1833, %swap3A_1834], %broadcast_in_dim3A_3 {strides = array<i32>} : memref<32x256xf32, #tpu.memory_space<vmem>>, vector<16xf32>,
      %swap3A_1836 = arith.index_cast %add3A_1814 : i32 to index
      %swap3A_1837 = arith.constant 112 : index
      %swap3A_1838 = tpu.vector_load %arg9[%swap3A_1836, %swap3A_1837] {strides = array<i32>} : memref<32x256xf32, #tpu.memory_space<vmem>>, vector<16xf32>,
      tpu.vector_store %arg9[%swap3A_1836, %swap3A_1837], %broadcast_in_dim3A_3 {strides = array<i32>} : memref<32x256xf32, #tpu.memory_space<vmem>>, vector<16xf32>,
      %swap3A_1839 = arith.index_cast %add3A_1814 : i32 to index
      %swap3A_1840 = arith.constant 128 : index
      %swap3A_1841 = tpu.vector_load %arg9[%swap3A_1839, %swap3A_1840] {strides = array<i32>} : memref<32x256xf32, #tpu.memory_space<vmem>>, vector<16xf32>,
      tpu.vector_store %arg9[%swap3A_1839, %swap3A_1840], %broadcast_in_dim3A_3 {strides = array<i32>} : memref<32x256xf32, #tpu.memory_space<vmem>>, vector<16xf32>,
      %swap3A_1842 = arith.index_cast %add3A_1814 : i32 to index
      %swap3A_1843 = arith.constant 144 : index
      %swap3A_1844 = tpu.vector_load %arg9[%swap3A_1842, %swap3A_1843] {strides = array<i32>} : memref<32x256xf32, #tpu.memory_space<vmem>>, vector<16xf32>,
      tpu.vector_store %arg9[%swap3A_1842, %swap3A_1843], %broadcast_in_dim3A_3 {strides = array<i32>} : memref<32x256xf32, #tpu.memory_space<vmem>>, vector<16xf32>,
      %swap3A_1845 = arith.index_cast %add3A_1814 : i32 to index
      %swap3A_1846 = arith.constant 160 : index
      %swap3A_1847 = tpu.vector_load %arg9[%swap3A_1845, %swap3A_1846] {strides = array<i32>} : memref<32x256xf32, #tpu.memory_space<vmem>>, vector<16xf32>,
      tpu.vector_store %arg9[%swap3A_1845, %swap3A_1846], %broadcast_in_dim3A_3 {strides = array<i32>} : memref<32x256xf32, #tpu.memory_space<vmem>>, vector<16xf32>,
      %swap3A_1848 = arith.index_cast %add3A_1814 : i32 to index
      %swap3A_1849 = arith.constant 176 : index
      %swap3A_1850 = tpu.vector_load %arg9[%swap3A_1848, %swap3A_1849] {strides = array<i32>} : memref<32x256xf32, #tpu.memory_space<vmem>>, vector<16xf32>,
      tpu.vector_store %arg9[%swap3A_1848, %swap3A_1849], %broadcast_in_dim3A_3 {strides = array<i32>} : memref<32x256xf32, #tpu.memory_space<vmem>>, vector<16xf32>,
      %swap3A_1851 = arith.index_cast %add3A_1814 : i32 to index
      %swap3A_1852 = arith.constant 192 : index
      %swap3A_1853 = tpu.vector_load %arg9[%swap3A_1851, %swap3A_1852] {strides = array<i32>} : memref<32x256xf32, #tpu.memory_space<vmem>>, vector<16xf32>,
      tpu.vector_store %arg9[%swap3A_1851, %swap3A_1852], %broadcast_in_dim3A_3 {strides = array<i32>} : memref<32x256xf32, #tpu.memory_space<vmem>>, vector<16xf32>,
      %swap3A_1854 = arith.index_cast %add3A_1814 : i32 to index
      %swap3A_1855 = arith.constant 208 : index
      %swap3A_1856 = tpu.vector_load %arg9[%swap3A_1854, %swap3A_1855] {strides = array<i32>} : memref<32x256xf32, #tpu.memory_space<vmem>>, vector<16xf32>,
      tpu.vector_store %arg9[%swap3A_1854, %swap3A_1855], %broadcast_in_dim3A_3 {strides = array<i32>} : memref<32x256xf32, #tpu.memory_space<vmem>>, vector<16xf32>,
      %swap3A_1857 = arith.index_cast %add3A_1814 : i32 to index
      %swap3A_1858 = arith.constant 224 : index
      %swap3A_1859 = tpu.vector_load %arg9[%swap3A_1857, %swap3A_1858] {strides = array<i32>} : memref<32x256xf32, #tpu.memory_space<vmem>>, vector<16xf32>,
      tpu.vector_store %arg9[%swap3A_1857, %swap3A_1858], %broadcast_in_dim3A_3 {strides = array<i32>} : memref<32x256xf32, #tpu.memory_space<vmem>>, vector<16xf32>,
      %swap3A_1860 = arith.index_cast %add3A_1814 : i32 to index
      %swap3A_1861 = arith.constant 240 : index
      %swap3A_1862 = tpu.vector_load %arg9[%swap3A_1860, %swap3A_1861] {strides = array<i32>} : memref<32x256xf32, #tpu.memory_space<vmem>>, vector<16xf32>,
      tpu.vector_store %arg9[%swap3A_1860, %swap3A_1861], %broadcast_in_dim3A_3 {strides = array<i32>} : memref<32x256xf32, #tpu.memory_space<vmem>>, vector<16xf32>,
    }
    %scan3A_476 = arith.constant 32 : i32
    %dma_wait3A = arith.constant 0 : i32
    %dma_wait3A_477 = arith.constant 0 : i32
    %dma_wait3A_478 = arith.constant 0 : i32
    %dma_wait3A_479 = tpu.memref_slice %arg7[%dma_wait3A, %dma_wait3A_477, %dma_wait3A_478] : memref<16x16x128xf32, #tpu.memory_space<vmem>> -> memref<1x16x128xf32, #tpu.memory_space<vmem>>
    %dma_wait3A_480 = tpu.memref_squeeze %dma_wait3A_479 : memref<1x16x128xf32, #tpu.memory_space<vmem>> -> memref<16x128xf32, #tpu.memory_space<vmem>>
    %dma_wait3A_481 = arith.constant 0 : i32
    %dma_wait3A_482 = tpu.memref_slice %arg3[%dma_wait3A_481, %multiple_of3A] : memref<16x100000xf32, #tpu.memory_space<hbm>> -> memref<16x128xf32, #tpu.memory_space<hbm>>
    %dma_wait3A_483 = arith.constant 0 : i32
    %dma_wait3A_484 = arith.constant 0 : i32
    %dma_wait3A_485 = tpu.memref_slice %arg7[%dma_wait3A, %dma_wait3A_483, %dma_wait3A_484] : memref<16x16x128xf32, #tpu.memory_space<vmem>> -> memref<1x16x128xf32, #tpu.memory_space<vmem>>
    %dma_wait3A_486 = tpu.memref_squeeze %dma_wait3A_485 : memref<1x16x128xf32, #tpu.memory_space<vmem>> -> memref<16x128xf32, #tpu.memory_space<vmem>>
    %dma_wait3A_487 = arith.constant 0 : i32
    %dma_wait3A_488 = tpu.memref_slice %arg3[%dma_wait3A_487, %multiple_of3A] : memref<16x100000xf32, #tpu.memory_space<hbm>> -> memref<16x128xf32, #tpu.memory_space<hbm>>
    tpu.wait_dma2 semaphore(%arg10 : memref<!tpu.dma_semaphore, #tpu.memory_space<semaphore_mem>>) src(%dma_wait3A_488 : memref<16x128xf32, #tpu.memory_space<hbm>>) dst(%dma_wait3A_486 : memref<16x128xf32, #tpu.memory_space<vmem>>)
    %dma_wait3A_489 = arith.constant 0 : i32
    %dma_wait3A_490 = arith.constant 0 : i32
    %dma_wait3A_491 = arith.constant 0 : i32
    %dma_wait3A_492 = tpu.memref_slice %arg8[%dma_wait3A_489, %dma_wait3A_490, %dma_wait3A_491] : memref<16x16x128xi32, #tpu.memory_space<vmem>> -> memref<1x16x128xi32, #tpu.memory_space<vmem>>
    %dma_wait3A_493 = tpu.memref_squeeze %dma_wait3A_492 : memref<1x16x128xi32, #tpu.memory_space<vmem>> -> memref<16x128xi32, #tpu.memory_space<vmem>>
    %dma_wait3A_494 = arith.constant 0 : i32
    %dma_wait3A_495 = tpu.memref_slice %arg4[%dma_wait3A_494, %multiple_of3A] : memref<16x100000xi32, #tpu.memory_space<hbm>> -> memref<16x128xi32, #tpu.memory_space<hbm>>
    %dma_wait3A_496 = arith.constant 0 : i32
    %dma_wait3A_497 = arith.constant 0 : i32
    %dma_wait3A_498 = tpu.memref_slice %arg8[%dma_wait3A_489, %dma_wait3A_496, %dma_wait3A_497] : memref<16x16x128xi32, #tpu.memory_space<vmem>> -> memref<1x16x128xi32, #tpu.memory_space<vmem>>
    %dma_wait3A_499 = tpu.memref_squeeze %dma_wait3A_498 : memref<1x16x128xi32, #tpu.memory_space<vmem>> -> memref<16x128xi32, #tpu.memory_space<vmem>>
    %dma_wait3A_500 = arith.constant 0 : i32
    %dma_wait3A_501 = tpu.memref_slice %arg4[%dma_wait3A_500, %multiple_of3A] : memref<16x100000xi32, #tpu.memory_space<hbm>> -> memref<16x128xi32, #tpu.memory_space<hbm>>
    tpu.wait_dma2 semaphore(%arg11 : memref<!tpu.dma_semaphore, #tpu.memory_space<semaphore_mem>>) src(%dma_wait3A_501 : memref<16x128xi32, #tpu.memory_space<hbm>>) dst(%dma_wait3A_499 : memref<16x128xi32, #tpu.memory_space<vmem>>)
    %dma_wait3A_502 = arith.constant 1 : i32
    %dma_wait3A_503 = arith.constant 0 : i32
    %dma_wait3A_504 = arith.constant 0 : i32
    %dma_wait3A_505 = tpu.memref_slice %arg7[%dma_wait3A_502, %dma_wait3A_503, %dma_wait3A_504] : memref<16x16x128xf32, #tpu.memory_space<vmem>> -> memref<1x16x128xf32, #tpu.memory_space<vmem>>
    %dma_wait3A_506 = tpu.memref_squeeze %dma_wait3A_505 : memref<1x16x128xf32, #tpu.memory_space<vmem>> -> memref<16x128xf32, #tpu.memory_space<vmem>>
    %dma_wait3A_507 = arith.constant 0 : i32
    %dma_wait3A_508 = tpu.memref_slice %arg3[%dma_wait3A_507, %multiple_of3A_40] : memref<16x100000xf32, #tpu.memory_space<hbm>> -> memref<16x128xf32, #tpu.memory_space<hbm>>
    %dma_wait3A_509 = arith.constant 0 : i32
    %dma_wait3A_510 = arith.constant 0 : i32
    %dma_wait3A_511 = tpu.memref_slice %arg7[%dma_wait3A_502, %dma_wait3A_509, %dma_wait3A_510] : memref<16x16x128xf32, #tpu.memory_space<vmem>> -> memref<1x16x128xf32, #tpu.memory_space<vmem>>
    %dma_wait3A_512 = tpu.memref_squeeze %dma_wait3A_511 : memref<1x16x128xf32, #tpu.memory_space<vmem>> -> memref<16x128xf32, #tpu.memory_space<vmem>>
    %dma_wait3A_513 = arith.constant 0 : i32
    %dma_wait3A_514 = tpu.memref_slice %arg3[%dma_wait3A_513, %multiple_of3A_40] : memref<16x100000xf32, #tpu.memory_space<hbm>> -> memref<16x128xf32, #tpu.memory_space<hbm>>
    tpu.wait_dma2 semaphore(%arg10 : memref<!tpu.dma_semaphore, #tpu.memory_space<semaphore_mem>>) src(%dma_wait3A_514 : memref<16x128xf32, #tpu.memory_space<hbm>>) dst(%dma_wait3A_512 : memref<16x128xf32, #tpu.memory_space<vmem>>)
    %dma_wait3A_515 = arith.constant 1 : i32
    %dma_wait3A_516 = arith.constant 0 : i32
    %dma_wait3A_517 = arith.constant 0 : i32
    %dma_wait3A_518 = tpu.memref_slice %arg8[%dma_wait3A_515, %dma_wait3A_516, %dma_wait3A_517] : memref<16x16x128xi32, #tpu.memory_space<vmem>> -> memref<1x16x128xi32, #tpu.memory_space<vmem>>
    %dma_wait3A_519 = tpu.memref_squeeze %dma_wait3A_518 : memref<1x16x128xi32, #tpu.memory_space<vmem>> -> memref<16x128xi32, #tpu.memory_space<vmem>>
    %dma_wait3A_520 = arith.constant 0 : i32
    %dma_wait3A_521 = tpu.memref_slice %arg4[%dma_wait3A_520, %multiple_of3A_40] : memref<16x100000xi32, #tpu.memory_space<hbm>> -> memref<16x128xi32, #tpu.memory_space<hbm>>
    %dma_wait3A_522 = arith.constant 0 : i32
    %dma_wait3A_523 = arith.constant 0 : i32
    %dma_wait3A_524 = tpu.memref_slice %arg8[%dma_wait3A_515, %dma_wait3A_522, %dma_wait3A_523] : memref<16x16x128xi32, #tpu.memory_space<vmem>> -> memref<1x16x128xi32, #tpu.memory_space<vmem>>
    %dma_wait3A_525 = tpu.memref_squeeze %dma_wait3A_524 : memref<1x16x128xi32, #tpu.memory_space<vmem>> -> memref<16x128xi32, #tpu.memory_space<vmem>>
    %dma_wait3A_526 = arith.constant 0 : i32
    %dma_wait3A_527 = tpu.memref_slice %arg4[%dma_wait3A_526, %multiple_of3A_40] : memref<16x100000xi32, #tpu.memory_space<hbm>> -> memref<16x128xi32, #tpu.memory_space<hbm>>
    tpu.wait_dma2 semaphore(%arg11 : memref<!tpu.dma_semaphore, #tpu.memory_space<semaphore_mem>>) src(%dma_wait3A_527 : memref<16x128xi32, #tpu.memory_space<hbm>>) dst(%dma_wait3A_525 : memref<16x128xi32, #tpu.memory_space<vmem>>)
    %dma_wait3A_528 = arith.constant 2 : i32
    %dma_wait3A_529 = arith.constant 0 : i32
    %dma_wait3A_530 = arith.constant 0 : i32
    %dma_wait3A_531 = tpu.memref_slice %arg7[%dma_wait3A_528, %dma_wait3A_529, %dma_wait3A_530] : memref<16x16x128xf32, #tpu.memory_space<vmem>> -> memref<1x16x128xf32, #tpu.memory_space<vmem>>
    %dma_wait3A_532 = tpu.memref_squeeze %dma_wait3A_531 : memref<1x16x128xf32, #tpu.memory_space<vmem>> -> memref<16x128xf32, #tpu.memory_space<vmem>>
    %dma_wait3A_533 = arith.constant 0 : i32
    %dma_wait3A_534 = tpu.memref_slice %arg3[%dma_wait3A_533, %multiple_of3A_69] : memref<16x100000xf32, #tpu.memory_space<hbm>> -> memref<16x128xf32, #tpu.memory_space<hbm>>
    %dma_wait3A_535 = arith.constant 0 : i32
    %dma_wait3A_536 = arith.constant 0 : i32
    %dma_wait3A_537 = tpu.memref_slice %arg7[%dma_wait3A_528, %dma_wait3A_535, %dma_wait3A_536] : memref<16x16x128xf32, #tpu.memory_space<vmem>> -> memref<1x16x128xf32, #tpu.memory_space<vmem>>
    %dma_wait3A_538 = tpu.memref_squeeze %dma_wait3A_537 : memref<1x16x128xf32, #tpu.memory_space<vmem>> -> memref<16x128xf32, #tpu.memory_space<vmem>>
    %dma_wait3A_539 = arith.constant 0 : i32
    %dma_wait3A_540 = tpu.memref_slice %arg3[%dma_wait3A_539, %multiple_of3A_69] : memref<16x100000xf32, #tpu.memory_space<hbm>> -> memref<16x128xf32, #tpu.memory_space<hbm>>
    tpu.wait_dma2 semaphore(%arg10 : memref<!tpu.dma_semaphore, #tpu.memory_space<semaphore_mem>>) src(%dma_wait3A_540 : memref<16x128xf32, #tpu.memory_space<hbm>>) dst(%dma_wait3A_538 : memref<16x128xf32, #tpu.memory_space<vmem>>)
    %dma_wait3A_541 = arith.constant 2 : i32
    %dma_wait3A_542 = arith.constant 0 : i32
    %dma_wait3A_543 = arith.constant 0 : i32
    %dma_wait3A_544 = tpu.memref_slice %arg8[%dma_wait3A_541, %dma_wait3A_542, %dma_wait3A_543] : memref<16x16x128xi32, #tpu.memory_space<vmem>> -> memref<1x16x128xi32, #tpu.memory_space<vmem>>
    %dma_wait3A_545 = tpu.memref_squeeze %dma_wait3A_544 : memref<1x16x128xi32, #tpu.memory_space<vmem>> -> memref<16x128xi32, #tpu.memory_space<vmem>>
    %dma_wait3A_546 = arith.constant 0 : i32
    %dma_wait3A_547 = tpu.memref_slice %arg4[%dma_wait3A_546, %multiple_of3A_69] : memref<16x100000xi32, #tpu.memory_space<hbm>> -> memref<16x128xi32, #tpu.memory_space<hbm>>
    %dma_wait3A_548 = arith.constant 0 : i32
    %dma_wait3A_549 = arith.constant 0 : i32
    %dma_wait3A_550 = tpu.memref_slice %arg8[%dma_wait3A_541, %dma_wait3A_548, %dma_wait3A_549] : memref<16x16x128xi32, #tpu.memory_space<vmem>> -> memref<1x16x128xi32, #tpu.memory_space<vmem>>
    %dma_wait3A_551 = tpu.memref_squeeze %dma_wait3A_550 : memref<1x16x128xi32, #tpu.memory_space<vmem>> -> memref<16x128xi32, #tpu.memory_space<vmem>>
    %dma_wait3A_552 = arith.constant 0 : i32
    %dma_wait3A_553 = tpu.memref_slice %arg4[%dma_wait3A_552, %multiple_of3A_69] : memref<16x100000xi32, #tpu.memory_space<hbm>> -> memref<16x128xi32, #tpu.memory_space<hbm>>
    tpu.wait_dma2 semaphore(%arg11 : memref<!tpu.dma_semaphore, #tpu.memory_space<semaphore_mem>>) src(%dma_wait3A_553 : memref<16x128xi32, #tpu.memory_space<hbm>>) dst(%dma_wait3A_551 : memref<16x128xi32, #tpu.memory_space<vmem>>)
    %dma_wait3A_554 = arith.constant 3 : i32
    %dma_wait3A_555 = arith.constant 0 : i32
    %dma_wait3A_556 = arith.constant 0 : i32
    %dma_wait3A_557 = tpu.memref_slice %arg7[%dma_wait3A_554, %dma_wait3A_555, %dma_wait3A_556] : memref<16x16x128xf32, #tpu.memory_space<vmem>> -> memref<1x16x128xf32, #tpu.memory_space<vmem>>
    %dma_wait3A_558 = tpu.memref_squeeze %dma_wait3A_557 : memref<1x16x128xf32, #tpu.memory_space<vmem>> -> memref<16x128xf32, #tpu.memory_space<vmem>>
    %dma_wait3A_559 = arith.constant 0 : i32
    %dma_wait3A_560 = tpu.memref_slice %arg3[%dma_wait3A_559, %multiple_of3A_98] : memref<16x100000xf32, #tpu.memory_space<hbm>> -> memref<16x128xf32, #tpu.memory_space<hbm>>
    %dma_wait3A_561 = arith.constant 0 : i32
    %dma_wait3A_562 = arith.constant 0 : i32
    %dma_wait3A_563 = tpu.memref_slice %arg7[%dma_wait3A_554, %dma_wait3A_561, %dma_wait3A_562] : memref<16x16x128xf32, #tpu.memory_space<vmem>> -> memref<1x16x128xf32, #tpu.memory_space<vmem>>
    %dma_wait3A_564 = tpu.memref_squeeze %dma_wait3A_563 : memref<1x16x128xf32, #tpu.memory_space<vmem>> -> memref<16x128xf32, #tpu.memory_space<vmem>>
    %dma_wait3A_565 = arith.constant 0 : i32
    %dma_wait3A_566 = tpu.memref_slice %arg3[%dma_wait3A_565, %multiple_of3A_98] : memref<16x100000xf32, #tpu.memory_space<hbm>> -> memref<16x128xf32, #tpu.memory_space<hbm>>
    tpu.wait_dma2 semaphore(%arg10 : memref<!tpu.dma_semaphore, #tpu.memory_space<semaphore_mem>>) src(%dma_wait3A_566 : memref<16x128xf32, #tpu.memory_space<hbm>>) dst(%dma_wait3A_564 : memref<16x128xf32, #tpu.memory_space<vmem>>)
    %dma_wait3A_567 = arith.constant 3 : i32
    %dma_wait3A_568 = arith.constant 0 : i32
    %dma_wait3A_569 = arith.constant 0 : i32
    %dma_wait3A_570 = tpu.memref_slice %arg8[%dma_wait3A_567, %dma_wait3A_568, %dma_wait3A_569] : memref<16x16x128xi32, #tpu.memory_space<vmem>> -> memref<1x16x128xi32, #tpu.memory_space<vmem>>
    %dma_wait3A_571 = tpu.memref_squeeze %dma_wait3A_570 : memref<1x16x128xi32, #tpu.memory_space<vmem>> -> memref<16x128xi32, #tpu.memory_space<vmem>>
    %dma_wait3A_572 = arith.constant 0 : i32
    %dma_wait3A_573 = tpu.memref_slice %arg4[%dma_wait3A_572, %multiple_of3A_98] : memref<16x100000xi32, #tpu.memory_space<hbm>> -> memref<16x128xi32, #tpu.memory_space<hbm>>
    %dma_wait3A_574 = arith.constant 0 : i32
    %dma_wait3A_575 = arith.constant 0 : i32
    %dma_wait3A_576 = tpu.memref_slice %arg8[%dma_wait3A_567, %dma_wait3A_574, %dma_wait3A_575] : memref<16x16x128xi32, #tpu.memory_space<vmem>> -> memref<1x16x128xi32, #tpu.memory_space<vmem>>
    %dma_wait3A_577 = tpu.memref_squeeze %dma_wait3A_576 : memref<1x16x128xi32, #tpu.memory_space<vmem>> -> memref<16x128xi32, #tpu.memory_space<vmem>>
    %dma_wait3A_578 = arith.constant 0 : i32
    %dma_wait3A_579 = tpu.memref_slice %arg4[%dma_wait3A_578, %multiple_of3A_98] : memref<16x100000xi32, #tpu.memory_space<hbm>> -> memref<16x128xi32, #tpu.memory_space<hbm>>
    tpu.wait_dma2 semaphore(%arg11 : memref<!tpu.dma_semaphore, #tpu.memory_space<semaphore_mem>>) src(%dma_wait3A_579 : memref<16x128xi32, #tpu.memory_space<hbm>>) dst(%dma_wait3A_577 : memref<16x128xi32, #tpu.memory_space<vmem>>)
    %dma_wait3A_580 = arith.constant 4 : i32
    %dma_wait3A_581 = arith.constant 0 : i32
    %dma_wait3A_582 = arith.constant 0 : i32
    %dma_wait3A_583 = tpu.memref_slice %arg7[%dma_wait3A_580, %dma_wait3A_581, %dma_wait3A_582] : memref<16x16x128xf32, #tpu.memory_space<vmem>> -> memref<1x16x128xf32, #tpu.memory_space<vmem>>
    %dma_wait3A_584 = tpu.memref_squeeze %dma_wait3A_583 : memref<1x16x128xf32, #tpu.memory_space<vmem>> -> memref<16x128xf32, #tpu.memory_space<vmem>>
    %dma_wait3A_585 = arith.constant 0 : i32
    %dma_wait3A_586 = tpu.memref_slice %arg3[%dma_wait3A_585, %multiple_of3A_127] : memref<16x100000xf32, #tpu.memory_space<hbm>> -> memref<16x128xf32, #tpu.memory_space<hbm>>
    %dma_wait3A_587 = arith.constant 0 : i32
    %dma_wait3A_588 = arith.constant 0 : i32
    %dma_wait3A_589 = tpu.memref_slice %arg7[%dma_wait3A_580, %dma_wait3A_587, %dma_wait3A_588] : memref<16x16x128xf32, #tpu.memory_space<vmem>> -> memref<1x16x128xf32, #tpu.memory_space<vmem>>
    %dma_wait3A_590 = tpu.memref_squeeze %dma_wait3A_589 : memref<1x16x128xf32, #tpu.memory_space<vmem>> -> memref<16x128xf32, #tpu.memory_space<vmem>>
    %dma_wait3A_591 = arith.constant 0 : i32
    %dma_wait3A_592 = tpu.memref_slice %arg3[%dma_wait3A_591, %multiple_of3A_127] : memref<16x100000xf32, #tpu.memory_space<hbm>> -> memref<16x128xf32, #tpu.memory_space<hbm>>
    tpu.wait_dma2 semaphore(%arg10 : memref<!tpu.dma_semaphore, #tpu.memory_space<semaphore_mem>>) src(%dma_wait3A_592 : memref<16x128xf32, #tpu.memory_space<hbm>>) dst(%dma_wait3A_590 : memref<16x128xf32, #tpu.memory_space<vmem>>)
    %dma_wait3A_593 = arith.constant 4 : i32
    %dma_wait3A_594 = arith.constant 0 : i32
    %dma_wait3A_595 = arith.constant 0 : i32
    %dma_wait3A_596 = tpu.memref_slice %arg8[%dma_wait3A_593, %dma_wait3A_594, %dma_wait3A_595] : memref<16x16x128xi32, #tpu.memory_space<vmem>> -> memref<1x16x128xi32, #tpu.memory_space<vmem>>
    %dma_wait3A_597 = tpu.memref_squeeze %dma_wait3A_596 : memref<1x16x128xi32, #tpu.memory_space<vmem>> -> memref<16x128xi32, #tpu.memory_space<vmem>>
    %dma_wait3A_598 = arith.constant 0 : i32
    %dma_wait3A_599 = tpu.memref_slice %arg4[%dma_wait3A_598, %multiple_of3A_127] : memref<16x100000xi32, #tpu.memory_space<hbm>> -> memref<16x128xi32, #tpu.memory_space<hbm>>
    %dma_wait3A_600 = arith.constant 0 : i32
    %dma_wait3A_601 = arith.constant 0 : i32
    %dma_wait3A_602 = tpu.memref_slice %arg8[%dma_wait3A_593, %dma_wait3A_600, %dma_wait3A_601] : memref<16x16x128xi32, #tpu.memory_space<vmem>> -> memref<1x16x128xi32, #tpu.memory_space<vmem>>
    %dma_wait3A_603 = tpu.memref_squeeze %dma_wait3A_602 : memref<1x16x128xi32, #tpu.memory_space<vmem>> -> memref<16x128xi32, #tpu.memory_space<vmem>>
    %dma_wait3A_604 = arith.constant 0 : i32
    %dma_wait3A_605 = tpu.memref_slice %arg4[%dma_wait3A_604, %multiple_of3A_127] : memref<16x100000xi32, #tpu.memory_space<hbm>> -> memref<16x128xi32, #tpu.memory_space<hbm>>
    tpu.wait_dma2 semaphore(%arg11 : memref<!tpu.dma_semaphore, #tpu.memory_space<semaphore_mem>>) src(%dma_wait3A_605 : memref<16x128xi32, #tpu.memory_space<hbm>>) dst(%dma_wait3A_603 : memref<16x128xi32, #tpu.memory_space<vmem>>)
    %dma_wait3A_606 = arith.constant 5 : i32
    %dma_wait3A_607 = arith.constant 0 : i32
    %dma_wait3A_608 = arith.constant 0 : i32
    %dma_wait3A_609 = tpu.memref_slice %arg7[%dma_wait3A_606, %dma_wait3A_607, %dma_wait3A_608] : memref<16x16x128xf32, #tpu.memory_space<vmem>> -> memref<1x16x128xf32, #tpu.memory_space<vmem>>
    %dma_wait3A_610 = tpu.memref_squeeze %dma_wait3A_609 : memref<1x16x128xf32, #tpu.memory_space<vmem>> -> memref<16x128xf32, #tpu.memory_space<vmem>>
    %dma_wait3A_611 = arith.constant 0 : i32
    %dma_wait3A_612 = tpu.memref_slice %arg3[%dma_wait3A_611, %multiple_of3A_156] : memref<16x100000xf32, #tpu.memory_space<hbm>> -> memref<16x128xf32, #tpu.memory_space<hbm>>
    %dma_wait3A_613 = arith.constant 0 : i32
    %dma_wait3A_614 = arith.constant 0 : i32
    %dma_wait3A_615 = tpu.memref_slice %arg7[%dma_wait3A_606, %dma_wait3A_613, %dma_wait3A_614] : memref<16x16x128xf32, #tpu.memory_space<vmem>> -> memref<1x16x128xf32, #tpu.memory_space<vmem>>
    %dma_wait3A_616 = tpu.memref_squeeze %dma_wait3A_615 : memref<1x16x128xf32, #tpu.memory_space<vmem>> -> memref<16x128xf32, #tpu.memory_space<vmem>>
    %dma_wait3A_617 = arith.constant 0 : i32
    %dma_wait3A_618 = tpu.memref_slice %arg3[%dma_wait3A_617, %multiple_of3A_156] : memref<16x100000xf32, #tpu.memory_space<hbm>> -> memref<16x128xf32, #tpu.memory_space<hbm>>
    tpu.wait_dma2 semaphore(%arg10 : memref<!tpu.dma_semaphore, #tpu.memory_space<semaphore_mem>>) src(%dma_wait3A_618 : memref<16x128xf32, #tpu.memory_space<hbm>>) dst(%dma_wait3A_616 : memref<16x128xf32, #tpu.memory_space<vmem>>)
    %dma_wait3A_619 = arith.constant 5 : i32
    %dma_wait3A_620 = arith.constant 0 : i32
    %dma_wait3A_621 = arith.constant 0 : i32
    %dma_wait3A_622 = tpu.memref_slice %arg8[%dma_wait3A_619, %dma_wait3A_620, %dma_wait3A_621] : memref<16x16x128xi32, #tpu.memory_space<vmem>> -> memref<1x16x128xi32, #tpu.memory_space<vmem>>
    %dma_wait3A_623 = tpu.memref_squeeze %dma_wait3A_622 : memref<1x16x128xi32, #tpu.memory_space<vmem>> -> memref<16x128xi32, #tpu.memory_space<vmem>>
    %dma_wait3A_624 = arith.constant 0 : i32
    %dma_wait3A_625 = tpu.memref_slice %arg4[%dma_wait3A_624, %multiple_of3A_156] : memref<16x100000xi32, #tpu.memory_space<hbm>> -> memref<16x128xi32, #tpu.memory_space<hbm>>
    %dma_wait3A_626 = arith.constant 0 : i32
    %dma_wait3A_627 = arith.constant 0 : i32
    %dma_wait3A_628 = tpu.memref_slice %arg8[%dma_wait3A_619, %dma_wait3A_626, %dma_wait3A_627] : memref<16x16x128xi32, #tpu.memory_space<vmem>> -> memref<1x16x128xi32, #tpu.memory_space<vmem>>
    %dma_wait3A_629 = tpu.memref_squeeze %dma_wait3A_628 : memref<1x16x128xi32, #tpu.memory_space<vmem>> -> memref<16x128xi32, #tpu.memory_space<vmem>>
    %dma_wait3A_630 = arith.constant 0 : i32
    %dma_wait3A_631 = tpu.memref_slice %arg4[%dma_wait3A_630, %multiple_of3A_156] : memref<16x100000xi32, #tpu.memory_space<hbm>> -> memref<16x128xi32, #tpu.memory_space<hbm>>
    tpu.wait_dma2 semaphore(%arg11 : memref<!tpu.dma_semaphore, #tpu.memory_space<semaphore_mem>>) src(%dma_wait3A_631 : memref<16x128xi32, #tpu.memory_space<hbm>>) dst(%dma_wait3A_629 : memref<16x128xi32, #tpu.memory_space<vmem>>)
    %dma_wait3A_632 = arith.constant 6 : i32
    %dma_wait3A_633 = arith.constant 0 : i32
    %dma_wait3A_634 = arith.constant 0 : i32
    %dma_wait3A_635 = tpu.memref_slice %arg7[%dma_wait3A_632, %dma_wait3A_633, %dma_wait3A_634] : memref<16x16x128xf32, #tpu.memory_space<vmem>> -> memref<1x16x128xf32, #tpu.memory_space<vmem>>
    %dma_wait3A_636 = tpu.memref_squeeze %dma_wait3A_635 : memref<1x16x128xf32, #tpu.memory_space<vmem>> -> memref<16x128xf32, #tpu.memory_space<vmem>>
    %dma_wait3A_637 = arith.constant 0 : i32
    %dma_wait3A_638 = tpu.memref_slice %arg3[%dma_wait3A_637, %multiple_of3A_185] : memref<16x100000xf32, #tpu.memory_space<hbm>> -> memref<16x128xf32, #tpu.memory_space<hbm>>
    %dma_wait3A_639 = arith.constant 0 : i32
    %dma_wait3A_640 = arith.constant 0 : i32
    %dma_wait3A_641 = tpu.memref_slice %arg7[%dma_wait3A_632, %dma_wait3A_639, %dma_wait3A_640] : memref<16x16x128xf32, #tpu.memory_space<vmem>> -> memref<1x16x128xf32, #tpu.memory_space<vmem>>
    %dma_wait3A_642 = tpu.memref_squeeze %dma_wait3A_641 : memref<1x16x128xf32, #tpu.memory_space<vmem>> -> memref<16x128xf32, #tpu.memory_space<vmem>>
    %dma_wait3A_643 = arith.constant 0 : i32
    %dma_wait3A_644 = tpu.memref_slice %arg3[%dma_wait3A_643, %multiple_of3A_185] : memref<16x100000xf32, #tpu.memory_space<hbm>> -> memref<16x128xf32, #tpu.memory_space<hbm>>
    tpu.wait_dma2 semaphore(%arg10 : memref<!tpu.dma_semaphore, #tpu.memory_space<semaphore_mem>>) src(%dma_wait3A_644 : memref<16x128xf32, #tpu.memory_space<hbm>>) dst(%dma_wait3A_642 : memref<16x128xf32, #tpu.memory_space<vmem>>)
    %dma_wait3A_645 = arith.constant 6 : i32
    %dma_wait3A_646 = arith.constant 0 : i32
    %dma_wait3A_647 = arith.constant 0 : i32
    %dma_wait3A_648 = tpu.memref_slice %arg8[%dma_wait3A_645, %dma_wait3A_646, %dma_wait3A_647] : memref<16x16x128xi32, #tpu.memory_space<vmem>> -> memref<1x16x128xi32, #tpu.memory_space<vmem>>
    %dma_wait3A_649 = tpu.memref_squeeze %dma_wait3A_648 : memref<1x16x128xi32, #tpu.memory_space<vmem>> -> memref<16x128xi32, #tpu.memory_space<vmem>>
    %dma_wait3A_650 = arith.constant 0 : i32
    %dma_wait3A_651 = tpu.memref_slice %arg4[%dma_wait3A_650, %multiple_of3A_185] : memref<16x100000xi32, #tpu.memory_space<hbm>> -> memref<16x128xi32, #tpu.memory_space<hbm>>
    %dma_wait3A_652 = arith.constant 0 : i32
    %dma_wait3A_653 = arith.constant 0 : i32
    %dma_wait3A_654 = tpu.memref_slice %arg8[%dma_wait3A_645, %dma_wait3A_652, %dma_wait3A_653] : memref<16x16x128xi32, #tpu.memory_space<vmem>> -> memref<1x16x128xi32, #tpu.memory_space<vmem>>
    %dma_wait3A_655 = tpu.memref_squeeze %dma_wait3A_654 : memref<1x16x128xi32, #tpu.memory_space<vmem>> -> memref<16x128xi32, #tpu.memory_space<vmem>>
    %dma_wait3A_656 = arith.constant 0 : i32
    %dma_wait3A_657 = tpu.memref_slice %arg4[%dma_wait3A_656, %multiple_of3A_185] : memref<16x100000xi32, #tpu.memory_space<hbm>> -> memref<16x128xi32, #tpu.memory_space<hbm>>
    tpu.wait_dma2 semaphore(%arg11 : memref<!tpu.dma_semaphore, #tpu.memory_space<semaphore_mem>>) src(%dma_wait3A_657 : memref<16x128xi32, #tpu.memory_space<hbm>>) dst(%dma_wait3A_655 : memref<16x128xi32, #tpu.memory_space<vmem>>)
    %dma_wait3A_658 = arith.constant 7 : i32
    %dma_wait3A_659 = arith.constant 0 : i32
    %dma_wait3A_660 = arith.constant 0 : i32
    %dma_wait3A_661 = tpu.memref_slice %arg7[%dma_wait3A_658, %dma_wait3A_659, %dma_wait3A_660] : memref<16x16x128xf32, #tpu.memory_space<vmem>> -> memref<1x16x128xf32, #tpu.memory_space<vmem>>
    %dma_wait3A_662 = tpu.memref_squeeze %dma_wait3A_661 : memref<1x16x128xf32, #tpu.memory_space<vmem>> -> memref<16x128xf32, #tpu.memory_space<vmem>>
    %dma_wait3A_663 = arith.constant 0 : i32
    %dma_wait3A_664 = tpu.memref_slice %arg3[%dma_wait3A_663, %multiple_of3A_214] : memref<16x100000xf32, #tpu.memory_space<hbm>> -> memref<16x128xf32, #tpu.memory_space<hbm>>
    %dma_wait3A_665 = arith.constant 0 : i32
    %dma_wait3A_666 = arith.constant 0 : i32
    %dma_wait3A_667 = tpu.memref_slice %arg7[%dma_wait3A_658, %dma_wait3A_665, %dma_wait3A_666] : memref<16x16x128xf32, #tpu.memory_space<vmem>> -> memref<1x16x128xf32, #tpu.memory_space<vmem>>
    %dma_wait3A_668 = tpu.memref_squeeze %dma_wait3A_667 : memref<1x16x128xf32, #tpu.memory_space<vmem>> -> memref<16x128xf32, #tpu.memory_space<vmem>>
    %dma_wait3A_669 = arith.constant 0 : i32
    %dma_wait3A_670 = tpu.memref_slice %arg3[%dma_wait3A_669, %multiple_of3A_214] : memref<16x100000xf32, #tpu.memory_space<hbm>> -> memref<16x128xf32, #tpu.memory_space<hbm>>
    tpu.wait_dma2 semaphore(%arg10 : memref<!tpu.dma_semaphore, #tpu.memory_space<semaphore_mem>>) src(%dma_wait3A_670 : memref<16x128xf32, #tpu.memory_space<hbm>>) dst(%dma_wait3A_668 : memref<16x128xf32, #tpu.memory_space<vmem>>)
    %dma_wait3A_671 = arith.constant 7 : i32
    %dma_wait3A_672 = arith.constant 0 : i32
    %dma_wait3A_673 = arith.constant 0 : i32
    %dma_wait3A_674 = tpu.memref_slice %arg8[%dma_wait3A_671, %dma_wait3A_672, %dma_wait3A_673] : memref<16x16x128xi32, #tpu.memory_space<vmem>> -> memref<1x16x128xi32, #tpu.memory_space<vmem>>
    %dma_wait3A_675 = tpu.memref_squeeze %dma_wait3A_674 : memref<1x16x128xi32, #tpu.memory_space<vmem>> -> memref<16x128xi32, #tpu.memory_space<vmem>>
    %dma_wait3A_676 = arith.constant 0 : i32
    %dma_wait3A_677 = tpu.memref_slice %arg4[%dma_wait3A_676, %multiple_of3A_214] : memref<16x100000xi32, #tpu.memory_space<hbm>> -> memref<16x128xi32, #tpu.memory_space<hbm>>
    %dma_wait3A_678 = arith.constant 0 : i32
    %dma_wait3A_679 = arith.constant 0 : i32
    %dma_wait3A_680 = tpu.memref_slice %arg8[%dma_wait3A_671, %dma_wait3A_678, %dma_wait3A_679] : memref<16x16x128xi32, #tpu.memory_space<vmem>> -> memref<1x16x128xi32, #tpu.memory_space<vmem>>
    %dma_wait3A_681 = tpu.memref_squeeze %dma_wait3A_680 : memref<1x16x128xi32, #tpu.memory_space<vmem>> -> memref<16x128xi32, #tpu.memory_space<vmem>>
    %dma_wait3A_682 = arith.constant 0 : i32
    %dma_wait3A_683 = tpu.memref_slice %arg4[%dma_wait3A_682, %multiple_of3A_214] : memref<16x100000xi32, #tpu.memory_space<hbm>> -> memref<16x128xi32, #tpu.memory_space<hbm>>
    tpu.wait_dma2 semaphore(%arg11 : memref<!tpu.dma_semaphore, #tpu.memory_space<semaphore_mem>>) src(%dma_wait3A_683 : memref<16x128xi32, #tpu.memory_space<hbm>>) dst(%dma_wait3A_681 : memref<16x128xi32, #tpu.memory_space<vmem>>)
    %dma_wait3A_684 = arith.constant 8 : i32
    %dma_wait3A_685 = arith.constant 0 : i32
    %dma_wait3A_686 = arith.constant 0 : i32
    %dma_wait3A_687 = tpu.memref_slice %arg7[%dma_wait3A_684, %dma_wait3A_685, %dma_wait3A_686] : memref<16x16x128xf32, #tpu.memory_space<vmem>> -> memref<1x16x128xf32, #tpu.memory_space<vmem>>
    %dma_wait3A_688 = tpu.memref_squeeze %dma_wait3A_687 : memref<1x16x128xf32, #tpu.memory_space<vmem>> -> memref<16x128xf32, #tpu.memory_space<vmem>>
    %dma_wait3A_689 = arith.constant 0 : i32
    %dma_wait3A_690 = tpu.memref_slice %arg3[%dma_wait3A_689, %multiple_of3A_243] : memref<16x100000xf32, #tpu.memory_space<hbm>> -> memref<16x128xf32, #tpu.memory_space<hbm>>
    %dma_wait3A_691 = arith.constant 0 : i32
    %dma_wait3A_692 = arith.constant 0 : i32
    %dma_wait3A_693 = tpu.memref_slice %arg7[%dma_wait3A_684, %dma_wait3A_691, %dma_wait3A_692] : memref<16x16x128xf32, #tpu.memory_space<vmem>> -> memref<1x16x128xf32, #tpu.memory_space<vmem>>
    %dma_wait3A_694 = tpu.memref_squeeze %dma_wait3A_693 : memref<1x16x128xf32, #tpu.memory_space<vmem>> -> memref<16x128xf32, #tpu.memory_space<vmem>>
    %dma_wait3A_695 = arith.constant 0 : i32
    %dma_wait3A_696 = tpu.memref_slice %arg3[%dma_wait3A_695, %multiple_of3A_243] : memref<16x100000xf32, #tpu.memory_space<hbm>> -> memref<16x128xf32, #tpu.memory_space<hbm>>
    tpu.wait_dma2 semaphore(%arg10 : memref<!tpu.dma_semaphore, #tpu.memory_space<semaphore_mem>>) src(%dma_wait3A_696 : memref<16x128xf32, #tpu.memory_space<hbm>>) dst(%dma_wait3A_694 : memref<16x128xf32, #tpu.memory_space<vmem>>)
    %dma_wait3A_697 = arith.constant 8 : i32
    %dma_wait3A_698 = arith.constant 0 : i32
    %dma_wait3A_699 = arith.constant 0 : i32
    %dma_wait3A_700 = tpu.memref_slice %arg8[%dma_wait3A_697, %dma_wait3A_698, %dma_wait3A_699] : memref<16x16x128xi32, #tpu.memory_space<vmem>> -> memref<1x16x128xi32, #tpu.memory_space<vmem>>
    %dma_wait3A_701 = tpu.memref_squeeze %dma_wait3A_700 : memref<1x16x128xi32, #tpu.memory_space<vmem>> -> memref<16x128xi32, #tpu.memory_space<vmem>>
    %dma_wait3A_702 = arith.constant 0 : i32
    %dma_wait3A_703 = tpu.memref_slice %arg4[%dma_wait3A_702, %multiple_of3A_243] : memref<16x100000xi32, #tpu.memory_space<hbm>> -> memref<16x128xi32, #tpu.memory_space<hbm>>
    %dma_wait3A_704 = arith.constant 0 : i32
    %dma_wait3A_705 = arith.constant 0 : i32
    %dma_wait3A_706 = tpu.memref_slice %arg8[%dma_wait3A_697, %dma_wait3A_704, %dma_wait3A_705] : memref<16x16x128xi32, #tpu.memory_space<vmem>> -> memref<1x16x128xi32, #tpu.memory_space<vmem>>
    %dma_wait3A_707 = tpu.memref_squeeze %dma_wait3A_706 : memref<1x16x128xi32, #tpu.memory_space<vmem>> -> memref<16x128xi32, #tpu.memory_space<vmem>>
    %dma_wait3A_708 = arith.constant 0 : i32
    %dma_wait3A_709 = tpu.memref_slice %arg4[%dma_wait3A_708, %multiple_of3A_243] : memref<16x100000xi32, #tpu.memory_space<hbm>> -> memref<16x128xi32, #tpu.memory_space<hbm>>
    tpu.wait_dma2 semaphore(%arg11 : memref<!tpu.dma_semaphore, #tpu.memory_space<semaphore_mem>>) src(%dma_wait3A_709 : memref<16x128xi32, #tpu.memory_space<hbm>>) dst(%dma_wait3A_707 : memref<16x128xi32, #tpu.memory_space<vmem>>)
    %dma_wait3A_710 = arith.constant 9 : i32
    %dma_wait3A_711 = arith.constant 0 : i32
    %dma_wait3A_712 = arith.constant 0 : i32
    %dma_wait3A_713 = tpu.memref_slice %arg7[%dma_wait3A_710, %dma_wait3A_711, %dma_wait3A_712] : memref<16x16x128xf32, #tpu.memory_space<vmem>> -> memref<1x16x128xf32, #tpu.memory_space<vmem>>
    %dma_wait3A_714 = tpu.memref_squeeze %dma_wait3A_713 : memref<1x16x128xf32, #tpu.memory_space<vmem>> -> memref<16x128xf32, #tpu.memory_space<vmem>>
    %dma_wait3A_715 = arith.constant 0 : i32
    %dma_wait3A_716 = tpu.memref_slice %arg3[%dma_wait3A_715, %multiple_of3A_272] : memref<16x100000xf32, #tpu.memory_space<hbm>> -> memref<16x128xf32, #tpu.memory_space<hbm>>
    %dma_wait3A_717 = arith.constant 0 : i32
    %dma_wait3A_718 = arith.constant 0 : i32
    %dma_wait3A_719 = tpu.memref_slice %arg7[%dma_wait3A_710, %dma_wait3A_717, %dma_wait3A_718] : memref<16x16x128xf32, #tpu.memory_space<vmem>> -> memref<1x16x128xf32, #tpu.memory_space<vmem>>
    %dma_wait3A_720 = tpu.memref_squeeze %dma_wait3A_719 : memref<1x16x128xf32, #tpu.memory_space<vmem>> -> memref<16x128xf32, #tpu.memory_space<vmem>>
    %dma_wait3A_721 = arith.constant 0 : i32
    %dma_wait3A_722 = tpu.memref_slice %arg3[%dma_wait3A_721, %multiple_of3A_272] : memref<16x100000xf32, #tpu.memory_space<hbm>> -> memref<16x128xf32, #tpu.memory_space<hbm>>
    tpu.wait_dma2 semaphore(%arg10 : memref<!tpu.dma_semaphore, #tpu.memory_space<semaphore_mem>>) src(%dma_wait3A_722 : memref<16x128xf32, #tpu.memory_space<hbm>>) dst(%dma_wait3A_720 : memref<16x128xf32, #tpu.memory_space<vmem>>)
    %dma_wait3A_723 = arith.constant 9 : i32
    %dma_wait3A_724 = arith.constant 0 : i32
    %dma_wait3A_725 = arith.constant 0 : i32
    %dma_wait3A_726 = tpu.memref_slice %arg8[%dma_wait3A_723, %dma_wait3A_724, %dma_wait3A_725] : memref<16x16x128xi32, #tpu.memory_space<vmem>> -> memref<1x16x128xi32, #tpu.memory_space<vmem>>
    %dma_wait3A_727 = tpu.memref_squeeze %dma_wait3A_726 : memref<1x16x128xi32, #tpu.memory_space<vmem>> -> memref<16x128xi32, #tpu.memory_space<vmem>>
    %dma_wait3A_728 = arith.constant 0 : i32
    %dma_wait3A_729 = tpu.memref_slice %arg4[%dma_wait3A_728, %multiple_of3A_272] : memref<16x100000xi32, #tpu.memory_space<hbm>> -> memref<16x128xi32, #tpu.memory_space<hbm>>
    %dma_wait3A_730 = arith.constant 0 : i32
    %dma_wait3A_731 = arith.constant 0 : i32
    %dma_wait3A_732 = tpu.memref_slice %arg8[%dma_wait3A_723, %dma_wait3A_730, %dma_wait3A_731] : memref<16x16x128xi32, #tpu.memory_space<vmem>> -> memref<1x16x128xi32, #tpu.memory_space<vmem>>
    %dma_wait3A_733 = tpu.memref_squeeze %dma_wait3A_732 : memref<1x16x128xi32, #tpu.memory_space<vmem>> -> memref<16x128xi32, #tpu.memory_space<vmem>>
    %dma_wait3A_734 = arith.constant 0 : i32
    %dma_wait3A_735 = tpu.memref_slice %arg4[%dma_wait3A_734, %multiple_of3A_272] : memref<16x100000xi32, #tpu.memory_space<hbm>> -> memref<16x128xi32, #tpu.memory_space<hbm>>
    tpu.wait_dma2 semaphore(%arg11 : memref<!tpu.dma_semaphore, #tpu.memory_space<semaphore_mem>>) src(%dma_wait3A_735 : memref<16x128xi32, #tpu.memory_space<hbm>>) dst(%dma_wait3A_733 : memref<16x128xi32, #tpu.memory_space<vmem>>)
    %dma_wait3A_736 = arith.constant 10 : i32
    %dma_wait3A_737 = arith.constant 0 : i32
    %dma_wait3A_738 = arith.constant 0 : i32
    %dma_wait3A_739 = tpu.memref_slice %arg7[%dma_wait3A_736, %dma_wait3A_737, %dma_wait3A_738] : memref<16x16x128xf32, #tpu.memory_space<vmem>> -> memref<1x16x128xf32, #tpu.memory_space<vmem>>
    %dma_wait3A_740 = tpu.memref_squeeze %dma_wait3A_739 : memref<1x16x128xf32, #tpu.memory_space<vmem>> -> memref<16x128xf32, #tpu.memory_space<vmem>>
    %dma_wait3A_741 = arith.constant 0 : i32
    %dma_wait3A_742 = tpu.memref_slice %arg3[%dma_wait3A_741, %multiple_of3A_301] : memref<16x100000xf32, #tpu.memory_space<hbm>> -> memref<16x128xf32, #tpu.memory_space<hbm>>
    %dma_wait3A_743 = arith.constant 0 : i32
    %dma_wait3A_744 = arith.constant 0 : i32
    %dma_wait3A_745 = tpu.memref_slice %arg7[%dma_wait3A_736, %dma_wait3A_743, %dma_wait3A_744] : memref<16x16x128xf32, #tpu.memory_space<vmem>> -> memref<1x16x128xf32, #tpu.memory_space<vmem>>
    %dma_wait3A_746 = tpu.memref_squeeze %dma_wait3A_745 : memref<1x16x128xf32, #tpu.memory_space<vmem>> -> memref<16x128xf32, #tpu.memory_space<vmem>>
    %dma_wait3A_747 = arith.constant 0 : i32
    %dma_wait3A_748 = tpu.memref_slice %arg3[%dma_wait3A_747, %multiple_of3A_301] : memref<16x100000xf32, #tpu.memory_space<hbm>> -> memref<16x128xf32, #tpu.memory_space<hbm>>
    tpu.wait_dma2 semaphore(%arg10 : memref<!tpu.dma_semaphore, #tpu.memory_space<semaphore_mem>>) src(%dma_wait3A_748 : memref<16x128xf32, #tpu.memory_space<hbm>>) dst(%dma_wait3A_746 : memref<16x128xf32, #tpu.memory_space<vmem>>)
    %dma_wait3A_749 = arith.constant 10 : i32
    %dma_wait3A_750 = arith.constant 0 : i32
    %dma_wait3A_751 = arith.constant 0 : i32
    %dma_wait3A_752 = tpu.memref_slice %arg8[%dma_wait3A_749, %dma_wait3A_750, %dma_wait3A_751] : memref<16x16x128xi32, #tpu.memory_space<vmem>> -> memref<1x16x128xi32, #tpu.memory_space<vmem>>
    %dma_wait3A_753 = tpu.memref_squeeze %dma_wait3A_752 : memref<1x16x128xi32, #tpu.memory_space<vmem>> -> memref<16x128xi32, #tpu.memory_space<vmem>>
    %dma_wait3A_754 = arith.constant 0 : i32
    %dma_wait3A_755 = tpu.memref_slice %arg4[%dma_wait3A_754, %multiple_of3A_301] : memref<16x100000xi32, #tpu.memory_space<hbm>> -> memref<16x128xi32, #tpu.memory_space<hbm>>
    %dma_wait3A_756 = arith.constant 0 : i32
    %dma_wait3A_757 = arith.constant 0 : i32
    %dma_wait3A_758 = tpu.memref_slice %arg8[%dma_wait3A_749, %dma_wait3A_756, %dma_wait3A_757] : memref<16x16x128xi32, #tpu.memory_space<vmem>> -> memref<1x16x128xi32, #tpu.memory_space<vmem>>
    %dma_wait3A_759 = tpu.memref_squeeze %dma_wait3A_758 : memref<1x16x128xi32, #tpu.memory_space<vmem>> -> memref<16x128xi32, #tpu.memory_space<vmem>>
    %dma_wait3A_760 = arith.constant 0 : i32
    %dma_wait3A_761 = tpu.memref_slice %arg4[%dma_wait3A_760, %multiple_of3A_301] : memref<16x100000xi32, #tpu.memory_space<hbm>> -> memref<16x128xi32, #tpu.memory_space<hbm>>
    tpu.wait_dma2 semaphore(%arg11 : memref<!tpu.dma_semaphore, #tpu.memory_space<semaphore_mem>>) src(%dma_wait3A_761 : memref<16x128xi32, #tpu.memory_space<hbm>>) dst(%dma_wait3A_759 : memref<16x128xi32, #tpu.memory_space<vmem>>)
    %dma_wait3A_762 = arith.constant 11 : i32
    %dma_wait3A_763 = arith.constant 0 : i32
    %dma_wait3A_764 = arith.constant 0 : i32
    %dma_wait3A_765 = tpu.memref_slice %arg7[%dma_wait3A_762, %dma_wait3A_763, %dma_wait3A_764] : memref<16x16x128xf32, #tpu.memory_space<vmem>> -> memref<1x16x128xf32, #tpu.memory_space<vmem>>
    %dma_wait3A_766 = tpu.memref_squeeze %dma_wait3A_765 : memref<1x16x128xf32, #tpu.memory_space<vmem>> -> memref<16x128xf32, #tpu.memory_space<vmem>>
    %dma_wait3A_767 = arith.constant 0 : i32
    %dma_wait3A_768 = tpu.memref_slice %arg3[%dma_wait3A_767, %multiple_of3A_330] : memref<16x100000xf32, #tpu.memory_space<hbm>> -> memref<16x128xf32, #tpu.memory_space<hbm>>
    %dma_wait3A_769 = arith.constant 0 : i32
    %dma_wait3A_770 = arith.constant 0 : i32
    %dma_wait3A_771 = tpu.memref_slice %arg7[%dma_wait3A_762, %dma_wait3A_769, %dma_wait3A_770] : memref<16x16x128xf32, #tpu.memory_space<vmem>> -> memref<1x16x128xf32, #tpu.memory_space<vmem>>
    %dma_wait3A_772 = tpu.memref_squeeze %dma_wait3A_771 : memref<1x16x128xf32, #tpu.memory_space<vmem>> -> memref<16x128xf32, #tpu.memory_space<vmem>>
    %dma_wait3A_773 = arith.constant 0 : i32
    %dma_wait3A_774 = tpu.memref_slice %arg3[%dma_wait3A_773, %multiple_of3A_330] : memref<16x100000xf32, #tpu.memory_space<hbm>> -> memref<16x128xf32, #tpu.memory_space<hbm>>
    tpu.wait_dma2 semaphore(%arg10 : memref<!tpu.dma_semaphore, #tpu.memory_space<semaphore_mem>>) src(%dma_wait3A_774 : memref<16x128xf32, #tpu.memory_space<hbm>>) dst(%dma_wait3A_772 : memref<16x128xf32, #tpu.memory_space<vmem>>)
    %dma_wait3A_775 = arith.constant 11 : i32
    %dma_wait3A_776 = arith.constant 0 : i32
    %dma_wait3A_777 = arith.constant 0 : i32
    %dma_wait3A_778 = tpu.memref_slice %arg8[%dma_wait3A_775, %dma_wait3A_776, %dma_wait3A_777] : memref<16x16x128xi32, #tpu.memory_space<vmem>> -> memref<1x16x128xi32, #tpu.memory_space<vmem>>
    %dma_wait3A_779 = tpu.memref_squeeze %dma_wait3A_778 : memref<1x16x128xi32, #tpu.memory_space<vmem>> -> memref<16x128xi32, #tpu.memory_space<vmem>>
    %dma_wait3A_780 = arith.constant 0 : i32
    %dma_wait3A_781 = tpu.memref_slice %arg4[%dma_wait3A_780, %multiple_of3A_330] : memref<16x100000xi32, #tpu.memory_space<hbm>> -> memref<16x128xi32, #tpu.memory_space<hbm>>
    %dma_wait3A_782 = arith.constant 0 : i32
    %dma_wait3A_783 = arith.constant 0 : i32
    %dma_wait3A_784 = tpu.memref_slice %arg8[%dma_wait3A_775, %dma_wait3A_782, %dma_wait3A_783] : memref<16x16x128xi32, #tpu.memory_space<vmem>> -> memref<1x16x128xi32, #tpu.memory_space<vmem>>
    %dma_wait3A_785 = tpu.memref_squeeze %dma_wait3A_784 : memref<1x16x128xi32, #tpu.memory_space<vmem>> -> memref<16x128xi32, #tpu.memory_space<vmem>>
    %dma_wait3A_786 = arith.constant 0 : i32
    %dma_wait3A_787 = tpu.memref_slice %arg4[%dma_wait3A_786, %multiple_of3A_330] : memref<16x100000xi32, #tpu.memory_space<hbm>> -> memref<16x128xi32, #tpu.memory_space<hbm>>
    tpu.wait_dma2 semaphore(%arg11 : memref<!tpu.dma_semaphore, #tpu.memory_space<semaphore_mem>>) src(%dma_wait3A_787 : memref<16x128xi32, #tpu.memory_space<hbm>>) dst(%dma_wait3A_785 : memref<16x128xi32, #tpu.memory_space<vmem>>)
    %dma_wait3A_788 = arith.constant 12 : i32
    %dma_wait3A_789 = arith.constant 0 : i32
    %dma_wait3A_790 = arith.constant 0 : i32
    %dma_wait3A_791 = tpu.memref_slice %arg7[%dma_wait3A_788, %dma_wait3A_789, %dma_wait3A_790] : memref<16x16x128xf32, #tpu.memory_space<vmem>> -> memref<1x16x128xf32, #tpu.memory_space<vmem>>
    %dma_wait3A_792 = tpu.memref_squeeze %dma_wait3A_791 : memref<1x16x128xf32, #tpu.memory_space<vmem>> -> memref<16x128xf32, #tpu.memory_space<vmem>>
    %dma_wait3A_793 = arith.constant 0 : i32
    %dma_wait3A_794 = tpu.memref_slice %arg3[%dma_wait3A_793, %multiple_of3A_359] : memref<16x100000xf32, #tpu.memory_space<hbm>> -> memref<16x128xf32, #tpu.memory_space<hbm>>
    %dma_wait3A_795 = arith.constant 0 : i32
    %dma_wait3A_796 = arith.constant 0 : i32
    %dma_wait3A_797 = tpu.memref_slice %arg7[%dma_wait3A_788, %dma_wait3A_795, %dma_wait3A_796] : memref<16x16x128xf32, #tpu.memory_space<vmem>> -> memref<1x16x128xf32, #tpu.memory_space<vmem>>
    %dma_wait3A_798 = tpu.memref_squeeze %dma_wait3A_797 : memref<1x16x128xf32, #tpu.memory_space<vmem>> -> memref<16x128xf32, #tpu.memory_space<vmem>>
    %dma_wait3A_799 = arith.constant 0 : i32
    %dma_wait3A_800 = tpu.memref_slice %arg3[%dma_wait3A_799, %multiple_of3A_359] : memref<16x100000xf32, #tpu.memory_space<hbm>> -> memref<16x128xf32, #tpu.memory_space<hbm>>
    tpu.wait_dma2 semaphore(%arg10 : memref<!tpu.dma_semaphore, #tpu.memory_space<semaphore_mem>>) src(%dma_wait3A_800 : memref<16x128xf32, #tpu.memory_space<hbm>>) dst(%dma_wait3A_798 : memref<16x128xf32, #tpu.memory_space<vmem>>)
    %dma_wait3A_801 = arith.constant 12 : i32
    %dma_wait3A_802 = arith.constant 0 : i32
    %dma_wait3A_803 = arith.constant 0 : i32
    %dma_wait3A_804 = tpu.memref_slice %arg8[%dma_wait3A_801, %dma_wait3A_802, %dma_wait3A_803] : memref<16x16x128xi32, #tpu.memory_space<vmem>> -> memref<1x16x128xi32, #tpu.memory_space<vmem>>
    %dma_wait3A_805 = tpu.memref_squeeze %dma_wait3A_804 : memref<1x16x128xi32, #tpu.memory_space<vmem>> -> memref<16x128xi32, #tpu.memory_space<vmem>>
    %dma_wait3A_806 = arith.constant 0 : i32
    %dma_wait3A_807 = tpu.memref_slice %arg4[%dma_wait3A_806, %multiple_of3A_359] : memref<16x100000xi32, #tpu.memory_space<hbm>> -> memref<16x128xi32, #tpu.memory_space<hbm>>
    %dma_wait3A_808 = arith.constant 0 : i32
    %dma_wait3A_809 = arith.constant 0 : i32
    %dma_wait3A_810 = tpu.memref_slice %arg8[%dma_wait3A_801, %dma_wait3A_808, %dma_wait3A_809] : memref<16x16x128xi32, #tpu.memory_space<vmem>> -> memref<1x16x128xi32, #tpu.memory_space<vmem>>
    %dma_wait3A_811 = tpu.memref_squeeze %dma_wait3A_810 : memref<1x16x128xi32, #tpu.memory_space<vmem>> -> memref<16x128xi32, #tpu.memory_space<vmem>>
    %dma_wait3A_812 = arith.constant 0 : i32
    %dma_wait3A_813 = tpu.memref_slice %arg4[%dma_wait3A_812, %multiple_of3A_359] : memref<16x100000xi32, #tpu.memory_space<hbm>> -> memref<16x128xi32, #tpu.memory_space<hbm>>
    tpu.wait_dma2 semaphore(%arg11 : memref<!tpu.dma_semaphore, #tpu.memory_space<semaphore_mem>>) src(%dma_wait3A_813 : memref<16x128xi32, #tpu.memory_space<hbm>>) dst(%dma_wait3A_811 : memref<16x128xi32, #tpu.memory_space<vmem>>)
    %dma_wait3A_814 = arith.constant 13 : i32
    %dma_wait3A_815 = arith.constant 0 : i32
    %dma_wait3A_816 = arith.constant 0 : i32
    %dma_wait3A_817 = tpu.memref_slice %arg7[%dma_wait3A_814, %dma_wait3A_815, %dma_wait3A_816] : memref<16x16x128xf32, #tpu.memory_space<vmem>> -> memref<1x16x128xf32, #tpu.memory_space<vmem>>
    %dma_wait3A_818 = tpu.memref_squeeze %dma_wait3A_817 : memref<1x16x128xf32, #tpu.memory_space<vmem>> -> memref<16x128xf32, #tpu.memory_space<vmem>>
    %dma_wait3A_819 = arith.constant 0 : i32
    %dma_wait3A_820 = tpu.memref_slice %arg3[%dma_wait3A_819, %multiple_of3A_388] : memref<16x100000xf32, #tpu.memory_space<hbm>> -> memref<16x128xf32, #tpu.memory_space<hbm>>
    %dma_wait3A_821 = arith.constant 0 : i32
    %dma_wait3A_822 = arith.constant 0 : i32
    %dma_wait3A_823 = tpu.memref_slice %arg7[%dma_wait3A_814, %dma_wait3A_821, %dma_wait3A_822] : memref<16x16x128xf32, #tpu.memory_space<vmem>> -> memref<1x16x128xf32, #tpu.memory_space<vmem>>
    %dma_wait3A_824 = tpu.memref_squeeze %dma_wait3A_823 : memref<1x16x128xf32, #tpu.memory_space<vmem>> -> memref<16x128xf32, #tpu.memory_space<vmem>>
    %dma_wait3A_825 = arith.constant 0 : i32
    %dma_wait3A_826 = tpu.memref_slice %arg3[%dma_wait3A_825, %multiple_of3A_388] : memref<16x100000xf32, #tpu.memory_space<hbm>> -> memref<16x128xf32, #tpu.memory_space<hbm>>
    tpu.wait_dma2 semaphore(%arg10 : memref<!tpu.dma_semaphore, #tpu.memory_space<semaphore_mem>>) src(%dma_wait3A_826 : memref<16x128xf32, #tpu.memory_space<hbm>>) dst(%dma_wait3A_824 : memref<16x128xf32, #tpu.memory_space<vmem>>)
    %dma_wait3A_827 = arith.constant 13 : i32
    %dma_wait3A_828 = arith.constant 0 : i32
    %dma_wait3A_829 = arith.constant 0 : i32
    %dma_wait3A_830 = tpu.memref_slice %arg8[%dma_wait3A_827, %dma_wait3A_828, %dma_wait3A_829] : memref<16x16x128xi32, #tpu.memory_space<vmem>> -> memref<1x16x128xi32, #tpu.memory_space<vmem>>
    %dma_wait3A_831 = tpu.memref_squeeze %dma_wait3A_830 : memref<1x16x128xi32, #tpu.memory_space<vmem>> -> memref<16x128xi32, #tpu.memory_space<vmem>>
    %dma_wait3A_832 = arith.constant 0 : i32
    %dma_wait3A_833 = tpu.memref_slice %arg4[%dma_wait3A_832, %multiple_of3A_388] : memref<16x100000xi32, #tpu.memory_space<hbm>> -> memref<16x128xi32, #tpu.memory_space<hbm>>
    %dma_wait3A_834 = arith.constant 0 : i32
    %dma_wait3A_835 = arith.constant 0 : i32
    %dma_wait3A_836 = tpu.memref_slice %arg8[%dma_wait3A_827, %dma_wait3A_834, %dma_wait3A_835] : memref<16x16x128xi32, #tpu.memory_space<vmem>> -> memref<1x16x128xi32, #tpu.memory_space<vmem>>
    %dma_wait3A_837 = tpu.memref_squeeze %dma_wait3A_836 : memref<1x16x128xi32, #tpu.memory_space<vmem>> -> memref<16x128xi32, #tpu.memory_space<vmem>>
    %dma_wait3A_838 = arith.constant 0 : i32
    %dma_wait3A_839 = tpu.memref_slice %arg4[%dma_wait3A_838, %multiple_of3A_388] : memref<16x100000xi32, #tpu.memory_space<hbm>> -> memref<16x128xi32, #tpu.memory_space<hbm>>
    tpu.wait_dma2 semaphore(%arg11 : memref<!tpu.dma_semaphore, #tpu.memory_space<semaphore_mem>>) src(%dma_wait3A_839 : memref<16x128xi32, #tpu.memory_space<hbm>>) dst(%dma_wait3A_837 : memref<16x128xi32, #tpu.memory_space<vmem>>)
    %dma_wait3A_840 = arith.constant 14 : i32
    %dma_wait3A_841 = arith.constant 0 : i32
    %dma_wait3A_842 = arith.constant 0 : i32
    %dma_wait3A_843 = tpu.memref_slice %arg7[%dma_wait3A_840, %dma_wait3A_841, %dma_wait3A_842] : memref<16x16x128xf32, #tpu.memory_space<vmem>> -> memref<1x16x128xf32, #tpu.memory_space<vmem>>
    %dma_wait3A_844 = tpu.memref_squeeze %dma_wait3A_843 : memref<1x16x128xf32, #tpu.memory_space<vmem>> -> memref<16x128xf32, #tpu.memory_space<vmem>>
    %dma_wait3A_845 = arith.constant 0 : i32
    %dma_wait3A_846 = tpu.memref_slice %arg3[%dma_wait3A_845, %multiple_of3A_417] : memref<16x100000xf32, #tpu.memory_space<hbm>> -> memref<16x128xf32, #tpu.memory_space<hbm>>
    %dma_wait3A_847 = arith.constant 0 : i32
    %dma_wait3A_848 = arith.constant 0 : i32
    %dma_wait3A_849 = tpu.memref_slice %arg7[%dma_wait3A_840, %dma_wait3A_847, %dma_wait3A_848] : memref<16x16x128xf32, #tpu.memory_space<vmem>> -> memref<1x16x128xf32, #tpu.memory_space<vmem>>
    %dma_wait3A_850 = tpu.memref_squeeze %dma_wait3A_849 : memref<1x16x128xf32, #tpu.memory_space<vmem>> -> memref<16x128xf32, #tpu.memory_space<vmem>>
    %dma_wait3A_851 = arith.constant 0 : i32
    %dma_wait3A_852 = tpu.memref_slice %arg3[%dma_wait3A_851, %multiple_of3A_417] : memref<16x100000xf32, #tpu.memory_space<hbm>> -> memref<16x128xf32, #tpu.memory_space<hbm>>
    tpu.wait_dma2 semaphore(%arg10 : memref<!tpu.dma_semaphore, #tpu.memory_space<semaphore_mem>>) src(%dma_wait3A_852 : memref<16x128xf32, #tpu.memory_space<hbm>>) dst(%dma_wait3A_850 : memref<16x128xf32, #tpu.memory_space<vmem>>)
    %dma_wait3A_853 = arith.constant 14 : i32
    %dma_wait3A_854 = arith.constant 0 : i32
    %dma_wait3A_855 = arith.constant 0 : i32
    %dma_wait3A_856 = tpu.memref_slice %arg8[%dma_wait3A_853, %dma_wait3A_854, %dma_wait3A_855] : memref<16x16x128xi32, #tpu.memory_space<vmem>> -> memref<1x16x128xi32, #tpu.memory_space<vmem>>
    %dma_wait3A_857 = tpu.memref_squeeze %dma_wait3A_856 : memref<1x16x128xi32, #tpu.memory_space<vmem>> -> memref<16x128xi32, #tpu.memory_space<vmem>>
    %dma_wait3A_858 = arith.constant 0 : i32
    %dma_wait3A_859 = tpu.memref_slice %arg4[%dma_wait3A_858, %multiple_of3A_417] : memref<16x100000xi32, #tpu.memory_space<hbm>> -> memref<16x128xi32, #tpu.memory_space<hbm>>
    %dma_wait3A_860 = arith.constant 0 : i32
    %dma_wait3A_861 = arith.constant 0 : i32
    %dma_wait3A_862 = tpu.memref_slice %arg8[%dma_wait3A_853, %dma_wait3A_860, %dma_wait3A_861] : memref<16x16x128xi32, #tpu.memory_space<vmem>> -> memref<1x16x128xi32, #tpu.memory_space<vmem>>
    %dma_wait3A_863 = tpu.memref_squeeze %dma_wait3A_862 : memref<1x16x128xi32, #tpu.memory_space<vmem>> -> memref<16x128xi32, #tpu.memory_space<vmem>>
    %dma_wait3A_864 = arith.constant 0 : i32
    %dma_wait3A_865 = tpu.memref_slice %arg4[%dma_wait3A_864, %multiple_of3A_417] : memref<16x100000xi32, #tpu.memory_space<hbm>> -> memref<16x128xi32, #tpu.memory_space<hbm>>
    tpu.wait_dma2 semaphore(%arg11 : memref<!tpu.dma_semaphore, #tpu.memory_space<semaphore_mem>>) src(%dma_wait3A_865 : memref<16x128xi32, #tpu.memory_space<hbm>>) dst(%dma_wait3A_863 : memref<16x128xi32, #tpu.memory_space<vmem>>)
    %dma_wait3A_866 = arith.constant 15 : i32
    %dma_wait3A_867 = arith.constant 0 : i32
    %dma_wait3A_868 = arith.constant 0 : i32
    %dma_wait3A_869 = tpu.memref_slice %arg7[%dma_wait3A_866, %dma_wait3A_867, %dma_wait3A_868] : memref<16x16x128xf32, #tpu.memory_space<vmem>> -> memref<1x16x128xf32, #tpu.memory_space<vmem>>
    %dma_wait3A_870 = tpu.memref_squeeze %dma_wait3A_869 : memref<1x16x128xf32, #tpu.memory_space<vmem>> -> memref<16x128xf32, #tpu.memory_space<vmem>>
    %dma_wait3A_871 = arith.constant 0 : i32
    %dma_wait3A_872 = tpu.memref_slice %arg3[%dma_wait3A_871, %multiple_of3A_446] : memref<16x100000xf32, #tpu.memory_space<hbm>> -> memref<16x128xf32, #tpu.memory_space<hbm>>
    %dma_wait3A_873 = arith.constant 0 : i32
    %dma_wait3A_874 = arith.constant 0 : i32
    %dma_wait3A_875 = tpu.memref_slice %arg7[%dma_wait3A_866, %dma_wait3A_873, %dma_wait3A_874] : memref<16x16x128xf32, #tpu.memory_space<vmem>> -> memref<1x16x128xf32, #tpu.memory_space<vmem>>
    %dma_wait3A_876 = tpu.memref_squeeze %dma_wait3A_875 : memref<1x16x128xf32, #tpu.memory_space<vmem>> -> memref<16x128xf32, #tpu.memory_space<vmem>>
    %dma_wait3A_877 = arith.constant 0 : i32
    %dma_wait3A_878 = tpu.memref_slice %arg3[%dma_wait3A_877, %multiple_of3A_446] : memref<16x100000xf32, #tpu.memory_space<hbm>> -> memref<16x128xf32, #tpu.memory_space<hbm>>
    tpu.wait_dma2 semaphore(%arg10 : memref<!tpu.dma_semaphore, #tpu.memory_space<semaphore_mem>>) src(%dma_wait3A_878 : memref<16x128xf32, #tpu.memory_space<hbm>>) dst(%dma_wait3A_876 : memref<16x128xf32, #tpu.memory_space<vmem>>)
    %dma_wait3A_879 = arith.constant 15 : i32
    %dma_wait3A_880 = arith.constant 0 : i32
    %dma_wait3A_881 = arith.constant 0 : i32
    %dma_wait3A_882 = tpu.memref_slice %arg8[%dma_wait3A_879, %dma_wait3A_880, %dma_wait3A_881] : memref<16x16x128xi32, #tpu.memory_space<vmem>> -> memref<1x16x128xi32, #tpu.memory_space<vmem>>
    %dma_wait3A_883 = tpu.memref_squeeze %dma_wait3A_882 : memref<1x16x128xi32, #tpu.memory_space<vmem>> -> memref<16x128xi32, #tpu.memory_space<vmem>>
    %dma_wait3A_884 = arith.constant 0 : i32
    %dma_wait3A_885 = tpu.memref_slice %arg4[%dma_wait3A_884, %multiple_of3A_446] : memref<16x100000xi32, #tpu.memory_space<hbm>> -> memref<16x128xi32, #tpu.memory_space<hbm>>
    %dma_wait3A_886 = arith.constant 0 : i32
    %dma_wait3A_887 = arith.constant 0 : i32
    %dma_wait3A_888 = tpu.memref_slice %arg8[%dma_wait3A_879, %dma_wait3A_886, %dma_wait3A_887] : memref<16x16x128xi32, #tpu.memory_space<vmem>> -> memref<1x16x128xi32, #tpu.memory_space<vmem>>
    %dma_wait3A_889 = tpu.memref_squeeze %dma_wait3A_888 : memref<1x16x128xi32, #tpu.memory_space<vmem>> -> memref<16x128xi32, #tpu.memory_space<vmem>>
    %dma_wait3A_890 = arith.constant 0 : i32
    %dma_wait3A_891 = tpu.memref_slice %arg4[%dma_wait3A_890, %multiple_of3A_446] : memref<16x100000xi32, #tpu.memory_space<hbm>> -> memref<16x128xi32, #tpu.memory_space<hbm>>
    tpu.wait_dma2 semaphore(%arg11 : memref<!tpu.dma_semaphore, #tpu.memory_space<semaphore_mem>>) src(%dma_wait3A_891 : memref<16x128xi32, #tpu.memory_space<hbm>>) dst(%dma_wait3A_889 : memref<16x128xi32, #tpu.memory_space<vmem>>)
    %and3A = arith.constant 127 : i32
    %and3A_892 = vector.broadcast %and3A : i32 to vector<16xi32>
    %and3A_893 = arith.andi %get3A_8, %and3A_892 : vector<16xi32>
    %add3A_894 = arith.constant 0 : i32
    %add3A_895 = vector.broadcast %add3A_894 : i32 to vector<16xi32>
    %add3A_896 = arith.addi %iota3A, %add3A_895 : vector<16xi32>
    %scan3A_897 = arith.constant 0 : i32
    %scan3A_898 = arith.constant 16 : i32
    %scan3A_899 = arith.addi %scan3A_897, %scan3A_898 : i32
    %scan3A_900 = arith.constant 4 : i32
    %scan3A_901:2 = scf.for %scan3A_1810 = %scan3A_897 to %scan3A_899 step %scan3A_900 iter_args(%scan3A_1811 = %broadcast_in_dim3A_5, %scan3A_1812 = %broadcast_in_dim3A_7) -> (vector<16xf32>, vector<16xf32>)  : i32 {
      %broadcast_in_dim3A_1813 = vector.broadcast %scan3A_1810 : i32 to vector<16xi32>
      %gather3A = tpu.vector_load_idx %arg7[%iota3A, %broadcast_in_dim3A_1813, %and3A_893] : memref<16x16x128xf32, #tpu.memory_space<vmem>>[vector<16xi32>, vector<16xi32>, vector<16xi32>], vector<16xf32>,
      %gather3A_1814 = tpu.vector_load_idx %arg8[%iota3A, %broadcast_in_dim3A_1813, %and3A_893] : memref<16x16x128xi32, #tpu.memory_space<vmem>>[vector<16xi32>, vector<16xi32>, vector<16xi32>], vector<16xi32>,
      %ne3A = arith.constant -1 : i32
      %ne3A_1815 = vector.broadcast %ne3A : i32 to vector<16xi32>
      %ne3A_1816 = arith.cmpi ne, %gather3A_1814, %ne3A_1815 : vector<16xi32>
      %jit3A = arith.constant 1.000000e+00 : f32
      %jit3A_1817 = arith.constant 0.000000e+00 : f32
      %broadcast_in_dim3A_1818 = vector.broadcast %jit3A : f32 to vector<16xf32>
      %broadcast_in_dim3A_1819 = vector.broadcast %jit3A_1817 : f32 to vector<16xf32>
      %select_n3A = arith.select %ne3A_1816, %broadcast_in_dim3A_1818, %broadcast_in_dim3A_1819 : vector<16xi1>, vector<16xf32>
      %neg3A = arith.constant 0.000000e+00 : f32
      %neg3A_1820 = vector.broadcast %neg3A : f32 to vector<16xf32>
      %neg3A_1821 = arith.subf %neg3A_1820, %gather3A : vector<16xf32>
      %exp3A = math.exp %neg3A_1821 : vector<16xf32>
      %add3A_1822 = arith.constant 1.000000e+00 : f32
      %add3A_1823 = vector.broadcast %add3A_1822 : f32 to vector<16xf32>
      %add3A_1824 = arith.addf %add3A_1823, %exp3A : vector<16xf32>
      %div3A = arith.divf %select_n3A, %add3A_1824 : vector<16xf32>
      %sub3A = arith.constant 1.000000e+00 : f32
      %sub3A_1825 = vector.broadcast %sub3A : f32 to vector<16xf32>
      %sub3A_1826 = arith.subf %sub3A_1825, %div3A : vector<16xf32>
      %max3A = arith.constant 1.000000e-07 : f32
      %max3A_1827 = vector.broadcast %max3A : f32 to vector<16xf32>
      %max3A_1828 = arith.maximumf %sub3A_1826, %max3A_1827 : vector<16xf32>
      %bitcast3A = vector.bitcast %max3A_1828 : vector<16xf32> to vector<16xi32>
      %shift_right_logical3A_1829 = arith.constant 23 : i32
      %shift_right_logical3A_1830 = vector.broadcast %shift_right_logical3A_1829 : i32 to vector<16xi32>
      %shift_right_logical3A_1831 = arith.shrui %bitcast3A, %shift_right_logical3A_1830 : vector<16xi32>
      %sub3A_1832 = arith.constant 127 : i32
      %sub3A_1833 = vector.broadcast %sub3A_1832 : i32 to vector<16xi32>
      %sub3A_1834 = arith.subi %shift_right_logical3A_1831, %sub3A_1833 : vector<16xi32>
      %and3A_1835 = arith.constant 8388607 : i32
      %and3A_1836 = vector.broadcast %and3A_1835 : i32 to vector<16xi32>
      %and3A_1837 = arith.andi %bitcast3A, %and3A_1836 : vector<16xi32>
      %or3A = arith.constant 1065353216 : i32
      %or3A_1838 = vector.broadcast %or3A : i32 to vector<16xi32>
      %or3A_1839 = arith.ori %and3A_1837, %or3A_1838 : vector<16xi32>
      %bitcast3A_1840 = vector.bitcast %or3A_1839 : vector<16xi32> to vector<16xf32>
      %gt3A = arith.constant 1.41421354 : f32
      %gt3A_1841 = vector.broadcast %gt3A : f32 to vector<16xf32>
      %gt3A_1842 = arith.cmpf ogt, %bitcast3A_1840, %gt3A_1841 : vector<16xf32>
      %mul3A_1843 = arith.constant 5.000000e-01 : f32
      %mul3A_1844 = vector.broadcast %mul3A_1843 : f32 to vector<16xf32>
      %mul3A_1845 = arith.mulf %bitcast3A_1840, %mul3A_1844 : vector<16xf32>
      %select_n3A_1846 = arith.select %gt3A_1842, %mul3A_1845, %bitcast3A_1840 : vector<16xi1>, vector<16xf32>
      %add3A_1847 = arith.constant 1 : i32
      %add3A_1848 = vector.broadcast %add3A_1847 : i32 to vector<16xi32>
      %add3A_1849 = arith.addi %sub3A_1834, %add3A_1848 : vector<16xi32>
      %select_n3A_1850 = arith.select %gt3A_1842, %add3A_1849, %sub3A_1834 : vector<16xi1>, vector<16xi32>
      %sub3A_1851 = arith.constant 1.000000e+00 : f32
      %sub3A_1852 = vector.broadcast %sub3A_1851 : f32 to vector<16xf32>
      %sub3A_1853 = arith.subf %select_n3A_1846, %sub3A_1852 : vector<16xf32>
      %add3A_1854 = arith.constant 2.000000e+00 : f32
      %add3A_1855 = vector.broadcast %add3A_1854 : f32 to vector<16xf32>
      %add3A_1856 = arith.addf %add3A_1855, %sub3A_1853 : vector<16xf32>
      %div3A_1857 = arith.divf %sub3A_1853, %add3A_1856 : vector<16xf32>
      %mul3A_1858 = arith.mulf %div3A_1857, %div3A_1857 : vector<16xf32>
      %mul3A_1859 = arith.constant 0.142857149 : f32
      %mul3A_1860 = vector.broadcast %mul3A_1859 : f32 to vector<16xf32>
      %mul3A_1861 = arith.mulf %mul3A_1858, %mul3A_1860 : vector<16xf32>
      %add3A_1862 = arith.constant 2.000000e-01 : f32
      %add3A_1863 = vector.broadcast %add3A_1862 : f32 to vector<16xf32>
      %add3A_1864 = arith.addf %add3A_1863, %mul3A_1861 : vector<16xf32>
      %mul3A_1865 = arith.mulf %mul3A_1858, %add3A_1864 : vector<16xf32>
      %add3A_1866 = arith.constant 0.333333343 : f32
      %add3A_1867 = vector.broadcast %add3A_1866 : f32 to vector<16xf32>
      %add3A_1868 = arith.addf %add3A_1867, %mul3A_1865 : vector<16xf32>
      %mul3A_1869 = arith.mulf %mul3A_1858, %add3A_1868 : vector<16xf32>
      %add3A_1870 = arith.constant 1.000000e+00 : f32
      %add3A_1871 = vector.broadcast %add3A_1870 : f32 to vector<16xf32>
      %add3A_1872 = arith.addf %add3A_1871, %mul3A_1869 : vector<16xf32>
      %convert_element_type3A = arith.sitofp %select_n3A_1850 : vector<16xi32> to vector<16xf32>
      %mul3A_1873 = arith.constant 0.693147182 : f32
      %mul3A_1874 = vector.broadcast %mul3A_1873 : f32 to vector<16xf32>
      %mul3A_1875 = arith.mulf %convert_element_type3A, %mul3A_1874 : vector<16xf32>
      %mul3A_1876 = arith.constant 2.000000e+00 : f32
      %mul3A_1877 = vector.broadcast %mul3A_1876 : f32 to vector<16xf32>
      %mul3A_1878 = arith.mulf %mul3A_1877, %div3A_1857 : vector<16xf32>
      %mul3A_1879 = arith.mulf %mul3A_1878, %add3A_1872 : vector<16xf32>
      %add3A_1880 = arith.addf %mul3A_1875, %mul3A_1879 : vector<16xf32>
      tpu.vector_store_idx %arg9[%add3A_896, %gather3A_1814], %add3A_1880 masked %ne3A_1816 {add = true} : memref<32x256xf32, #tpu.memory_space<vmem>>[vector<16xi32>, vector<16xi32>], vector<16xf32>, vector<16xi1>
      %mul3A_1881 = arith.mulf %gather3A, %gather3A : vector<16xf32>
      %mul3A_1882 = arith.mulf %mul3A_1881, %select_n3A : vector<16xf32>
      %add3A_1883 = arith.addf %scan3A_1811, %mul3A_1882 : vector<16xf32>
      %add3A_1884 = arith.addf %scan3A_1812, %select_n3A : vector<16xf32>
      %scan3A_1885 = arith.constant 1 : i32
      %scan3A_1886 = arith.addi %scan3A_1810, %scan3A_1885 : i32
      %broadcast_in_dim3A_1887 = vector.broadcast %scan3A_1886 : i32 to vector<16xi32>
      %gather3A_1888 = tpu.vector_load_idx %arg7[%iota3A, %broadcast_in_dim3A_1887, %and3A_893] : memref<16x16x128xf32, #tpu.memory_space<vmem>>[vector<16xi32>, vector<16xi32>, vector<16xi32>], vector<16xf32>,
      %gather3A_1889 = tpu.vector_load_idx %arg8[%iota3A, %broadcast_in_dim3A_1887, %and3A_893] : memref<16x16x128xi32, #tpu.memory_space<vmem>>[vector<16xi32>, vector<16xi32>, vector<16xi32>], vector<16xi32>,
      %ne3A_1890 = arith.constant -1 : i32
      %ne3A_1891 = vector.broadcast %ne3A_1890 : i32 to vector<16xi32>
      %ne3A_1892 = arith.cmpi ne, %gather3A_1889, %ne3A_1891 : vector<16xi32>
      %jit3A_1893 = arith.constant 1.000000e+00 : f32
      %jit3A_1894 = arith.constant 0.000000e+00 : f32
      %broadcast_in_dim3A_1895 = vector.broadcast %jit3A_1893 : f32 to vector<16xf32>
      %broadcast_in_dim3A_1896 = vector.broadcast %jit3A_1894 : f32 to vector<16xf32>
      %select_n3A_1897 = arith.select %ne3A_1892, %broadcast_in_dim3A_1895, %broadcast_in_dim3A_1896 : vector<16xi1>, vector<16xf32>
      %neg3A_1898 = arith.constant 0.000000e+00 : f32
      %neg3A_1899 = vector.broadcast %neg3A_1898 : f32 to vector<16xf32>
      %neg3A_1900 = arith.subf %neg3A_1899, %gather3A_1888 : vector<16xf32>
      %exp3A_1901 = math.exp %neg3A_1900 : vector<16xf32>
      %add3A_1902 = arith.constant 1.000000e+00 : f32
      %add3A_1903 = vector.broadcast %add3A_1902 : f32 to vector<16xf32>
      %add3A_1904 = arith.addf %add3A_1903, %exp3A_1901 : vector<16xf32>
      %div3A_1905 = arith.divf %select_n3A_1897, %add3A_1904 : vector<16xf32>
      %sub3A_1906 = arith.constant 1.000000e+00 : f32
      %sub3A_1907 = vector.broadcast %sub3A_1906 : f32 to vector<16xf32>
      %sub3A_1908 = arith.subf %sub3A_1907, %div3A_1905 : vector<16xf32>
      %max3A_1909 = arith.constant 1.000000e-07 : f32
      %max3A_1910 = vector.broadcast %max3A_1909 : f32 to vector<16xf32>
      %max3A_1911 = arith.maximumf %sub3A_1908, %max3A_1910 : vector<16xf32>
      %bitcast3A_1912 = vector.bitcast %max3A_1911 : vector<16xf32> to vector<16xi32>
      %shift_right_logical3A_1913 = arith.constant 23 : i32
      %shift_right_logical3A_1914 = vector.broadcast %shift_right_logical3A_1913 : i32 to vector<16xi32>
      %shift_right_logical3A_1915 = arith.shrui %bitcast3A_1912, %shift_right_logical3A_1914 : vector<16xi32>
      %sub3A_1916 = arith.constant 127 : i32
      %sub3A_1917 = vector.broadcast %sub3A_1916 : i32 to vector<16xi32>
      %sub3A_1918 = arith.subi %shift_right_logical3A_1915, %sub3A_1917 : vector<16xi32>
      %and3A_1919 = arith.constant 8388607 : i32
      %and3A_1920 = vector.broadcast %and3A_1919 : i32 to vector<16xi32>
      %and3A_1921 = arith.andi %bitcast3A_1912, %and3A_1920 : vector<16xi32>
      %or3A_1922 = arith.constant 1065353216 : i32
      %or3A_1923 = vector.broadcast %or3A_1922 : i32 to vector<16xi32>
      %or3A_1924 = arith.ori %and3A_1921, %or3A_1923 : vector<16xi32>
      %bitcast3A_1925 = vector.bitcast %or3A_1924 : vector<16xi32> to vector<16xf32>
      %gt3A_1926 = arith.constant 1.41421354 : f32
      %gt3A_1927 = vector.broadcast %gt3A_1926 : f32 to vector<16xf32>
      %gt3A_1928 = arith.cmpf ogt, %bitcast3A_1925, %gt3A_1927 : vector<16xf32>
      %mul3A_1929 = arith.constant 5.000000e-01 : f32
      %mul3A_1930 = vector.broadcast %mul3A_1929 : f32 to vector<16xf32>
      %mul3A_1931 = arith.mulf %bitcast3A_1925, %mul3A_1930 : vector<16xf32>
      %select_n3A_1932 = arith.select %gt3A_1928, %mul3A_1931, %bitcast3A_1925 : vector<16xi1>, vector<16xf32>
      %add3A_1933 = arith.constant 1 : i32
      %add3A_1934 = vector.broadcast %add3A_1933 : i32 to vector<16xi32>
      %add3A_1935 = arith.addi %sub3A_1918, %add3A_1934 : vector<16xi32>
      %select_n3A_1936 = arith.select %gt3A_1928, %add3A_1935, %sub3A_1918 : vector<16xi1>, vector<16xi32>
      %sub3A_1937 = arith.constant 1.000000e+00 : f32
      %sub3A_1938 = vector.broadcast %sub3A_1937 : f32 to vector<16xf32>
      %sub3A_1939 = arith.subf %select_n3A_1932, %sub3A_1938 : vector<16xf32>
      %add3A_1940 = arith.constant 2.000000e+00 : f32
      %add3A_1941 = vector.broadcast %add3A_1940 : f32 to vector<16xf32>
      %add3A_1942 = arith.addf %add3A_1941, %sub3A_1939 : vector<16xf32>
      %div3A_1943 = arith.divf %sub3A_1939, %add3A_1942 : vector<16xf32>
      %mul3A_1944 = arith.mulf %div3A_1943, %div3A_1943 : vector<16xf32>
      %mul3A_1945 = arith.constant 0.142857149 : f32
      %mul3A_1946 = vector.broadcast %mul3A_1945 : f32 to vector<16xf32>
      %mul3A_1947 = arith.mulf %mul3A_1944, %mul3A_1946 : vector<16xf32>
      %add3A_1948 = arith.constant 2.000000e-01 : f32
      %add3A_1949 = vector.broadcast %add3A_1948 : f32 to vector<16xf32>
      %add3A_1950 = arith.addf %add3A_1949, %mul3A_1947 : vector<16xf32>
      %mul3A_1951 = arith.mulf %mul3A_1944, %add3A_1950 : vector<16xf32>
      %add3A_1952 = arith.constant 0.333333343 : f32
      %add3A_1953 = vector.broadcast %add3A_1952 : f32 to vector<16xf32>
      %add3A_1954 = arith.addf %add3A_1953, %mul3A_1951 : vector<16xf32>
      %mul3A_1955 = arith.mulf %mul3A_1944, %add3A_1954 : vector<16xf32>
      %add3A_1956 = arith.constant 1.000000e+00 : f32
      %add3A_1957 = vector.broadcast %add3A_1956 : f32 to vector<16xf32>
      %add3A_1958 = arith.addf %add3A_1957, %mul3A_1955 : vector<16xf32>
      %convert_element_type3A_1959 = arith.sitofp %select_n3A_1936 : vector<16xi32> to vector<16xf32>
      %mul3A_1960 = arith.constant 0.693147182 : f32
      %mul3A_1961 = vector.broadcast %mul3A_1960 : f32 to vector<16xf32>
      %mul3A_1962 = arith.mulf %convert_element_type3A_1959, %mul3A_1961 : vector<16xf32>
      %mul3A_1963 = arith.constant 2.000000e+00 : f32
      %mul3A_1964 = vector.broadcast %mul3A_1963 : f32 to vector<16xf32>
      %mul3A_1965 = arith.mulf %mul3A_1964, %div3A_1943 : vector<16xf32>
      %mul3A_1966 = arith.mulf %mul3A_1965, %add3A_1958 : vector<16xf32>
      %add3A_1967 = arith.addf %mul3A_1962, %mul3A_1966 : vector<16xf32>
      tpu.vector_store_idx %arg9[%add3A_896, %gather3A_1889], %add3A_1967 masked %ne3A_1892 {add = true} : memref<32x256xf32, #tpu.memory_space<vmem>>[vector<16xi32>, vector<16xi32>], vector<16xf32>, vector<16xi1>
      %mul3A_1968 = arith.mulf %gather3A_1888, %gather3A_1888 : vector<16xf32>
      %mul3A_1969 = arith.mulf %mul3A_1968, %select_n3A_1897 : vector<16xf32>
      %add3A_1970 = arith.addf %add3A_1883, %mul3A_1969 : vector<16xf32>
      %add3A_1971 = arith.addf %add3A_1884, %select_n3A_1897 : vector<16xf32>
      %scan3A_1972 = arith.constant 2 : i32
      %scan3A_1973 = arith.addi %scan3A_1810, %scan3A_1972 : i32
      %broadcast_in_dim3A_1974 = vector.broadcast %scan3A_1973 : i32 to vector<16xi32>
      %gather3A_1975 = tpu.vector_load_idx %arg7[%iota3A, %broadcast_in_dim3A_1974, %and3A_893] : memref<16x16x128xf32, #tpu.memory_space<vmem>>[vector<16xi32>, vector<16xi32>, vector<16xi32>], vector<16xf32>,
      %gather3A_1976 = tpu.vector_load_idx %arg8[%iota3A, %broadcast_in_dim3A_1974, %and3A_893] : memref<16x16x128xi32, #tpu.memory_space<vmem>>[vector<16xi32>, vector<16xi32>, vector<16xi32>], vector<16xi32>,
      %ne3A_1977 = arith.constant -1 : i32
      %ne3A_1978 = vector.broadcast %ne3A_1977 : i32 to vector<16xi32>
      %ne3A_1979 = arith.cmpi ne, %gather3A_1976, %ne3A_1978 : vector<16xi32>
      %jit3A_1980 = arith.constant 1.000000e+00 : f32
      %jit3A_1981 = arith.constant 0.000000e+00 : f32
      %broadcast_in_dim3A_1982 = vector.broadcast %jit3A_1980 : f32 to vector<16xf32>
      %broadcast_in_dim3A_1983 = vector.broadcast %jit3A_1981 : f32 to vector<16xf32>
      %select_n3A_1984 = arith.select %ne3A_1979, %broadcast_in_dim3A_1982, %broadcast_in_dim3A_1983 : vector<16xi1>, vector<16xf32>
      %neg3A_1985 = arith.constant 0.000000e+00 : f32
      %neg3A_1986 = vector.broadcast %neg3A_1985 : f32 to vector<16xf32>
      %neg3A_1987 = arith.subf %neg3A_1986, %gather3A_1975 : vector<16xf32>
      %exp3A_1988 = math.exp %neg3A_1987 : vector<16xf32>
      %add3A_1989 = arith.constant 1.000000e+00 : f32
      %add3A_1990 = vector.broadcast %add3A_1989 : f32 to vector<16xf32>
      %add3A_1991 = arith.addf %add3A_1990, %exp3A_1988 : vector<16xf32>
      %div3A_1992 = arith.divf %select_n3A_1984, %add3A_1991 : vector<16xf32>
      %sub3A_1993 = arith.constant 1.000000e+00 : f32
      %sub3A_1994 = vector.broadcast %sub3A_1993 : f32 to vector<16xf32>
      %sub3A_1995 = arith.subf %sub3A_1994, %div3A_1992 : vector<16xf32>
      %max3A_1996 = arith.constant 1.000000e-07 : f32
      %max3A_1997 = vector.broadcast %max3A_1996 : f32 to vector<16xf32>
      %max3A_1998 = arith.maximumf %sub3A_1995, %max3A_1997 : vector<16xf32>
      %bitcast3A_1999 = vector.bitcast %max3A_1998 : vector<16xf32> to vector<16xi32>
      %shift_right_logical3A_2000 = arith.constant 23 : i32
      %shift_right_logical3A_2001 = vector.broadcast %shift_right_logical3A_2000 : i32 to vector<16xi32>
      %shift_right_logical3A_2002 = arith.shrui %bitcast3A_1999, %shift_right_logical3A_2001 : vector<16xi32>
      %sub3A_2003 = arith.constant 127 : i32
      %sub3A_2004 = vector.broadcast %sub3A_2003 : i32 to vector<16xi32>
      %sub3A_2005 = arith.subi %shift_right_logical3A_2002, %sub3A_2004 : vector<16xi32>
      %and3A_2006 = arith.constant 8388607 : i32
      %and3A_2007 = vector.broadcast %and3A_2006 : i32 to vector<16xi32>
      %and3A_2008 = arith.andi %bitcast3A_1999, %and3A_2007 : vector<16xi32>
      %or3A_2009 = arith.constant 1065353216 : i32
      %or3A_2010 = vector.broadcast %or3A_2009 : i32 to vector<16xi32>
      %or3A_2011 = arith.ori %and3A_2008, %or3A_2010 : vector<16xi32>
      %bitcast3A_2012 = vector.bitcast %or3A_2011 : vector<16xi32> to vector<16xf32>
      %gt3A_2013 = arith.constant 1.41421354 : f32
      %gt3A_2014 = vector.broadcast %gt3A_2013 : f32 to vector<16xf32>
      %gt3A_2015 = arith.cmpf ogt, %bitcast3A_2012, %gt3A_2014 : vector<16xf32>
      %mul3A_2016 = arith.constant 5.000000e-01 : f32
      %mul3A_2017 = vector.broadcast %mul3A_2016 : f32 to vector<16xf32>
      %mul3A_2018 = arith.mulf %bitcast3A_2012, %mul3A_2017 : vector<16xf32>
      %select_n3A_2019 = arith.select %gt3A_2015, %mul3A_2018, %bitcast3A_2012 : vector<16xi1>, vector<16xf32>
      %add3A_2020 = arith.constant 1 : i32
      %add3A_2021 = vector.broadcast %add3A_2020 : i32 to vector<16xi32>
      %add3A_2022 = arith.addi %sub3A_2005, %add3A_2021 : vector<16xi32>
      %select_n3A_2023 = arith.select %gt3A_2015, %add3A_2022, %sub3A_2005 : vector<16xi1>, vector<16xi32>
      %sub3A_2024 = arith.constant 1.000000e+00 : f32
      %sub3A_2025 = vector.broadcast %sub3A_2024 : f32 to vector<16xf32>
      %sub3A_2026 = arith.subf %select_n3A_2019, %sub3A_2025 : vector<16xf32>
      %add3A_2027 = arith.constant 2.000000e+00 : f32
      %add3A_2028 = vector.broadcast %add3A_2027 : f32 to vector<16xf32>
      %add3A_2029 = arith.addf %add3A_2028, %sub3A_2026 : vector<16xf32>
      %div3A_2030 = arith.divf %sub3A_2026, %add3A_2029 : vector<16xf32>
      %mul3A_2031 = arith.mulf %div3A_2030, %div3A_2030 : vector<16xf32>
      %mul3A_2032 = arith.constant 0.142857149 : f32
      %mul3A_2033 = vector.broadcast %mul3A_2032 : f32 to vector<16xf32>
      %mul3A_2034 = arith.mulf %mul3A_2031, %mul3A_2033 : vector<16xf32>
      %add3A_2035 = arith.constant 2.000000e-01 : f32
      %add3A_2036 = vector.broadcast %add3A_2035 : f32 to vector<16xf32>
      %add3A_2037 = arith.addf %add3A_2036, %mul3A_2034 : vector<16xf32>
      %mul3A_2038 = arith.mulf %mul3A_2031, %add3A_2037 : vector<16xf32>
      %add3A_2039 = arith.constant 0.333333343 : f32
      %add3A_2040 = vector.broadcast %add3A_2039 : f32 to vector<16xf32>
      %add3A_2041 = arith.addf %add3A_2040, %mul3A_2038 : vector<16xf32>
      %mul3A_2042 = arith.mulf %mul3A_2031, %add3A_2041 : vector<16xf32>
      %add3A_2043 = arith.constant 1.000000e+00 : f32
      %add3A_2044 = vector.broadcast %add3A_2043 : f32 to vector<16xf32>
      %add3A_2045 = arith.addf %add3A_2044, %mul3A_2042 : vector<16xf32>
      %convert_element_type3A_2046 = arith.sitofp %select_n3A_2023 : vector<16xi32> to vector<16xf32>
      %mul3A_2047 = arith.constant 0.693147182 : f32
      %mul3A_2048 = vector.broadcast %mul3A_2047 : f32 to vector<16xf32>
      %mul3A_2049 = arith.mulf %convert_element_type3A_2046, %mul3A_2048 : vector<16xf32>
      %mul3A_2050 = arith.constant 2.000000e+00 : f32
      %mul3A_2051 = vector.broadcast %mul3A_2050 : f32 to vector<16xf32>
      %mul3A_2052 = arith.mulf %mul3A_2051, %div3A_2030 : vector<16xf32>
      %mul3A_2053 = arith.mulf %mul3A_2052, %add3A_2045 : vector<16xf32>
      %add3A_2054 = arith.addf %mul3A_2049, %mul3A_2053 : vector<16xf32>
      tpu.vector_store_idx %arg9[%add3A_896, %gather3A_1976], %add3A_2054 masked %ne3A_1979 {add = true} : memref<32x256xf32, #tpu.memory_space<vmem>>[vector<16xi32>, vector<16xi32>], vector<16xf32>, vector<16xi1>
      %mul3A_2055 = arith.mulf %gather3A_1975, %gather3A_1975 : vector<16xf32>
      %mul3A_2056 = arith.mulf %mul3A_2055, %select_n3A_1984 : vector<16xf32>
      %add3A_2057 = arith.addf %add3A_1970, %mul3A_2056 : vector<16xf32>
      %add3A_2058 = arith.addf %add3A_1971, %select_n3A_1984 : vector<16xf32>
      %scan3A_2059 = arith.constant 3 : i32
      %scan3A_2060 = arith.addi %scan3A_1810, %scan3A_2059 : i32
      %broadcast_in_dim3A_2061 = vector.broadcast %scan3A_2060 : i32 to vector<16xi32>
      %gather3A_2062 = tpu.vector_load_idx %arg7[%iota3A, %broadcast_in_dim3A_2061, %and3A_893] : memref<16x16x128xf32, #tpu.memory_space<vmem>>[vector<16xi32>, vector<16xi32>, vector<16xi32>], vector<16xf32>,
      %gather3A_2063 = tpu.vector_load_idx %arg8[%iota3A, %broadcast_in_dim3A_2061, %and3A_893] : memref<16x16x128xi32, #tpu.memory_space<vmem>>[vector<16xi32>, vector<16xi32>, vector<16xi32>], vector<16xi32>,
      %ne3A_2064 = arith.constant -1 : i32
      %ne3A_2065 = vector.broadcast %ne3A_2064 : i32 to vector<16xi32>
      %ne3A_2066 = arith.cmpi ne, %gather3A_2063, %ne3A_2065 : vector<16xi32>
      %jit3A_2067 = arith.constant 1.000000e+00 : f32
      %jit3A_2068 = arith.constant 0.000000e+00 : f32
      %broadcast_in_dim3A_2069 = vector.broadcast %jit3A_2067 : f32 to vector<16xf32>
      %broadcast_in_dim3A_2070 = vector.broadcast %jit3A_2068 : f32 to vector<16xf32>
      %select_n3A_2071 = arith.select %ne3A_2066, %broadcast_in_dim3A_2069, %broadcast_in_dim3A_2070 : vector<16xi1>, vector<16xf32>
      %neg3A_2072 = arith.constant 0.000000e+00 : f32
      %neg3A_2073 = vector.broadcast %neg3A_2072 : f32 to vector<16xf32>
      %neg3A_2074 = arith.subf %neg3A_2073, %gather3A_2062 : vector<16xf32>
      %exp3A_2075 = math.exp %neg3A_2074 : vector<16xf32>
      %add3A_2076 = arith.constant 1.000000e+00 : f32
      %add3A_2077 = vector.broadcast %add3A_2076 : f32 to vector<16xf32>
      %add3A_2078 = arith.addf %add3A_2077, %exp3A_2075 : vector<16xf32>
      %div3A_2079 = arith.divf %select_n3A_2071, %add3A_2078 : vector<16xf32>
      %sub3A_2080 = arith.constant 1.000000e+00 : f32
      %sub3A_2081 = vector.broadcast %sub3A_2080 : f32 to vector<16xf32>
      %sub3A_2082 = arith.subf %sub3A_2081, %div3A_2079 : vector<16xf32>
      %max3A_2083 = arith.constant 1.000000e-07 : f32
      %max3A_2084 = vector.broadcast %max3A_2083 : f32 to vector<16xf32>
      %max3A_2085 = arith.maximumf %sub3A_2082, %max3A_2084 : vector<16xf32>
      %bitcast3A_2086 = vector.bitcast %max3A_2085 : vector<16xf32> to vector<16xi32>
      %shift_right_logical3A_2087 = arith.constant 23 : i32
      %shift_right_logical3A_2088 = vector.broadcast %shift_right_logical3A_2087 : i32 to vector<16xi32>
      %shift_right_logical3A_2089 = arith.shrui %bitcast3A_2086, %shift_right_logical3A_2088 : vector<16xi32>
      %sub3A_2090 = arith.constant 127 : i32
      %sub3A_2091 = vector.broadcast %sub3A_2090 : i32 to vector<16xi32>
      %sub3A_2092 = arith.subi %shift_right_logical3A_2089, %sub3A_2091 : vector<16xi32>
      %and3A_2093 = arith.constant 8388607 : i32
      %and3A_2094 = vector.broadcast %and3A_2093 : i32 to vector<16xi32>
      %and3A_2095 = arith.andi %bitcast3A_2086, %and3A_2094 : vector<16xi32>
      %or3A_2096 = arith.constant 1065353216 : i32
      %or3A_2097 = vector.broadcast %or3A_2096 : i32 to vector<16xi32>
      %or3A_2098 = arith.ori %and3A_2095, %or3A_2097 : vector<16xi32>
      %bitcast3A_2099 = vector.bitcast %or3A_2098 : vector<16xi32> to vector<16xf32>
      %gt3A_2100 = arith.constant 1.41421354 : f32
      %gt3A_2101 = vector.broadcast %gt3A_2100 : f32 to vector<16xf32>
      %gt3A_2102 = arith.cmpf ogt, %bitcast3A_2099, %gt3A_2101 : vector<16xf32>
      %mul3A_2103 = arith.constant 5.000000e-01 : f32
      %mul3A_2104 = vector.broadcast %mul3A_2103 : f32 to vector<16xf32>
      %mul3A_2105 = arith.mulf %bitcast3A_2099, %mul3A_2104 : vector<16xf32>
      %select_n3A_2106 = arith.select %gt3A_2102, %mul3A_2105, %bitcast3A_2099 : vector<16xi1>, vector<16xf32>
      %add3A_2107 = arith.constant 1 : i32
      %add3A_2108 = vector.broadcast %add3A_2107 : i32 to vector<16xi32>
      %add3A_2109 = arith.addi %sub3A_2092, %add3A_2108 : vector<16xi32>
      %select_n3A_2110 = arith.select %gt3A_2102, %add3A_2109, %sub3A_2092 : vector<16xi1>, vector<16xi32>
      %sub3A_2111 = arith.constant 1.000000e+00 : f32
      %sub3A_2112 = vector.broadcast %sub3A_2111 : f32 to vector<16xf32>
      %sub3A_2113 = arith.subf %select_n3A_2106, %sub3A_2112 : vector<16xf32>
      %add3A_2114 = arith.constant 2.000000e+00 : f32
      %add3A_2115 = vector.broadcast %add3A_2114 : f32 to vector<16xf32>
      %add3A_2116 = arith.addf %add3A_2115, %sub3A_2113 : vector<16xf32>
      %div3A_2117 = arith.divf %sub3A_2113, %add3A_2116 : vector<16xf32>
      %mul3A_2118 = arith.mulf %div3A_2117, %div3A_2117 : vector<16xf32>
      %mul3A_2119 = arith.constant 0.142857149 : f32
      %mul3A_2120 = vector.broadcast %mul3A_2119 : f32 to vector<16xf32>
      %mul3A_2121 = arith.mulf %mul3A_2118, %mul3A_2120 : vector<16xf32>
      %add3A_2122 = arith.constant 2.000000e-01 : f32
      %add3A_2123 = vector.broadcast %add3A_2122 : f32 to vector<16xf32>
      %add3A_2124 = arith.addf %add3A_2123, %mul3A_2121 : vector<16xf32>
      %mul3A_2125 = arith.mulf %mul3A_2118, %add3A_2124 : vector<16xf32>
      %add3A_2126 = arith.constant 0.333333343 : f32
      %add3A_2127 = vector.broadcast %add3A_2126 : f32 to vector<16xf32>
      %add3A_2128 = arith.addf %add3A_2127, %mul3A_2125 : vector<16xf32>
      %mul3A_2129 = arith.mulf %mul3A_2118, %add3A_2128 : vector<16xf32>
      %add3A_2130 = arith.constant 1.000000e+00 : f32
      %add3A_2131 = vector.broadcast %add3A_2130 : f32 to vector<16xf32>
      %add3A_2132 = arith.addf %add3A_2131, %mul3A_2129 : vector<16xf32>
      %convert_element_type3A_2133 = arith.sitofp %select_n3A_2110 : vector<16xi32> to vector<16xf32>
      %mul3A_2134 = arith.constant 0.693147182 : f32
      %mul3A_2135 = vector.broadcast %mul3A_2134 : f32 to vector<16xf32>
      %mul3A_2136 = arith.mulf %convert_element_type3A_2133, %mul3A_2135 : vector<16xf32>
      %mul3A_2137 = arith.constant 2.000000e+00 : f32
      %mul3A_2138 = vector.broadcast %mul3A_2137 : f32 to vector<16xf32>
      %mul3A_2139 = arith.mulf %mul3A_2138, %div3A_2117 : vector<16xf32>
      %mul3A_2140 = arith.mulf %mul3A_2139, %add3A_2132 : vector<16xf32>
      %add3A_2141 = arith.addf %mul3A_2136, %mul3A_2140 : vector<16xf32>
      tpu.vector_store_idx %arg9[%add3A_896, %gather3A_2063], %add3A_2141 masked %ne3A_2066 {add = true} : memref<32x256xf32, #tpu.memory_space<vmem>>[vector<16xi32>, vector<16xi32>], vector<16xf32>, vector<16xi1>
      %mul3A_2142 = arith.mulf %gather3A_2062, %gather3A_2062 : vector<16xf32>
      %mul3A_2143 = arith.mulf %mul3A_2142, %select_n3A_2071 : vector<16xf32>
      %add3A_2144 = arith.addf %add3A_2057, %mul3A_2143 : vector<16xf32>
      %add3A_2145 = arith.addf %add3A_2058, %select_n3A_2071 : vector<16xf32>
      scf.yield %add3A_2144, %add3A_2145 : vector<16xf32>, vector<16xf32>
    }
    %scan3A_902 = arith.constant 16 : i32
    %get3A_903 = arith.constant 16 : index
    %get3A_904 = tpu.vector_load %arg6[%get3A_903] {strides = array<i32>} : memref<32xi32, #tpu.memory_space<vmem>>, vector<16xi32>,
    %shift_right_logical3A_905 = arith.constant 7 : i32
    %shift_right_logical3A_906 = vector.broadcast %shift_right_logical3A_905 : i32 to vector<16xi32>
    %shift_right_logical3A_907 = arith.shrui %get3A_904, %shift_right_logical3A_906 : vector<16xi32>
    %shift_left3A_908 = arith.constant 7 : i32
    %shift_left3A_909 = vector.broadcast %shift_left3A_908 : i32 to vector<16xi32>
    %shift_left3A_910 = arith.shli %shift_right_logical3A_907, %shift_left3A_909 : vector<16xi32>
    %slice3A_911 = vector.extract_strided_slice %shift_left3A_910 {offsets = [0], sizes = [1], strides = [1]} : vector<16xi32> to vector<1xi32>
    %squeeze3A_912 = vector.extract %slice3A_911[0] : i32 from vector<1xi32>
    %multiple_of3A_913 = tpu.assume_multiple %squeeze3A_912, 128 : i32
    %dma_start3A_914 = arith.constant 0 : i32
    %dma_start3A_915 = arith.constant 0 : i32
    %dma_start3A_916 = arith.constant 0 : i32
    %dma_start3A_917 = tpu.memref_slice %arg7[%dma_start3A_914, %dma_start3A_915, %dma_start3A_916] : memref<16x16x128xf32, #tpu.memory_space<vmem>> -> memref<1x16x128xf32, #tpu.memory_space<vmem>>
    %dma_start3A_918 = tpu.memref_squeeze %dma_start3A_917 : memref<1x16x128xf32, #tpu.memory_space<vmem>> -> memref<16x128xf32, #tpu.memory_space<vmem>>
    %dma_start3A_919 = arith.constant 0 : i32
    %dma_start3A_920 = tpu.memref_slice %arg3[%dma_start3A_919, %multiple_of3A_913] : memref<16x100000xf32, #tpu.memory_space<hbm>> -> memref<16x128xf32, #tpu.memory_space<hbm>>
    %dma_start3A_921 = arith.constant 0 : i32
    %dma_start3A_922 = arith.constant 0 : i32
    %dma_start3A_923 = tpu.memref_slice %arg7[%dma_start3A_914, %dma_start3A_921, %dma_start3A_922] : memref<16x16x128xf32, #tpu.memory_space<vmem>> -> memref<1x16x128xf32, #tpu.memory_space<vmem>>
    %dma_start3A_924 = tpu.memref_squeeze %dma_start3A_923 : memref<1x16x128xf32, #tpu.memory_space<vmem>> -> memref<16x128xf32, #tpu.memory_space<vmem>>
    %dma_start3A_925 = arith.constant 0 : i32
    %dma_start3A_926 = tpu.memref_slice %arg3[%dma_start3A_925, %multiple_of3A_913] : memref<16x100000xf32, #tpu.memory_space<hbm>> -> memref<16x128xf32, #tpu.memory_space<hbm>>
    tpu.enqueue_dma source(%dma_start3A_926 : memref<16x128xf32, #tpu.memory_space<hbm>>) target(%dma_start3A_924 : memref<16x128xf32, #tpu.memory_space<vmem>>) target_semaphore(%arg10 : memref<!tpu.dma_semaphore, #tpu.memory_space<semaphore_mem>>)
    %dma_start3A_927 = arith.constant 0 : i32
    %dma_start3A_928 = arith.constant 0 : i32
    %dma_start3A_929 = arith.constant 0 : i32
    %dma_start3A_930 = tpu.memref_slice %arg8[%dma_start3A_927, %dma_start3A_928, %dma_start3A_929] : memref<16x16x128xi32, #tpu.memory_space<vmem>> -> memref<1x16x128xi32, #tpu.memory_space<vmem>>
    %dma_start3A_931 = tpu.memref_squeeze %dma_start3A_930 : memref<1x16x128xi32, #tpu.memory_space<vmem>> -> memref<16x128xi32, #tpu.memory_space<vmem>>
    %dma_start3A_932 = arith.constant 0 : i32
    %dma_start3A_933 = tpu.memref_slice %arg4[%dma_start3A_932, %multiple_of3A_913] : memref<16x100000xi32, #tpu.memory_space<hbm>> -> memref<16x128xi32, #tpu.memory_space<hbm>>
    %dma_start3A_934 = arith.constant 0 : i32
    %dma_start3A_935 = arith.constant 0 : i32
    %dma_start3A_936 = tpu.memref_slice %arg8[%dma_start3A_927, %dma_start3A_934, %dma_start3A_935] : memref<16x16x128xi32, #tpu.memory_space<vmem>> -> memref<1x16x128xi32, #tpu.memory_space<vmem>>
    %dma_start3A_937 = tpu.memref_squeeze %dma_start3A_936 : memref<1x16x128xi32, #tpu.memory_space<vmem>> -> memref<16x128xi32, #tpu.memory_space<vmem>>
    %dma_start3A_938 = arith.constant 0 : i32
    %dma_start3A_939 = tpu.memref_slice %arg4[%dma_start3A_938, %multiple_of3A_913] : memref<16x100000xi32, #tpu.memory_space<hbm>> -> memref<16x128xi32, #tpu.memory_space<hbm>>
    tpu.enqueue_dma source(%dma_start3A_939 : memref<16x128xi32, #tpu.memory_space<hbm>>) target(%dma_start3A_937 : memref<16x128xi32, #tpu.memory_space<vmem>>) target_semaphore(%arg11 : memref<!tpu.dma_semaphore, #tpu.memory_space<semaphore_mem>>)
    %slice3A_940 = vector.extract_strided_slice %shift_left3A_910 {offsets = [1], sizes = [1], strides = [1]} : vector<16xi32> to vector<1xi32>
    %squeeze3A_941 = vector.extract %slice3A_940[0] : i32 from vector<1xi32>
    %multiple_of3A_942 = tpu.assume_multiple %squeeze3A_941, 128 : i32
    %dma_start3A_943 = arith.constant 1 : i32
    %dma_start3A_944 = arith.constant 0 : i32
    %dma_start3A_945 = arith.constant 0 : i32
    %dma_start3A_946 = tpu.memref_slice %arg7[%dma_start3A_943, %dma_start3A_944, %dma_start3A_945] : memref<16x16x128xf32, #tpu.memory_space<vmem>> -> memref<1x16x128xf32, #tpu.memory_space<vmem>>
    %dma_start3A_947 = tpu.memref_squeeze %dma_start3A_946 : memref<1x16x128xf32, #tpu.memory_space<vmem>> -> memref<16x128xf32, #tpu.memory_space<vmem>>
    %dma_start3A_948 = arith.constant 0 : i32
    %dma_start3A_949 = tpu.memref_slice %arg3[%dma_start3A_948, %multiple_of3A_942] : memref<16x100000xf32, #tpu.memory_space<hbm>> -> memref<16x128xf32, #tpu.memory_space<hbm>>
    %dma_start3A_950 = arith.constant 0 : i32
    %dma_start3A_951 = arith.constant 0 : i32
    %dma_start3A_952 = tpu.memref_slice %arg7[%dma_start3A_943, %dma_start3A_950, %dma_start3A_951] : memref<16x16x128xf32, #tpu.memory_space<vmem>> -> memref<1x16x128xf32, #tpu.memory_space<vmem>>
    %dma_start3A_953 = tpu.memref_squeeze %dma_start3A_952 : memref<1x16x128xf32, #tpu.memory_space<vmem>> -> memref<16x128xf32, #tpu.memory_space<vmem>>
    %dma_start3A_954 = arith.constant 0 : i32
    %dma_start3A_955 = tpu.memref_slice %arg3[%dma_start3A_954, %multiple_of3A_942] : memref<16x100000xf32, #tpu.memory_space<hbm>> -> memref<16x128xf32, #tpu.memory_space<hbm>>
    tpu.enqueue_dma source(%dma_start3A_955 : memref<16x128xf32, #tpu.memory_space<hbm>>) target(%dma_start3A_953 : memref<16x128xf32, #tpu.memory_space<vmem>>) target_semaphore(%arg10 : memref<!tpu.dma_semaphore, #tpu.memory_space<semaphore_mem>>)
    %dma_start3A_956 = arith.constant 1 : i32
    %dma_start3A_957 = arith.constant 0 : i32
    %dma_start3A_958 = arith.constant 0 : i32
    %dma_start3A_959 = tpu.memref_slice %arg8[%dma_start3A_956, %dma_start3A_957, %dma_start3A_958] : memref<16x16x128xi32, #tpu.memory_space<vmem>> -> memref<1x16x128xi32, #tpu.memory_space<vmem>>
    %dma_start3A_960 = tpu.memref_squeeze %dma_start3A_959 : memref<1x16x128xi32, #tpu.memory_space<vmem>> -> memref<16x128xi32, #tpu.memory_space<vmem>>
    %dma_start3A_961 = arith.constant 0 : i32
    %dma_start3A_962 = tpu.memref_slice %arg4[%dma_start3A_961, %multiple_of3A_942] : memref<16x100000xi32, #tpu.memory_space<hbm>> -> memref<16x128xi32, #tpu.memory_space<hbm>>
    %dma_start3A_963 = arith.constant 0 : i32
    %dma_start3A_964 = arith.constant 0 : i32
    %dma_start3A_965 = tpu.memref_slice %arg8[%dma_start3A_956, %dma_start3A_963, %dma_start3A_964] : memref<16x16x128xi32, #tpu.memory_space<vmem>> -> memref<1x16x128xi32, #tpu.memory_space<vmem>>
    %dma_start3A_966 = tpu.memref_squeeze %dma_start3A_965 : memref<1x16x128xi32, #tpu.memory_space<vmem>> -> memref<16x128xi32, #tpu.memory_space<vmem>>
    %dma_start3A_967 = arith.constant 0 : i32
    %dma_start3A_968 = tpu.memref_slice %arg4[%dma_start3A_967, %multiple_of3A_942] : memref<16x100000xi32, #tpu.memory_space<hbm>> -> memref<16x128xi32, #tpu.memory_space<hbm>>
    tpu.enqueue_dma source(%dma_start3A_968 : memref<16x128xi32, #tpu.memory_space<hbm>>) target(%dma_start3A_966 : memref<16x128xi32, #tpu.memory_space<vmem>>) target_semaphore(%arg11 : memref<!tpu.dma_semaphore, #tpu.memory_space<semaphore_mem>>)
    %slice3A_969 = vector.extract_strided_slice %shift_left3A_910 {offsets = [2], sizes = [1], strides = [1]} : vector<16xi32> to vector<1xi32>
    %squeeze3A_970 = vector.extract %slice3A_969[0] : i32 from vector<1xi32>
    %multiple_of3A_971 = tpu.assume_multiple %squeeze3A_970, 128 : i32
    %dma_start3A_972 = arith.constant 2 : i32
    %dma_start3A_973 = arith.constant 0 : i32
    %dma_start3A_974 = arith.constant 0 : i32
    %dma_start3A_975 = tpu.memref_slice %arg7[%dma_start3A_972, %dma_start3A_973, %dma_start3A_974] : memref<16x16x128xf32, #tpu.memory_space<vmem>> -> memref<1x16x128xf32, #tpu.memory_space<vmem>>
    %dma_start3A_976 = tpu.memref_squeeze %dma_start3A_975 : memref<1x16x128xf32, #tpu.memory_space<vmem>> -> memref<16x128xf32, #tpu.memory_space<vmem>>
    %dma_start3A_977 = arith.constant 0 : i32
    %dma_start3A_978 = tpu.memref_slice %arg3[%dma_start3A_977, %multiple_of3A_971] : memref<16x100000xf32, #tpu.memory_space<hbm>> -> memref<16x128xf32, #tpu.memory_space<hbm>>
    %dma_start3A_979 = arith.constant 0 : i32
    %dma_start3A_980 = arith.constant 0 : i32
    %dma_start3A_981 = tpu.memref_slice %arg7[%dma_start3A_972, %dma_start3A_979, %dma_start3A_980] : memref<16x16x128xf32, #tpu.memory_space<vmem>> -> memref<1x16x128xf32, #tpu.memory_space<vmem>>
    %dma_start3A_982 = tpu.memref_squeeze %dma_start3A_981 : memref<1x16x128xf32, #tpu.memory_space<vmem>> -> memref<16x128xf32, #tpu.memory_space<vmem>>
    %dma_start3A_983 = arith.constant 0 : i32
    %dma_start3A_984 = tpu.memref_slice %arg3[%dma_start3A_983, %multiple_of3A_971] : memref<16x100000xf32, #tpu.memory_space<hbm>> -> memref<16x128xf32, #tpu.memory_space<hbm>>
    tpu.enqueue_dma source(%dma_start3A_984 : memref<16x128xf32, #tpu.memory_space<hbm>>) target(%dma_start3A_982 : memref<16x128xf32, #tpu.memory_space<vmem>>) target_semaphore(%arg10 : memref<!tpu.dma_semaphore, #tpu.memory_space<semaphore_mem>>)
    %dma_start3A_985 = arith.constant 2 : i32
    %dma_start3A_986 = arith.constant 0 : i32
    %dma_start3A_987 = arith.constant 0 : i32
    %dma_start3A_988 = tpu.memref_slice %arg8[%dma_start3A_985, %dma_start3A_986, %dma_start3A_987] : memref<16x16x128xi32, #tpu.memory_space<vmem>> -> memref<1x16x128xi32, #tpu.memory_space<vmem>>
    %dma_start3A_989 = tpu.memref_squeeze %dma_start3A_988 : memref<1x16x128xi32, #tpu.memory_space<vmem>> -> memref<16x128xi32, #tpu.memory_space<vmem>>
    %dma_start3A_990 = arith.constant 0 : i32
    %dma_start3A_991 = tpu.memref_slice %arg4[%dma_start3A_990, %multiple_of3A_971] : memref<16x100000xi32, #tpu.memory_space<hbm>> -> memref<16x128xi32, #tpu.memory_space<hbm>>
    %dma_start3A_992 = arith.constant 0 : i32
    %dma_start3A_993 = arith.constant 0 : i32
    %dma_start3A_994 = tpu.memref_slice %arg8[%dma_start3A_985, %dma_start3A_992, %dma_start3A_993] : memref<16x16x128xi32, #tpu.memory_space<vmem>> -> memref<1x16x128xi32, #tpu.memory_space<vmem>>
    %dma_start3A_995 = tpu.memref_squeeze %dma_start3A_994 : memref<1x16x128xi32, #tpu.memory_space<vmem>> -> memref<16x128xi32, #tpu.memory_space<vmem>>
    %dma_start3A_996 = arith.constant 0 : i32
    %dma_start3A_997 = tpu.memref_slice %arg4[%dma_start3A_996, %multiple_of3A_971] : memref<16x100000xi32, #tpu.memory_space<hbm>> -> memref<16x128xi32, #tpu.memory_space<hbm>>
    tpu.enqueue_dma source(%dma_start3A_997 : memref<16x128xi32, #tpu.memory_space<hbm>>) target(%dma_start3A_995 : memref<16x128xi32, #tpu.memory_space<vmem>>) target_semaphore(%arg11 : memref<!tpu.dma_semaphore, #tpu.memory_space<semaphore_mem>>)
    %slice3A_998 = vector.extract_strided_slice %shift_left3A_910 {offsets = [3], sizes = [1], strides = [1]} : vector<16xi32> to vector<1xi32>
    %squeeze3A_999 = vector.extract %slice3A_998[0] : i32 from vector<1xi32>
    %multiple_of3A_1000 = tpu.assume_multiple %squeeze3A_999, 128 : i32
    %dma_start3A_1001 = arith.constant 3 : i32
    %dma_start3A_1002 = arith.constant 0 : i32
    %dma_start3A_1003 = arith.constant 0 : i32
    %dma_start3A_1004 = tpu.memref_slice %arg7[%dma_start3A_1001, %dma_start3A_1002, %dma_start3A_1003] : memref<16x16x128xf32, #tpu.memory_space<vmem>> -> memref<1x16x128xf32, #tpu.memory_space<vmem>>
    %dma_start3A_1005 = tpu.memref_squeeze %dma_start3A_1004 : memref<1x16x128xf32, #tpu.memory_space<vmem>> -> memref<16x128xf32, #tpu.memory_space<vmem>>
    %dma_start3A_1006 = arith.constant 0 : i32
    %dma_start3A_1007 = tpu.memref_slice %arg3[%dma_start3A_1006, %multiple_of3A_1000] : memref<16x100000xf32, #tpu.memory_space<hbm>> -> memref<16x128xf32, #tpu.memory_space<hbm>>
    %dma_start3A_1008 = arith.constant 0 : i32
    %dma_start3A_1009 = arith.constant 0 : i32
    %dma_start3A_1010 = tpu.memref_slice %arg7[%dma_start3A_1001, %dma_start3A_1008, %dma_start3A_1009] : memref<16x16x128xf32, #tpu.memory_space<vmem>> -> memref<1x16x128xf32, #tpu.memory_space<vmem>>
    %dma_start3A_1011 = tpu.memref_squeeze %dma_start3A_1010 : memref<1x16x128xf32, #tpu.memory_space<vmem>> -> memref<16x128xf32, #tpu.memory_space<vmem>>
    %dma_start3A_1012 = arith.constant 0 : i32
    %dma_start3A_1013 = tpu.memref_slice %arg3[%dma_start3A_1012, %multiple_of3A_1000] : memref<16x100000xf32, #tpu.memory_space<hbm>> -> memref<16x128xf32, #tpu.memory_space<hbm>>
    tpu.enqueue_dma source(%dma_start3A_1013 : memref<16x128xf32, #tpu.memory_space<hbm>>) target(%dma_start3A_1011 : memref<16x128xf32, #tpu.memory_space<vmem>>) target_semaphore(%arg10 : memref<!tpu.dma_semaphore, #tpu.memory_space<semaphore_mem>>)
    %dma_start3A_1014 = arith.constant 3 : i32
    %dma_start3A_1015 = arith.constant 0 : i32
    %dma_start3A_1016 = arith.constant 0 : i32
    %dma_start3A_1017 = tpu.memref_slice %arg8[%dma_start3A_1014, %dma_start3A_1015, %dma_start3A_1016] : memref<16x16x128xi32, #tpu.memory_space<vmem>> -> memref<1x16x128xi32, #tpu.memory_space<vmem>>
    %dma_start3A_1018 = tpu.memref_squeeze %dma_start3A_1017 : memref<1x16x128xi32, #tpu.memory_space<vmem>> -> memref<16x128xi32, #tpu.memory_space<vmem>>
    %dma_start3A_1019 = arith.constant 0 : i32
    %dma_start3A_1020 = tpu.memref_slice %arg4[%dma_start3A_1019, %multiple_of3A_1000] : memref<16x100000xi32, #tpu.memory_space<hbm>> -> memref<16x128xi32, #tpu.memory_space<hbm>>
    %dma_start3A_1021 = arith.constant 0 : i32
    %dma_start3A_1022 = arith.constant 0 : i32
    %dma_start3A_1023 = tpu.memref_slice %arg8[%dma_start3A_1014, %dma_start3A_1021, %dma_start3A_1022] : memref<16x16x128xi32, #tpu.memory_space<vmem>> -> memref<1x16x128xi32, #tpu.memory_space<vmem>>
    %dma_start3A_1024 = tpu.memref_squeeze %dma_start3A_1023 : memref<1x16x128xi32, #tpu.memory_space<vmem>> -> memref<16x128xi32, #tpu.memory_space<vmem>>
    %dma_start3A_1025 = arith.constant 0 : i32
    %dma_start3A_1026 = tpu.memref_slice %arg4[%dma_start3A_1025, %multiple_of3A_1000] : memref<16x100000xi32, #tpu.memory_space<hbm>> -> memref<16x128xi32, #tpu.memory_space<hbm>>
    tpu.enqueue_dma source(%dma_start3A_1026 : memref<16x128xi32, #tpu.memory_space<hbm>>) target(%dma_start3A_1024 : memref<16x128xi32, #tpu.memory_space<vmem>>) target_semaphore(%arg11 : memref<!tpu.dma_semaphore, #tpu.memory_space<semaphore_mem>>)
    %slice3A_1027 = vector.extract_strided_slice %shift_left3A_910 {offsets = [4], sizes = [1], strides = [1]} : vector<16xi32> to vector<1xi32>
    %squeeze3A_1028 = vector.extract %slice3A_1027[0] : i32 from vector<1xi32>
    %multiple_of3A_1029 = tpu.assume_multiple %squeeze3A_1028, 128 : i32
    %dma_start3A_1030 = arith.constant 4 : i32
    %dma_start3A_1031 = arith.constant 0 : i32
    %dma_start3A_1032 = arith.constant 0 : i32
    %dma_start3A_1033 = tpu.memref_slice %arg7[%dma_start3A_1030, %dma_start3A_1031, %dma_start3A_1032] : memref<16x16x128xf32, #tpu.memory_space<vmem>> -> memref<1x16x128xf32, #tpu.memory_space<vmem>>
    %dma_start3A_1034 = tpu.memref_squeeze %dma_start3A_1033 : memref<1x16x128xf32, #tpu.memory_space<vmem>> -> memref<16x128xf32, #tpu.memory_space<vmem>>
    %dma_start3A_1035 = arith.constant 0 : i32
    %dma_start3A_1036 = tpu.memref_slice %arg3[%dma_start3A_1035, %multiple_of3A_1029] : memref<16x100000xf32, #tpu.memory_space<hbm>> -> memref<16x128xf32, #tpu.memory_space<hbm>>
    %dma_start3A_1037 = arith.constant 0 : i32
    %dma_start3A_1038 = arith.constant 0 : i32
    %dma_start3A_1039 = tpu.memref_slice %arg7[%dma_start3A_1030, %dma_start3A_1037, %dma_start3A_1038] : memref<16x16x128xf32, #tpu.memory_space<vmem>> -> memref<1x16x128xf32, #tpu.memory_space<vmem>>
    %dma_start3A_1040 = tpu.memref_squeeze %dma_start3A_1039 : memref<1x16x128xf32, #tpu.memory_space<vmem>> -> memref<16x128xf32, #tpu.memory_space<vmem>>
    %dma_start3A_1041 = arith.constant 0 : i32
    %dma_start3A_1042 = tpu.memref_slice %arg3[%dma_start3A_1041, %multiple_of3A_1029] : memref<16x100000xf32, #tpu.memory_space<hbm>> -> memref<16x128xf32, #tpu.memory_space<hbm>>
    tpu.enqueue_dma source(%dma_start3A_1042 : memref<16x128xf32, #tpu.memory_space<hbm>>) target(%dma_start3A_1040 : memref<16x128xf32, #tpu.memory_space<vmem>>) target_semaphore(%arg10 : memref<!tpu.dma_semaphore, #tpu.memory_space<semaphore_mem>>)
    %dma_start3A_1043 = arith.constant 4 : i32
    %dma_start3A_1044 = arith.constant 0 : i32
    %dma_start3A_1045 = arith.constant 0 : i32
    %dma_start3A_1046 = tpu.memref_slice %arg8[%dma_start3A_1043, %dma_start3A_1044, %dma_start3A_1045] : memref<16x16x128xi32, #tpu.memory_space<vmem>> -> memref<1x16x128xi32, #tpu.memory_space<vmem>>
    %dma_start3A_1047 = tpu.memref_squeeze %dma_start3A_1046 : memref<1x16x128xi32, #tpu.memory_space<vmem>> -> memref<16x128xi32, #tpu.memory_space<vmem>>
    %dma_start3A_1048 = arith.constant 0 : i32
    %dma_start3A_1049 = tpu.memref_slice %arg4[%dma_start3A_1048, %multiple_of3A_1029] : memref<16x100000xi32, #tpu.memory_space<hbm>> -> memref<16x128xi32, #tpu.memory_space<hbm>>
    %dma_start3A_1050 = arith.constant 0 : i32
    %dma_start3A_1051 = arith.constant 0 : i32
    %dma_start3A_1052 = tpu.memref_slice %arg8[%dma_start3A_1043, %dma_start3A_1050, %dma_start3A_1051] : memref<16x16x128xi32, #tpu.memory_space<vmem>> -> memref<1x16x128xi32, #tpu.memory_space<vmem>>
    %dma_start3A_1053 = tpu.memref_squeeze %dma_start3A_1052 : memref<1x16x128xi32, #tpu.memory_space<vmem>> -> memref<16x128xi32, #tpu.memory_space<vmem>>
    %dma_start3A_1054 = arith.constant 0 : i32
    %dma_start3A_1055 = tpu.memref_slice %arg4[%dma_start3A_1054, %multiple_of3A_1029] : memref<16x100000xi32, #tpu.memory_space<hbm>> -> memref<16x128xi32, #tpu.memory_space<hbm>>
    tpu.enqueue_dma source(%dma_start3A_1055 : memref<16x128xi32, #tpu.memory_space<hbm>>) target(%dma_start3A_1053 : memref<16x128xi32, #tpu.memory_space<vmem>>) target_semaphore(%arg11 : memref<!tpu.dma_semaphore, #tpu.memory_space<semaphore_mem>>)
    %slice3A_1056 = vector.extract_strided_slice %shift_left3A_910 {offsets = [5], sizes = [1], strides = [1]} : vector<16xi32> to vector<1xi32>
    %squeeze3A_1057 = vector.extract %slice3A_1056[0] : i32 from vector<1xi32>
    %multiple_of3A_1058 = tpu.assume_multiple %squeeze3A_1057, 128 : i32
    %dma_start3A_1059 = arith.constant 5 : i32
    %dma_start3A_1060 = arith.constant 0 : i32
    %dma_start3A_1061 = arith.constant 0 : i32
    %dma_start3A_1062 = tpu.memref_slice %arg7[%dma_start3A_1059, %dma_start3A_1060, %dma_start3A_1061] : memref<16x16x128xf32, #tpu.memory_space<vmem>> -> memref<1x16x128xf32, #tpu.memory_space<vmem>>
    %dma_start3A_1063 = tpu.memref_squeeze %dma_start3A_1062 : memref<1x16x128xf32, #tpu.memory_space<vmem>> -> memref<16x128xf32, #tpu.memory_space<vmem>>
    %dma_start3A_1064 = arith.constant 0 : i32
    %dma_start3A_1065 = tpu.memref_slice %arg3[%dma_start3A_1064, %multiple_of3A_1058] : memref<16x100000xf32, #tpu.memory_space<hbm>> -> memref<16x128xf32, #tpu.memory_space<hbm>>
    %dma_start3A_1066 = arith.constant 0 : i32
    %dma_start3A_1067 = arith.constant 0 : i32
    %dma_start3A_1068 = tpu.memref_slice %arg7[%dma_start3A_1059, %dma_start3A_1066, %dma_start3A_1067] : memref<16x16x128xf32, #tpu.memory_space<vmem>> -> memref<1x16x128xf32, #tpu.memory_space<vmem>>
    %dma_start3A_1069 = tpu.memref_squeeze %dma_start3A_1068 : memref<1x16x128xf32, #tpu.memory_space<vmem>> -> memref<16x128xf32, #tpu.memory_space<vmem>>
    %dma_start3A_1070 = arith.constant 0 : i32
    %dma_start3A_1071 = tpu.memref_slice %arg3[%dma_start3A_1070, %multiple_of3A_1058] : memref<16x100000xf32, #tpu.memory_space<hbm>> -> memref<16x128xf32, #tpu.memory_space<hbm>>
    tpu.enqueue_dma source(%dma_start3A_1071 : memref<16x128xf32, #tpu.memory_space<hbm>>) target(%dma_start3A_1069 : memref<16x128xf32, #tpu.memory_space<vmem>>) target_semaphore(%arg10 : memref<!tpu.dma_semaphore, #tpu.memory_space<semaphore_mem>>)
    %dma_start3A_1072 = arith.constant 5 : i32
    %dma_start3A_1073 = arith.constant 0 : i32
    %dma_start3A_1074 = arith.constant 0 : i32
    %dma_start3A_1075 = tpu.memref_slice %arg8[%dma_start3A_1072, %dma_start3A_1073, %dma_start3A_1074] : memref<16x16x128xi32, #tpu.memory_space<vmem>> -> memref<1x16x128xi32, #tpu.memory_space<vmem>>
    %dma_start3A_1076 = tpu.memref_squeeze %dma_start3A_1075 : memref<1x16x128xi32, #tpu.memory_space<vmem>> -> memref<16x128xi32, #tpu.memory_space<vmem>>
    %dma_start3A_1077 = arith.constant 0 : i32
    %dma_start3A_1078 = tpu.memref_slice %arg4[%dma_start3A_1077, %multiple_of3A_1058] : memref<16x100000xi32, #tpu.memory_space<hbm>> -> memref<16x128xi32, #tpu.memory_space<hbm>>
    %dma_start3A_1079 = arith.constant 0 : i32
    %dma_start3A_1080 = arith.constant 0 : i32
    %dma_start3A_1081 = tpu.memref_slice %arg8[%dma_start3A_1072, %dma_start3A_1079, %dma_start3A_1080] : memref<16x16x128xi32, #tpu.memory_space<vmem>> -> memref<1x16x128xi32, #tpu.memory_space<vmem>>
    %dma_start3A_1082 = tpu.memref_squeeze %dma_start3A_1081 : memref<1x16x128xi32, #tpu.memory_space<vmem>> -> memref<16x128xi32, #tpu.memory_space<vmem>>
    %dma_start3A_1083 = arith.constant 0 : i32
    %dma_start3A_1084 = tpu.memref_slice %arg4[%dma_start3A_1083, %multiple_of3A_1058] : memref<16x100000xi32, #tpu.memory_space<hbm>> -> memref<16x128xi32, #tpu.memory_space<hbm>>
    tpu.enqueue_dma source(%dma_start3A_1084 : memref<16x128xi32, #tpu.memory_space<hbm>>) target(%dma_start3A_1082 : memref<16x128xi32, #tpu.memory_space<vmem>>) target_semaphore(%arg11 : memref<!tpu.dma_semaphore, #tpu.memory_space<semaphore_mem>>)
    %slice3A_1085 = vector.extract_strided_slice %shift_left3A_910 {offsets = [6], sizes = [1], strides = [1]} : vector<16xi32> to vector<1xi32>
    %squeeze3A_1086 = vector.extract %slice3A_1085[0] : i32 from vector<1xi32>
    %multiple_of3A_1087 = tpu.assume_multiple %squeeze3A_1086, 128 : i32
    %dma_start3A_1088 = arith.constant 6 : i32
    %dma_start3A_1089 = arith.constant 0 : i32
    %dma_start3A_1090 = arith.constant 0 : i32
    %dma_start3A_1091 = tpu.memref_slice %arg7[%dma_start3A_1088, %dma_start3A_1089, %dma_start3A_1090] : memref<16x16x128xf32, #tpu.memory_space<vmem>> -> memref<1x16x128xf32, #tpu.memory_space<vmem>>
    %dma_start3A_1092 = tpu.memref_squeeze %dma_start3A_1091 : memref<1x16x128xf32, #tpu.memory_space<vmem>> -> memref<16x128xf32, #tpu.memory_space<vmem>>
    %dma_start3A_1093 = arith.constant 0 : i32
    %dma_start3A_1094 = tpu.memref_slice %arg3[%dma_start3A_1093, %multiple_of3A_1087] : memref<16x100000xf32, #tpu.memory_space<hbm>> -> memref<16x128xf32, #tpu.memory_space<hbm>>
    %dma_start3A_1095 = arith.constant 0 : i32
    %dma_start3A_1096 = arith.constant 0 : i32
    %dma_start3A_1097 = tpu.memref_slice %arg7[%dma_start3A_1088, %dma_start3A_1095, %dma_start3A_1096] : memref<16x16x128xf32, #tpu.memory_space<vmem>> -> memref<1x16x128xf32, #tpu.memory_space<vmem>>
    %dma_start3A_1098 = tpu.memref_squeeze %dma_start3A_1097 : memref<1x16x128xf32, #tpu.memory_space<vmem>> -> memref<16x128xf32, #tpu.memory_space<vmem>>
    %dma_start3A_1099 = arith.constant 0 : i32
    %dma_start3A_1100 = tpu.memref_slice %arg3[%dma_start3A_1099, %multiple_of3A_1087] : memref<16x100000xf32, #tpu.memory_space<hbm>> -> memref<16x128xf32, #tpu.memory_space<hbm>>
    tpu.enqueue_dma source(%dma_start3A_1100 : memref<16x128xf32, #tpu.memory_space<hbm>>) target(%dma_start3A_1098 : memref<16x128xf32, #tpu.memory_space<vmem>>) target_semaphore(%arg10 : memref<!tpu.dma_semaphore, #tpu.memory_space<semaphore_mem>>)
    %dma_start3A_1101 = arith.constant 6 : i32
    %dma_start3A_1102 = arith.constant 0 : i32
    %dma_start3A_1103 = arith.constant 0 : i32
    %dma_start3A_1104 = tpu.memref_slice %arg8[%dma_start3A_1101, %dma_start3A_1102, %dma_start3A_1103] : memref<16x16x128xi32, #tpu.memory_space<vmem>> -> memref<1x16x128xi32, #tpu.memory_space<vmem>>
    %dma_start3A_1105 = tpu.memref_squeeze %dma_start3A_1104 : memref<1x16x128xi32, #tpu.memory_space<vmem>> -> memref<16x128xi32, #tpu.memory_space<vmem>>
    %dma_start3A_1106 = arith.constant 0 : i32
    %dma_start3A_1107 = tpu.memref_slice %arg4[%dma_start3A_1106, %multiple_of3A_1087] : memref<16x100000xi32, #tpu.memory_space<hbm>> -> memref<16x128xi32, #tpu.memory_space<hbm>>
    %dma_start3A_1108 = arith.constant 0 : i32
    %dma_start3A_1109 = arith.constant 0 : i32
    %dma_start3A_1110 = tpu.memref_slice %arg8[%dma_start3A_1101, %dma_start3A_1108, %dma_start3A_1109] : memref<16x16x128xi32, #tpu.memory_space<vmem>> -> memref<1x16x128xi32, #tpu.memory_space<vmem>>
    %dma_start3A_1111 = tpu.memref_squeeze %dma_start3A_1110 : memref<1x16x128xi32, #tpu.memory_space<vmem>> -> memref<16x128xi32, #tpu.memory_space<vmem>>
    %dma_start3A_1112 = arith.constant 0 : i32
    %dma_start3A_1113 = tpu.memref_slice %arg4[%dma_start3A_1112, %multiple_of3A_1087] : memref<16x100000xi32, #tpu.memory_space<hbm>> -> memref<16x128xi32, #tpu.memory_space<hbm>>
    tpu.enqueue_dma source(%dma_start3A_1113 : memref<16x128xi32, #tpu.memory_space<hbm>>) target(%dma_start3A_1111 : memref<16x128xi32, #tpu.memory_space<vmem>>) target_semaphore(%arg11 : memref<!tpu.dma_semaphore, #tpu.memory_space<semaphore_mem>>)
    %slice3A_1114 = vector.extract_strided_slice %shift_left3A_910 {offsets = [7], sizes = [1], strides = [1]} : vector<16xi32> to vector<1xi32>
    %squeeze3A_1115 = vector.extract %slice3A_1114[0] : i32 from vector<1xi32>
    %multiple_of3A_1116 = tpu.assume_multiple %squeeze3A_1115, 128 : i32
    %dma_start3A_1117 = arith.constant 7 : i32
    %dma_start3A_1118 = arith.constant 0 : i32
    %dma_start3A_1119 = arith.constant 0 : i32
    %dma_start3A_1120 = tpu.memref_slice %arg7[%dma_start3A_1117, %dma_start3A_1118, %dma_start3A_1119] : memref<16x16x128xf32, #tpu.memory_space<vmem>> -> memref<1x16x128xf32, #tpu.memory_space<vmem>>
    %dma_start3A_1121 = tpu.memref_squeeze %dma_start3A_1120 : memref<1x16x128xf32, #tpu.memory_space<vmem>> -> memref<16x128xf32, #tpu.memory_space<vmem>>
    %dma_start3A_1122 = arith.constant 0 : i32
    %dma_start3A_1123 = tpu.memref_slice %arg3[%dma_start3A_1122, %multiple_of3A_1116] : memref<16x100000xf32, #tpu.memory_space<hbm>> -> memref<16x128xf32, #tpu.memory_space<hbm>>
    %dma_start3A_1124 = arith.constant 0 : i32
    %dma_start3A_1125 = arith.constant 0 : i32
    %dma_start3A_1126 = tpu.memref_slice %arg7[%dma_start3A_1117, %dma_start3A_1124, %dma_start3A_1125] : memref<16x16x128xf32, #tpu.memory_space<vmem>> -> memref<1x16x128xf32, #tpu.memory_space<vmem>>
    %dma_start3A_1127 = tpu.memref_squeeze %dma_start3A_1126 : memref<1x16x128xf32, #tpu.memory_space<vmem>> -> memref<16x128xf32, #tpu.memory_space<vmem>>
    %dma_start3A_1128 = arith.constant 0 : i32
    %dma_start3A_1129 = tpu.memref_slice %arg3[%dma_start3A_1128, %multiple_of3A_1116] : memref<16x100000xf32, #tpu.memory_space<hbm>> -> memref<16x128xf32, #tpu.memory_space<hbm>>
    tpu.enqueue_dma source(%dma_start3A_1129 : memref<16x128xf32, #tpu.memory_space<hbm>>) target(%dma_start3A_1127 : memref<16x128xf32, #tpu.memory_space<vmem>>) target_semaphore(%arg10 : memref<!tpu.dma_semaphore, #tpu.memory_space<semaphore_mem>>)
    %dma_start3A_1130 = arith.constant 7 : i32
    %dma_start3A_1131 = arith.constant 0 : i32
    %dma_start3A_1132 = arith.constant 0 : i32
    %dma_start3A_1133 = tpu.memref_slice %arg8[%dma_start3A_1130, %dma_start3A_1131, %dma_start3A_1132] : memref<16x16x128xi32, #tpu.memory_space<vmem>> -> memref<1x16x128xi32, #tpu.memory_space<vmem>>
    %dma_start3A_1134 = tpu.memref_squeeze %dma_start3A_1133 : memref<1x16x128xi32, #tpu.memory_space<vmem>> -> memref<16x128xi32, #tpu.memory_space<vmem>>
    %dma_start3A_1135 = arith.constant 0 : i32
    %dma_start3A_1136 = tpu.memref_slice %arg4[%dma_start3A_1135, %multiple_of3A_1116] : memref<16x100000xi32, #tpu.memory_space<hbm>> -> memref<16x128xi32, #tpu.memory_space<hbm>>
    %dma_start3A_1137 = arith.constant 0 : i32
    %dma_start3A_1138 = arith.constant 0 : i32
    %dma_start3A_1139 = tpu.memref_slice %arg8[%dma_start3A_1130, %dma_start3A_1137, %dma_start3A_1138] : memref<16x16x128xi32, #tpu.memory_space<vmem>> -> memref<1x16x128xi32, #tpu.memory_space<vmem>>
    %dma_start3A_1140 = tpu.memref_squeeze %dma_start3A_1139 : memref<1x16x128xi32, #tpu.memory_space<vmem>> -> memref<16x128xi32, #tpu.memory_space<vmem>>
    %dma_start3A_1141 = arith.constant 0 : i32
    %dma_start3A_1142 = tpu.memref_slice %arg4[%dma_start3A_1141, %multiple_of3A_1116] : memref<16x100000xi32, #tpu.memory_space<hbm>> -> memref<16x128xi32, #tpu.memory_space<hbm>>
    tpu.enqueue_dma source(%dma_start3A_1142 : memref<16x128xi32, #tpu.memory_space<hbm>>) target(%dma_start3A_1140 : memref<16x128xi32, #tpu.memory_space<vmem>>) target_semaphore(%arg11 : memref<!tpu.dma_semaphore, #tpu.memory_space<semaphore_mem>>)
    %slice3A_1143 = vector.extract_strided_slice %shift_left3A_910 {offsets = [8], sizes = [1], strides = [1]} : vector<16xi32> to vector<1xi32>
    %squeeze3A_1144 = vector.extract %slice3A_1143[0] : i32 from vector<1xi32>
    %multiple_of3A_1145 = tpu.assume_multiple %squeeze3A_1144, 128 : i32
    %dma_start3A_1146 = arith.constant 8 : i32
    %dma_start3A_1147 = arith.constant 0 : i32
    %dma_start3A_1148 = arith.constant 0 : i32
    %dma_start3A_1149 = tpu.memref_slice %arg7[%dma_start3A_1146, %dma_start3A_1147, %dma_start3A_1148] : memref<16x16x128xf32, #tpu.memory_space<vmem>> -> memref<1x16x128xf32, #tpu.memory_space<vmem>>
    %dma_start3A_1150 = tpu.memref_squeeze %dma_start3A_1149 : memref<1x16x128xf32, #tpu.memory_space<vmem>> -> memref<16x128xf32, #tpu.memory_space<vmem>>
    %dma_start3A_1151 = arith.constant 0 : i32
    %dma_start3A_1152 = tpu.memref_slice %arg3[%dma_start3A_1151, %multiple_of3A_1145] : memref<16x100000xf32, #tpu.memory_space<hbm>> -> memref<16x128xf32, #tpu.memory_space<hbm>>
    %dma_start3A_1153 = arith.constant 0 : i32
    %dma_start3A_1154 = arith.constant 0 : i32
    %dma_start3A_1155 = tpu.memref_slice %arg7[%dma_start3A_1146, %dma_start3A_1153, %dma_start3A_1154] : memref<16x16x128xf32, #tpu.memory_space<vmem>> -> memref<1x16x128xf32, #tpu.memory_space<vmem>>
    %dma_start3A_1156 = tpu.memref_squeeze %dma_start3A_1155 : memref<1x16x128xf32, #tpu.memory_space<vmem>> -> memref<16x128xf32, #tpu.memory_space<vmem>>
    %dma_start3A_1157 = arith.constant 0 : i32
    %dma_start3A_1158 = tpu.memref_slice %arg3[%dma_start3A_1157, %multiple_of3A_1145] : memref<16x100000xf32, #tpu.memory_space<hbm>> -> memref<16x128xf32, #tpu.memory_space<hbm>>
    tpu.enqueue_dma source(%dma_start3A_1158 : memref<16x128xf32, #tpu.memory_space<hbm>>) target(%dma_start3A_1156 : memref<16x128xf32, #tpu.memory_space<vmem>>) target_semaphore(%arg10 : memref<!tpu.dma_semaphore, #tpu.memory_space<semaphore_mem>>)
    %dma_start3A_1159 = arith.constant 8 : i32
    %dma_start3A_1160 = arith.constant 0 : i32
    %dma_start3A_1161 = arith.constant 0 : i32
    %dma_start3A_1162 = tpu.memref_slice %arg8[%dma_start3A_1159, %dma_start3A_1160, %dma_start3A_1161] : memref<16x16x128xi32, #tpu.memory_space<vmem>> -> memref<1x16x128xi32, #tpu.memory_space<vmem>>
    %dma_start3A_1163 = tpu.memref_squeeze %dma_start3A_1162 : memref<1x16x128xi32, #tpu.memory_space<vmem>> -> memref<16x128xi32, #tpu.memory_space<vmem>>
    %dma_start3A_1164 = arith.constant 0 : i32
    %dma_start3A_1165 = tpu.memref_slice %arg4[%dma_start3A_1164, %multiple_of3A_1145] : memref<16x100000xi32, #tpu.memory_space<hbm>> -> memref<16x128xi32, #tpu.memory_space<hbm>>
    %dma_start3A_1166 = arith.constant 0 : i32
    %dma_start3A_1167 = arith.constant 0 : i32
    %dma_start3A_1168 = tpu.memref_slice %arg8[%dma_start3A_1159, %dma_start3A_1166, %dma_start3A_1167] : memref<16x16x128xi32, #tpu.memory_space<vmem>> -> memref<1x16x128xi32, #tpu.memory_space<vmem>>
    %dma_start3A_1169 = tpu.memref_squeeze %dma_start3A_1168 : memref<1x16x128xi32, #tpu.memory_space<vmem>> -> memref<16x128xi32, #tpu.memory_space<vmem>>
    %dma_start3A_1170 = arith.constant 0 : i32
    %dma_start3A_1171 = tpu.memref_slice %arg4[%dma_start3A_1170, %multiple_of3A_1145] : memref<16x100000xi32, #tpu.memory_space<hbm>> -> memref<16x128xi32, #tpu.memory_space<hbm>>
    tpu.enqueue_dma source(%dma_start3A_1171 : memref<16x128xi32, #tpu.memory_space<hbm>>) target(%dma_start3A_1169 : memref<16x128xi32, #tpu.memory_space<vmem>>) target_semaphore(%arg11 : memref<!tpu.dma_semaphore, #tpu.memory_space<semaphore_mem>>)
    %slice3A_1172 = vector.extract_strided_slice %shift_left3A_910 {offsets = [9], sizes = [1], strides = [1]} : vector<16xi32> to vector<1xi32>
    %squeeze3A_1173 = vector.extract %slice3A_1172[0] : i32 from vector<1xi32>
    %multiple_of3A_1174 = tpu.assume_multiple %squeeze3A_1173, 128 : i32
    %dma_start3A_1175 = arith.constant 9 : i32
    %dma_start3A_1176 = arith.constant 0 : i32
    %dma_start3A_1177 = arith.constant 0 : i32
    %dma_start3A_1178 = tpu.memref_slice %arg7[%dma_start3A_1175, %dma_start3A_1176, %dma_start3A_1177] : memref<16x16x128xf32, #tpu.memory_space<vmem>> -> memref<1x16x128xf32, #tpu.memory_space<vmem>>
    %dma_start3A_1179 = tpu.memref_squeeze %dma_start3A_1178 : memref<1x16x128xf32, #tpu.memory_space<vmem>> -> memref<16x128xf32, #tpu.memory_space<vmem>>
    %dma_start3A_1180 = arith.constant 0 : i32
    %dma_start3A_1181 = tpu.memref_slice %arg3[%dma_start3A_1180, %multiple_of3A_1174] : memref<16x100000xf32, #tpu.memory_space<hbm>> -> memref<16x128xf32, #tpu.memory_space<hbm>>
    %dma_start3A_1182 = arith.constant 0 : i32
    %dma_start3A_1183 = arith.constant 0 : i32
    %dma_start3A_1184 = tpu.memref_slice %arg7[%dma_start3A_1175, %dma_start3A_1182, %dma_start3A_1183] : memref<16x16x128xf32, #tpu.memory_space<vmem>> -> memref<1x16x128xf32, #tpu.memory_space<vmem>>
    %dma_start3A_1185 = tpu.memref_squeeze %dma_start3A_1184 : memref<1x16x128xf32, #tpu.memory_space<vmem>> -> memref<16x128xf32, #tpu.memory_space<vmem>>
    %dma_start3A_1186 = arith.constant 0 : i32
    %dma_start3A_1187 = tpu.memref_slice %arg3[%dma_start3A_1186, %multiple_of3A_1174] : memref<16x100000xf32, #tpu.memory_space<hbm>> -> memref<16x128xf32, #tpu.memory_space<hbm>>
    tpu.enqueue_dma source(%dma_start3A_1187 : memref<16x128xf32, #tpu.memory_space<hbm>>) target(%dma_start3A_1185 : memref<16x128xf32, #tpu.memory_space<vmem>>) target_semaphore(%arg10 : memref<!tpu.dma_semaphore, #tpu.memory_space<semaphore_mem>>)
    %dma_start3A_1188 = arith.constant 9 : i32
    %dma_start3A_1189 = arith.constant 0 : i32
    %dma_start3A_1190 = arith.constant 0 : i32
    %dma_start3A_1191 = tpu.memref_slice %arg8[%dma_start3A_1188, %dma_start3A_1189, %dma_start3A_1190] : memref<16x16x128xi32, #tpu.memory_space<vmem>> -> memref<1x16x128xi32, #tpu.memory_space<vmem>>
    %dma_start3A_1192 = tpu.memref_squeeze %dma_start3A_1191 : memref<1x16x128xi32, #tpu.memory_space<vmem>> -> memref<16x128xi32, #tpu.memory_space<vmem>>
    %dma_start3A_1193 = arith.constant 0 : i32
    %dma_start3A_1194 = tpu.memref_slice %arg4[%dma_start3A_1193, %multiple_of3A_1174] : memref<16x100000xi32, #tpu.memory_space<hbm>> -> memref<16x128xi32, #tpu.memory_space<hbm>>
    %dma_start3A_1195 = arith.constant 0 : i32
    %dma_start3A_1196 = arith.constant 0 : i32
    %dma_start3A_1197 = tpu.memref_slice %arg8[%dma_start3A_1188, %dma_start3A_1195, %dma_start3A_1196] : memref<16x16x128xi32, #tpu.memory_space<vmem>> -> memref<1x16x128xi32, #tpu.memory_space<vmem>>
    %dma_start3A_1198 = tpu.memref_squeeze %dma_start3A_1197 : memref<1x16x128xi32, #tpu.memory_space<vmem>> -> memref<16x128xi32, #tpu.memory_space<vmem>>
    %dma_start3A_1199 = arith.constant 0 : i32
    %dma_start3A_1200 = tpu.memref_slice %arg4[%dma_start3A_1199, %multiple_of3A_1174] : memref<16x100000xi32, #tpu.memory_space<hbm>> -> memref<16x128xi32, #tpu.memory_space<hbm>>
    tpu.enqueue_dma source(%dma_start3A_1200 : memref<16x128xi32, #tpu.memory_space<hbm>>) target(%dma_start3A_1198 : memref<16x128xi32, #tpu.memory_space<vmem>>) target_semaphore(%arg11 : memref<!tpu.dma_semaphore, #tpu.memory_space<semaphore_mem>>)
    %slice3A_1201 = vector.extract_strided_slice %shift_left3A_910 {offsets = [10], sizes = [1], strides = [1]} : vector<16xi32> to vector<1xi32>
    %squeeze3A_1202 = vector.extract %slice3A_1201[0] : i32 from vector<1xi32>
    %multiple_of3A_1203 = tpu.assume_multiple %squeeze3A_1202, 128 : i32
    %dma_start3A_1204 = arith.constant 10 : i32
    %dma_start3A_1205 = arith.constant 0 : i32
    %dma_start3A_1206 = arith.constant 0 : i32
    %dma_start3A_1207 = tpu.memref_slice %arg7[%dma_start3A_1204, %dma_start3A_1205, %dma_start3A_1206] : memref<16x16x128xf32, #tpu.memory_space<vmem>> -> memref<1x16x128xf32, #tpu.memory_space<vmem>>
    %dma_start3A_1208 = tpu.memref_squeeze %dma_start3A_1207 : memref<1x16x128xf32, #tpu.memory_space<vmem>> -> memref<16x128xf32, #tpu.memory_space<vmem>>
    %dma_start3A_1209 = arith.constant 0 : i32
    %dma_start3A_1210 = tpu.memref_slice %arg3[%dma_start3A_1209, %multiple_of3A_1203] : memref<16x100000xf32, #tpu.memory_space<hbm>> -> memref<16x128xf32, #tpu.memory_space<hbm>>
    %dma_start3A_1211 = arith.constant 0 : i32
    %dma_start3A_1212 = arith.constant 0 : i32
    %dma_start3A_1213 = tpu.memref_slice %arg7[%dma_start3A_1204, %dma_start3A_1211, %dma_start3A_1212] : memref<16x16x128xf32, #tpu.memory_space<vmem>> -> memref<1x16x128xf32, #tpu.memory_space<vmem>>
    %dma_start3A_1214 = tpu.memref_squeeze %dma_start3A_1213 : memref<1x16x128xf32, #tpu.memory_space<vmem>> -> memref<16x128xf32, #tpu.memory_space<vmem>>
    %dma_start3A_1215 = arith.constant 0 : i32
    %dma_start3A_1216 = tpu.memref_slice %arg3[%dma_start3A_1215, %multiple_of3A_1203] : memref<16x100000xf32, #tpu.memory_space<hbm>> -> memref<16x128xf32, #tpu.memory_space<hbm>>
    tpu.enqueue_dma source(%dma_start3A_1216 : memref<16x128xf32, #tpu.memory_space<hbm>>) target(%dma_start3A_1214 : memref<16x128xf32, #tpu.memory_space<vmem>>) target_semaphore(%arg10 : memref<!tpu.dma_semaphore, #tpu.memory_space<semaphore_mem>>)
    %dma_start3A_1217 = arith.constant 10 : i32
    %dma_start3A_1218 = arith.constant 0 : i32
    %dma_start3A_1219 = arith.constant 0 : i32
    %dma_start3A_1220 = tpu.memref_slice %arg8[%dma_start3A_1217, %dma_start3A_1218, %dma_start3A_1219] : memref<16x16x128xi32, #tpu.memory_space<vmem>> -> memref<1x16x128xi32, #tpu.memory_space<vmem>>
    %dma_start3A_1221 = tpu.memref_squeeze %dma_start3A_1220 : memref<1x16x128xi32, #tpu.memory_space<vmem>> -> memref<16x128xi32, #tpu.memory_space<vmem>>
    %dma_start3A_1222 = arith.constant 0 : i32
    %dma_start3A_1223 = tpu.memref_slice %arg4[%dma_start3A_1222, %multiple_of3A_1203] : memref<16x100000xi32, #tpu.memory_space<hbm>> -> memref<16x128xi32, #tpu.memory_space<hbm>>
    %dma_start3A_1224 = arith.constant 0 : i32
    %dma_start3A_1225 = arith.constant 0 : i32
    %dma_start3A_1226 = tpu.memref_slice %arg8[%dma_start3A_1217, %dma_start3A_1224, %dma_start3A_1225] : memref<16x16x128xi32, #tpu.memory_space<vmem>> -> memref<1x16x128xi32, #tpu.memory_space<vmem>>
    %dma_start3A_1227 = tpu.memref_squeeze %dma_start3A_1226 : memref<1x16x128xi32, #tpu.memory_space<vmem>> -> memref<16x128xi32, #tpu.memory_space<vmem>>
    %dma_start3A_1228 = arith.constant 0 : i32
    %dma_start3A_1229 = tpu.memref_slice %arg4[%dma_start3A_1228, %multiple_of3A_1203] : memref<16x100000xi32, #tpu.memory_space<hbm>> -> memref<16x128xi32, #tpu.memory_space<hbm>>
    tpu.enqueue_dma source(%dma_start3A_1229 : memref<16x128xi32, #tpu.memory_space<hbm>>) target(%dma_start3A_1227 : memref<16x128xi32, #tpu.memory_space<vmem>>) target_semaphore(%arg11 : memref<!tpu.dma_semaphore, #tpu.memory_space<semaphore_mem>>)
    %slice3A_1230 = vector.extract_strided_slice %shift_left3A_910 {offsets = [11], sizes = [1], strides = [1]} : vector<16xi32> to vector<1xi32>
    %squeeze3A_1231 = vector.extract %slice3A_1230[0] : i32 from vector<1xi32>
    %multiple_of3A_1232 = tpu.assume_multiple %squeeze3A_1231, 128 : i32
    %dma_start3A_1233 = arith.constant 11 : i32
    %dma_start3A_1234 = arith.constant 0 : i32
    %dma_start3A_1235 = arith.constant 0 : i32
    %dma_start3A_1236 = tpu.memref_slice %arg7[%dma_start3A_1233, %dma_start3A_1234, %dma_start3A_1235] : memref<16x16x128xf32, #tpu.memory_space<vmem>> -> memref<1x16x128xf32, #tpu.memory_space<vmem>>
    %dma_start3A_1237 = tpu.memref_squeeze %dma_start3A_1236 : memref<1x16x128xf32, #tpu.memory_space<vmem>> -> memref<16x128xf32, #tpu.memory_space<vmem>>
    %dma_start3A_1238 = arith.constant 0 : i32
    %dma_start3A_1239 = tpu.memref_slice %arg3[%dma_start3A_1238, %multiple_of3A_1232] : memref<16x100000xf32, #tpu.memory_space<hbm>> -> memref<16x128xf32, #tpu.memory_space<hbm>>
    %dma_start3A_1240 = arith.constant 0 : i32
    %dma_start3A_1241 = arith.constant 0 : i32
    %dma_start3A_1242 = tpu.memref_slice %arg7[%dma_start3A_1233, %dma_start3A_1240, %dma_start3A_1241] : memref<16x16x128xf32, #tpu.memory_space<vmem>> -> memref<1x16x128xf32, #tpu.memory_space<vmem>>
    %dma_start3A_1243 = tpu.memref_squeeze %dma_start3A_1242 : memref<1x16x128xf32, #tpu.memory_space<vmem>> -> memref<16x128xf32, #tpu.memory_space<vmem>>
    %dma_start3A_1244 = arith.constant 0 : i32
    %dma_start3A_1245 = tpu.memref_slice %arg3[%dma_start3A_1244, %multiple_of3A_1232] : memref<16x100000xf32, #tpu.memory_space<hbm>> -> memref<16x128xf32, #tpu.memory_space<hbm>>
    tpu.enqueue_dma source(%dma_start3A_1245 : memref<16x128xf32, #tpu.memory_space<hbm>>) target(%dma_start3A_1243 : memref<16x128xf32, #tpu.memory_space<vmem>>) target_semaphore(%arg10 : memref<!tpu.dma_semaphore, #tpu.memory_space<semaphore_mem>>)
    %dma_start3A_1246 = arith.constant 11 : i32
    %dma_start3A_1247 = arith.constant 0 : i32
    %dma_start3A_1248 = arith.constant 0 : i32
    %dma_start3A_1249 = tpu.memref_slice %arg8[%dma_start3A_1246, %dma_start3A_1247, %dma_start3A_1248] : memref<16x16x128xi32, #tpu.memory_space<vmem>> -> memref<1x16x128xi32, #tpu.memory_space<vmem>>
    %dma_start3A_1250 = tpu.memref_squeeze %dma_start3A_1249 : memref<1x16x128xi32, #tpu.memory_space<vmem>> -> memref<16x128xi32, #tpu.memory_space<vmem>>
    %dma_start3A_1251 = arith.constant 0 : i32
    %dma_start3A_1252 = tpu.memref_slice %arg4[%dma_start3A_1251, %multiple_of3A_1232] : memref<16x100000xi32, #tpu.memory_space<hbm>> -> memref<16x128xi32, #tpu.memory_space<hbm>>
    %dma_start3A_1253 = arith.constant 0 : i32
    %dma_start3A_1254 = arith.constant 0 : i32
    %dma_start3A_1255 = tpu.memref_slice %arg8[%dma_start3A_1246, %dma_start3A_1253, %dma_start3A_1254] : memref<16x16x128xi32, #tpu.memory_space<vmem>> -> memref<1x16x128xi32, #tpu.memory_space<vmem>>
    %dma_start3A_1256 = tpu.memref_squeeze %dma_start3A_1255 : memref<1x16x128xi32, #tpu.memory_space<vmem>> -> memref<16x128xi32, #tpu.memory_space<vmem>>
    %dma_start3A_1257 = arith.constant 0 : i32
    %dma_start3A_1258 = tpu.memref_slice %arg4[%dma_start3A_1257, %multiple_of3A_1232] : memref<16x100000xi32, #tpu.memory_space<hbm>> -> memref<16x128xi32, #tpu.memory_space<hbm>>
    tpu.enqueue_dma source(%dma_start3A_1258 : memref<16x128xi32, #tpu.memory_space<hbm>>) target(%dma_start3A_1256 : memref<16x128xi32, #tpu.memory_space<vmem>>) target_semaphore(%arg11 : memref<!tpu.dma_semaphore, #tpu.memory_space<semaphore_mem>>)
    %slice3A_1259 = vector.extract_strided_slice %shift_left3A_910 {offsets = [12], sizes = [1], strides = [1]} : vector<16xi32> to vector<1xi32>
    %squeeze3A_1260 = vector.extract %slice3A_1259[0] : i32 from vector<1xi32>
    %multiple_of3A_1261 = tpu.assume_multiple %squeeze3A_1260, 128 : i32
    %dma_start3A_1262 = arith.constant 12 : i32
    %dma_start3A_1263 = arith.constant 0 : i32
    %dma_start3A_1264 = arith.constant 0 : i32
    %dma_start3A_1265 = tpu.memref_slice %arg7[%dma_start3A_1262, %dma_start3A_1263, %dma_start3A_1264] : memref<16x16x128xf32, #tpu.memory_space<vmem>> -> memref<1x16x128xf32, #tpu.memory_space<vmem>>
    %dma_start3A_1266 = tpu.memref_squeeze %dma_start3A_1265 : memref<1x16x128xf32, #tpu.memory_space<vmem>> -> memref<16x128xf32, #tpu.memory_space<vmem>>
    %dma_start3A_1267 = arith.constant 0 : i32
    %dma_start3A_1268 = tpu.memref_slice %arg3[%dma_start3A_1267, %multiple_of3A_1261] : memref<16x100000xf32, #tpu.memory_space<hbm>> -> memref<16x128xf32, #tpu.memory_space<hbm>>
    %dma_start3A_1269 = arith.constant 0 : i32
    %dma_start3A_1270 = arith.constant 0 : i32
    %dma_start3A_1271 = tpu.memref_slice %arg7[%dma_start3A_1262, %dma_start3A_1269, %dma_start3A_1270] : memref<16x16x128xf32, #tpu.memory_space<vmem>> -> memref<1x16x128xf32, #tpu.memory_space<vmem>>
    %dma_start3A_1272 = tpu.memref_squeeze %dma_start3A_1271 : memref<1x16x128xf32, #tpu.memory_space<vmem>> -> memref<16x128xf32, #tpu.memory_space<vmem>>
    %dma_start3A_1273 = arith.constant 0 : i32
    %dma_start3A_1274 = tpu.memref_slice %arg3[%dma_start3A_1273, %multiple_of3A_1261] : memref<16x100000xf32, #tpu.memory_space<hbm>> -> memref<16x128xf32, #tpu.memory_space<hbm>>
    tpu.enqueue_dma source(%dma_start3A_1274 : memref<16x128xf32, #tpu.memory_space<hbm>>) target(%dma_start3A_1272 : memref<16x128xf32, #tpu.memory_space<vmem>>) target_semaphore(%arg10 : memref<!tpu.dma_semaphore, #tpu.memory_space<semaphore_mem>>)
    %dma_start3A_1275 = arith.constant 12 : i32
    %dma_start3A_1276 = arith.constant 0 : i32
    %dma_start3A_1277 = arith.constant 0 : i32
    %dma_start3A_1278 = tpu.memref_slice %arg8[%dma_start3A_1275, %dma_start3A_1276, %dma_start3A_1277] : memref<16x16x128xi32, #tpu.memory_space<vmem>> -> memref<1x16x128xi32, #tpu.memory_space<vmem>>
    %dma_start3A_1279 = tpu.memref_squeeze %dma_start3A_1278 : memref<1x16x128xi32, #tpu.memory_space<vmem>> -> memref<16x128xi32, #tpu.memory_space<vmem>>
    %dma_start3A_1280 = arith.constant 0 : i32
    %dma_start3A_1281 = tpu.memref_slice %arg4[%dma_start3A_1280, %multiple_of3A_1261] : memref<16x100000xi32, #tpu.memory_space<hbm>> -> memref<16x128xi32, #tpu.memory_space<hbm>>
    %dma_start3A_1282 = arith.constant 0 : i32
    %dma_start3A_1283 = arith.constant 0 : i32
    %dma_start3A_1284 = tpu.memref_slice %arg8[%dma_start3A_1275, %dma_start3A_1282, %dma_start3A_1283] : memref<16x16x128xi32, #tpu.memory_space<vmem>> -> memref<1x16x128xi32, #tpu.memory_space<vmem>>
    %dma_start3A_1285 = tpu.memref_squeeze %dma_start3A_1284 : memref<1x16x128xi32, #tpu.memory_space<vmem>> -> memref<16x128xi32, #tpu.memory_space<vmem>>
    %dma_start3A_1286 = arith.constant 0 : i32
    %dma_start3A_1287 = tpu.memref_slice %arg4[%dma_start3A_1286, %multiple_of3A_1261] : memref<16x100000xi32, #tpu.memory_space<hbm>> -> memref<16x128xi32, #tpu.memory_space<hbm>>
    tpu.enqueue_dma source(%dma_start3A_1287 : memref<16x128xi32, #tpu.memory_space<hbm>>) target(%dma_start3A_1285 : memref<16x128xi32, #tpu.memory_space<vmem>>) target_semaphore(%arg11 : memref<!tpu.dma_semaphore, #tpu.memory_space<semaphore_mem>>)
    %slice3A_1288 = vector.extract_strided_slice %shift_left3A_910 {offsets = [13], sizes = [1], strides = [1]} : vector<16xi32> to vector<1xi32>
    %squeeze3A_1289 = vector.extract %slice3A_1288[0] : i32 from vector<1xi32>
    %multiple_of3A_1290 = tpu.assume_multiple %squeeze3A_1289, 128 : i32
    %dma_start3A_1291 = arith.constant 13 : i32
    %dma_start3A_1292 = arith.constant 0 : i32
    %dma_start3A_1293 = arith.constant 0 : i32
    %dma_start3A_1294 = tpu.memref_slice %arg7[%dma_start3A_1291, %dma_start3A_1292, %dma_start3A_1293] : memref<16x16x128xf32, #tpu.memory_space<vmem>> -> memref<1x16x128xf32, #tpu.memory_space<vmem>>
    %dma_start3A_1295 = tpu.memref_squeeze %dma_start3A_1294 : memref<1x16x128xf32, #tpu.memory_space<vmem>> -> memref<16x128xf32, #tpu.memory_space<vmem>>
    %dma_start3A_1296 = arith.constant 0 : i32
    %dma_start3A_1297 = tpu.memref_slice %arg3[%dma_start3A_1296, %multiple_of3A_1290] : memref<16x100000xf32, #tpu.memory_space<hbm>> -> memref<16x128xf32, #tpu.memory_space<hbm>>
    %dma_start3A_1298 = arith.constant 0 : i32
    %dma_start3A_1299 = arith.constant 0 : i32
    %dma_start3A_1300 = tpu.memref_slice %arg7[%dma_start3A_1291, %dma_start3A_1298, %dma_start3A_1299] : memref<16x16x128xf32, #tpu.memory_space<vmem>> -> memref<1x16x128xf32, #tpu.memory_space<vmem>>
    %dma_start3A_1301 = tpu.memref_squeeze %dma_start3A_1300 : memref<1x16x128xf32, #tpu.memory_space<vmem>> -> memref<16x128xf32, #tpu.memory_space<vmem>>
    %dma_start3A_1302 = arith.constant 0 : i32
    %dma_start3A_1303 = tpu.memref_slice %arg3[%dma_start3A_1302, %multiple_of3A_1290] : memref<16x100000xf32, #tpu.memory_space<hbm>> -> memref<16x128xf32, #tpu.memory_space<hbm>>
    tpu.enqueue_dma source(%dma_start3A_1303 : memref<16x128xf32, #tpu.memory_space<hbm>>) target(%dma_start3A_1301 : memref<16x128xf32, #tpu.memory_space<vmem>>) target_semaphore(%arg10 : memref<!tpu.dma_semaphore, #tpu.memory_space<semaphore_mem>>)
    %dma_start3A_1304 = arith.constant 13 : i32
    %dma_start3A_1305 = arith.constant 0 : i32
    %dma_start3A_1306 = arith.constant 0 : i32
    %dma_start3A_1307 = tpu.memref_slice %arg8[%dma_start3A_1304, %dma_start3A_1305, %dma_start3A_1306] : memref<16x16x128xi32, #tpu.memory_space<vmem>> -> memref<1x16x128xi32, #tpu.memory_space<vmem>>
    %dma_start3A_1308 = tpu.memref_squeeze %dma_start3A_1307 : memref<1x16x128xi32, #tpu.memory_space<vmem>> -> memref<16x128xi32, #tpu.memory_space<vmem>>
    %dma_start3A_1309 = arith.constant 0 : i32
    %dma_start3A_1310 = tpu.memref_slice %arg4[%dma_start3A_1309, %multiple_of3A_1290] : memref<16x100000xi32, #tpu.memory_space<hbm>> -> memref<16x128xi32, #tpu.memory_space<hbm>>
    %dma_start3A_1311 = arith.constant 0 : i32
    %dma_start3A_1312 = arith.constant 0 : i32
    %dma_start3A_1313 = tpu.memref_slice %arg8[%dma_start3A_1304, %dma_start3A_1311, %dma_start3A_1312] : memref<16x16x128xi32, #tpu.memory_space<vmem>> -> memref<1x16x128xi32, #tpu.memory_space<vmem>>
    %dma_start3A_1314 = tpu.memref_squeeze %dma_start3A_1313 : memref<1x16x128xi32, #tpu.memory_space<vmem>> -> memref<16x128xi32, #tpu.memory_space<vmem>>
    %dma_start3A_1315 = arith.constant 0 : i32
    %dma_start3A_1316 = tpu.memref_slice %arg4[%dma_start3A_1315, %multiple_of3A_1290] : memref<16x100000xi32, #tpu.memory_space<hbm>> -> memref<16x128xi32, #tpu.memory_space<hbm>>
    tpu.enqueue_dma source(%dma_start3A_1316 : memref<16x128xi32, #tpu.memory_space<hbm>>) target(%dma_start3A_1314 : memref<16x128xi32, #tpu.memory_space<vmem>>) target_semaphore(%arg11 : memref<!tpu.dma_semaphore, #tpu.memory_space<semaphore_mem>>)
    %slice3A_1317 = vector.extract_strided_slice %shift_left3A_910 {offsets = [14], sizes = [1], strides = [1]} : vector<16xi32> to vector<1xi32>
    %squeeze3A_1318 = vector.extract %slice3A_1317[0] : i32 from vector<1xi32>
    %multiple_of3A_1319 = tpu.assume_multiple %squeeze3A_1318, 128 : i32
    %dma_start3A_1320 = arith.constant 14 : i32
    %dma_start3A_1321 = arith.constant 0 : i32
    %dma_start3A_1322 = arith.constant 0 : i32
    %dma_start3A_1323 = tpu.memref_slice %arg7[%dma_start3A_1320, %dma_start3A_1321, %dma_start3A_1322] : memref<16x16x128xf32, #tpu.memory_space<vmem>> -> memref<1x16x128xf32, #tpu.memory_space<vmem>>
    %dma_start3A_1324 = tpu.memref_squeeze %dma_start3A_1323 : memref<1x16x128xf32, #tpu.memory_space<vmem>> -> memref<16x128xf32, #tpu.memory_space<vmem>>
    %dma_start3A_1325 = arith.constant 0 : i32
    %dma_start3A_1326 = tpu.memref_slice %arg3[%dma_start3A_1325, %multiple_of3A_1319] : memref<16x100000xf32, #tpu.memory_space<hbm>> -> memref<16x128xf32, #tpu.memory_space<hbm>>
    %dma_start3A_1327 = arith.constant 0 : i32
    %dma_start3A_1328 = arith.constant 0 : i32
    %dma_start3A_1329 = tpu.memref_slice %arg7[%dma_start3A_1320, %dma_start3A_1327, %dma_start3A_1328] : memref<16x16x128xf32, #tpu.memory_space<vmem>> -> memref<1x16x128xf32, #tpu.memory_space<vmem>>
    %dma_start3A_1330 = tpu.memref_squeeze %dma_start3A_1329 : memref<1x16x128xf32, #tpu.memory_space<vmem>> -> memref<16x128xf32, #tpu.memory_space<vmem>>
    %dma_start3A_1331 = arith.constant 0 : i32
    %dma_start3A_1332 = tpu.memref_slice %arg3[%dma_start3A_1331, %multiple_of3A_1319] : memref<16x100000xf32, #tpu.memory_space<hbm>> -> memref<16x128xf32, #tpu.memory_space<hbm>>
    tpu.enqueue_dma source(%dma_start3A_1332 : memref<16x128xf32, #tpu.memory_space<hbm>>) target(%dma_start3A_1330 : memref<16x128xf32, #tpu.memory_space<vmem>>) target_semaphore(%arg10 : memref<!tpu.dma_semaphore, #tpu.memory_space<semaphore_mem>>)
    %dma_start3A_1333 = arith.constant 14 : i32
    %dma_start3A_1334 = arith.constant 0 : i32
    %dma_start3A_1335 = arith.constant 0 : i32
    %dma_start3A_1336 = tpu.memref_slice %arg8[%dma_start3A_1333, %dma_start3A_1334, %dma_start3A_1335] : memref<16x16x128xi32, #tpu.memory_space<vmem>> -> memref<1x16x128xi32, #tpu.memory_space<vmem>>
    %dma_start3A_1337 = tpu.memref_squeeze %dma_start3A_1336 : memref<1x16x128xi32, #tpu.memory_space<vmem>> -> memref<16x128xi32, #tpu.memory_space<vmem>>
    %dma_start3A_1338 = arith.constant 0 : i32
    %dma_start3A_1339 = tpu.memref_slice %arg4[%dma_start3A_1338, %multiple_of3A_1319] : memref<16x100000xi32, #tpu.memory_space<hbm>> -> memref<16x128xi32, #tpu.memory_space<hbm>>
    %dma_start3A_1340 = arith.constant 0 : i32
    %dma_start3A_1341 = arith.constant 0 : i32
    %dma_start3A_1342 = tpu.memref_slice %arg8[%dma_start3A_1333, %dma_start3A_1340, %dma_start3A_1341] : memref<16x16x128xi32, #tpu.memory_space<vmem>> -> memref<1x16x128xi32, #tpu.memory_space<vmem>>
    %dma_start3A_1343 = tpu.memref_squeeze %dma_start3A_1342 : memref<1x16x128xi32, #tpu.memory_space<vmem>> -> memref<16x128xi32, #tpu.memory_space<vmem>>
    %dma_start3A_1344 = arith.constant 0 : i32
    %dma_start3A_1345 = tpu.memref_slice %arg4[%dma_start3A_1344, %multiple_of3A_1319] : memref<16x100000xi32, #tpu.memory_space<hbm>> -> memref<16x128xi32, #tpu.memory_space<hbm>>
    tpu.enqueue_dma source(%dma_start3A_1345 : memref<16x128xi32, #tpu.memory_space<hbm>>) target(%dma_start3A_1343 : memref<16x128xi32, #tpu.memory_space<vmem>>) target_semaphore(%arg11 : memref<!tpu.dma_semaphore, #tpu.memory_space<semaphore_mem>>)
    %slice3A_1346 = vector.extract_strided_slice %shift_left3A_910 {offsets = [15], sizes = [1], strides = [1]} : vector<16xi32> to vector<1xi32>
    %squeeze3A_1347 = vector.extract %slice3A_1346[0] : i32 from vector<1xi32>
    %multiple_of3A_1348 = tpu.assume_multiple %squeeze3A_1347, 128 : i32
    %dma_start3A_1349 = arith.constant 15 : i32
    %dma_start3A_1350 = arith.constant 0 : i32
    %dma_start3A_1351 = arith.constant 0 : i32
    %dma_start3A_1352 = tpu.memref_slice %arg7[%dma_start3A_1349, %dma_start3A_1350, %dma_start3A_1351] : memref<16x16x128xf32, #tpu.memory_space<vmem>> -> memref<1x16x128xf32, #tpu.memory_space<vmem>>
    %dma_start3A_1353 = tpu.memref_squeeze %dma_start3A_1352 : memref<1x16x128xf32, #tpu.memory_space<vmem>> -> memref<16x128xf32, #tpu.memory_space<vmem>>
    %dma_start3A_1354 = arith.constant 0 : i32
    %dma_start3A_1355 = tpu.memref_slice %arg3[%dma_start3A_1354, %multiple_of3A_1348] : memref<16x100000xf32, #tpu.memory_space<hbm>> -> memref<16x128xf32, #tpu.memory_space<hbm>>
    %dma_start3A_1356 = arith.constant 0 : i32
    %dma_start3A_1357 = arith.constant 0 : i32
    %dma_start3A_1358 = tpu.memref_slice %arg7[%dma_start3A_1349, %dma_start3A_1356, %dma_start3A_1357] : memref<16x16x128xf32, #tpu.memory_space<vmem>> -> memref<1x16x128xf32, #tpu.memory_space<vmem>>
    %dma_start3A_1359 = tpu.memref_squeeze %dma_start3A_1358 : memref<1x16x128xf32, #tpu.memory_space<vmem>> -> memref<16x128xf32, #tpu.memory_space<vmem>>
    %dma_start3A_1360 = arith.constant 0 : i32
    %dma_start3A_1361 = tpu.memref_slice %arg3[%dma_start3A_1360, %multiple_of3A_1348] : memref<16x100000xf32, #tpu.memory_space<hbm>> -> memref<16x128xf32, #tpu.memory_space<hbm>>
    tpu.enqueue_dma source(%dma_start3A_1361 : memref<16x128xf32, #tpu.memory_space<hbm>>) target(%dma_start3A_1359 : memref<16x128xf32, #tpu.memory_space<vmem>>) target_semaphore(%arg10 : memref<!tpu.dma_semaphore, #tpu.memory_space<semaphore_mem>>)
    %dma_start3A_1362 = arith.constant 15 : i32
    %dma_start3A_1363 = arith.constant 0 : i32
    %dma_start3A_1364 = arith.constant 0 : i32
    %dma_start3A_1365 = tpu.memref_slice %arg8[%dma_start3A_1362, %dma_start3A_1363, %dma_start3A_1364] : memref<16x16x128xi32, #tpu.memory_space<vmem>> -> memref<1x16x128xi32, #tpu.memory_space<vmem>>
    %dma_start3A_1366 = tpu.memref_squeeze %dma_start3A_1365 : memref<1x16x128xi32, #tpu.memory_space<vmem>> -> memref<16x128xi32, #tpu.memory_space<vmem>>
    %dma_start3A_1367 = arith.constant 0 : i32
    %dma_start3A_1368 = tpu.memref_slice %arg4[%dma_start3A_1367, %multiple_of3A_1348] : memref<16x100000xi32, #tpu.memory_space<hbm>> -> memref<16x128xi32, #tpu.memory_space<hbm>>
    %dma_start3A_1369 = arith.constant 0 : i32
    %dma_start3A_1370 = arith.constant 0 : i32
    %dma_start3A_1371 = tpu.memref_slice %arg8[%dma_start3A_1362, %dma_start3A_1369, %dma_start3A_1370] : memref<16x16x128xi32, #tpu.memory_space<vmem>> -> memref<1x16x128xi32, #tpu.memory_space<vmem>>
    %dma_start3A_1372 = tpu.memref_squeeze %dma_start3A_1371 : memref<1x16x128xi32, #tpu.memory_space<vmem>> -> memref<16x128xi32, #tpu.memory_space<vmem>>
    %dma_start3A_1373 = arith.constant 0 : i32
    %dma_start3A_1374 = tpu.memref_slice %arg4[%dma_start3A_1373, %multiple_of3A_1348] : memref<16x100000xi32, #tpu.memory_space<hbm>> -> memref<16x128xi32, #tpu.memory_space<hbm>>
    tpu.enqueue_dma source(%dma_start3A_1374 : memref<16x128xi32, #tpu.memory_space<hbm>>) target(%dma_start3A_1372 : memref<16x128xi32, #tpu.memory_space<vmem>>) target_semaphore(%arg11 : memref<!tpu.dma_semaphore, #tpu.memory_space<semaphore_mem>>)
    %dma_wait3A_1375 = arith.constant 0 : i32
    %dma_wait3A_1376 = arith.constant 0 : i32
    %dma_wait3A_1377 = arith.constant 0 : i32
    %dma_wait3A_1378 = tpu.memref_slice %arg7[%dma_wait3A_1375, %dma_wait3A_1376, %dma_wait3A_1377] : memref<16x16x128xf32, #tpu.memory_space<vmem>> -> memref<1x16x128xf32, #tpu.memory_space<vmem>>
    %dma_wait3A_1379 = tpu.memref_squeeze %dma_wait3A_1378 : memref<1x16x128xf32, #tpu.memory_space<vmem>> -> memref<16x128xf32, #tpu.memory_space<vmem>>
    %dma_wait3A_1380 = arith.constant 0 : i32
    %dma_wait3A_1381 = tpu.memref_slice %arg3[%dma_wait3A_1380, %multiple_of3A_913] : memref<16x100000xf32, #tpu.memory_space<hbm>> -> memref<16x128xf32, #tpu.memory_space<hbm>>
    %dma_wait3A_1382 = arith.constant 0 : i32
    %dma_wait3A_1383 = arith.constant 0 : i32
    %dma_wait3A_1384 = tpu.memref_slice %arg7[%dma_wait3A_1375, %dma_wait3A_1382, %dma_wait3A_1383] : memref<16x16x128xf32, #tpu.memory_space<vmem>> -> memref<1x16x128xf32, #tpu.memory_space<vmem>>
    %dma_wait3A_1385 = tpu.memref_squeeze %dma_wait3A_1384 : memref<1x16x128xf32, #tpu.memory_space<vmem>> -> memref<16x128xf32, #tpu.memory_space<vmem>>
    %dma_wait3A_1386 = arith.constant 0 : i32
    %dma_wait3A_1387 = tpu.memref_slice %arg3[%dma_wait3A_1386, %multiple_of3A_913] : memref<16x100000xf32, #tpu.memory_space<hbm>> -> memref<16x128xf32, #tpu.memory_space<hbm>>
    tpu.wait_dma2 semaphore(%arg10 : memref<!tpu.dma_semaphore, #tpu.memory_space<semaphore_mem>>) src(%dma_wait3A_1387 : memref<16x128xf32, #tpu.memory_space<hbm>>) dst(%dma_wait3A_1385 : memref<16x128xf32, #tpu.memory_space<vmem>>)
    %dma_wait3A_1388 = arith.constant 0 : i32
    %dma_wait3A_1389 = arith.constant 0 : i32
    %dma_wait3A_1390 = arith.constant 0 : i32
    %dma_wait3A_1391 = tpu.memref_slice %arg8[%dma_wait3A_1388, %dma_wait3A_1389, %dma_wait3A_1390] : memref<16x16x128xi32, #tpu.memory_space<vmem>> -> memref<1x16x128xi32, #tpu.memory_space<vmem>>
    %dma_wait3A_1392 = tpu.memref_squeeze %dma_wait3A_1391 : memref<1x16x128xi32, #tpu.memory_space<vmem>> -> memref<16x128xi32, #tpu.memory_space<vmem>>
    %dma_wait3A_1393 = arith.constant 0 : i32
    %dma_wait3A_1394 = tpu.memref_slice %arg4[%dma_wait3A_1393, %multiple_of3A_913] : memref<16x100000xi32, #tpu.memory_space<hbm>> -> memref<16x128xi32, #tpu.memory_space<hbm>>
    %dma_wait3A_1395 = arith.constant 0 : i32
    %dma_wait3A_1396 = arith.constant 0 : i32
    %dma_wait3A_1397 = tpu.memref_slice %arg8[%dma_wait3A_1388, %dma_wait3A_1395, %dma_wait3A_1396] : memref<16x16x128xi32, #tpu.memory_space<vmem>> -> memref<1x16x128xi32, #tpu.memory_space<vmem>>
    %dma_wait3A_1398 = tpu.memref_squeeze %dma_wait3A_1397 : memref<1x16x128xi32, #tpu.memory_space<vmem>> -> memref<16x128xi32, #tpu.memory_space<vmem>>
    %dma_wait3A_1399 = arith.constant 0 : i32
    %dma_wait3A_1400 = tpu.memref_slice %arg4[%dma_wait3A_1399, %multiple_of3A_913] : memref<16x100000xi32, #tpu.memory_space<hbm>> -> memref<16x128xi32, #tpu.memory_space<hbm>>
    tpu.wait_dma2 semaphore(%arg11 : memref<!tpu.dma_semaphore, #tpu.memory_space<semaphore_mem>>) src(%dma_wait3A_1400 : memref<16x128xi32, #tpu.memory_space<hbm>>) dst(%dma_wait3A_1398 : memref<16x128xi32, #tpu.memory_space<vmem>>)
    %dma_wait3A_1401 = arith.constant 1 : i32
    %dma_wait3A_1402 = arith.constant 0 : i32
    %dma_wait3A_1403 = arith.constant 0 : i32
    %dma_wait3A_1404 = tpu.memref_slice %arg7[%dma_wait3A_1401, %dma_wait3A_1402, %dma_wait3A_1403] : memref<16x16x128xf32, #tpu.memory_space<vmem>> -> memref<1x16x128xf32, #tpu.memory_space<vmem>>
    %dma_wait3A_1405 = tpu.memref_squeeze %dma_wait3A_1404 : memref<1x16x128xf32, #tpu.memory_space<vmem>> -> memref<16x128xf32, #tpu.memory_space<vmem>>
    %dma_wait3A_1406 = arith.constant 0 : i32
    %dma_wait3A_1407 = tpu.memref_slice %arg3[%dma_wait3A_1406, %multiple_of3A_942] : memref<16x100000xf32, #tpu.memory_space<hbm>> -> memref<16x128xf32, #tpu.memory_space<hbm>>
    %dma_wait3A_1408 = arith.constant 0 : i32
    %dma_wait3A_1409 = arith.constant 0 : i32
    %dma_wait3A_1410 = tpu.memref_slice %arg7[%dma_wait3A_1401, %dma_wait3A_1408, %dma_wait3A_1409] : memref<16x16x128xf32, #tpu.memory_space<vmem>> -> memref<1x16x128xf32, #tpu.memory_space<vmem>>
    %dma_wait3A_1411 = tpu.memref_squeeze %dma_wait3A_1410 : memref<1x16x128xf32, #tpu.memory_space<vmem>> -> memref<16x128xf32, #tpu.memory_space<vmem>>
    %dma_wait3A_1412 = arith.constant 0 : i32
    %dma_wait3A_1413 = tpu.memref_slice %arg3[%dma_wait3A_1412, %multiple_of3A_942] : memref<16x100000xf32, #tpu.memory_space<hbm>> -> memref<16x128xf32, #tpu.memory_space<hbm>>
    tpu.wait_dma2 semaphore(%arg10 : memref<!tpu.dma_semaphore, #tpu.memory_space<semaphore_mem>>) src(%dma_wait3A_1413 : memref<16x128xf32, #tpu.memory_space<hbm>>) dst(%dma_wait3A_1411 : memref<16x128xf32, #tpu.memory_space<vmem>>)
    %dma_wait3A_1414 = arith.constant 1 : i32
    %dma_wait3A_1415 = arith.constant 0 : i32
    %dma_wait3A_1416 = arith.constant 0 : i32
    %dma_wait3A_1417 = tpu.memref_slice %arg8[%dma_wait3A_1414, %dma_wait3A_1415, %dma_wait3A_1416] : memref<16x16x128xi32, #tpu.memory_space<vmem>> -> memref<1x16x128xi32, #tpu.memory_space<vmem>>
    %dma_wait3A_1418 = tpu.memref_squeeze %dma_wait3A_1417 : memref<1x16x128xi32, #tpu.memory_space<vmem>> -> memref<16x128xi32, #tpu.memory_space<vmem>>
    %dma_wait3A_1419 = arith.constant 0 : i32
    %dma_wait3A_1420 = tpu.memref_slice %arg4[%dma_wait3A_1419, %multiple_of3A_942] : memref<16x100000xi32, #tpu.memory_space<hbm>> -> memref<16x128xi32, #tpu.memory_space<hbm>>
    %dma_wait3A_1421 = arith.constant 0 : i32
    %dma_wait3A_1422 = arith.constant 0 : i32
    %dma_wait3A_1423 = tpu.memref_slice %arg8[%dma_wait3A_1414, %dma_wait3A_1421, %dma_wait3A_1422] : memref<16x16x128xi32, #tpu.memory_space<vmem>> -> memref<1x16x128xi32, #tpu.memory_space<vmem>>
    %dma_wait3A_1424 = tpu.memref_squeeze %dma_wait3A_1423 : memref<1x16x128xi32, #tpu.memory_space<vmem>> -> memref<16x128xi32, #tpu.memory_space<vmem>>
    %dma_wait3A_1425 = arith.constant 0 : i32
    %dma_wait3A_1426 = tpu.memref_slice %arg4[%dma_wait3A_1425, %multiple_of3A_942] : memref<16x100000xi32, #tpu.memory_space<hbm>> -> memref<16x128xi32, #tpu.memory_space<hbm>>
    tpu.wait_dma2 semaphore(%arg11 : memref<!tpu.dma_semaphore, #tpu.memory_space<semaphore_mem>>) src(%dma_wait3A_1426 : memref<16x128xi32, #tpu.memory_space<hbm>>) dst(%dma_wait3A_1424 : memref<16x128xi32, #tpu.memory_space<vmem>>)
    %dma_wait3A_1427 = arith.constant 2 : i32
    %dma_wait3A_1428 = arith.constant 0 : i32
    %dma_wait3A_1429 = arith.constant 0 : i32
    %dma_wait3A_1430 = tpu.memref_slice %arg7[%dma_wait3A_1427, %dma_wait3A_1428, %dma_wait3A_1429] : memref<16x16x128xf32, #tpu.memory_space<vmem>> -> memref<1x16x128xf32, #tpu.memory_space<vmem>>
    %dma_wait3A_1431 = tpu.memref_squeeze %dma_wait3A_1430 : memref<1x16x128xf32, #tpu.memory_space<vmem>> -> memref<16x128xf32, #tpu.memory_space<vmem>>
    %dma_wait3A_1432 = arith.constant 0 : i32
    %dma_wait3A_1433 = tpu.memref_slice %arg3[%dma_wait3A_1432, %multiple_of3A_971] : memref<16x100000xf32, #tpu.memory_space<hbm>> -> memref<16x128xf32, #tpu.memory_space<hbm>>
    %dma_wait3A_1434 = arith.constant 0 : i32
    %dma_wait3A_1435 = arith.constant 0 : i32
    %dma_wait3A_1436 = tpu.memref_slice %arg7[%dma_wait3A_1427, %dma_wait3A_1434, %dma_wait3A_1435] : memref<16x16x128xf32, #tpu.memory_space<vmem>> -> memref<1x16x128xf32, #tpu.memory_space<vmem>>
    %dma_wait3A_1437 = tpu.memref_squeeze %dma_wait3A_1436 : memref<1x16x128xf32, #tpu.memory_space<vmem>> -> memref<16x128xf32, #tpu.memory_space<vmem>>
    %dma_wait3A_1438 = arith.constant 0 : i32
    %dma_wait3A_1439 = tpu.memref_slice %arg3[%dma_wait3A_1438, %multiple_of3A_971] : memref<16x100000xf32, #tpu.memory_space<hbm>> -> memref<16x128xf32, #tpu.memory_space<hbm>>
    tpu.wait_dma2 semaphore(%arg10 : memref<!tpu.dma_semaphore, #tpu.memory_space<semaphore_mem>>) src(%dma_wait3A_1439 : memref<16x128xf32, #tpu.memory_space<hbm>>) dst(%dma_wait3A_1437 : memref<16x128xf32, #tpu.memory_space<vmem>>)
    %dma_wait3A_1440 = arith.constant 2 : i32
    %dma_wait3A_1441 = arith.constant 0 : i32
    %dma_wait3A_1442 = arith.constant 0 : i32
    %dma_wait3A_1443 = tpu.memref_slice %arg8[%dma_wait3A_1440, %dma_wait3A_1441, %dma_wait3A_1442] : memref<16x16x128xi32, #tpu.memory_space<vmem>> -> memref<1x16x128xi32, #tpu.memory_space<vmem>>
    %dma_wait3A_1444 = tpu.memref_squeeze %dma_wait3A_1443 : memref<1x16x128xi32, #tpu.memory_space<vmem>> -> memref<16x128xi32, #tpu.memory_space<vmem>>
    %dma_wait3A_1445 = arith.constant 0 : i32
    %dma_wait3A_1446 = tpu.memref_slice %arg4[%dma_wait3A_1445, %multiple_of3A_971] : memref<16x100000xi32, #tpu.memory_space<hbm>> -> memref<16x128xi32, #tpu.memory_space<hbm>>
    %dma_wait3A_1447 = arith.constant 0 : i32
    %dma_wait3A_1448 = arith.constant 0 : i32
    %dma_wait3A_1449 = tpu.memref_slice %arg8[%dma_wait3A_1440, %dma_wait3A_1447, %dma_wait3A_1448] : memref<16x16x128xi32, #tpu.memory_space<vmem>> -> memref<1x16x128xi32, #tpu.memory_space<vmem>>
    %dma_wait3A_1450 = tpu.memref_squeeze %dma_wait3A_1449 : memref<1x16x128xi32, #tpu.memory_space<vmem>> -> memref<16x128xi32, #tpu.memory_space<vmem>>
    %dma_wait3A_1451 = arith.constant 0 : i32
    %dma_wait3A_1452 = tpu.memref_slice %arg4[%dma_wait3A_1451, %multiple_of3A_971] : memref<16x100000xi32, #tpu.memory_space<hbm>> -> memref<16x128xi32, #tpu.memory_space<hbm>>
    tpu.wait_dma2 semaphore(%arg11 : memref<!tpu.dma_semaphore, #tpu.memory_space<semaphore_mem>>) src(%dma_wait3A_1452 : memref<16x128xi32, #tpu.memory_space<hbm>>) dst(%dma_wait3A_1450 : memref<16x128xi32, #tpu.memory_space<vmem>>)
    %dma_wait3A_1453 = arith.constant 3 : i32
    %dma_wait3A_1454 = arith.constant 0 : i32
    %dma_wait3A_1455 = arith.constant 0 : i32
    %dma_wait3A_1456 = tpu.memref_slice %arg7[%dma_wait3A_1453, %dma_wait3A_1454, %dma_wait3A_1455] : memref<16x16x128xf32, #tpu.memory_space<vmem>> -> memref<1x16x128xf32, #tpu.memory_space<vmem>>
    %dma_wait3A_1457 = tpu.memref_squeeze %dma_wait3A_1456 : memref<1x16x128xf32, #tpu.memory_space<vmem>> -> memref<16x128xf32, #tpu.memory_space<vmem>>
    %dma_wait3A_1458 = arith.constant 0 : i32
    %dma_wait3A_1459 = tpu.memref_slice %arg3[%dma_wait3A_1458, %multiple_of3A_1000] : memref<16x100000xf32, #tpu.memory_space<hbm>> -> memref<16x128xf32, #tpu.memory_space<hbm>>
    %dma_wait3A_1460 = arith.constant 0 : i32
    %dma_wait3A_1461 = arith.constant 0 : i32
    %dma_wait3A_1462 = tpu.memref_slice %arg7[%dma_wait3A_1453, %dma_wait3A_1460, %dma_wait3A_1461] : memref<16x16x128xf32, #tpu.memory_space<vmem>> -> memref<1x16x128xf32, #tpu.memory_space<vmem>>
    %dma_wait3A_1463 = tpu.memref_squeeze %dma_wait3A_1462 : memref<1x16x128xf32, #tpu.memory_space<vmem>> -> memref<16x128xf32, #tpu.memory_space<vmem>>
    %dma_wait3A_1464 = arith.constant 0 : i32
    %dma_wait3A_1465 = tpu.memref_slice %arg3[%dma_wait3A_1464, %multiple_of3A_1000] : memref<16x100000xf32, #tpu.memory_space<hbm>> -> memref<16x128xf32, #tpu.memory_space<hbm>>
    tpu.wait_dma2 semaphore(%arg10 : memref<!tpu.dma_semaphore, #tpu.memory_space<semaphore_mem>>) src(%dma_wait3A_1465 : memref<16x128xf32, #tpu.memory_space<hbm>>) dst(%dma_wait3A_1463 : memref<16x128xf32, #tpu.memory_space<vmem>>)
    %dma_wait3A_1466 = arith.constant 3 : i32
    %dma_wait3A_1467 = arith.constant 0 : i32
    %dma_wait3A_1468 = arith.constant 0 : i32
    %dma_wait3A_1469 = tpu.memref_slice %arg8[%dma_wait3A_1466, %dma_wait3A_1467, %dma_wait3A_1468] : memref<16x16x128xi32, #tpu.memory_space<vmem>> -> memref<1x16x128xi32, #tpu.memory_space<vmem>>
    %dma_wait3A_1470 = tpu.memref_squeeze %dma_wait3A_1469 : memref<1x16x128xi32, #tpu.memory_space<vmem>> -> memref<16x128xi32, #tpu.memory_space<vmem>>
    %dma_wait3A_1471 = arith.constant 0 : i32
    %dma_wait3A_1472 = tpu.memref_slice %arg4[%dma_wait3A_1471, %multiple_of3A_1000] : memref<16x100000xi32, #tpu.memory_space<hbm>> -> memref<16x128xi32, #tpu.memory_space<hbm>>
    %dma_wait3A_1473 = arith.constant 0 : i32
    %dma_wait3A_1474 = arith.constant 0 : i32
    %dma_wait3A_1475 = tpu.memref_slice %arg8[%dma_wait3A_1466, %dma_wait3A_1473, %dma_wait3A_1474] : memref<16x16x128xi32, #tpu.memory_space<vmem>> -> memref<1x16x128xi32, #tpu.memory_space<vmem>>
    %dma_wait3A_1476 = tpu.memref_squeeze %dma_wait3A_1475 : memref<1x16x128xi32, #tpu.memory_space<vmem>> -> memref<16x128xi32, #tpu.memory_space<vmem>>
    %dma_wait3A_1477 = arith.constant 0 : i32
    %dma_wait3A_1478 = tpu.memref_slice %arg4[%dma_wait3A_1477, %multiple_of3A_1000] : memref<16x100000xi32, #tpu.memory_space<hbm>> -> memref<16x128xi32, #tpu.memory_space<hbm>>
    tpu.wait_dma2 semaphore(%arg11 : memref<!tpu.dma_semaphore, #tpu.memory_space<semaphore_mem>>) src(%dma_wait3A_1478 : memref<16x128xi32, #tpu.memory_space<hbm>>) dst(%dma_wait3A_1476 : memref<16x128xi32, #tpu.memory_space<vmem>>)
    %dma_wait3A_1479 = arith.constant 4 : i32
    %dma_wait3A_1480 = arith.constant 0 : i32
    %dma_wait3A_1481 = arith.constant 0 : i32
    %dma_wait3A_1482 = tpu.memref_slice %arg7[%dma_wait3A_1479, %dma_wait3A_1480, %dma_wait3A_1481] : memref<16x16x128xf32, #tpu.memory_space<vmem>> -> memref<1x16x128xf32, #tpu.memory_space<vmem>>
    %dma_wait3A_1483 = tpu.memref_squeeze %dma_wait3A_1482 : memref<1x16x128xf32, #tpu.memory_space<vmem>> -> memref<16x128xf32, #tpu.memory_space<vmem>>
    %dma_wait3A_1484 = arith.constant 0 : i32
    %dma_wait3A_1485 = tpu.memref_slice %arg3[%dma_wait3A_1484, %multiple_of3A_1029] : memref<16x100000xf32, #tpu.memory_space<hbm>> -> memref<16x128xf32, #tpu.memory_space<hbm>>
    %dma_wait3A_1486 = arith.constant 0 : i32
    %dma_wait3A_1487 = arith.constant 0 : i32
    %dma_wait3A_1488 = tpu.memref_slice %arg7[%dma_wait3A_1479, %dma_wait3A_1486, %dma_wait3A_1487] : memref<16x16x128xf32, #tpu.memory_space<vmem>> -> memref<1x16x128xf32, #tpu.memory_space<vmem>>
    %dma_wait3A_1489 = tpu.memref_squeeze %dma_wait3A_1488 : memref<1x16x128xf32, #tpu.memory_space<vmem>> -> memref<16x128xf32, #tpu.memory_space<vmem>>
    %dma_wait3A_1490 = arith.constant 0 : i32
    %dma_wait3A_1491 = tpu.memref_slice %arg3[%dma_wait3A_1490, %multiple_of3A_1029] : memref<16x100000xf32, #tpu.memory_space<hbm>> -> memref<16x128xf32, #tpu.memory_space<hbm>>
    tpu.wait_dma2 semaphore(%arg10 : memref<!tpu.dma_semaphore, #tpu.memory_space<semaphore_mem>>) src(%dma_wait3A_1491 : memref<16x128xf32, #tpu.memory_space<hbm>>) dst(%dma_wait3A_1489 : memref<16x128xf32, #tpu.memory_space<vmem>>)
    %dma_wait3A_1492 = arith.constant 4 : i32
    %dma_wait3A_1493 = arith.constant 0 : i32
    %dma_wait3A_1494 = arith.constant 0 : i32
    %dma_wait3A_1495 = tpu.memref_slice %arg8[%dma_wait3A_1492, %dma_wait3A_1493, %dma_wait3A_1494] : memref<16x16x128xi32, #tpu.memory_space<vmem>> -> memref<1x16x128xi32, #tpu.memory_space<vmem>>
    %dma_wait3A_1496 = tpu.memref_squeeze %dma_wait3A_1495 : memref<1x16x128xi32, #tpu.memory_space<vmem>> -> memref<16x128xi32, #tpu.memory_space<vmem>>
    %dma_wait3A_1497 = arith.constant 0 : i32
    %dma_wait3A_1498 = tpu.memref_slice %arg4[%dma_wait3A_1497, %multiple_of3A_1029] : memref<16x100000xi32, #tpu.memory_space<hbm>> -> memref<16x128xi32, #tpu.memory_space<hbm>>
    %dma_wait3A_1499 = arith.constant 0 : i32
    %dma_wait3A_1500 = arith.constant 0 : i32
    %dma_wait3A_1501 = tpu.memref_slice %arg8[%dma_wait3A_1492, %dma_wait3A_1499, %dma_wait3A_1500] : memref<16x16x128xi32, #tpu.memory_space<vmem>> -> memref<1x16x128xi32, #tpu.memory_space<vmem>>
    %dma_wait3A_1502 = tpu.memref_squeeze %dma_wait3A_1501 : memref<1x16x128xi32, #tpu.memory_space<vmem>> -> memref<16x128xi32, #tpu.memory_space<vmem>>
    %dma_wait3A_1503 = arith.constant 0 : i32
    %dma_wait3A_1504 = tpu.memref_slice %arg4[%dma_wait3A_1503, %multiple_of3A_1029] : memref<16x100000xi32, #tpu.memory_space<hbm>> -> memref<16x128xi32, #tpu.memory_space<hbm>>
    tpu.wait_dma2 semaphore(%arg11 : memref<!tpu.dma_semaphore, #tpu.memory_space<semaphore_mem>>) src(%dma_wait3A_1504 : memref<16x128xi32, #tpu.memory_space<hbm>>) dst(%dma_wait3A_1502 : memref<16x128xi32, #tpu.memory_space<vmem>>)
    %dma_wait3A_1505 = arith.constant 5 : i32
    %dma_wait3A_1506 = arith.constant 0 : i32
    %dma_wait3A_1507 = arith.constant 0 : i32
    %dma_wait3A_1508 = tpu.memref_slice %arg7[%dma_wait3A_1505, %dma_wait3A_1506, %dma_wait3A_1507] : memref<16x16x128xf32, #tpu.memory_space<vmem>> -> memref<1x16x128xf32, #tpu.memory_space<vmem>>
    %dma_wait3A_1509 = tpu.memref_squeeze %dma_wait3A_1508 : memref<1x16x128xf32, #tpu.memory_space<vmem>> -> memref<16x128xf32, #tpu.memory_space<vmem>>
    %dma_wait3A_1510 = arith.constant 0 : i32
    %dma_wait3A_1511 = tpu.memref_slice %arg3[%dma_wait3A_1510, %multiple_of3A_1058] : memref<16x100000xf32, #tpu.memory_space<hbm>> -> memref<16x128xf32, #tpu.memory_space<hbm>>
    %dma_wait3A_1512 = arith.constant 0 : i32
    %dma_wait3A_1513 = arith.constant 0 : i32
    %dma_wait3A_1514 = tpu.memref_slice %arg7[%dma_wait3A_1505, %dma_wait3A_1512, %dma_wait3A_1513] : memref<16x16x128xf32, #tpu.memory_space<vmem>> -> memref<1x16x128xf32, #tpu.memory_space<vmem>>
    %dma_wait3A_1515 = tpu.memref_squeeze %dma_wait3A_1514 : memref<1x16x128xf32, #tpu.memory_space<vmem>> -> memref<16x128xf32, #tpu.memory_space<vmem>>
    %dma_wait3A_1516 = arith.constant 0 : i32
    %dma_wait3A_1517 = tpu.memref_slice %arg3[%dma_wait3A_1516, %multiple_of3A_1058] : memref<16x100000xf32, #tpu.memory_space<hbm>> -> memref<16x128xf32, #tpu.memory_space<hbm>>
    tpu.wait_dma2 semaphore(%arg10 : memref<!tpu.dma_semaphore, #tpu.memory_space<semaphore_mem>>) src(%dma_wait3A_1517 : memref<16x128xf32, #tpu.memory_space<hbm>>) dst(%dma_wait3A_1515 : memref<16x128xf32, #tpu.memory_space<vmem>>)
    %dma_wait3A_1518 = arith.constant 5 : i32
    %dma_wait3A_1519 = arith.constant 0 : i32
    %dma_wait3A_1520 = arith.constant 0 : i32
    %dma_wait3A_1521 = tpu.memref_slice %arg8[%dma_wait3A_1518, %dma_wait3A_1519, %dma_wait3A_1520] : memref<16x16x128xi32, #tpu.memory_space<vmem>> -> memref<1x16x128xi32, #tpu.memory_space<vmem>>
    %dma_wait3A_1522 = tpu.memref_squeeze %dma_wait3A_1521 : memref<1x16x128xi32, #tpu.memory_space<vmem>> -> memref<16x128xi32, #tpu.memory_space<vmem>>
    %dma_wait3A_1523 = arith.constant 0 : i32
    %dma_wait3A_1524 = tpu.memref_slice %arg4[%dma_wait3A_1523, %multiple_of3A_1058] : memref<16x100000xi32, #tpu.memory_space<hbm>> -> memref<16x128xi32, #tpu.memory_space<hbm>>
    %dma_wait3A_1525 = arith.constant 0 : i32
    %dma_wait3A_1526 = arith.constant 0 : i32
    %dma_wait3A_1527 = tpu.memref_slice %arg8[%dma_wait3A_1518, %dma_wait3A_1525, %dma_wait3A_1526] : memref<16x16x128xi32, #tpu.memory_space<vmem>> -> memref<1x16x128xi32, #tpu.memory_space<vmem>>
    %dma_wait3A_1528 = tpu.memref_squeeze %dma_wait3A_1527 : memref<1x16x128xi32, #tpu.memory_space<vmem>> -> memref<16x128xi32, #tpu.memory_space<vmem>>
    %dma_wait3A_1529 = arith.constant 0 : i32
    %dma_wait3A_1530 = tpu.memref_slice %arg4[%dma_wait3A_1529, %multiple_of3A_1058] : memref<16x100000xi32, #tpu.memory_space<hbm>> -> memref<16x128xi32, #tpu.memory_space<hbm>>
    tpu.wait_dma2 semaphore(%arg11 : memref<!tpu.dma_semaphore, #tpu.memory_space<semaphore_mem>>) src(%dma_wait3A_1530 : memref<16x128xi32, #tpu.memory_space<hbm>>) dst(%dma_wait3A_1528 : memref<16x128xi32, #tpu.memory_space<vmem>>)
    %dma_wait3A_1531 = arith.constant 6 : i32
    %dma_wait3A_1532 = arith.constant 0 : i32
    %dma_wait3A_1533 = arith.constant 0 : i32
    %dma_wait3A_1534 = tpu.memref_slice %arg7[%dma_wait3A_1531, %dma_wait3A_1532, %dma_wait3A_1533] : memref<16x16x128xf32, #tpu.memory_space<vmem>> -> memref<1x16x128xf32, #tpu.memory_space<vmem>>
    %dma_wait3A_1535 = tpu.memref_squeeze %dma_wait3A_1534 : memref<1x16x128xf32, #tpu.memory_space<vmem>> -> memref<16x128xf32, #tpu.memory_space<vmem>>
    %dma_wait3A_1536 = arith.constant 0 : i32
    %dma_wait3A_1537 = tpu.memref_slice %arg3[%dma_wait3A_1536, %multiple_of3A_1087] : memref<16x100000xf32, #tpu.memory_space<hbm>> -> memref<16x128xf32, #tpu.memory_space<hbm>>
    %dma_wait3A_1538 = arith.constant 0 : i32
    %dma_wait3A_1539 = arith.constant 0 : i32
    %dma_wait3A_1540 = tpu.memref_slice %arg7[%dma_wait3A_1531, %dma_wait3A_1538, %dma_wait3A_1539] : memref<16x16x128xf32, #tpu.memory_space<vmem>> -> memref<1x16x128xf32, #tpu.memory_space<vmem>>
    %dma_wait3A_1541 = tpu.memref_squeeze %dma_wait3A_1540 : memref<1x16x128xf32, #tpu.memory_space<vmem>> -> memref<16x128xf32, #tpu.memory_space<vmem>>
    %dma_wait3A_1542 = arith.constant 0 : i32
    %dma_wait3A_1543 = tpu.memref_slice %arg3[%dma_wait3A_1542, %multiple_of3A_1087] : memref<16x100000xf32, #tpu.memory_space<hbm>> -> memref<16x128xf32, #tpu.memory_space<hbm>>
    tpu.wait_dma2 semaphore(%arg10 : memref<!tpu.dma_semaphore, #tpu.memory_space<semaphore_mem>>) src(%dma_wait3A_1543 : memref<16x128xf32, #tpu.memory_space<hbm>>) dst(%dma_wait3A_1541 : memref<16x128xf32, #tpu.memory_space<vmem>>)
    %dma_wait3A_1544 = arith.constant 6 : i32
    %dma_wait3A_1545 = arith.constant 0 : i32
    %dma_wait3A_1546 = arith.constant 0 : i32
    %dma_wait3A_1547 = tpu.memref_slice %arg8[%dma_wait3A_1544, %dma_wait3A_1545, %dma_wait3A_1546] : memref<16x16x128xi32, #tpu.memory_space<vmem>> -> memref<1x16x128xi32, #tpu.memory_space<vmem>>
    %dma_wait3A_1548 = tpu.memref_squeeze %dma_wait3A_1547 : memref<1x16x128xi32, #tpu.memory_space<vmem>> -> memref<16x128xi32, #tpu.memory_space<vmem>>
    %dma_wait3A_1549 = arith.constant 0 : i32
    %dma_wait3A_1550 = tpu.memref_slice %arg4[%dma_wait3A_1549, %multiple_of3A_1087] : memref<16x100000xi32, #tpu.memory_space<hbm>> -> memref<16x128xi32, #tpu.memory_space<hbm>>
    %dma_wait3A_1551 = arith.constant 0 : i32
    %dma_wait3A_1552 = arith.constant 0 : i32
    %dma_wait3A_1553 = tpu.memref_slice %arg8[%dma_wait3A_1544, %dma_wait3A_1551, %dma_wait3A_1552] : memref<16x16x128xi32, #tpu.memory_space<vmem>> -> memref<1x16x128xi32, #tpu.memory_space<vmem>>
    %dma_wait3A_1554 = tpu.memref_squeeze %dma_wait3A_1553 : memref<1x16x128xi32, #tpu.memory_space<vmem>> -> memref<16x128xi32, #tpu.memory_space<vmem>>
    %dma_wait3A_1555 = arith.constant 0 : i32
    %dma_wait3A_1556 = tpu.memref_slice %arg4[%dma_wait3A_1555, %multiple_of3A_1087] : memref<16x100000xi32, #tpu.memory_space<hbm>> -> memref<16x128xi32, #tpu.memory_space<hbm>>
    tpu.wait_dma2 semaphore(%arg11 : memref<!tpu.dma_semaphore, #tpu.memory_space<semaphore_mem>>) src(%dma_wait3A_1556 : memref<16x128xi32, #tpu.memory_space<hbm>>) dst(%dma_wait3A_1554 : memref<16x128xi32, #tpu.memory_space<vmem>>)
    %dma_wait3A_1557 = arith.constant 7 : i32
    %dma_wait3A_1558 = arith.constant 0 : i32
    %dma_wait3A_1559 = arith.constant 0 : i32
    %dma_wait3A_1560 = tpu.memref_slice %arg7[%dma_wait3A_1557, %dma_wait3A_1558, %dma_wait3A_1559] : memref<16x16x128xf32, #tpu.memory_space<vmem>> -> memref<1x16x128xf32, #tpu.memory_space<vmem>>
    %dma_wait3A_1561 = tpu.memref_squeeze %dma_wait3A_1560 : memref<1x16x128xf32, #tpu.memory_space<vmem>> -> memref<16x128xf32, #tpu.memory_space<vmem>>
    %dma_wait3A_1562 = arith.constant 0 : i32
    %dma_wait3A_1563 = tpu.memref_slice %arg3[%dma_wait3A_1562, %multiple_of3A_1116] : memref<16x100000xf32, #tpu.memory_space<hbm>> -> memref<16x128xf32, #tpu.memory_space<hbm>>
    %dma_wait3A_1564 = arith.constant 0 : i32
    %dma_wait3A_1565 = arith.constant 0 : i32
    %dma_wait3A_1566 = tpu.memref_slice %arg7[%dma_wait3A_1557, %dma_wait3A_1564, %dma_wait3A_1565] : memref<16x16x128xf32, #tpu.memory_space<vmem>> -> memref<1x16x128xf32, #tpu.memory_space<vmem>>
    %dma_wait3A_1567 = tpu.memref_squeeze %dma_wait3A_1566 : memref<1x16x128xf32, #tpu.memory_space<vmem>> -> memref<16x128xf32, #tpu.memory_space<vmem>>
    %dma_wait3A_1568 = arith.constant 0 : i32
    %dma_wait3A_1569 = tpu.memref_slice %arg3[%dma_wait3A_1568, %multiple_of3A_1116] : memref<16x100000xf32, #tpu.memory_space<hbm>> -> memref<16x128xf32, #tpu.memory_space<hbm>>
    tpu.wait_dma2 semaphore(%arg10 : memref<!tpu.dma_semaphore, #tpu.memory_space<semaphore_mem>>) src(%dma_wait3A_1569 : memref<16x128xf32, #tpu.memory_space<hbm>>) dst(%dma_wait3A_1567 : memref<16x128xf32, #tpu.memory_space<vmem>>)
    %dma_wait3A_1570 = arith.constant 7 : i32
    %dma_wait3A_1571 = arith.constant 0 : i32
    %dma_wait3A_1572 = arith.constant 0 : i32
    %dma_wait3A_1573 = tpu.memref_slice %arg8[%dma_wait3A_1570, %dma_wait3A_1571, %dma_wait3A_1572] : memref<16x16x128xi32, #tpu.memory_space<vmem>> -> memref<1x16x128xi32, #tpu.memory_space<vmem>>
    %dma_wait3A_1574 = tpu.memref_squeeze %dma_wait3A_1573 : memref<1x16x128xi32, #tpu.memory_space<vmem>> -> memref<16x128xi32, #tpu.memory_space<vmem>>
    %dma_wait3A_1575 = arith.constant 0 : i32
    %dma_wait3A_1576 = tpu.memref_slice %arg4[%dma_wait3A_1575, %multiple_of3A_1116] : memref<16x100000xi32, #tpu.memory_space<hbm>> -> memref<16x128xi32, #tpu.memory_space<hbm>>
    %dma_wait3A_1577 = arith.constant 0 : i32
    %dma_wait3A_1578 = arith.constant 0 : i32
    %dma_wait3A_1579 = tpu.memref_slice %arg8[%dma_wait3A_1570, %dma_wait3A_1577, %dma_wait3A_1578] : memref<16x16x128xi32, #tpu.memory_space<vmem>> -> memref<1x16x128xi32, #tpu.memory_space<vmem>>
    %dma_wait3A_1580 = tpu.memref_squeeze %dma_wait3A_1579 : memref<1x16x128xi32, #tpu.memory_space<vmem>> -> memref<16x128xi32, #tpu.memory_space<vmem>>
    %dma_wait3A_1581 = arith.constant 0 : i32
    %dma_wait3A_1582 = tpu.memref_slice %arg4[%dma_wait3A_1581, %multiple_of3A_1116] : memref<16x100000xi32, #tpu.memory_space<hbm>> -> memref<16x128xi32, #tpu.memory_space<hbm>>
    tpu.wait_dma2 semaphore(%arg11 : memref<!tpu.dma_semaphore, #tpu.memory_space<semaphore_mem>>) src(%dma_wait3A_1582 : memref<16x128xi32, #tpu.memory_space<hbm>>) dst(%dma_wait3A_1580 : memref<16x128xi32, #tpu.memory_space<vmem>>)
    %dma_wait3A_1583 = arith.constant 8 : i32
    %dma_wait3A_1584 = arith.constant 0 : i32
    %dma_wait3A_1585 = arith.constant 0 : i32
    %dma_wait3A_1586 = tpu.memref_slice %arg7[%dma_wait3A_1583, %dma_wait3A_1584, %dma_wait3A_1585] : memref<16x16x128xf32, #tpu.memory_space<vmem>> -> memref<1x16x128xf32, #tpu.memory_space<vmem>>
    %dma_wait3A_1587 = tpu.memref_squeeze %dma_wait3A_1586 : memref<1x16x128xf32, #tpu.memory_space<vmem>> -> memref<16x128xf32, #tpu.memory_space<vmem>>
    %dma_wait3A_1588 = arith.constant 0 : i32
    %dma_wait3A_1589 = tpu.memref_slice %arg3[%dma_wait3A_1588, %multiple_of3A_1145] : memref<16x100000xf32, #tpu.memory_space<hbm>> -> memref<16x128xf32, #tpu.memory_space<hbm>>
    %dma_wait3A_1590 = arith.constant 0 : i32
    %dma_wait3A_1591 = arith.constant 0 : i32
    %dma_wait3A_1592 = tpu.memref_slice %arg7[%dma_wait3A_1583, %dma_wait3A_1590, %dma_wait3A_1591] : memref<16x16x128xf32, #tpu.memory_space<vmem>> -> memref<1x16x128xf32, #tpu.memory_space<vmem>>
    %dma_wait3A_1593 = tpu.memref_squeeze %dma_wait3A_1592 : memref<1x16x128xf32, #tpu.memory_space<vmem>> -> memref<16x128xf32, #tpu.memory_space<vmem>>
    %dma_wait3A_1594 = arith.constant 0 : i32
    %dma_wait3A_1595 = tpu.memref_slice %arg3[%dma_wait3A_1594, %multiple_of3A_1145] : memref<16x100000xf32, #tpu.memory_space<hbm>> -> memref<16x128xf32, #tpu.memory_space<hbm>>
    tpu.wait_dma2 semaphore(%arg10 : memref<!tpu.dma_semaphore, #tpu.memory_space<semaphore_mem>>) src(%dma_wait3A_1595 : memref<16x128xf32, #tpu.memory_space<hbm>>) dst(%dma_wait3A_1593 : memref<16x128xf32, #tpu.memory_space<vmem>>)
    %dma_wait3A_1596 = arith.constant 8 : i32
    %dma_wait3A_1597 = arith.constant 0 : i32
    %dma_wait3A_1598 = arith.constant 0 : i32
    %dma_wait3A_1599 = tpu.memref_slice %arg8[%dma_wait3A_1596, %dma_wait3A_1597, %dma_wait3A_1598] : memref<16x16x128xi32, #tpu.memory_space<vmem>> -> memref<1x16x128xi32, #tpu.memory_space<vmem>>
    %dma_wait3A_1600 = tpu.memref_squeeze %dma_wait3A_1599 : memref<1x16x128xi32, #tpu.memory_space<vmem>> -> memref<16x128xi32, #tpu.memory_space<vmem>>
    %dma_wait3A_1601 = arith.constant 0 : i32
    %dma_wait3A_1602 = tpu.memref_slice %arg4[%dma_wait3A_1601, %multiple_of3A_1145] : memref<16x100000xi32, #tpu.memory_space<hbm>> -> memref<16x128xi32, #tpu.memory_space<hbm>>
    %dma_wait3A_1603 = arith.constant 0 : i32
    %dma_wait3A_1604 = arith.constant 0 : i32
    %dma_wait3A_1605 = tpu.memref_slice %arg8[%dma_wait3A_1596, %dma_wait3A_1603, %dma_wait3A_1604] : memref<16x16x128xi32, #tpu.memory_space<vmem>> -> memref<1x16x128xi32, #tpu.memory_space<vmem>>
    %dma_wait3A_1606 = tpu.memref_squeeze %dma_wait3A_1605 : memref<1x16x128xi32, #tpu.memory_space<vmem>> -> memref<16x128xi32, #tpu.memory_space<vmem>>
    %dma_wait3A_1607 = arith.constant 0 : i32
    %dma_wait3A_1608 = tpu.memref_slice %arg4[%dma_wait3A_1607, %multiple_of3A_1145] : memref<16x100000xi32, #tpu.memory_space<hbm>> -> memref<16x128xi32, #tpu.memory_space<hbm>>
    tpu.wait_dma2 semaphore(%arg11 : memref<!tpu.dma_semaphore, #tpu.memory_space<semaphore_mem>>) src(%dma_wait3A_1608 : memref<16x128xi32, #tpu.memory_space<hbm>>) dst(%dma_wait3A_1606 : memref<16x128xi32, #tpu.memory_space<vmem>>)
    %dma_wait3A_1609 = arith.constant 9 : i32
    %dma_wait3A_1610 = arith.constant 0 : i32
    %dma_wait3A_1611 = arith.constant 0 : i32
    %dma_wait3A_1612 = tpu.memref_slice %arg7[%dma_wait3A_1609, %dma_wait3A_1610, %dma_wait3A_1611] : memref<16x16x128xf32, #tpu.memory_space<vmem>> -> memref<1x16x128xf32, #tpu.memory_space<vmem>>
    %dma_wait3A_1613 = tpu.memref_squeeze %dma_wait3A_1612 : memref<1x16x128xf32, #tpu.memory_space<vmem>> -> memref<16x128xf32, #tpu.memory_space<vmem>>
    %dma_wait3A_1614 = arith.constant 0 : i32
    %dma_wait3A_1615 = tpu.memref_slice %arg3[%dma_wait3A_1614, %multiple_of3A_1174] : memref<16x100000xf32, #tpu.memory_space<hbm>> -> memref<16x128xf32, #tpu.memory_space<hbm>>
    %dma_wait3A_1616 = arith.constant 0 : i32
    %dma_wait3A_1617 = arith.constant 0 : i32
    %dma_wait3A_1618 = tpu.memref_slice %arg7[%dma_wait3A_1609, %dma_wait3A_1616, %dma_wait3A_1617] : memref<16x16x128xf32, #tpu.memory_space<vmem>> -> memref<1x16x128xf32, #tpu.memory_space<vmem>>
    %dma_wait3A_1619 = tpu.memref_squeeze %dma_wait3A_1618 : memref<1x16x128xf32, #tpu.memory_space<vmem>> -> memref<16x128xf32, #tpu.memory_space<vmem>>
    %dma_wait3A_1620 = arith.constant 0 : i32
    %dma_wait3A_1621 = tpu.memref_slice %arg3[%dma_wait3A_1620, %multiple_of3A_1174] : memref<16x100000xf32, #tpu.memory_space<hbm>> -> memref<16x128xf32, #tpu.memory_space<hbm>>
    tpu.wait_dma2 semaphore(%arg10 : memref<!tpu.dma_semaphore, #tpu.memory_space<semaphore_mem>>) src(%dma_wait3A_1621 : memref<16x128xf32, #tpu.memory_space<hbm>>) dst(%dma_wait3A_1619 : memref<16x128xf32, #tpu.memory_space<vmem>>)
    %dma_wait3A_1622 = arith.constant 9 : i32
    %dma_wait3A_1623 = arith.constant 0 : i32
    %dma_wait3A_1624 = arith.constant 0 : i32
    %dma_wait3A_1625 = tpu.memref_slice %arg8[%dma_wait3A_1622, %dma_wait3A_1623, %dma_wait3A_1624] : memref<16x16x128xi32, #tpu.memory_space<vmem>> -> memref<1x16x128xi32, #tpu.memory_space<vmem>>
    %dma_wait3A_1626 = tpu.memref_squeeze %dma_wait3A_1625 : memref<1x16x128xi32, #tpu.memory_space<vmem>> -> memref<16x128xi32, #tpu.memory_space<vmem>>
    %dma_wait3A_1627 = arith.constant 0 : i32
    %dma_wait3A_1628 = tpu.memref_slice %arg4[%dma_wait3A_1627, %multiple_of3A_1174] : memref<16x100000xi32, #tpu.memory_space<hbm>> -> memref<16x128xi32, #tpu.memory_space<hbm>>
    %dma_wait3A_1629 = arith.constant 0 : i32
    %dma_wait3A_1630 = arith.constant 0 : i32
    %dma_wait3A_1631 = tpu.memref_slice %arg8[%dma_wait3A_1622, %dma_wait3A_1629, %dma_wait3A_1630] : memref<16x16x128xi32, #tpu.memory_space<vmem>> -> memref<1x16x128xi32, #tpu.memory_space<vmem>>
    %dma_wait3A_1632 = tpu.memref_squeeze %dma_wait3A_1631 : memref<1x16x128xi32, #tpu.memory_space<vmem>> -> memref<16x128xi32, #tpu.memory_space<vmem>>
    %dma_wait3A_1633 = arith.constant 0 : i32
    %dma_wait3A_1634 = tpu.memref_slice %arg4[%dma_wait3A_1633, %multiple_of3A_1174] : memref<16x100000xi32, #tpu.memory_space<hbm>> -> memref<16x128xi32, #tpu.memory_space<hbm>>
    tpu.wait_dma2 semaphore(%arg11 : memref<!tpu.dma_semaphore, #tpu.memory_space<semaphore_mem>>) src(%dma_wait3A_1634 : memref<16x128xi32, #tpu.memory_space<hbm>>) dst(%dma_wait3A_1632 : memref<16x128xi32, #tpu.memory_space<vmem>>)
    %dma_wait3A_1635 = arith.constant 10 : i32
    %dma_wait3A_1636 = arith.constant 0 : i32
    %dma_wait3A_1637 = arith.constant 0 : i32
    %dma_wait3A_1638 = tpu.memref_slice %arg7[%dma_wait3A_1635, %dma_wait3A_1636, %dma_wait3A_1637] : memref<16x16x128xf32, #tpu.memory_space<vmem>> -> memref<1x16x128xf32, #tpu.memory_space<vmem>>
    %dma_wait3A_1639 = tpu.memref_squeeze %dma_wait3A_1638 : memref<1x16x128xf32, #tpu.memory_space<vmem>> -> memref<16x128xf32, #tpu.memory_space<vmem>>
    %dma_wait3A_1640 = arith.constant 0 : i32
    %dma_wait3A_1641 = tpu.memref_slice %arg3[%dma_wait3A_1640, %multiple_of3A_1203] : memref<16x100000xf32, #tpu.memory_space<hbm>> -> memref<16x128xf32, #tpu.memory_space<hbm>>
    %dma_wait3A_1642 = arith.constant 0 : i32
    %dma_wait3A_1643 = arith.constant 0 : i32
    %dma_wait3A_1644 = tpu.memref_slice %arg7[%dma_wait3A_1635, %dma_wait3A_1642, %dma_wait3A_1643] : memref<16x16x128xf32, #tpu.memory_space<vmem>> -> memref<1x16x128xf32, #tpu.memory_space<vmem>>
    %dma_wait3A_1645 = tpu.memref_squeeze %dma_wait3A_1644 : memref<1x16x128xf32, #tpu.memory_space<vmem>> -> memref<16x128xf32, #tpu.memory_space<vmem>>
    %dma_wait3A_1646 = arith.constant 0 : i32
    %dma_wait3A_1647 = tpu.memref_slice %arg3[%dma_wait3A_1646, %multiple_of3A_1203] : memref<16x100000xf32, #tpu.memory_space<hbm>> -> memref<16x128xf32, #tpu.memory_space<hbm>>
    tpu.wait_dma2 semaphore(%arg10 : memref<!tpu.dma_semaphore, #tpu.memory_space<semaphore_mem>>) src(%dma_wait3A_1647 : memref<16x128xf32, #tpu.memory_space<hbm>>) dst(%dma_wait3A_1645 : memref<16x128xf32, #tpu.memory_space<vmem>>)
    %dma_wait3A_1648 = arith.constant 10 : i32
    %dma_wait3A_1649 = arith.constant 0 : i32
    %dma_wait3A_1650 = arith.constant 0 : i32
    %dma_wait3A_1651 = tpu.memref_slice %arg8[%dma_wait3A_1648, %dma_wait3A_1649, %dma_wait3A_1650] : memref<16x16x128xi32, #tpu.memory_space<vmem>> -> memref<1x16x128xi32, #tpu.memory_space<vmem>>
    %dma_wait3A_1652 = tpu.memref_squeeze %dma_wait3A_1651 : memref<1x16x128xi32, #tpu.memory_space<vmem>> -> memref<16x128xi32, #tpu.memory_space<vmem>>
    %dma_wait3A_1653 = arith.constant 0 : i32
    %dma_wait3A_1654 = tpu.memref_slice %arg4[%dma_wait3A_1653, %multiple_of3A_1203] : memref<16x100000xi32, #tpu.memory_space<hbm>> -> memref<16x128xi32, #tpu.memory_space<hbm>>
    %dma_wait3A_1655 = arith.constant 0 : i32
    %dma_wait3A_1656 = arith.constant 0 : i32
    %dma_wait3A_1657 = tpu.memref_slice %arg8[%dma_wait3A_1648, %dma_wait3A_1655, %dma_wait3A_1656] : memref<16x16x128xi32, #tpu.memory_space<vmem>> -> memref<1x16x128xi32, #tpu.memory_space<vmem>>
    %dma_wait3A_1658 = tpu.memref_squeeze %dma_wait3A_1657 : memref<1x16x128xi32, #tpu.memory_space<vmem>> -> memref<16x128xi32, #tpu.memory_space<vmem>>
    %dma_wait3A_1659 = arith.constant 0 : i32
    %dma_wait3A_1660 = tpu.memref_slice %arg4[%dma_wait3A_1659, %multiple_of3A_1203] : memref<16x100000xi32, #tpu.memory_space<hbm>> -> memref<16x128xi32, #tpu.memory_space<hbm>>
    tpu.wait_dma2 semaphore(%arg11 : memref<!tpu.dma_semaphore, #tpu.memory_space<semaphore_mem>>) src(%dma_wait3A_1660 : memref<16x128xi32, #tpu.memory_space<hbm>>) dst(%dma_wait3A_1658 : memref<16x128xi32, #tpu.memory_space<vmem>>)
    %dma_wait3A_1661 = arith.constant 11 : i32
    %dma_wait3A_1662 = arith.constant 0 : i32
    %dma_wait3A_1663 = arith.constant 0 : i32
    %dma_wait3A_1664 = tpu.memref_slice %arg7[%dma_wait3A_1661, %dma_wait3A_1662, %dma_wait3A_1663] : memref<16x16x128xf32, #tpu.memory_space<vmem>> -> memref<1x16x128xf32, #tpu.memory_space<vmem>>
    %dma_wait3A_1665 = tpu.memref_squeeze %dma_wait3A_1664 : memref<1x16x128xf32, #tpu.memory_space<vmem>> -> memref<16x128xf32, #tpu.memory_space<vmem>>
    %dma_wait3A_1666 = arith.constant 0 : i32
    %dma_wait3A_1667 = tpu.memref_slice %arg3[%dma_wait3A_1666, %multiple_of3A_1232] : memref<16x100000xf32, #tpu.memory_space<hbm>> -> memref<16x128xf32, #tpu.memory_space<hbm>>
    %dma_wait3A_1668 = arith.constant 0 : i32
    %dma_wait3A_1669 = arith.constant 0 : i32
    %dma_wait3A_1670 = tpu.memref_slice %arg7[%dma_wait3A_1661, %dma_wait3A_1668, %dma_wait3A_1669] : memref<16x16x128xf32, #tpu.memory_space<vmem>> -> memref<1x16x128xf32, #tpu.memory_space<vmem>>
    %dma_wait3A_1671 = tpu.memref_squeeze %dma_wait3A_1670 : memref<1x16x128xf32, #tpu.memory_space<vmem>> -> memref<16x128xf32, #tpu.memory_space<vmem>>
    %dma_wait3A_1672 = arith.constant 0 : i32
    %dma_wait3A_1673 = tpu.memref_slice %arg3[%dma_wait3A_1672, %multiple_of3A_1232] : memref<16x100000xf32, #tpu.memory_space<hbm>> -> memref<16x128xf32, #tpu.memory_space<hbm>>
    tpu.wait_dma2 semaphore(%arg10 : memref<!tpu.dma_semaphore, #tpu.memory_space<semaphore_mem>>) src(%dma_wait3A_1673 : memref<16x128xf32, #tpu.memory_space<hbm>>) dst(%dma_wait3A_1671 : memref<16x128xf32, #tpu.memory_space<vmem>>)
    %dma_wait3A_1674 = arith.constant 11 : i32
    %dma_wait3A_1675 = arith.constant 0 : i32
    %dma_wait3A_1676 = arith.constant 0 : i32
    %dma_wait3A_1677 = tpu.memref_slice %arg8[%dma_wait3A_1674, %dma_wait3A_1675, %dma_wait3A_1676] : memref<16x16x128xi32, #tpu.memory_space<vmem>> -> memref<1x16x128xi32, #tpu.memory_space<vmem>>
    %dma_wait3A_1678 = tpu.memref_squeeze %dma_wait3A_1677 : memref<1x16x128xi32, #tpu.memory_space<vmem>> -> memref<16x128xi32, #tpu.memory_space<vmem>>
    %dma_wait3A_1679 = arith.constant 0 : i32
    %dma_wait3A_1680 = tpu.memref_slice %arg4[%dma_wait3A_1679, %multiple_of3A_1232] : memref<16x100000xi32, #tpu.memory_space<hbm>> -> memref<16x128xi32, #tpu.memory_space<hbm>>
    %dma_wait3A_1681 = arith.constant 0 : i32
    %dma_wait3A_1682 = arith.constant 0 : i32
    %dma_wait3A_1683 = tpu.memref_slice %arg8[%dma_wait3A_1674, %dma_wait3A_1681, %dma_wait3A_1682] : memref<16x16x128xi32, #tpu.memory_space<vmem>> -> memref<1x16x128xi32, #tpu.memory_space<vmem>>
    %dma_wait3A_1684 = tpu.memref_squeeze %dma_wait3A_1683 : memref<1x16x128xi32, #tpu.memory_space<vmem>> -> memref<16x128xi32, #tpu.memory_space<vmem>>
    %dma_wait3A_1685 = arith.constant 0 : i32
    %dma_wait3A_1686 = tpu.memref_slice %arg4[%dma_wait3A_1685, %multiple_of3A_1232] : memref<16x100000xi32, #tpu.memory_space<hbm>> -> memref<16x128xi32, #tpu.memory_space<hbm>>
    tpu.wait_dma2 semaphore(%arg11 : memref<!tpu.dma_semaphore, #tpu.memory_space<semaphore_mem>>) src(%dma_wait3A_1686 : memref<16x128xi32, #tpu.memory_space<hbm>>) dst(%dma_wait3A_1684 : memref<16x128xi32, #tpu.memory_space<vmem>>)
    %dma_wait3A_1687 = arith.constant 12 : i32
    %dma_wait3A_1688 = arith.constant 0 : i32
    %dma_wait3A_1689 = arith.constant 0 : i32
    %dma_wait3A_1690 = tpu.memref_slice %arg7[%dma_wait3A_1687, %dma_wait3A_1688, %dma_wait3A_1689] : memref<16x16x128xf32, #tpu.memory_space<vmem>> -> memref<1x16x128xf32, #tpu.memory_space<vmem>>
    %dma_wait3A_1691 = tpu.memref_squeeze %dma_wait3A_1690 : memref<1x16x128xf32, #tpu.memory_space<vmem>> -> memref<16x128xf32, #tpu.memory_space<vmem>>
    %dma_wait3A_1692 = arith.constant 0 : i32
    %dma_wait3A_1693 = tpu.memref_slice %arg3[%dma_wait3A_1692, %multiple_of3A_1261] : memref<16x100000xf32, #tpu.memory_space<hbm>> -> memref<16x128xf32, #tpu.memory_space<hbm>>
    %dma_wait3A_1694 = arith.constant 0 : i32
    %dma_wait3A_1695 = arith.constant 0 : i32
    %dma_wait3A_1696 = tpu.memref_slice %arg7[%dma_wait3A_1687, %dma_wait3A_1694, %dma_wait3A_1695] : memref<16x16x128xf32, #tpu.memory_space<vmem>> -> memref<1x16x128xf32, #tpu.memory_space<vmem>>
    %dma_wait3A_1697 = tpu.memref_squeeze %dma_wait3A_1696 : memref<1x16x128xf32, #tpu.memory_space<vmem>> -> memref<16x128xf32, #tpu.memory_space<vmem>>
    %dma_wait3A_1698 = arith.constant 0 : i32
    %dma_wait3A_1699 = tpu.memref_slice %arg3[%dma_wait3A_1698, %multiple_of3A_1261] : memref<16x100000xf32, #tpu.memory_space<hbm>> -> memref<16x128xf32, #tpu.memory_space<hbm>>
    tpu.wait_dma2 semaphore(%arg10 : memref<!tpu.dma_semaphore, #tpu.memory_space<semaphore_mem>>) src(%dma_wait3A_1699 : memref<16x128xf32, #tpu.memory_space<hbm>>) dst(%dma_wait3A_1697 : memref<16x128xf32, #tpu.memory_space<vmem>>)
    %dma_wait3A_1700 = arith.constant 12 : i32
    %dma_wait3A_1701 = arith.constant 0 : i32
    %dma_wait3A_1702 = arith.constant 0 : i32
    %dma_wait3A_1703 = tpu.memref_slice %arg8[%dma_wait3A_1700, %dma_wait3A_1701, %dma_wait3A_1702] : memref<16x16x128xi32, #tpu.memory_space<vmem>> -> memref<1x16x128xi32, #tpu.memory_space<vmem>>
    %dma_wait3A_1704 = tpu.memref_squeeze %dma_wait3A_1703 : memref<1x16x128xi32, #tpu.memory_space<vmem>> -> memref<16x128xi32, #tpu.memory_space<vmem>>
    %dma_wait3A_1705 = arith.constant 0 : i32
    %dma_wait3A_1706 = tpu.memref_slice %arg4[%dma_wait3A_1705, %multiple_of3A_1261] : memref<16x100000xi32, #tpu.memory_space<hbm>> -> memref<16x128xi32, #tpu.memory_space<hbm>>
    %dma_wait3A_1707 = arith.constant 0 : i32
    %dma_wait3A_1708 = arith.constant 0 : i32
    %dma_wait3A_1709 = tpu.memref_slice %arg8[%dma_wait3A_1700, %dma_wait3A_1707, %dma_wait3A_1708] : memref<16x16x128xi32, #tpu.memory_space<vmem>> -> memref<1x16x128xi32, #tpu.memory_space<vmem>>
    %dma_wait3A_1710 = tpu.memref_squeeze %dma_wait3A_1709 : memref<1x16x128xi32, #tpu.memory_space<vmem>> -> memref<16x128xi32, #tpu.memory_space<vmem>>
    %dma_wait3A_1711 = arith.constant 0 : i32
    %dma_wait3A_1712 = tpu.memref_slice %arg4[%dma_wait3A_1711, %multiple_of3A_1261] : memref<16x100000xi32, #tpu.memory_space<hbm>> -> memref<16x128xi32, #tpu.memory_space<hbm>>
    tpu.wait_dma2 semaphore(%arg11 : memref<!tpu.dma_semaphore, #tpu.memory_space<semaphore_mem>>) src(%dma_wait3A_1712 : memref<16x128xi32, #tpu.memory_space<hbm>>) dst(%dma_wait3A_1710 : memref<16x128xi32, #tpu.memory_space<vmem>>)
    %dma_wait3A_1713 = arith.constant 13 : i32
    %dma_wait3A_1714 = arith.constant 0 : i32
    %dma_wait3A_1715 = arith.constant 0 : i32
    %dma_wait3A_1716 = tpu.memref_slice %arg7[%dma_wait3A_1713, %dma_wait3A_1714, %dma_wait3A_1715] : memref<16x16x128xf32, #tpu.memory_space<vmem>> -> memref<1x16x128xf32, #tpu.memory_space<vmem>>
    %dma_wait3A_1717 = tpu.memref_squeeze %dma_wait3A_1716 : memref<1x16x128xf32, #tpu.memory_space<vmem>> -> memref<16x128xf32, #tpu.memory_space<vmem>>
    %dma_wait3A_1718 = arith.constant 0 : i32
    %dma_wait3A_1719 = tpu.memref_slice %arg3[%dma_wait3A_1718, %multiple_of3A_1290] : memref<16x100000xf32, #tpu.memory_space<hbm>> -> memref<16x128xf32, #tpu.memory_space<hbm>>
    %dma_wait3A_1720 = arith.constant 0 : i32
    %dma_wait3A_1721 = arith.constant 0 : i32
    %dma_wait3A_1722 = tpu.memref_slice %arg7[%dma_wait3A_1713, %dma_wait3A_1720, %dma_wait3A_1721] : memref<16x16x128xf32, #tpu.memory_space<vmem>> -> memref<1x16x128xf32, #tpu.memory_space<vmem>>
    %dma_wait3A_1723 = tpu.memref_squeeze %dma_wait3A_1722 : memref<1x16x128xf32, #tpu.memory_space<vmem>> -> memref<16x128xf32, #tpu.memory_space<vmem>>
    %dma_wait3A_1724 = arith.constant 0 : i32
    %dma_wait3A_1725 = tpu.memref_slice %arg3[%dma_wait3A_1724, %multiple_of3A_1290] : memref<16x100000xf32, #tpu.memory_space<hbm>> -> memref<16x128xf32, #tpu.memory_space<hbm>>
    tpu.wait_dma2 semaphore(%arg10 : memref<!tpu.dma_semaphore, #tpu.memory_space<semaphore_mem>>) src(%dma_wait3A_1725 : memref<16x128xf32, #tpu.memory_space<hbm>>) dst(%dma_wait3A_1723 : memref<16x128xf32, #tpu.memory_space<vmem>>)
    %dma_wait3A_1726 = arith.constant 13 : i32
    %dma_wait3A_1727 = arith.constant 0 : i32
    %dma_wait3A_1728 = arith.constant 0 : i32
    %dma_wait3A_1729 = tpu.memref_slice %arg8[%dma_wait3A_1726, %dma_wait3A_1727, %dma_wait3A_1728] : memref<16x16x128xi32, #tpu.memory_space<vmem>> -> memref<1x16x128xi32, #tpu.memory_space<vmem>>
    %dma_wait3A_1730 = tpu.memref_squeeze %dma_wait3A_1729 : memref<1x16x128xi32, #tpu.memory_space<vmem>> -> memref<16x128xi32, #tpu.memory_space<vmem>>
    %dma_wait3A_1731 = arith.constant 0 : i32
    %dma_wait3A_1732 = tpu.memref_slice %arg4[%dma_wait3A_1731, %multiple_of3A_1290] : memref<16x100000xi32, #tpu.memory_space<hbm>> -> memref<16x128xi32, #tpu.memory_space<hbm>>
    %dma_wait3A_1733 = arith.constant 0 : i32
    %dma_wait3A_1734 = arith.constant 0 : i32
    %dma_wait3A_1735 = tpu.memref_slice %arg8[%dma_wait3A_1726, %dma_wait3A_1733, %dma_wait3A_1734] : memref<16x16x128xi32, #tpu.memory_space<vmem>> -> memref<1x16x128xi32, #tpu.memory_space<vmem>>
    %dma_wait3A_1736 = tpu.memref_squeeze %dma_wait3A_1735 : memref<1x16x128xi32, #tpu.memory_space<vmem>> -> memref<16x128xi32, #tpu.memory_space<vmem>>
    %dma_wait3A_1737 = arith.constant 0 : i32
    %dma_wait3A_1738 = tpu.memref_slice %arg4[%dma_wait3A_1737, %multiple_of3A_1290] : memref<16x100000xi32, #tpu.memory_space<hbm>> -> memref<16x128xi32, #tpu.memory_space<hbm>>
    tpu.wait_dma2 semaphore(%arg11 : memref<!tpu.dma_semaphore, #tpu.memory_space<semaphore_mem>>) src(%dma_wait3A_1738 : memref<16x128xi32, #tpu.memory_space<hbm>>) dst(%dma_wait3A_1736 : memref<16x128xi32, #tpu.memory_space<vmem>>)
    %dma_wait3A_1739 = arith.constant 14 : i32
    %dma_wait3A_1740 = arith.constant 0 : i32
    %dma_wait3A_1741 = arith.constant 0 : i32
    %dma_wait3A_1742 = tpu.memref_slice %arg7[%dma_wait3A_1739, %dma_wait3A_1740, %dma_wait3A_1741] : memref<16x16x128xf32, #tpu.memory_space<vmem>> -> memref<1x16x128xf32, #tpu.memory_space<vmem>>
    %dma_wait3A_1743 = tpu.memref_squeeze %dma_wait3A_1742 : memref<1x16x128xf32, #tpu.memory_space<vmem>> -> memref<16x128xf32, #tpu.memory_space<vmem>>
    %dma_wait3A_1744 = arith.constant 0 : i32
    %dma_wait3A_1745 = tpu.memref_slice %arg3[%dma_wait3A_1744, %multiple_of3A_1319] : memref<16x100000xf32, #tpu.memory_space<hbm>> -> memref<16x128xf32, #tpu.memory_space<hbm>>
    %dma_wait3A_1746 = arith.constant 0 : i32
    %dma_wait3A_1747 = arith.constant 0 : i32
    %dma_wait3A_1748 = tpu.memref_slice %arg7[%dma_wait3A_1739, %dma_wait3A_1746, %dma_wait3A_1747] : memref<16x16x128xf32, #tpu.memory_space<vmem>> -> memref<1x16x128xf32, #tpu.memory_space<vmem>>
    %dma_wait3A_1749 = tpu.memref_squeeze %dma_wait3A_1748 : memref<1x16x128xf32, #tpu.memory_space<vmem>> -> memref<16x128xf32, #tpu.memory_space<vmem>>
    %dma_wait3A_1750 = arith.constant 0 : i32
    %dma_wait3A_1751 = tpu.memref_slice %arg3[%dma_wait3A_1750, %multiple_of3A_1319] : memref<16x100000xf32, #tpu.memory_space<hbm>> -> memref<16x128xf32, #tpu.memory_space<hbm>>
    tpu.wait_dma2 semaphore(%arg10 : memref<!tpu.dma_semaphore, #tpu.memory_space<semaphore_mem>>) src(%dma_wait3A_1751 : memref<16x128xf32, #tpu.memory_space<hbm>>) dst(%dma_wait3A_1749 : memref<16x128xf32, #tpu.memory_space<vmem>>)
    %dma_wait3A_1752 = arith.constant 14 : i32
    %dma_wait3A_1753 = arith.constant 0 : i32
    %dma_wait3A_1754 = arith.constant 0 : i32
    %dma_wait3A_1755 = tpu.memref_slice %arg8[%dma_wait3A_1752, %dma_wait3A_1753, %dma_wait3A_1754] : memref<16x16x128xi32, #tpu.memory_space<vmem>> -> memref<1x16x128xi32, #tpu.memory_space<vmem>>
    %dma_wait3A_1756 = tpu.memref_squeeze %dma_wait3A_1755 : memref<1x16x128xi32, #tpu.memory_space<vmem>> -> memref<16x128xi32, #tpu.memory_space<vmem>>
    %dma_wait3A_1757 = arith.constant 0 : i32
    %dma_wait3A_1758 = tpu.memref_slice %arg4[%dma_wait3A_1757, %multiple_of3A_1319] : memref<16x100000xi32, #tpu.memory_space<hbm>> -> memref<16x128xi32, #tpu.memory_space<hbm>>
    %dma_wait3A_1759 = arith.constant 0 : i32
    %dma_wait3A_1760 = arith.constant 0 : i32
    %dma_wait3A_1761 = tpu.memref_slice %arg8[%dma_wait3A_1752, %dma_wait3A_1759, %dma_wait3A_1760] : memref<16x16x128xi32, #tpu.memory_space<vmem>> -> memref<1x16x128xi32, #tpu.memory_space<vmem>>
    %dma_wait3A_1762 = tpu.memref_squeeze %dma_wait3A_1761 : memref<1x16x128xi32, #tpu.memory_space<vmem>> -> memref<16x128xi32, #tpu.memory_space<vmem>>
    %dma_wait3A_1763 = arith.constant 0 : i32
    %dma_wait3A_1764 = tpu.memref_slice %arg4[%dma_wait3A_1763, %multiple_of3A_1319] : memref<16x100000xi32, #tpu.memory_space<hbm>> -> memref<16x128xi32, #tpu.memory_space<hbm>>
    tpu.wait_dma2 semaphore(%arg11 : memref<!tpu.dma_semaphore, #tpu.memory_space<semaphore_mem>>) src(%dma_wait3A_1764 : memref<16x128xi32, #tpu.memory_space<hbm>>) dst(%dma_wait3A_1762 : memref<16x128xi32, #tpu.memory_space<vmem>>)
    %dma_wait3A_1765 = arith.constant 15 : i32
    %dma_wait3A_1766 = arith.constant 0 : i32
    %dma_wait3A_1767 = arith.constant 0 : i32
    %dma_wait3A_1768 = tpu.memref_slice %arg7[%dma_wait3A_1765, %dma_wait3A_1766, %dma_wait3A_1767] : memref<16x16x128xf32, #tpu.memory_space<vmem>> -> memref<1x16x128xf32, #tpu.memory_space<vmem>>
    %dma_wait3A_1769 = tpu.memref_squeeze %dma_wait3A_1768 : memref<1x16x128xf32, #tpu.memory_space<vmem>> -> memref<16x128xf32, #tpu.memory_space<vmem>>
    %dma_wait3A_1770 = arith.constant 0 : i32
    %dma_wait3A_1771 = tpu.memref_slice %arg3[%dma_wait3A_1770, %multiple_of3A_1348] : memref<16x100000xf32, #tpu.memory_space<hbm>> -> memref<16x128xf32, #tpu.memory_space<hbm>>
    %dma_wait3A_1772 = arith.constant 0 : i32
    %dma_wait3A_1773 = arith.constant 0 : i32
    %dma_wait3A_1774 = tpu.memref_slice %arg7[%dma_wait3A_1765, %dma_wait3A_1772, %dma_wait3A_1773] : memref<16x16x128xf32, #tpu.memory_space<vmem>> -> memref<1x16x128xf32, #tpu.memory_space<vmem>>
    %dma_wait3A_1775 = tpu.memref_squeeze %dma_wait3A_1774 : memref<1x16x128xf32, #tpu.memory_space<vmem>> -> memref<16x128xf32, #tpu.memory_space<vmem>>
    %dma_wait3A_1776 = arith.constant 0 : i32
    %dma_wait3A_1777 = tpu.memref_slice %arg3[%dma_wait3A_1776, %multiple_of3A_1348] : memref<16x100000xf32, #tpu.memory_space<hbm>> -> memref<16x128xf32, #tpu.memory_space<hbm>>
    tpu.wait_dma2 semaphore(%arg10 : memref<!tpu.dma_semaphore, #tpu.memory_space<semaphore_mem>>) src(%dma_wait3A_1777 : memref<16x128xf32, #tpu.memory_space<hbm>>) dst(%dma_wait3A_1775 : memref<16x128xf32, #tpu.memory_space<vmem>>)
    %dma_wait3A_1778 = arith.constant 15 : i32
    %dma_wait3A_1779 = arith.constant 0 : i32
    %dma_wait3A_1780 = arith.constant 0 : i32
    %dma_wait3A_1781 = tpu.memref_slice %arg8[%dma_wait3A_1778, %dma_wait3A_1779, %dma_wait3A_1780] : memref<16x16x128xi32, #tpu.memory_space<vmem>> -> memref<1x16x128xi32, #tpu.memory_space<vmem>>
    %dma_wait3A_1782 = tpu.memref_squeeze %dma_wait3A_1781 : memref<1x16x128xi32, #tpu.memory_space<vmem>> -> memref<16x128xi32, #tpu.memory_space<vmem>>
    %dma_wait3A_1783 = arith.constant 0 : i32
    %dma_wait3A_1784 = tpu.memref_slice %arg4[%dma_wait3A_1783, %multiple_of3A_1348] : memref<16x100000xi32, #tpu.memory_space<hbm>> -> memref<16x128xi32, #tpu.memory_space<hbm>>
    %dma_wait3A_1785 = arith.constant 0 : i32
    %dma_wait3A_1786 = arith.constant 0 : i32
    %dma_wait3A_1787 = tpu.memref_slice %arg8[%dma_wait3A_1778, %dma_wait3A_1785, %dma_wait3A_1786] : memref<16x16x128xi32, #tpu.memory_space<vmem>> -> memref<1x16x128xi32, #tpu.memory_space<vmem>>
    %dma_wait3A_1788 = tpu.memref_squeeze %dma_wait3A_1787 : memref<1x16x128xi32, #tpu.memory_space<vmem>> -> memref<16x128xi32, #tpu.memory_space<vmem>>
    %dma_wait3A_1789 = arith.constant 0 : i32
    %dma_wait3A_1790 = tpu.memref_slice %arg4[%dma_wait3A_1789, %multiple_of3A_1348] : memref<16x100000xi32, #tpu.memory_space<hbm>> -> memref<16x128xi32, #tpu.memory_space<hbm>>
    tpu.wait_dma2 semaphore(%arg11 : memref<!tpu.dma_semaphore, #tpu.memory_space<semaphore_mem>>) src(%dma_wait3A_1790 : memref<16x128xi32, #tpu.memory_space<hbm>>) dst(%dma_wait3A_1788 : memref<16x128xi32, #tpu.memory_space<vmem>>)
    %and3A_1791 = arith.constant 127 : i32
    %and3A_1792 = vector.broadcast %and3A_1791 : i32 to vector<16xi32>
    %and3A_1793 = arith.andi %get3A_904, %and3A_1792 : vector<16xi32>
    %add3A_1794 = arith.constant 16 : i32
    %add3A_1795 = vector.broadcast %add3A_1794 : i32 to vector<16xi32>
    %add3A_1796 = arith.addi %iota3A, %add3A_1795 : vector<16xi32>
    %scan3A_1797 = arith.constant 0 : i32
    %scan3A_1798 = arith.constant 16 : i32
    %scan3A_1799 = arith.addi %scan3A_1797, %scan3A_1798 : i32
    %scan3A_1800 = arith.constant 4 : i32
    %scan3A_1801:2 = scf.for %scan3A_1810 = %scan3A_1797 to %scan3A_1799 step %scan3A_1800 iter_args(%scan3A_1811 = %scan3A_901#0, %scan3A_1812 = %scan3A_901#1) -> (vector<16xf32>, vector<16xf32>)  : i32 {
      %broadcast_in_dim3A_1813 = vector.broadcast %scan3A_1810 : i32 to vector<16xi32>
      %gather3A = tpu.vector_load_idx %arg7[%iota3A, %broadcast_in_dim3A_1813, %and3A_1793] : memref<16x16x128xf32, #tpu.memory_space<vmem>>[vector<16xi32>, vector<16xi32>, vector<16xi32>], vector<16xf32>,
      %gather3A_1814 = tpu.vector_load_idx %arg8[%iota3A, %broadcast_in_dim3A_1813, %and3A_1793] : memref<16x16x128xi32, #tpu.memory_space<vmem>>[vector<16xi32>, vector<16xi32>, vector<16xi32>], vector<16xi32>,
      %ne3A = arith.constant -1 : i32
      %ne3A_1815 = vector.broadcast %ne3A : i32 to vector<16xi32>
      %ne3A_1816 = arith.cmpi ne, %gather3A_1814, %ne3A_1815 : vector<16xi32>
      %jit3A = arith.constant 1.000000e+00 : f32
      %jit3A_1817 = arith.constant 0.000000e+00 : f32
      %broadcast_in_dim3A_1818 = vector.broadcast %jit3A : f32 to vector<16xf32>
      %broadcast_in_dim3A_1819 = vector.broadcast %jit3A_1817 : f32 to vector<16xf32>
      %select_n3A = arith.select %ne3A_1816, %broadcast_in_dim3A_1818, %broadcast_in_dim3A_1819 : vector<16xi1>, vector<16xf32>
      %neg3A = arith.constant 0.000000e+00 : f32
      %neg3A_1820 = vector.broadcast %neg3A : f32 to vector<16xf32>
      %neg3A_1821 = arith.subf %neg3A_1820, %gather3A : vector<16xf32>
      %exp3A = math.exp %neg3A_1821 : vector<16xf32>
      %add3A_1822 = arith.constant 1.000000e+00 : f32
      %add3A_1823 = vector.broadcast %add3A_1822 : f32 to vector<16xf32>
      %add3A_1824 = arith.addf %add3A_1823, %exp3A : vector<16xf32>
      %div3A = arith.divf %select_n3A, %add3A_1824 : vector<16xf32>
      %sub3A = arith.constant 1.000000e+00 : f32
      %sub3A_1825 = vector.broadcast %sub3A : f32 to vector<16xf32>
      %sub3A_1826 = arith.subf %sub3A_1825, %div3A : vector<16xf32>
      %max3A = arith.constant 1.000000e-07 : f32
      %max3A_1827 = vector.broadcast %max3A : f32 to vector<16xf32>
      %max3A_1828 = arith.maximumf %sub3A_1826, %max3A_1827 : vector<16xf32>
      %bitcast3A = vector.bitcast %max3A_1828 : vector<16xf32> to vector<16xi32>
      %shift_right_logical3A_1829 = arith.constant 23 : i32
      %shift_right_logical3A_1830 = vector.broadcast %shift_right_logical3A_1829 : i32 to vector<16xi32>
      %shift_right_logical3A_1831 = arith.shrui %bitcast3A, %shift_right_logical3A_1830 : vector<16xi32>
      %sub3A_1832 = arith.constant 127 : i32
      %sub3A_1833 = vector.broadcast %sub3A_1832 : i32 to vector<16xi32>
      %sub3A_1834 = arith.subi %shift_right_logical3A_1831, %sub3A_1833 : vector<16xi32>
      %and3A_1835 = arith.constant 8388607 : i32
      %and3A_1836 = vector.broadcast %and3A_1835 : i32 to vector<16xi32>
      %and3A_1837 = arith.andi %bitcast3A, %and3A_1836 : vector<16xi32>
      %or3A = arith.constant 1065353216 : i32
      %or3A_1838 = vector.broadcast %or3A : i32 to vector<16xi32>
      %or3A_1839 = arith.ori %and3A_1837, %or3A_1838 : vector<16xi32>
      %bitcast3A_1840 = vector.bitcast %or3A_1839 : vector<16xi32> to vector<16xf32>
      %gt3A = arith.constant 1.41421354 : f32
      %gt3A_1841 = vector.broadcast %gt3A : f32 to vector<16xf32>
      %gt3A_1842 = arith.cmpf ogt, %bitcast3A_1840, %gt3A_1841 : vector<16xf32>
      %mul3A_1843 = arith.constant 5.000000e-01 : f32
      %mul3A_1844 = vector.broadcast %mul3A_1843 : f32 to vector<16xf32>
      %mul3A_1845 = arith.mulf %bitcast3A_1840, %mul3A_1844 : vector<16xf32>
      %select_n3A_1846 = arith.select %gt3A_1842, %mul3A_1845, %bitcast3A_1840 : vector<16xi1>, vector<16xf32>
      %add3A_1847 = arith.constant 1 : i32
      %add3A_1848 = vector.broadcast %add3A_1847 : i32 to vector<16xi32>
      %add3A_1849 = arith.addi %sub3A_1834, %add3A_1848 : vector<16xi32>
      %select_n3A_1850 = arith.select %gt3A_1842, %add3A_1849, %sub3A_1834 : vector<16xi1>, vector<16xi32>
      %sub3A_1851 = arith.constant 1.000000e+00 : f32
      %sub3A_1852 = vector.broadcast %sub3A_1851 : f32 to vector<16xf32>
      %sub3A_1853 = arith.subf %select_n3A_1846, %sub3A_1852 : vector<16xf32>
      %add3A_1854 = arith.constant 2.000000e+00 : f32
      %add3A_1855 = vector.broadcast %add3A_1854 : f32 to vector<16xf32>
      %add3A_1856 = arith.addf %add3A_1855, %sub3A_1853 : vector<16xf32>
      %div3A_1857 = arith.divf %sub3A_1853, %add3A_1856 : vector<16xf32>
      %mul3A_1858 = arith.mulf %div3A_1857, %div3A_1857 : vector<16xf32>
      %mul3A_1859 = arith.constant 0.142857149 : f32
      %mul3A_1860 = vector.broadcast %mul3A_1859 : f32 to vector<16xf32>
      %mul3A_1861 = arith.mulf %mul3A_1858, %mul3A_1860 : vector<16xf32>
      %add3A_1862 = arith.constant 2.000000e-01 : f32
      %add3A_1863 = vector.broadcast %add3A_1862 : f32 to vector<16xf32>
      %add3A_1864 = arith.addf %add3A_1863, %mul3A_1861 : vector<16xf32>
      %mul3A_1865 = arith.mulf %mul3A_1858, %add3A_1864 : vector<16xf32>
      %add3A_1866 = arith.constant 0.333333343 : f32
      %add3A_1867 = vector.broadcast %add3A_1866 : f32 to vector<16xf32>
      %add3A_1868 = arith.addf %add3A_1867, %mul3A_1865 : vector<16xf32>
      %mul3A_1869 = arith.mulf %mul3A_1858, %add3A_1868 : vector<16xf32>
      %add3A_1870 = arith.constant 1.000000e+00 : f32
      %add3A_1871 = vector.broadcast %add3A_1870 : f32 to vector<16xf32>
      %add3A_1872 = arith.addf %add3A_1871, %mul3A_1869 : vector<16xf32>
      %convert_element_type3A = arith.sitofp %select_n3A_1850 : vector<16xi32> to vector<16xf32>
      %mul3A_1873 = arith.constant 0.693147182 : f32
      %mul3A_1874 = vector.broadcast %mul3A_1873 : f32 to vector<16xf32>
      %mul3A_1875 = arith.mulf %convert_element_type3A, %mul3A_1874 : vector<16xf32>
      %mul3A_1876 = arith.constant 2.000000e+00 : f32
      %mul3A_1877 = vector.broadcast %mul3A_1876 : f32 to vector<16xf32>
      %mul3A_1878 = arith.mulf %mul3A_1877, %div3A_1857 : vector<16xf32>
      %mul3A_1879 = arith.mulf %mul3A_1878, %add3A_1872 : vector<16xf32>
      %add3A_1880 = arith.addf %mul3A_1875, %mul3A_1879 : vector<16xf32>
      tpu.vector_store_idx %arg9[%add3A_1796, %gather3A_1814], %add3A_1880 masked %ne3A_1816 {add = true} : memref<32x256xf32, #tpu.memory_space<vmem>>[vector<16xi32>, vector<16xi32>], vector<16xf32>, vector<16xi1>
      %mul3A_1881 = arith.mulf %gather3A, %gather3A : vector<16xf32>
      %mul3A_1882 = arith.mulf %mul3A_1881, %select_n3A : vector<16xf32>
      %add3A_1883 = arith.addf %scan3A_1811, %mul3A_1882 : vector<16xf32>
      %add3A_1884 = arith.addf %scan3A_1812, %select_n3A : vector<16xf32>
      %scan3A_1885 = arith.constant 1 : i32
      %scan3A_1886 = arith.addi %scan3A_1810, %scan3A_1885 : i32
      %broadcast_in_dim3A_1887 = vector.broadcast %scan3A_1886 : i32 to vector<16xi32>
      %gather3A_1888 = tpu.vector_load_idx %arg7[%iota3A, %broadcast_in_dim3A_1887, %and3A_1793] : memref<16x16x128xf32, #tpu.memory_space<vmem>>[vector<16xi32>, vector<16xi32>, vector<16xi32>], vector<16xf32>,
      %gather3A_1889 = tpu.vector_load_idx %arg8[%iota3A, %broadcast_in_dim3A_1887, %and3A_1793] : memref<16x16x128xi32, #tpu.memory_space<vmem>>[vector<16xi32>, vector<16xi32>, vector<16xi32>], vector<16xi32>,
      %ne3A_1890 = arith.constant -1 : i32
      %ne3A_1891 = vector.broadcast %ne3A_1890 : i32 to vector<16xi32>
      %ne3A_1892 = arith.cmpi ne, %gather3A_1889, %ne3A_1891 : vector<16xi32>
      %jit3A_1893 = arith.constant 1.000000e+00 : f32
      %jit3A_1894 = arith.constant 0.000000e+00 : f32
      %broadcast_in_dim3A_1895 = vector.broadcast %jit3A_1893 : f32 to vector<16xf32>
      %broadcast_in_dim3A_1896 = vector.broadcast %jit3A_1894 : f32 to vector<16xf32>
      %select_n3A_1897 = arith.select %ne3A_1892, %broadcast_in_dim3A_1895, %broadcast_in_dim3A_1896 : vector<16xi1>, vector<16xf32>
      %neg3A_1898 = arith.constant 0.000000e+00 : f32
      %neg3A_1899 = vector.broadcast %neg3A_1898 : f32 to vector<16xf32>
      %neg3A_1900 = arith.subf %neg3A_1899, %gather3A_1888 : vector<16xf32>
      %exp3A_1901 = math.exp %neg3A_1900 : vector<16xf32>
      %add3A_1902 = arith.constant 1.000000e+00 : f32
      %add3A_1903 = vector.broadcast %add3A_1902 : f32 to vector<16xf32>
      %add3A_1904 = arith.addf %add3A_1903, %exp3A_1901 : vector<16xf32>
      %div3A_1905 = arith.divf %select_n3A_1897, %add3A_1904 : vector<16xf32>
      %sub3A_1906 = arith.constant 1.000000e+00 : f32
      %sub3A_1907 = vector.broadcast %sub3A_1906 : f32 to vector<16xf32>
      %sub3A_1908 = arith.subf %sub3A_1907, %div3A_1905 : vector<16xf32>
      %max3A_1909 = arith.constant 1.000000e-07 : f32
      %max3A_1910 = vector.broadcast %max3A_1909 : f32 to vector<16xf32>
      %max3A_1911 = arith.maximumf %sub3A_1908, %max3A_1910 : vector<16xf32>
      %bitcast3A_1912 = vector.bitcast %max3A_1911 : vector<16xf32> to vector<16xi32>
      %shift_right_logical3A_1913 = arith.constant 23 : i32
      %shift_right_logical3A_1914 = vector.broadcast %shift_right_logical3A_1913 : i32 to vector<16xi32>
      %shift_right_logical3A_1915 = arith.shrui %bitcast3A_1912, %shift_right_logical3A_1914 : vector<16xi32>
      %sub3A_1916 = arith.constant 127 : i32
      %sub3A_1917 = vector.broadcast %sub3A_1916 : i32 to vector<16xi32>
      %sub3A_1918 = arith.subi %shift_right_logical3A_1915, %sub3A_1917 : vector<16xi32>
      %and3A_1919 = arith.constant 8388607 : i32
      %and3A_1920 = vector.broadcast %and3A_1919 : i32 to vector<16xi32>
      %and3A_1921 = arith.andi %bitcast3A_1912, %and3A_1920 : vector<16xi32>
      %or3A_1922 = arith.constant 1065353216 : i32
      %or3A_1923 = vector.broadcast %or3A_1922 : i32 to vector<16xi32>
      %or3A_1924 = arith.ori %and3A_1921, %or3A_1923 : vector<16xi32>
      %bitcast3A_1925 = vector.bitcast %or3A_1924 : vector<16xi32> to vector<16xf32>
      %gt3A_1926 = arith.constant 1.41421354 : f32
      %gt3A_1927 = vector.broadcast %gt3A_1926 : f32 to vector<16xf32>
      %gt3A_1928 = arith.cmpf ogt, %bitcast3A_1925, %gt3A_1927 : vector<16xf32>
      %mul3A_1929 = arith.constant 5.000000e-01 : f32
      %mul3A_1930 = vector.broadcast %mul3A_1929 : f32 to vector<16xf32>
      %mul3A_1931 = arith.mulf %bitcast3A_1925, %mul3A_1930 : vector<16xf32>
      %select_n3A_1932 = arith.select %gt3A_1928, %mul3A_1931, %bitcast3A_1925 : vector<16xi1>, vector<16xf32>
      %add3A_1933 = arith.constant 1 : i32
      %add3A_1934 = vector.broadcast %add3A_1933 : i32 to vector<16xi32>
      %add3A_1935 = arith.addi %sub3A_1918, %add3A_1934 : vector<16xi32>
      %select_n3A_1936 = arith.select %gt3A_1928, %add3A_1935, %sub3A_1918 : vector<16xi1>, vector<16xi32>
      %sub3A_1937 = arith.constant 1.000000e+00 : f32
      %sub3A_1938 = vector.broadcast %sub3A_1937 : f32 to vector<16xf32>
      %sub3A_1939 = arith.subf %select_n3A_1932, %sub3A_1938 : vector<16xf32>
      %add3A_1940 = arith.constant 2.000000e+00 : f32
      %add3A_1941 = vector.broadcast %add3A_1940 : f32 to vector<16xf32>
      %add3A_1942 = arith.addf %add3A_1941, %sub3A_1939 : vector<16xf32>
      %div3A_1943 = arith.divf %sub3A_1939, %add3A_1942 : vector<16xf32>
      %mul3A_1944 = arith.mulf %div3A_1943, %div3A_1943 : vector<16xf32>
      %mul3A_1945 = arith.constant 0.142857149 : f32
      %mul3A_1946 = vector.broadcast %mul3A_1945 : f32 to vector<16xf32>
      %mul3A_1947 = arith.mulf %mul3A_1944, %mul3A_1946 : vector<16xf32>
      %add3A_1948 = arith.constant 2.000000e-01 : f32
      %add3A_1949 = vector.broadcast %add3A_1948 : f32 to vector<16xf32>
      %add3A_1950 = arith.addf %add3A_1949, %mul3A_1947 : vector<16xf32>
      %mul3A_1951 = arith.mulf %mul3A_1944, %add3A_1950 : vector<16xf32>
      %add3A_1952 = arith.constant 0.333333343 : f32
      %add3A_1953 = vector.broadcast %add3A_1952 : f32 to vector<16xf32>
      %add3A_1954 = arith.addf %add3A_1953, %mul3A_1951 : vector<16xf32>
      %mul3A_1955 = arith.mulf %mul3A_1944, %add3A_1954 : vector<16xf32>
      %add3A_1956 = arith.constant 1.000000e+00 : f32
      %add3A_1957 = vector.broadcast %add3A_1956 : f32 to vector<16xf32>
      %add3A_1958 = arith.addf %add3A_1957, %mul3A_1955 : vector<16xf32>
      %convert_element_type3A_1959 = arith.sitofp %select_n3A_1936 : vector<16xi32> to vector<16xf32>
      %mul3A_1960 = arith.constant 0.693147182 : f32
      %mul3A_1961 = vector.broadcast %mul3A_1960 : f32 to vector<16xf32>
      %mul3A_1962 = arith.mulf %convert_element_type3A_1959, %mul3A_1961 : vector<16xf32>
      %mul3A_1963 = arith.constant 2.000000e+00 : f32
      %mul3A_1964 = vector.broadcast %mul3A_1963 : f32 to vector<16xf32>
      %mul3A_1965 = arith.mulf %mul3A_1964, %div3A_1943 : vector<16xf32>
      %mul3A_1966 = arith.mulf %mul3A_1965, %add3A_1958 : vector<16xf32>
      %add3A_1967 = arith.addf %mul3A_1962, %mul3A_1966 : vector<16xf32>
      tpu.vector_store_idx %arg9[%add3A_1796, %gather3A_1889], %add3A_1967 masked %ne3A_1892 {add = true} : memref<32x256xf32, #tpu.memory_space<vmem>>[vector<16xi32>, vector<16xi32>], vector<16xf32>, vector<16xi1>
      %mul3A_1968 = arith.mulf %gather3A_1888, %gather3A_1888 : vector<16xf32>
      %mul3A_1969 = arith.mulf %mul3A_1968, %select_n3A_1897 : vector<16xf32>
      %add3A_1970 = arith.addf %add3A_1883, %mul3A_1969 : vector<16xf32>
      %add3A_1971 = arith.addf %add3A_1884, %select_n3A_1897 : vector<16xf32>
      %scan3A_1972 = arith.constant 2 : i32
      %scan3A_1973 = arith.addi %scan3A_1810, %scan3A_1972 : i32
      %broadcast_in_dim3A_1974 = vector.broadcast %scan3A_1973 : i32 to vector<16xi32>
      %gather3A_1975 = tpu.vector_load_idx %arg7[%iota3A, %broadcast_in_dim3A_1974, %and3A_1793] : memref<16x16x128xf32, #tpu.memory_space<vmem>>[vector<16xi32>, vector<16xi32>, vector<16xi32>], vector<16xf32>,
      %gather3A_1976 = tpu.vector_load_idx %arg8[%iota3A, %broadcast_in_dim3A_1974, %and3A_1793] : memref<16x16x128xi32, #tpu.memory_space<vmem>>[vector<16xi32>, vector<16xi32>, vector<16xi32>], vector<16xi32>,
      %ne3A_1977 = arith.constant -1 : i32
      %ne3A_1978 = vector.broadcast %ne3A_1977 : i32 to vector<16xi32>
      %ne3A_1979 = arith.cmpi ne, %gather3A_1976, %ne3A_1978 : vector<16xi32>
      %jit3A_1980 = arith.constant 1.000000e+00 : f32
      %jit3A_1981 = arith.constant 0.000000e+00 : f32
      %broadcast_in_dim3A_1982 = vector.broadcast %jit3A_1980 : f32 to vector<16xf32>
      %broadcast_in_dim3A_1983 = vector.broadcast %jit3A_1981 : f32 to vector<16xf32>
      %select_n3A_1984 = arith.select %ne3A_1979, %broadcast_in_dim3A_1982, %broadcast_in_dim3A_1983 : vector<16xi1>, vector<16xf32>
      %neg3A_1985 = arith.constant 0.000000e+00 : f32
      %neg3A_1986 = vector.broadcast %neg3A_1985 : f32 to vector<16xf32>
      %neg3A_1987 = arith.subf %neg3A_1986, %gather3A_1975 : vector<16xf32>
      %exp3A_1988 = math.exp %neg3A_1987 : vector<16xf32>
      %add3A_1989 = arith.constant 1.000000e+00 : f32
      %add3A_1990 = vector.broadcast %add3A_1989 : f32 to vector<16xf32>
      %add3A_1991 = arith.addf %add3A_1990, %exp3A_1988 : vector<16xf32>
      %div3A_1992 = arith.divf %select_n3A_1984, %add3A_1991 : vector<16xf32>
      %sub3A_1993 = arith.constant 1.000000e+00 : f32
      %sub3A_1994 = vector.broadcast %sub3A_1993 : f32 to vector<16xf32>
      %sub3A_1995 = arith.subf %sub3A_1994, %div3A_1992 : vector<16xf32>
      %max3A_1996 = arith.constant 1.000000e-07 : f32
      %max3A_1997 = vector.broadcast %max3A_1996 : f32 to vector<16xf32>
      %max3A_1998 = arith.maximumf %sub3A_1995, %max3A_1997 : vector<16xf32>
      %bitcast3A_1999 = vector.bitcast %max3A_1998 : vector<16xf32> to vector<16xi32>
      %shift_right_logical3A_2000 = arith.constant 23 : i32
      %shift_right_logical3A_2001 = vector.broadcast %shift_right_logical3A_2000 : i32 to vector<16xi32>
      %shift_right_logical3A_2002 = arith.shrui %bitcast3A_1999, %shift_right_logical3A_2001 : vector<16xi32>
      %sub3A_2003 = arith.constant 127 : i32
      %sub3A_2004 = vector.broadcast %sub3A_2003 : i32 to vector<16xi32>
      %sub3A_2005 = arith.subi %shift_right_logical3A_2002, %sub3A_2004 : vector<16xi32>
      %and3A_2006 = arith.constant 8388607 : i32
      %and3A_2007 = vector.broadcast %and3A_2006 : i32 to vector<16xi32>
      %and3A_2008 = arith.andi %bitcast3A_1999, %and3A_2007 : vector<16xi32>
      %or3A_2009 = arith.constant 1065353216 : i32
      %or3A_2010 = vector.broadcast %or3A_2009 : i32 to vector<16xi32>
      %or3A_2011 = arith.ori %and3A_2008, %or3A_2010 : vector<16xi32>
      %bitcast3A_2012 = vector.bitcast %or3A_2011 : vector<16xi32> to vector<16xf32>
      %gt3A_2013 = arith.constant 1.41421354 : f32
      %gt3A_2014 = vector.broadcast %gt3A_2013 : f32 to vector<16xf32>
      %gt3A_2015 = arith.cmpf ogt, %bitcast3A_2012, %gt3A_2014 : vector<16xf32>
      %mul3A_2016 = arith.constant 5.000000e-01 : f32
      %mul3A_2017 = vector.broadcast %mul3A_2016 : f32 to vector<16xf32>
      %mul3A_2018 = arith.mulf %bitcast3A_2012, %mul3A_2017 : vector<16xf32>
      %select_n3A_2019 = arith.select %gt3A_2015, %mul3A_2018, %bitcast3A_2012 : vector<16xi1>, vector<16xf32>
      %add3A_2020 = arith.constant 1 : i32
      %add3A_2021 = vector.broadcast %add3A_2020 : i32 to vector<16xi32>
      %add3A_2022 = arith.addi %sub3A_2005, %add3A_2021 : vector<16xi32>
      %select_n3A_2023 = arith.select %gt3A_2015, %add3A_2022, %sub3A_2005 : vector<16xi1>, vector<16xi32>
      %sub3A_2024 = arith.constant 1.000000e+00 : f32
      %sub3A_2025 = vector.broadcast %sub3A_2024 : f32 to vector<16xf32>
      %sub3A_2026 = arith.subf %select_n3A_2019, %sub3A_2025 : vector<16xf32>
      %add3A_2027 = arith.constant 2.000000e+00 : f32
      %add3A_2028 = vector.broadcast %add3A_2027 : f32 to vector<16xf32>
      %add3A_2029 = arith.addf %add3A_2028, %sub3A_2026 : vector<16xf32>
      %div3A_2030 = arith.divf %sub3A_2026, %add3A_2029 : vector<16xf32>
      %mul3A_2031 = arith.mulf %div3A_2030, %div3A_2030 : vector<16xf32>
      %mul3A_2032 = arith.constant 0.142857149 : f32
      %mul3A_2033 = vector.broadcast %mul3A_2032 : f32 to vector<16xf32>
      %mul3A_2034 = arith.mulf %mul3A_2031, %mul3A_2033 : vector<16xf32>
      %add3A_2035 = arith.constant 2.000000e-01 : f32
      %add3A_2036 = vector.broadcast %add3A_2035 : f32 to vector<16xf32>
      %add3A_2037 = arith.addf %add3A_2036, %mul3A_2034 : vector<16xf32>
      %mul3A_2038 = arith.mulf %mul3A_2031, %add3A_2037 : vector<16xf32>
      %add3A_2039 = arith.constant 0.333333343 : f32
      %add3A_2040 = vector.broadcast %add3A_2039 : f32 to vector<16xf32>
      %add3A_2041 = arith.addf %add3A_2040, %mul3A_2038 : vector<16xf32>
      %mul3A_2042 = arith.mulf %mul3A_2031, %add3A_2041 : vector<16xf32>
      %add3A_2043 = arith.constant 1.000000e+00 : f32
      %add3A_2044 = vector.broadcast %add3A_2043 : f32 to vector<16xf32>
      %add3A_2045 = arith.addf %add3A_2044, %mul3A_2042 : vector<16xf32>
      %convert_element_type3A_2046 = arith.sitofp %select_n3A_2023 : vector<16xi32> to vector<16xf32>
      %mul3A_2047 = arith.constant 0.693147182 : f32
      %mul3A_2048 = vector.broadcast %mul3A_2047 : f32 to vector<16xf32>
      %mul3A_2049 = arith.mulf %convert_element_type3A_2046, %mul3A_2048 : vector<16xf32>
      %mul3A_2050 = arith.constant 2.000000e+00 : f32
      %mul3A_2051 = vector.broadcast %mul3A_2050 : f32 to vector<16xf32>
      %mul3A_2052 = arith.mulf %mul3A_2051, %div3A_2030 : vector<16xf32>
      %mul3A_2053 = arith.mulf %mul3A_2052, %add3A_2045 : vector<16xf32>
      %add3A_2054 = arith.addf %mul3A_2049, %mul3A_2053 : vector<16xf32>
      tpu.vector_store_idx %arg9[%add3A_1796, %gather3A_1976], %add3A_2054 masked %ne3A_1979 {add = true} : memref<32x256xf32, #tpu.memory_space<vmem>>[vector<16xi32>, vector<16xi32>], vector<16xf32>, vector<16xi1>
      %mul3A_2055 = arith.mulf %gather3A_1975, %gather3A_1975 : vector<16xf32>
      %mul3A_2056 = arith.mulf %mul3A_2055, %select_n3A_1984 : vector<16xf32>
      %add3A_2057 = arith.addf %add3A_1970, %mul3A_2056 : vector<16xf32>
      %add3A_2058 = arith.addf %add3A_1971, %select_n3A_1984 : vector<16xf32>
      %scan3A_2059 = arith.constant 3 : i32
      %scan3A_2060 = arith.addi %scan3A_1810, %scan3A_2059 : i32
      %broadcast_in_dim3A_2061 = vector.broadcast %scan3A_2060 : i32 to vector<16xi32>
      %gather3A_2062 = tpu.vector_load_idx %arg7[%iota3A, %broadcast_in_dim3A_2061, %and3A_1793] : memref<16x16x128xf32, #tpu.memory_space<vmem>>[vector<16xi32>, vector<16xi32>, vector<16xi32>], vector<16xf32>,
      %gather3A_2063 = tpu.vector_load_idx %arg8[%iota3A, %broadcast_in_dim3A_2061, %and3A_1793] : memref<16x16x128xi32, #tpu.memory_space<vmem>>[vector<16xi32>, vector<16xi32>, vector<16xi32>], vector<16xi32>,
      %ne3A_2064 = arith.constant -1 : i32
      %ne3A_2065 = vector.broadcast %ne3A_2064 : i32 to vector<16xi32>
      %ne3A_2066 = arith.cmpi ne, %gather3A_2063, %ne3A_2065 : vector<16xi32>
      %jit3A_2067 = arith.constant 1.000000e+00 : f32
      %jit3A_2068 = arith.constant 0.000000e+00 : f32
      %broadcast_in_dim3A_2069 = vector.broadcast %jit3A_2067 : f32 to vector<16xf32>
      %broadcast_in_dim3A_2070 = vector.broadcast %jit3A_2068 : f32 to vector<16xf32>
      %select_n3A_2071 = arith.select %ne3A_2066, %broadcast_in_dim3A_2069, %broadcast_in_dim3A_2070 : vector<16xi1>, vector<16xf32>
      %neg3A_2072 = arith.constant 0.000000e+00 : f32
      %neg3A_2073 = vector.broadcast %neg3A_2072 : f32 to vector<16xf32>
      %neg3A_2074 = arith.subf %neg3A_2073, %gather3A_2062 : vector<16xf32>
      %exp3A_2075 = math.exp %neg3A_2074 : vector<16xf32>
      %add3A_2076 = arith.constant 1.000000e+00 : f32
      %add3A_2077 = vector.broadcast %add3A_2076 : f32 to vector<16xf32>
      %add3A_2078 = arith.addf %add3A_2077, %exp3A_2075 : vector<16xf32>
      %div3A_2079 = arith.divf %select_n3A_2071, %add3A_2078 : vector<16xf32>
      %sub3A_2080 = arith.constant 1.000000e+00 : f32
      %sub3A_2081 = vector.broadcast %sub3A_2080 : f32 to vector<16xf32>
      %sub3A_2082 = arith.subf %sub3A_2081, %div3A_2079 : vector<16xf32>
      %max3A_2083 = arith.constant 1.000000e-07 : f32
      %max3A_2084 = vector.broadcast %max3A_2083 : f32 to vector<16xf32>
      %max3A_2085 = arith.maximumf %sub3A_2082, %max3A_2084 : vector<16xf32>
      %bitcast3A_2086 = vector.bitcast %max3A_2085 : vector<16xf32> to vector<16xi32>
      %shift_right_logical3A_2087 = arith.constant 23 : i32
      %shift_right_logical3A_2088 = vector.broadcast %shift_right_logical3A_2087 : i32 to vector<16xi32>
      %shift_right_logical3A_2089 = arith.shrui %bitcast3A_2086, %shift_right_logical3A_2088 : vector<16xi32>
      %sub3A_2090 = arith.constant 127 : i32
      %sub3A_2091 = vector.broadcast %sub3A_2090 : i32 to vector<16xi32>
      %sub3A_2092 = arith.subi %shift_right_logical3A_2089, %sub3A_2091 : vector<16xi32>
      %and3A_2093 = arith.constant 8388607 : i32
      %and3A_2094 = vector.broadcast %and3A_2093 : i32 to vector<16xi32>
      %and3A_2095 = arith.andi %bitcast3A_2086, %and3A_2094 : vector<16xi32>
      %or3A_2096 = arith.constant 1065353216 : i32
      %or3A_2097 = vector.broadcast %or3A_2096 : i32 to vector<16xi32>
      %or3A_2098 = arith.ori %and3A_2095, %or3A_2097 : vector<16xi32>
      %bitcast3A_2099 = vector.bitcast %or3A_2098 : vector<16xi32> to vector<16xf32>
      %gt3A_2100 = arith.constant 1.41421354 : f32
      %gt3A_2101 = vector.broadcast %gt3A_2100 : f32 to vector<16xf32>
      %gt3A_2102 = arith.cmpf ogt, %bitcast3A_2099, %gt3A_2101 : vector<16xf32>
      %mul3A_2103 = arith.constant 5.000000e-01 : f32
      %mul3A_2104 = vector.broadcast %mul3A_2103 : f32 to vector<16xf32>
      %mul3A_2105 = arith.mulf %bitcast3A_2099, %mul3A_2104 : vector<16xf32>
      %select_n3A_2106 = arith.select %gt3A_2102, %mul3A_2105, %bitcast3A_2099 : vector<16xi1>, vector<16xf32>
      %add3A_2107 = arith.constant 1 : i32
      %add3A_2108 = vector.broadcast %add3A_2107 : i32 to vector<16xi32>
      %add3A_2109 = arith.addi %sub3A_2092, %add3A_2108 : vector<16xi32>
      %select_n3A_2110 = arith.select %gt3A_2102, %add3A_2109, %sub3A_2092 : vector<16xi1>, vector<16xi32>
      %sub3A_2111 = arith.constant 1.000000e+00 : f32
      %sub3A_2112 = vector.broadcast %sub3A_2111 : f32 to vector<16xf32>
      %sub3A_2113 = arith.subf %select_n3A_2106, %sub3A_2112 : vector<16xf32>
      %add3A_2114 = arith.constant 2.000000e+00 : f32
      %add3A_2115 = vector.broadcast %add3A_2114 : f32 to vector<16xf32>
      %add3A_2116 = arith.addf %add3A_2115, %sub3A_2113 : vector<16xf32>
      %div3A_2117 = arith.divf %sub3A_2113, %add3A_2116 : vector<16xf32>
      %mul3A_2118 = arith.mulf %div3A_2117, %div3A_2117 : vector<16xf32>
      %mul3A_2119 = arith.constant 0.142857149 : f32
      %mul3A_2120 = vector.broadcast %mul3A_2119 : f32 to vector<16xf32>
      %mul3A_2121 = arith.mulf %mul3A_2118, %mul3A_2120 : vector<16xf32>
      %add3A_2122 = arith.constant 2.000000e-01 : f32
      %add3A_2123 = vector.broadcast %add3A_2122 : f32 to vector<16xf32>
      %add3A_2124 = arith.addf %add3A_2123, %mul3A_2121 : vector<16xf32>
      %mul3A_2125 = arith.mulf %mul3A_2118, %add3A_2124 : vector<16xf32>
      %add3A_2126 = arith.constant 0.333333343 : f32
      %add3A_2127 = vector.broadcast %add3A_2126 : f32 to vector<16xf32>
      %add3A_2128 = arith.addf %add3A_2127, %mul3A_2125 : vector<16xf32>
      %mul3A_2129 = arith.mulf %mul3A_2118, %add3A_2128 : vector<16xf32>
      %add3A_2130 = arith.constant 1.000000e+00 : f32
      %add3A_2131 = vector.broadcast %add3A_2130 : f32 to vector<16xf32>
      %add3A_2132 = arith.addf %add3A_2131, %mul3A_2129 : vector<16xf32>
      %convert_element_type3A_2133 = arith.sitofp %select_n3A_2110 : vector<16xi32> to vector<16xf32>
      %mul3A_2134 = arith.constant 0.693147182 : f32
      %mul3A_2135 = vector.broadcast %mul3A_2134 : f32 to vector<16xf32>
      %mul3A_2136 = arith.mulf %convert_element_type3A_2133, %mul3A_2135 : vector<16xf32>
      %mul3A_2137 = arith.constant 2.000000e+00 : f32
      %mul3A_2138 = vector.broadcast %mul3A_2137 : f32 to vector<16xf32>
      %mul3A_2139 = arith.mulf %mul3A_2138, %div3A_2117 : vector<16xf32>
      %mul3A_2140 = arith.mulf %mul3A_2139, %add3A_2132 : vector<16xf32>
      %add3A_2141 = arith.addf %mul3A_2136, %mul3A_2140 : vector<16xf32>
      tpu.vector_store_idx %arg9[%add3A_1796, %gather3A_2063], %add3A_2141 masked %ne3A_2066 {add = true} : memref<32x256xf32, #tpu.memory_space<vmem>>[vector<16xi32>, vector<16xi32>], vector<16xf32>, vector<16xi1>
      %mul3A_2142 = arith.mulf %gather3A_2062, %gather3A_2062 : vector<16xf32>
      %mul3A_2143 = arith.mulf %mul3A_2142, %select_n3A_2071 : vector<16xf32>
      %add3A_2144 = arith.addf %add3A_2057, %mul3A_2143 : vector<16xf32>
      %add3A_2145 = arith.addf %add3A_2058, %select_n3A_2071 : vector<16xf32>
      scf.yield %add3A_2144, %add3A_2145 : vector<16xf32>, vector<16xf32>
    }
    %scan3A_1802 = arith.constant 16 : i32
    %swap3A = arith.constant 0 : i32
    %swap3A_1803 = arith.index_cast %swap3A : i32 to index
    %swap3A_1804 = arith.constant 208 : index
    %swap3A_1805 = tpu.vector_load %arg9[%swap3A_1803, %swap3A_1804] {strides = array<i32>} : memref<32x256xf32, #tpu.memory_space<vmem>>, vector<16xf32>,
    tpu.vector_store %arg9[%swap3A_1803, %swap3A_1804], %scan3A_1801#0 {strides = array<i32>} : memref<32x256xf32, #tpu.memory_space<vmem>>, vector<16xf32>,
    %swap3A_1806 = arith.constant 0 : i32
    %swap3A_1807 = arith.index_cast %swap3A_1806 : i32 to index
    %swap3A_1808 = arith.constant 224 : index
    %swap3A_1809 = tpu.vector_load %arg9[%swap3A_1807, %swap3A_1808] {strides = array<i32>} : memref<32x256xf32, #tpu.memory_space<vmem>>, vector<16xf32>,
    tpu.vector_store %arg9[%swap3A_1807, %swap3A_1808], %scan3A_1801#1 {strides = array<i32>} : memref<32x256xf32, #tpu.memory_space<vmem>>, vector<16xf32>,
    "tpu.region"() ({
      %run_scoped3A = tpu.sem_alloc : memref<!tpu.dma_semaphore, #tpu.memory_space<semaphore_mem>>
      %dma_start3A_1810 = arith.constant 0 : i32
      %dma_start3A_1811 = tpu.memref_slice %arg5[%mul3A_2, %dma_start3A_1810] : memref<1024x256xf32, #tpu.memory_space<hbm>> -> memref<32x256xf32, #tpu.memory_space<hbm>>
      %dma_start3A_1812 = arith.constant 0 : i32
      %dma_start3A_1813 = tpu.memref_slice %arg5[%mul3A_2, %dma_start3A_1812] : memref<1024x256xf32, #tpu.memory_space<hbm>> -> memref<32x256xf32, #tpu.memory_space<hbm>>
      tpu.enqueue_dma source(%arg9 : memref<32x256xf32, #tpu.memory_space<vmem>>) target(%dma_start3A_1813 : memref<32x256xf32, #tpu.memory_space<hbm>>) target_semaphore(%run_scoped3A : memref<!tpu.dma_semaphore, #tpu.memory_space<semaphore_mem>>)
      %dma_wait3A_1814 = arith.constant 0 : i32
      %dma_wait3A_1815 = tpu.memref_slice %arg5[%mul3A_2, %dma_wait3A_1814] : memref<1024x256xf32, #tpu.memory_space<hbm>> -> memref<32x256xf32, #tpu.memory_space<hbm>>
      %dma_wait3A_1816 = arith.constant 0 : i32
      %dma_wait3A_1817 = tpu.memref_slice %arg5[%mul3A_2, %dma_wait3A_1816] : memref<1024x256xf32, #tpu.memory_space<hbm>> -> memref<32x256xf32, #tpu.memory_space<hbm>>
      tpu.wait_dma2 semaphore(%run_scoped3A : memref<!tpu.dma_semaphore, #tpu.memory_space<semaphore_mem>>) src(%arg9 : memref<32x256xf32, #tpu.memory_space<vmem>>) dst(%dma_wait3A_1817 : memref<32x256xf32, #tpu.memory_space<hbm>>)
      tpu.yield
    }) : () -> ()
    return
  }
}

module attributes {stable_mosaic.version = 14 : i64} {
  func.func @_tc_body(%arg0: memref<1024x256xf32, #tpu.memory_space<vmem>>, %arg1: memref<200x1024xf32, #tpu.memory_space<vmem>>, %arg2: memref<1024x8xi32, #tpu.memory_space<vmem>>, %arg3: memref<1x1xf32, #tpu.memory_space<vmem>>, %arg4: memref<1x1xf32, #tpu.memory_space<vmem>>) attributes {dimension_semantics = [], scalar_prefetch = 0 : i64, scratch_operands = 0 : i64, tpu.core_type = #tpu.core_type<tc>} {
    %get3A = arith.constant 0 : index
    %get3A_0 = arith.constant 0 : index
    %get3A_1 = vector.load %arg0[%get3A, %get3A_0] : memref<1024x256xf32, #tpu.memory_space<vmem>>, vector<1024x256xf32>
    %get3A_2 = arith.constant 0 : index
    %get3A_3 = arith.constant 0 : index
    %get3A_4 = vector.load %arg2[%get3A_2, %get3A_3] : memref<1024x8xi32, #tpu.memory_space<vmem>>, vector<1024x8xi32>
    %slice3A = vector.extract_strided_slice %get3A_1 {offsets = [0, 0], sizes = [1024, 200], strides = [1, 1]} : vector<1024x256xf32> to vector<1024x200xf32>
    %get3A_5 = arith.constant 0 : index
    %get3A_6 = arith.constant 0 : index
    %get3A_7 = vector.load %arg1[%get3A_5, %get3A_6] : memref<200x1024xf32, #tpu.memory_space<vmem>>, vector<200x1024xf32>
    %dot_general3A = arith.constant dense<0.000000e+00> : vector<1024x1024xf32>
    %dot_general3A_8 = tpu.matmul %slice3A, %get3A_7, %dot_general3A {dimension_numbers = #tpu.dot_dimension_numbers<[1], [0], [0], [1], [0, 0, 1, 1], [], []>, transpose_lhs_hint = false} : vector<1024x200xf32>, vector<200x1024xf32>, vector<1024x1024xf32> -> vector<1024x1024xf32>
    %exp3A = math.exp %dot_general3A_8 : vector<1024x1024xf32>
    %sub3A = arith.constant 1.000000e+00 : f32
    %sub3A_9 = vector.broadcast %sub3A : f32 to vector<1024x1024xf32>
    %sub3A_10 = arith.subf %sub3A_9, %exp3A : vector<1024x1024xf32>
    %max3A = arith.constant 1.000000e-07 : f32
    %max3A_11 = vector.broadcast %max3A : f32 to vector<1024x1024xf32>
    %max3A_12 = arith.maximumf %sub3A_10, %max3A_11 : vector<1024x1024xf32>
    %reduce_sum3A = arith.constant dense<0.000000e+00> : vector<1024xf32>
    %reduce_sum3A_13 = vector.multi_reduction <add>, %max3A_12, %reduce_sum3A [1] : vector<1024x1024xf32> to vector<1024xf32>
    %broadcast_in_dim3A = vector.shape_cast %reduce_sum3A_13 : vector<1024xf32> to vector<1024x1xf32>
    %iota3A = tpu.iota {dimensions = array<i32: 1>} : vector<1024x1024xi32>
    %broadcast_in_dim3A_14 = arith.constant 0.000000e+00 : f32
    %broadcast_in_dim3A_15 = vector.broadcast %broadcast_in_dim3A_14 : f32 to vector<1024x1024xf32>
    %broadcast_in_dim3A_16 = arith.constant 0.000000e+00 : f32
    %broadcast_in_dim3A_17 = vector.broadcast %broadcast_in_dim3A_16 : f32 to vector<1024x1xf32>
    %slice3A_18 = vector.extract_strided_slice %get3A_4 {offsets = [0, 0], sizes = [1024, 1], strides = [1, 1]} : vector<1024x8xi32> to vector<1024x1xi32>
    %ne3A = arith.constant -1 : i32
    %ne3A_19 = vector.broadcast %ne3A : i32 to vector<1024x1xi32>
    %ne3A_20 = arith.cmpi ne, %slice3A_18, %ne3A_19 : vector<1024x1xi32>
    %convert_element_type3A = arith.extui %ne3A_20 : vector<1024x1xi1> to vector<1024x1xi32>
    %convert_element_type3A_21 = arith.sitofp %convert_element_type3A : vector<1024x1xi32> to vector<1024x1xf32>
    %ne3A_22 = arith.constant -1 : i32
    %ne3A_23 = vector.broadcast %ne3A_22 : i32 to vector<1024x1xi32>
    %ne3A_24 = arith.cmpi ne, %slice3A_18, %ne3A_23 : vector<1024x1xi32>
    %jit3A = arith.constant 1024 : i32
    %broadcast_in_dim3A_25 = vector.broadcast %jit3A : i32 to vector<1024x1xi32>
    %select_n3A = arith.select %ne3A_24, %slice3A_18, %broadcast_in_dim3A_25 : vector<1024x1xi1>, vector<1024x1xi32>
    %eq3A = vector.broadcast %select_n3A : vector<1024x1xi32> to vector<1024x1024xi32>
    %eq3A_26 = arith.cmpi eq, %iota3A, %eq3A : vector<1024x1024xi32>
    %jit3A_27 = arith.constant 1.000000e+00 : f32
    %jit3A_28 = arith.constant 0.000000e+00 : f32
    %broadcast_in_dim3A_29 = vector.broadcast %jit3A_27 : f32 to vector<1024x1024xf32>
    %broadcast_in_dim3A_30 = vector.broadcast %jit3A_28 : f32 to vector<1024x1024xf32>
    %select_n3A_31 = arith.select %eq3A_26, %broadcast_in_dim3A_29, %broadcast_in_dim3A_30 : vector<1024x1024xi1>, vector<1024x1024xf32>
    %add3A = arith.addf %broadcast_in_dim3A_15, %select_n3A_31 : vector<1024x1024xf32>
    %add3A_32 = arith.addf %broadcast_in_dim3A_17, %convert_element_type3A_21 : vector<1024x1xf32>
    %slice3A_33 = vector.extract_strided_slice %get3A_4 {offsets = [0, 1], sizes = [1024, 1], strides = [1, 1]} : vector<1024x8xi32> to vector<1024x1xi32>
    %ne3A_34 = arith.constant -1 : i32
    %ne3A_35 = vector.broadcast %ne3A_34 : i32 to vector<1024x1xi32>
    %ne3A_36 = arith.cmpi ne, %slice3A_33, %ne3A_35 : vector<1024x1xi32>
    %convert_element_type3A_37 = arith.extui %ne3A_36 : vector<1024x1xi1> to vector<1024x1xi32>
    %convert_element_type3A_38 = arith.sitofp %convert_element_type3A_37 : vector<1024x1xi32> to vector<1024x1xf32>
    %ne3A_39 = arith.constant -1 : i32
    %ne3A_40 = vector.broadcast %ne3A_39 : i32 to vector<1024x1xi32>
    %ne3A_41 = arith.cmpi ne, %slice3A_33, %ne3A_40 : vector<1024x1xi32>
    %jit3A_42 = arith.constant 1024 : i32
    %broadcast_in_dim3A_43 = vector.broadcast %jit3A_42 : i32 to vector<1024x1xi32>
    %select_n3A_44 = arith.select %ne3A_41, %slice3A_33, %broadcast_in_dim3A_43 : vector<1024x1xi1>, vector<1024x1xi32>
    %eq3A_45 = vector.broadcast %select_n3A_44 : vector<1024x1xi32> to vector<1024x1024xi32>
    %eq3A_46 = arith.cmpi eq, %iota3A, %eq3A_45 : vector<1024x1024xi32>
    %jit3A_47 = arith.constant 1.000000e+00 : f32
    %jit3A_48 = arith.constant 0.000000e+00 : f32
    %broadcast_in_dim3A_49 = vector.broadcast %jit3A_47 : f32 to vector<1024x1024xf32>
    %broadcast_in_dim3A_50 = vector.broadcast %jit3A_48 : f32 to vector<1024x1024xf32>
    %select_n3A_51 = arith.select %eq3A_46, %broadcast_in_dim3A_49, %broadcast_in_dim3A_50 : vector<1024x1024xi1>, vector<1024x1024xf32>
    %add3A_52 = arith.addf %add3A, %select_n3A_51 : vector<1024x1024xf32>
    %add3A_53 = arith.addf %add3A_32, %convert_element_type3A_38 : vector<1024x1xf32>
    %slice3A_54 = vector.extract_strided_slice %get3A_4 {offsets = [0, 2], sizes = [1024, 1], strides = [1, 1]} : vector<1024x8xi32> to vector<1024x1xi32>
    %ne3A_55 = arith.constant -1 : i32
    %ne3A_56 = vector.broadcast %ne3A_55 : i32 to vector<1024x1xi32>
    %ne3A_57 = arith.cmpi ne, %slice3A_54, %ne3A_56 : vector<1024x1xi32>
    %convert_element_type3A_58 = arith.extui %ne3A_57 : vector<1024x1xi1> to vector<1024x1xi32>
    %convert_element_type3A_59 = arith.sitofp %convert_element_type3A_58 : vector<1024x1xi32> to vector<1024x1xf32>
    %ne3A_60 = arith.constant -1 : i32
    %ne3A_61 = vector.broadcast %ne3A_60 : i32 to vector<1024x1xi32>
    %ne3A_62 = arith.cmpi ne, %slice3A_54, %ne3A_61 : vector<1024x1xi32>
    %jit3A_63 = arith.constant 1024 : i32
    %broadcast_in_dim3A_64 = vector.broadcast %jit3A_63 : i32 to vector<1024x1xi32>
    %select_n3A_65 = arith.select %ne3A_62, %slice3A_54, %broadcast_in_dim3A_64 : vector<1024x1xi1>, vector<1024x1xi32>
    %eq3A_66 = vector.broadcast %select_n3A_65 : vector<1024x1xi32> to vector<1024x1024xi32>
    %eq3A_67 = arith.cmpi eq, %iota3A, %eq3A_66 : vector<1024x1024xi32>
    %jit3A_68 = arith.constant 1.000000e+00 : f32
    %jit3A_69 = arith.constant 0.000000e+00 : f32
    %broadcast_in_dim3A_70 = vector.broadcast %jit3A_68 : f32 to vector<1024x1024xf32>
    %broadcast_in_dim3A_71 = vector.broadcast %jit3A_69 : f32 to vector<1024x1024xf32>
    %select_n3A_72 = arith.select %eq3A_67, %broadcast_in_dim3A_70, %broadcast_in_dim3A_71 : vector<1024x1024xi1>, vector<1024x1024xf32>
    %add3A_73 = arith.addf %add3A_52, %select_n3A_72 : vector<1024x1024xf32>
    %add3A_74 = arith.addf %add3A_53, %convert_element_type3A_59 : vector<1024x1xf32>
    %slice3A_75 = vector.extract_strided_slice %get3A_4 {offsets = [0, 3], sizes = [1024, 1], strides = [1, 1]} : vector<1024x8xi32> to vector<1024x1xi32>
    %ne3A_76 = arith.constant -1 : i32
    %ne3A_77 = vector.broadcast %ne3A_76 : i32 to vector<1024x1xi32>
    %ne3A_78 = arith.cmpi ne, %slice3A_75, %ne3A_77 : vector<1024x1xi32>
    %convert_element_type3A_79 = arith.extui %ne3A_78 : vector<1024x1xi1> to vector<1024x1xi32>
    %convert_element_type3A_80 = arith.sitofp %convert_element_type3A_79 : vector<1024x1xi32> to vector<1024x1xf32>
    %ne3A_81 = arith.constant -1 : i32
    %ne3A_82 = vector.broadcast %ne3A_81 : i32 to vector<1024x1xi32>
    %ne3A_83 = arith.cmpi ne, %slice3A_75, %ne3A_82 : vector<1024x1xi32>
    %jit3A_84 = arith.constant 1024 : i32
    %broadcast_in_dim3A_85 = vector.broadcast %jit3A_84 : i32 to vector<1024x1xi32>
    %select_n3A_86 = arith.select %ne3A_83, %slice3A_75, %broadcast_in_dim3A_85 : vector<1024x1xi1>, vector<1024x1xi32>
    %eq3A_87 = vector.broadcast %select_n3A_86 : vector<1024x1xi32> to vector<1024x1024xi32>
    %eq3A_88 = arith.cmpi eq, %iota3A, %eq3A_87 : vector<1024x1024xi32>
    %jit3A_89 = arith.constant 1.000000e+00 : f32
    %jit3A_90 = arith.constant 0.000000e+00 : f32
    %broadcast_in_dim3A_91 = vector.broadcast %jit3A_89 : f32 to vector<1024x1024xf32>
    %broadcast_in_dim3A_92 = vector.broadcast %jit3A_90 : f32 to vector<1024x1024xf32>
    %select_n3A_93 = arith.select %eq3A_88, %broadcast_in_dim3A_91, %broadcast_in_dim3A_92 : vector<1024x1024xi1>, vector<1024x1024xf32>
    %add3A_94 = arith.addf %add3A_73, %select_n3A_93 : vector<1024x1024xf32>
    %add3A_95 = arith.addf %add3A_74, %convert_element_type3A_80 : vector<1024x1xf32>
    %slice3A_96 = vector.extract_strided_slice %get3A_4 {offsets = [0, 4], sizes = [1024, 1], strides = [1, 1]} : vector<1024x8xi32> to vector<1024x1xi32>
    %ne3A_97 = arith.constant -1 : i32
    %ne3A_98 = vector.broadcast %ne3A_97 : i32 to vector<1024x1xi32>
    %ne3A_99 = arith.cmpi ne, %slice3A_96, %ne3A_98 : vector<1024x1xi32>
    %convert_element_type3A_100 = arith.extui %ne3A_99 : vector<1024x1xi1> to vector<1024x1xi32>
    %convert_element_type3A_101 = arith.sitofp %convert_element_type3A_100 : vector<1024x1xi32> to vector<1024x1xf32>
    %ne3A_102 = arith.constant -1 : i32
    %ne3A_103 = vector.broadcast %ne3A_102 : i32 to vector<1024x1xi32>
    %ne3A_104 = arith.cmpi ne, %slice3A_96, %ne3A_103 : vector<1024x1xi32>
    %jit3A_105 = arith.constant 1024 : i32
    %broadcast_in_dim3A_106 = vector.broadcast %jit3A_105 : i32 to vector<1024x1xi32>
    %select_n3A_107 = arith.select %ne3A_104, %slice3A_96, %broadcast_in_dim3A_106 : vector<1024x1xi1>, vector<1024x1xi32>
    %eq3A_108 = vector.broadcast %select_n3A_107 : vector<1024x1xi32> to vector<1024x1024xi32>
    %eq3A_109 = arith.cmpi eq, %iota3A, %eq3A_108 : vector<1024x1024xi32>
    %jit3A_110 = arith.constant 1.000000e+00 : f32
    %jit3A_111 = arith.constant 0.000000e+00 : f32
    %broadcast_in_dim3A_112 = vector.broadcast %jit3A_110 : f32 to vector<1024x1024xf32>
    %broadcast_in_dim3A_113 = vector.broadcast %jit3A_111 : f32 to vector<1024x1024xf32>
    %select_n3A_114 = arith.select %eq3A_109, %broadcast_in_dim3A_112, %broadcast_in_dim3A_113 : vector<1024x1024xi1>, vector<1024x1024xf32>
    %add3A_115 = arith.addf %add3A_94, %select_n3A_114 : vector<1024x1024xf32>
    %add3A_116 = arith.addf %add3A_95, %convert_element_type3A_101 : vector<1024x1xf32>
    %slice3A_117 = vector.extract_strided_slice %get3A_4 {offsets = [0, 5], sizes = [1024, 1], strides = [1, 1]} : vector<1024x8xi32> to vector<1024x1xi32>
    %ne3A_118 = arith.constant -1 : i32
    %ne3A_119 = vector.broadcast %ne3A_118 : i32 to vector<1024x1xi32>
    %ne3A_120 = arith.cmpi ne, %slice3A_117, %ne3A_119 : vector<1024x1xi32>
    %convert_element_type3A_121 = arith.extui %ne3A_120 : vector<1024x1xi1> to vector<1024x1xi32>
    %convert_element_type3A_122 = arith.sitofp %convert_element_type3A_121 : vector<1024x1xi32> to vector<1024x1xf32>
    %ne3A_123 = arith.constant -1 : i32
    %ne3A_124 = vector.broadcast %ne3A_123 : i32 to vector<1024x1xi32>
    %ne3A_125 = arith.cmpi ne, %slice3A_117, %ne3A_124 : vector<1024x1xi32>
    %jit3A_126 = arith.constant 1024 : i32
    %broadcast_in_dim3A_127 = vector.broadcast %jit3A_126 : i32 to vector<1024x1xi32>
    %select_n3A_128 = arith.select %ne3A_125, %slice3A_117, %broadcast_in_dim3A_127 : vector<1024x1xi1>, vector<1024x1xi32>
    %eq3A_129 = vector.broadcast %select_n3A_128 : vector<1024x1xi32> to vector<1024x1024xi32>
    %eq3A_130 = arith.cmpi eq, %iota3A, %eq3A_129 : vector<1024x1024xi32>
    %jit3A_131 = arith.constant 1.000000e+00 : f32
    %jit3A_132 = arith.constant 0.000000e+00 : f32
    %broadcast_in_dim3A_133 = vector.broadcast %jit3A_131 : f32 to vector<1024x1024xf32>
    %broadcast_in_dim3A_134 = vector.broadcast %jit3A_132 : f32 to vector<1024x1024xf32>
    %select_n3A_135 = arith.select %eq3A_130, %broadcast_in_dim3A_133, %broadcast_in_dim3A_134 : vector<1024x1024xi1>, vector<1024x1024xf32>
    %add3A_136 = arith.addf %add3A_115, %select_n3A_135 : vector<1024x1024xf32>
    %add3A_137 = arith.addf %add3A_116, %convert_element_type3A_122 : vector<1024x1xf32>
    %slice3A_138 = vector.extract_strided_slice %get3A_4 {offsets = [0, 6], sizes = [1024, 1], strides = [1, 1]} : vector<1024x8xi32> to vector<1024x1xi32>
    %ne3A_139 = arith.constant -1 : i32
    %ne3A_140 = vector.broadcast %ne3A_139 : i32 to vector<1024x1xi32>
    %ne3A_141 = arith.cmpi ne, %slice3A_138, %ne3A_140 : vector<1024x1xi32>
    %convert_element_type3A_142 = arith.extui %ne3A_141 : vector<1024x1xi1> to vector<1024x1xi32>
    %convert_element_type3A_143 = arith.sitofp %convert_element_type3A_142 : vector<1024x1xi32> to vector<1024x1xf32>
    %ne3A_144 = arith.constant -1 : i32
    %ne3A_145 = vector.broadcast %ne3A_144 : i32 to vector<1024x1xi32>
    %ne3A_146 = arith.cmpi ne, %slice3A_138, %ne3A_145 : vector<1024x1xi32>
    %jit3A_147 = arith.constant 1024 : i32
    %broadcast_in_dim3A_148 = vector.broadcast %jit3A_147 : i32 to vector<1024x1xi32>
    %select_n3A_149 = arith.select %ne3A_146, %slice3A_138, %broadcast_in_dim3A_148 : vector<1024x1xi1>, vector<1024x1xi32>
    %eq3A_150 = vector.broadcast %select_n3A_149 : vector<1024x1xi32> to vector<1024x1024xi32>
    %eq3A_151 = arith.cmpi eq, %iota3A, %eq3A_150 : vector<1024x1024xi32>
    %jit3A_152 = arith.constant 1.000000e+00 : f32
    %jit3A_153 = arith.constant 0.000000e+00 : f32
    %broadcast_in_dim3A_154 = vector.broadcast %jit3A_152 : f32 to vector<1024x1024xf32>
    %broadcast_in_dim3A_155 = vector.broadcast %jit3A_153 : f32 to vector<1024x1024xf32>
    %select_n3A_156 = arith.select %eq3A_151, %broadcast_in_dim3A_154, %broadcast_in_dim3A_155 : vector<1024x1024xi1>, vector<1024x1024xf32>
    %add3A_157 = arith.addf %add3A_136, %select_n3A_156 : vector<1024x1024xf32>
    %add3A_158 = arith.addf %add3A_137, %convert_element_type3A_143 : vector<1024x1xf32>
    %slice3A_159 = vector.extract_strided_slice %get3A_4 {offsets = [0, 7], sizes = [1024, 1], strides = [1, 1]} : vector<1024x8xi32> to vector<1024x1xi32>
    %ne3A_160 = arith.constant -1 : i32
    %ne3A_161 = vector.broadcast %ne3A_160 : i32 to vector<1024x1xi32>
    %ne3A_162 = arith.cmpi ne, %slice3A_159, %ne3A_161 : vector<1024x1xi32>
    %convert_element_type3A_163 = arith.extui %ne3A_162 : vector<1024x1xi1> to vector<1024x1xi32>
    %convert_element_type3A_164 = arith.sitofp %convert_element_type3A_163 : vector<1024x1xi32> to vector<1024x1xf32>
    %ne3A_165 = arith.constant -1 : i32
    %ne3A_166 = vector.broadcast %ne3A_165 : i32 to vector<1024x1xi32>
    %ne3A_167 = arith.cmpi ne, %slice3A_159, %ne3A_166 : vector<1024x1xi32>
    %jit3A_168 = arith.constant 1024 : i32
    %broadcast_in_dim3A_169 = vector.broadcast %jit3A_168 : i32 to vector<1024x1xi32>
    %select_n3A_170 = arith.select %ne3A_167, %slice3A_159, %broadcast_in_dim3A_169 : vector<1024x1xi1>, vector<1024x1xi32>
    %eq3A_171 = vector.broadcast %select_n3A_170 : vector<1024x1xi32> to vector<1024x1024xi32>
    %eq3A_172 = arith.cmpi eq, %iota3A, %eq3A_171 : vector<1024x1024xi32>
    %jit3A_173 = arith.constant 1.000000e+00 : f32
    %jit3A_174 = arith.constant 0.000000e+00 : f32
    %broadcast_in_dim3A_175 = vector.broadcast %jit3A_173 : f32 to vector<1024x1024xf32>
    %broadcast_in_dim3A_176 = vector.broadcast %jit3A_174 : f32 to vector<1024x1024xf32>
    %select_n3A_177 = arith.select %eq3A_172, %broadcast_in_dim3A_175, %broadcast_in_dim3A_176 : vector<1024x1024xi1>, vector<1024x1024xf32>
    %add3A_178 = arith.addf %add3A_157, %select_n3A_177 : vector<1024x1024xf32>
    %add3A_179 = arith.addf %add3A_158, %convert_element_type3A_164 : vector<1024x1xf32>
    %mul3A = arith.mulf %add3A_178, %max3A_12 : vector<1024x1024xf32>
    %reduce_sum3A_180 = arith.constant dense<0.000000e+00> : vector<1024xf32>
    %reduce_sum3A_181 = vector.multi_reduction <add>, %mul3A, %reduce_sum3A_180 [1] : vector<1024x1024xf32> to vector<1024xf32>
    %broadcast_in_dim3A_182 = vector.shape_cast %reduce_sum3A_181 : vector<1024xf32> to vector<1024x1xf32>
    %log3A = math.log %max3A_12 : vector<1024x1024xf32>
    %mul3A_183 = arith.mulf %add3A_178, %log3A : vector<1024x1024xf32>
    %reduce_sum3A_184 = arith.constant dense<0.000000e+00> : vector<1024xf32>
    %reduce_sum3A_185 = vector.multi_reduction <add>, %mul3A_183, %reduce_sum3A_184 [1] : vector<1024x1024xf32> to vector<1024xf32>
    %broadcast_in_dim3A_186 = vector.shape_cast %reduce_sum3A_185 : vector<1024xf32> to vector<1024x1xf32>
    %sub3A_187 = arith.subf %broadcast_in_dim3A, %broadcast_in_dim3A_182 : vector<1024x1xf32>
    %add3A_188 = arith.constant 4.000000e+00 : f32
    %add3A_189 = vector.broadcast %add3A_188 : f32 to vector<1024x1xf32>
    %add3A_190 = arith.addf %sub3A_187, %add3A_189 : vector<1024x1xf32>
    %add3A_191 = arith.constant 8.000000e+00 : f32
    %add3A_192 = vector.broadcast %add3A_191 : f32 to vector<1024x1xf32>
    %add3A_193 = arith.addf %add3A_190, %add3A_192 : vector<1024x1xf32>
    %div3A = arith.constant 1.000000e+00 : f32
    %div3A_194 = vector.broadcast %div3A : f32 to vector<1024x1xf32>
    %div3A_195 = arith.divf %div3A_194, %add3A_193 : vector<1024x1xf32>
    %mul3A_196 = arith.mulf %div3A_195, %div3A_195 : vector<1024x1xf32>
    %sub3A_197 = arith.constant 5.000000e-01 : f32
    %sub3A_198 = vector.broadcast %sub3A_197 : f32 to vector<1024x1xf32>
    %sub3A_199 = arith.subf %add3A_193, %sub3A_198 : vector<1024x1xf32>
    %log3A_200 = math.log %add3A_193 : vector<1024x1xf32>
    %mul3A_201 = arith.mulf %sub3A_199, %log3A_200 : vector<1024x1xf32>
    %sub3A_202 = arith.subf %mul3A_201, %add3A_193 : vector<1024x1xf32>
    %add3A_203 = arith.constant 0.918938517 : f32
    %add3A_204 = vector.broadcast %add3A_203 : f32 to vector<1024x1xf32>
    %add3A_205 = arith.addf %sub3A_202, %add3A_204 : vector<1024x1xf32>
    %mul3A_206 = arith.constant 7.93650805E-4 : f32
    %mul3A_207 = vector.broadcast %mul3A_206 : f32 to vector<1024x1xf32>
    %mul3A_208 = arith.mulf %mul3A_196, %mul3A_207 : vector<1024x1xf32>
    %sub3A_209 = arith.constant 0.00277777785 : f32
    %sub3A_210 = vector.broadcast %sub3A_209 : f32 to vector<1024x1xf32>
    %sub3A_211 = arith.subf %sub3A_210, %mul3A_208 : vector<1024x1xf32>
    %mul3A_212 = arith.mulf %mul3A_196, %sub3A_211 : vector<1024x1xf32>
    %sub3A_213 = arith.constant 0.0833333358 : f32
    %sub3A_214 = vector.broadcast %sub3A_213 : f32 to vector<1024x1xf32>
    %sub3A_215 = arith.subf %sub3A_214, %mul3A_212 : vector<1024x1xf32>
    %mul3A_216 = arith.mulf %div3A_195, %sub3A_215 : vector<1024x1xf32>
    %add3A_217 = arith.addf %add3A_205, %mul3A_216 : vector<1024x1xf32>
    %add3A_218 = arith.constant 1.000000e+00 : f32
    %add3A_219 = vector.broadcast %add3A_218 : f32 to vector<1024x1xf32>
    %add3A_220 = arith.addf %add3A_190, %add3A_219 : vector<1024x1xf32>
    %mul3A_221 = arith.mulf %add3A_190, %add3A_220 : vector<1024x1xf32>
    %add3A_222 = arith.constant 2.000000e+00 : f32
    %add3A_223 = vector.broadcast %add3A_222 : f32 to vector<1024x1xf32>
    %add3A_224 = arith.addf %add3A_190, %add3A_223 : vector<1024x1xf32>
    %mul3A_225 = arith.mulf %mul3A_221, %add3A_224 : vector<1024x1xf32>
    %add3A_226 = arith.constant 3.000000e+00 : f32
    %add3A_227 = vector.broadcast %add3A_226 : f32 to vector<1024x1xf32>
    %add3A_228 = arith.addf %add3A_190, %add3A_227 : vector<1024x1xf32>
    %mul3A_229 = arith.mulf %mul3A_225, %add3A_228 : vector<1024x1xf32>
    %add3A_230 = arith.constant 4.000000e+00 : f32
    %add3A_231 = vector.broadcast %add3A_230 : f32 to vector<1024x1xf32>
    %add3A_232 = arith.addf %add3A_190, %add3A_231 : vector<1024x1xf32>
    %mul3A_233 = arith.mulf %mul3A_229, %add3A_232 : vector<1024x1xf32>
    %add3A_234 = arith.constant 5.000000e+00 : f32
    %add3A_235 = vector.broadcast %add3A_234 : f32 to vector<1024x1xf32>
    %add3A_236 = arith.addf %add3A_190, %add3A_235 : vector<1024x1xf32>
    %mul3A_237 = arith.mulf %mul3A_233, %add3A_236 : vector<1024x1xf32>
    %add3A_238 = arith.constant 6.000000e+00 : f32
    %add3A_239 = vector.broadcast %add3A_238 : f32 to vector<1024x1xf32>
    %add3A_240 = arith.addf %add3A_190, %add3A_239 : vector<1024x1xf32>
    %mul3A_241 = arith.mulf %mul3A_237, %add3A_240 : vector<1024x1xf32>
    %add3A_242 = arith.constant 7.000000e+00 : f32
    %add3A_243 = vector.broadcast %add3A_242 : f32 to vector<1024x1xf32>
    %add3A_244 = arith.addf %add3A_190, %add3A_243 : vector<1024x1xf32>
    %mul3A_245 = arith.mulf %mul3A_241, %add3A_244 : vector<1024x1xf32>
    %log3A_246 = math.log %mul3A_245 : vector<1024x1xf32>
    %sub3A_247 = arith.subf %add3A_217, %log3A_246 : vector<1024x1xf32>
    %add3A_248 = arith.addf %add3A_179, %sub3A_187 : vector<1024x1xf32>
    %add3A_249 = arith.constant 4.000000e+00 : f32
    %add3A_250 = vector.broadcast %add3A_249 : f32 to vector<1024x1xf32>
    %add3A_251 = arith.addf %add3A_248, %add3A_250 : vector<1024x1xf32>
    %add3A_252 = arith.constant 1.000000e+00 : f32
    %add3A_253 = vector.broadcast %add3A_252 : f32 to vector<1024x1xf32>
    %add3A_254 = arith.addf %add3A_251, %add3A_253 : vector<1024x1xf32>
    %add3A_255 = arith.constant 8.000000e+00 : f32
    %add3A_256 = vector.broadcast %add3A_255 : f32 to vector<1024x1xf32>
    %add3A_257 = arith.addf %add3A_254, %add3A_256 : vector<1024x1xf32>
    %div3A_258 = arith.constant 1.000000e+00 : f32
    %div3A_259 = vector.broadcast %div3A_258 : f32 to vector<1024x1xf32>
    %div3A_260 = arith.divf %div3A_259, %add3A_257 : vector<1024x1xf32>
    %mul3A_261 = arith.mulf %div3A_260, %div3A_260 : vector<1024x1xf32>
    %sub3A_262 = arith.constant 5.000000e-01 : f32
    %sub3A_263 = vector.broadcast %sub3A_262 : f32 to vector<1024x1xf32>
    %sub3A_264 = arith.subf %add3A_257, %sub3A_263 : vector<1024x1xf32>
    %log3A_265 = math.log %add3A_257 : vector<1024x1xf32>
    %mul3A_266 = arith.mulf %sub3A_264, %log3A_265 : vector<1024x1xf32>
    %sub3A_267 = arith.subf %mul3A_266, %add3A_257 : vector<1024x1xf32>
    %add3A_268 = arith.constant 0.918938517 : f32
    %add3A_269 = vector.broadcast %add3A_268 : f32 to vector<1024x1xf32>
    %add3A_270 = arith.addf %sub3A_267, %add3A_269 : vector<1024x1xf32>
    %mul3A_271 = arith.constant 7.93650805E-4 : f32
    %mul3A_272 = vector.broadcast %mul3A_271 : f32 to vector<1024x1xf32>
    %mul3A_273 = arith.mulf %mul3A_261, %mul3A_272 : vector<1024x1xf32>
    %sub3A_274 = arith.constant 0.00277777785 : f32
    %sub3A_275 = vector.broadcast %sub3A_274 : f32 to vector<1024x1xf32>
    %sub3A_276 = arith.subf %sub3A_275, %mul3A_273 : vector<1024x1xf32>
    %mul3A_277 = arith.mulf %mul3A_261, %sub3A_276 : vector<1024x1xf32>
    %sub3A_278 = arith.constant 0.0833333358 : f32
    %sub3A_279 = vector.broadcast %sub3A_278 : f32 to vector<1024x1xf32>
    %sub3A_280 = arith.subf %sub3A_279, %mul3A_277 : vector<1024x1xf32>
    %mul3A_281 = arith.mulf %div3A_260, %sub3A_280 : vector<1024x1xf32>
    %add3A_282 = arith.addf %add3A_270, %mul3A_281 : vector<1024x1xf32>
    %add3A_283 = arith.constant 1.000000e+00 : f32
    %add3A_284 = vector.broadcast %add3A_283 : f32 to vector<1024x1xf32>
    %add3A_285 = arith.addf %add3A_254, %add3A_284 : vector<1024x1xf32>
    %mul3A_286 = arith.mulf %add3A_254, %add3A_285 : vector<1024x1xf32>
    %add3A_287 = arith.constant 2.000000e+00 : f32
    %add3A_288 = vector.broadcast %add3A_287 : f32 to vector<1024x1xf32>
    %add3A_289 = arith.addf %add3A_254, %add3A_288 : vector<1024x1xf32>
    %mul3A_290 = arith.mulf %mul3A_286, %add3A_289 : vector<1024x1xf32>
    %add3A_291 = arith.constant 3.000000e+00 : f32
    %add3A_292 = vector.broadcast %add3A_291 : f32 to vector<1024x1xf32>
    %add3A_293 = arith.addf %add3A_254, %add3A_292 : vector<1024x1xf32>
    %mul3A_294 = arith.mulf %mul3A_290, %add3A_293 : vector<1024x1xf32>
    %add3A_295 = arith.constant 4.000000e+00 : f32
    %add3A_296 = vector.broadcast %add3A_295 : f32 to vector<1024x1xf32>
    %add3A_297 = arith.addf %add3A_254, %add3A_296 : vector<1024x1xf32>
    %mul3A_298 = arith.mulf %mul3A_294, %add3A_297 : vector<1024x1xf32>
    %add3A_299 = arith.constant 5.000000e+00 : f32
    %add3A_300 = vector.broadcast %add3A_299 : f32 to vector<1024x1xf32>
    %add3A_301 = arith.addf %add3A_254, %add3A_300 : vector<1024x1xf32>
    %mul3A_302 = arith.mulf %mul3A_298, %add3A_301 : vector<1024x1xf32>
    %add3A_303 = arith.constant 6.000000e+00 : f32
    %add3A_304 = vector.broadcast %add3A_303 : f32 to vector<1024x1xf32>
    %add3A_305 = arith.addf %add3A_254, %add3A_304 : vector<1024x1xf32>
    %mul3A_306 = arith.mulf %mul3A_302, %add3A_305 : vector<1024x1xf32>
    %add3A_307 = arith.constant 7.000000e+00 : f32
    %add3A_308 = vector.broadcast %add3A_307 : f32 to vector<1024x1xf32>
    %add3A_309 = arith.addf %add3A_254, %add3A_308 : vector<1024x1xf32>
    %mul3A_310 = arith.mulf %mul3A_306, %add3A_309 : vector<1024x1xf32>
    %log3A_311 = math.log %mul3A_310 : vector<1024x1xf32>
    %sub3A_312 = arith.subf %add3A_282, %log3A_311 : vector<1024x1xf32>
    %sub3A_313 = arith.subf %sub3A_247, %sub3A_312 : vector<1024x1xf32>
    %add3A_314 = arith.addf %broadcast_in_dim3A_186, %sub3A_313 : vector<1024x1xf32>
    %reduce_sum3A_315 = vector.shape_cast %add3A_314 : vector<1024x1xf32> to vector<1x1024x1xf32>
    %reduce_sum3A_316 = arith.constant dense<0.000000e+00> : vector<1xf32>
    %reduce_sum3A_317 = vector.multi_reduction <add>, %reduce_sum3A_315, %reduce_sum3A_316 [1, 2] : vector<1x1024x1xf32> to vector<1xf32>
    %reduce_sum3A_318 = vector.shape_cast %reduce_sum3A_317 : vector<1xf32> to vector<1x1x1xf32>
    %reduce_sum3A_319 = vector.extract %reduce_sum3A_318[0, 0, 0] : f32 from vector<1x1x1xf32>
    %neg3A = arith.constant 0.000000e+00 : f32
    %neg3A_320 = arith.subf %neg3A, %reduce_sum3A_319 : f32
    %slice3A_321 = vector.extract_strided_slice %get3A_1 {offsets = [0, 208], sizes = [1024, 16], strides = [1, 1]} : vector<1024x256xf32> to vector<1024x16xf32>
    %reduce_sum3A_322 = vector.shape_cast %slice3A_321 : vector<1024x16xf32> to vector<1x1024x16xf32>
    %reduce_sum3A_323 = arith.constant dense<0.000000e+00> : vector<1xf32>
    %reduce_sum3A_324 = vector.multi_reduction <add>, %reduce_sum3A_322, %reduce_sum3A_323 [1, 2] : vector<1x1024x16xf32> to vector<1xf32>
    %reduce_sum3A_325 = vector.shape_cast %reduce_sum3A_324 : vector<1xf32> to vector<1x1x1xf32>
    %reduce_sum3A_326 = vector.extract %reduce_sum3A_325[0, 0, 0] : f32 from vector<1x1x1xf32>
    %slice3A_327 = vector.extract_strided_slice %get3A_1 {offsets = [0, 224], sizes = [1024, 16], strides = [1, 1]} : vector<1024x256xf32> to vector<1024x16xf32>
    %reduce_sum3A_328 = vector.shape_cast %slice3A_327 : vector<1024x16xf32> to vector<1x1024x16xf32>
    %reduce_sum3A_329 = arith.constant dense<0.000000e+00> : vector<1xf32>
    %reduce_sum3A_330 = vector.multi_reduction <add>, %reduce_sum3A_328, %reduce_sum3A_329 [1, 2] : vector<1x1024x16xf32> to vector<1xf32>
    %reduce_sum3A_331 = vector.shape_cast %reduce_sum3A_330 : vector<1xf32> to vector<1x1x1xf32>
    %reduce_sum3A_332 = vector.extract %reduce_sum3A_331[0, 0, 0] : f32 from vector<1x1x1xf32>
    %mul3A_333 = arith.constant 9.99999974E-6 : f32
    %mul3A_334 = arith.mulf %mul3A_333, %reduce_sum3A_326 : f32
    %max3A_335 = arith.constant 1.000000e+00 : f32
    %max3A_336 = arith.maximumf %reduce_sum3A_332, %max3A_335 : f32
    %div3A_337 = arith.divf %mul3A_334, %max3A_336 : f32
    %reshape3A = vector.broadcast %neg3A_320 : f32 to vector<1x1xf32>
    %swap3A = arith.constant 0 : index
    %swap3A_338 = arith.constant 0 : index
    %swap3A_339 = vector.load %arg3[%swap3A, %swap3A_338] : memref<1x1xf32, #tpu.memory_space<vmem>>, vector<1x1xf32>
    tpu.vector_store %arg3[%swap3A, %swap3A_338], %reshape3A {strides = array<i32>} : memref<1x1xf32, #tpu.memory_space<vmem>>, vector<1x1xf32>,
    %reshape3A_340 = vector.broadcast %div3A_337 : f32 to vector<1x1xf32>
    %swap3A_341 = arith.constant 0 : index
    %swap3A_342 = arith.constant 0 : index
    %swap3A_343 = vector.load %arg4[%swap3A_341, %swap3A_342] : memref<1x1xf32, #tpu.memory_space<vmem>>, vector<1x1xf32>
    tpu.vector_store %arg4[%swap3A_341, %swap3A_342], %reshape3A_340 {strides = array<i32>} : memref<1x1xf32, #tpu.memory_space<vmem>>, vector<1x1xf32>,
    return
  }
}

</mosaic_0001>

<sc_bundles>
// kernel: kernel.4.cloned.1.call-start
scs
__scs_entry_jumppad:
0x0: {  	(pc) =	sbr.rel $0x88, $3  }
0x1: {  	(tag) =	ssettag $0x0;
	lr =	simm.s32 $0x1  }
0x2: {  	[smem:$0x3F9C] =	sst lr;
	_ =	strace $0xD0000000  }
0x3: {  	_ = 	snop  }
0x4: {  	_ = 	snop  }
0x5: {  	_ = 	snop  }
0x6: {  	_ = 	snop  }
0x7: {  	_ = 	snop  }
__scs_overlays_trampoline_lowered:
0x8: {  	[smem:$0x3FAB] =	sst s0  }
0x9: {  	[smem:$0x3FAC] =	sst s1  }
0xa: {  	[smem:$0x3FAD] =	sst s2  }
0xb: {  	[smem:$0x3FAE] =	sst s3  }
0xc: {  	[smem:$0x3FAF] =	sst s4  }
0xd: {  	[smem:$0x3FB0] =	sst s5  }
0xe: {  	[smem:$0x3FB1] =	sst s6  }
0xf: {  	[smem:$0x3FB2] =	sst s7  }
0x10: {  	[smem:$0x3FB3] =	sst s8  }
0x11: {  	[smem:$0x3FB4] =	sst s9;
	s0 =	simm.s32 @!p0 $0x0  }
0x12: {  	s1 =	sld [smem:$0x3F9A];
	s0 =	simm.s32 @p0 $0x1  }
0x13: {  	[smem:$0x3FB5] =	sst s0;
	s0 =	simm.s32 @!p1 $0x0  }
0x14: {  	s2 =	sld [smem:$0x3F99];
	s0 =	simm.s32 @p1 $0x1  }
0x15: {  	[smem:$0x3FB6] =	sst s0;
	s0 =	simm.s32 @!p2 $0x0  }
0x16: {  	s3 =	sld [smem:$0x3FDB];
	s0 =	simm.s32 @p2 $0x1  }
0x17: {  	s4 =	simm.s32 $0x1BF5;
	[smem:$0x3FB8] =	sst s0  }
0x18: {  	s0 =	sld [smem:$0x3F9B];
	_ =	swait.ge [sflag:s4], $0x0  }
0x19: {  	s7 =	sld [smem:$0x3F9C]  }
0x1a: {  	s8 =	sadd.s32 $0xFFFFE003, lr  }
0x1b: {  	s9 =	sadd.s32 $0xFFFFFEF7, lr;
	s5 =	simm.s32 $0xFFFFFFFF;
	p2 =	slt.u32 s8, $0xFFFFF086  }
0x1c: {  	p1 =	slt.u32 s9, $0xF7A;
	s5 =	simm.s32 @!p2 $0x0  }
0x1d: {  	s5 =	simm.s32 @p1 $0x1;
	p0 =	seq.s32 s7, s2  }
0x1e: {  	s7 =	smul.u32 @!p0 $0xF7A, s2;
	p2 =	seq.s32 @!p0 s5, $0x0  }
0x1f: {  	s9 =	smul.u32 $0xF7A, s1;
	s8 =	simm.s32 @!p0 $0x1BF5;
	p2 =	por !p2, p0  }
0x20: {  	[sflag:s8] =	ssyncset.s32 @!p0 $0xFFFFF086;
	s6 =	sadd.s32 @!p0 s3, s7;
	s7 =	simm.s32 @!p0 $0x108  }
0x21: {  	s3 =	sadd.s32 s3, s9;
	s6 =	sadd.s32 @!p0 $0x88, s6;
	s7 =	simm.s32 @p2 $0x1082  }
0x22: {  	[simem:s7], [sflag:s8] =	dma.local @!p0 [hbm:s6], $0xF7A  }
0x23: {  	s9 =	sor.u32 $0xD0000000, s2;
	s6 =	simm.s32 $0x108;
	_ =	swait.ge @!p0 [sflag:s8], $0x0  }
0x24: {  	s3 =	sadd.s32 $0x88, s3;
	s6 =	simm.s32 @!p1 $0x1082;
	[sflag:s4] =	ssyncset.s32 $0xFFFFF086  }
0x25: {  	[simem:s6], [sflag:s4] =	dma.local [hbm:s3], $0xF7A  }
0x26: {  	[smem:$0x3F9C] =	sst s1;
	(tag) =	ssettag s2;
	_ =	strace s9  }
0x27: {  	s1 =	sld [smem:$0x3FAC]  }
0x28: {  	s2 =	sld [smem:$0x3FAD]  }
0x29: {  	s4 =	sld [smem:$0x3FAF]  }
0x2a: {  	p0 =	seq.s32 s5, $0x0;
	s5 =	sld [smem:$0x3FB0]  }
0x2b: {  	s6 =	sld [smem:$0x3FB1]  }
0x2c: {  	s7 =	sld [smem:$0x3FB2]  }
0x2d: {  	s3 =	simm.s32 $0x108;
	s8 =	sld [smem:$0x3FB3]  }
0x2e: {  	s3 =	simm.s32 @!p0 $0x1082;
	s9 =	sld [smem:$0x3FB4]  }
0x2f: {  	lr =	sadd.s32 s0, s3;
	s0 =	sld [smem:$0x3FAB]  }
0x30: {  	s3 =	sld [smem:$0x3FAE]  }
0x31: {  	[smem:$0x3FB7] =	sst s10  }
0x32: {  	s10 =	sld [smem:$0x3FB5];
	_ =	sdelay $0x3  }
0x33: {  	p0 =	seq.s32 s10, $0x1;
	s10 =	sld [smem:$0x3FB7];
	_ =	sdelay $0x3  }
0x34: {  	[smem:$0x3FB7] =	sst s10  }
0x35: {  	s10 =	sld [smem:$0x3FB6];
	_ =	sdelay $0x3  }
0x36: {  	p1 =	seq.s32 s10, $0x1;
	s10 =	sld [smem:$0x3FB7];
	_ =	sdelay $0x3  }
0x37: {  	[smem:$0x3FB7] =	sst s10  }
0x38: {  	s10 =	sld [smem:$0x3FB8]  }
0x39: {  	_ = 	snop;
	(pc) =	sbr.ind lr, $3  }
0x3a: {  	_ = 	snop  }
0x3b: {  	_ = 	snop  }
0x3c: {  	p2 =	seq.s32 s10, $0x1;
	s10 =	sld [smem:$0x3FB7]  }
0x3d: {  	_ =	shalt  }
0x3e: {  	_ =	shalt  }
0x3f: {  	_ =	shalt  }
0x40: {  	_ =	shalt  }
0x41: {  	_ =	shalt  }
0x42: {  	_ =	shalt  }
0x43: {  	_ =	shalt  }
0x44: {  	_ =	shalt  }
0x45: {  	_ =	shalt  }
0x46: {  	_ =	shalt  }
0x47: {  	_ =	shalt  }
0x48: {  	_ =	shalt  }
0x49: {  	_ =	shalt  }
0x4a: {  	_ =	shalt  }
0x4b: {  	_ =	shalt  }
0x4c: {  	_ =	shalt  }
0x4d: {  	_ =	shalt  }
0x4e: {  	_ =	shalt  }
0x4f: {  	_ =	shalt  }
0x50: {  	_ =	shalt  }
0x51: {  	_ =	shalt  }
0x52: {  	_ =	shalt  }
0x53: {  	_ =	shalt  }
0x54: {  	_ =	shalt  }
0x55: {  	_ =	shalt  }
0x56: {  	_ =	shalt  }
0x57: {  	_ =	shalt  }
0x58: {  	_ =	shalt  }
0x59: {  	_ =	shalt  }
0x5a: {  	_ =	shalt  }
0x5b: {  	_ =	shalt  }
0x5c: {  	_ =	shalt  }
0x5d: {  	_ =	shalt  }
0x5e: {  	_ =	shalt  }
0x5f: {  	_ =	shalt  }
0x60: {  	_ =	shalt  }
0x61: {  	_ =	shalt  }
0x62: {  	_ =	shalt  }
0x63: {  	_ =	shalt  }
0x64: {  	_ =	shalt  }
0x65: {  	_ =	shalt  }
0x66: {  	_ =	shalt  }
0x67: {  	_ =	shalt  }
0x68: {  	_ =	shalt  }
0x69: {  	_ =	shalt  }
0x6a: {  	_ =	shalt  }
0x6b: {  	_ =	shalt  }
0x6c: {  	_ =	shalt  }
0x6d: {  	_ =	shalt  }
0x6e: {  	_ =	shalt  }
0x6f: {  	_ =	shalt  }
0x70: {  	_ =	shalt  }
0x71: {  	_ =	shalt  }
0x72: {  	_ =	shalt  }
0x73: {  	_ =	shalt  }
0x74: {  	_ =	shalt  }
0x75: {  	_ =	shalt  }
0x76: {  	_ =	shalt  }
0x77: {  	_ =	shalt  }
0x78: {  	_ =	shalt  }
0x79: {  	_ =	shalt  }
0x7a: {  	_ =	shalt  }
0x7b: {  	_ =	shalt  }
0x7c: {  	_ =	shalt  }
0x7d: {  	_ =	shalt  }
0x7e: {  	_ =	shalt  }
0x7f: {  	_ =	shalt  }
0x80: {  	_ =	shalt  }
0x81: {  	_ =	shalt  }
0x82: {  	_ =	shalt  }
0x83: {  	_ =	shalt  }
0x84: {  	_ =	shalt  }
0x85: {  	_ =	shalt  }
0x86: {  	_ =	shalt  }
0x87: {  	_ =	shalt  }
.Lfunc_end0:
.L_simem_size_0:
called_computation_lowered:
.L_overlay_start_0:
0x88: {  	s2 =	sld [smem:$0x3FD9]  }
0x89: {  	s3 =	sld [smem:$0x3FFE];
	_ =	sdelay $0x1  }
0x8a: {  	s1 =	srdreg.scid  }
0x8b: {  	s0 =	sand.u32 $0x1, s1  }
0x8c: {  	s17 =	sshll.u32 s0, $0xA;
	s2 =	sadd.s32 s3, s2  }
0x8d: {  	s2 =	sadd.s32 s2, s17  }
0x8e: {  	[smem:$0x3FC3] =	sst s2  }
0x8f: {  	_ = 	snop  }
0x90: {  	s2 =	sld [smem:$0x3FC9]  }
0x91: {  	s18 =	sld [smem:$0x3FC6]  }
0x92: {  	s4 =	sld [smem:$0x3FC5];
	(tm) =	ssettm $0x1  }
0x93: {  	s5 =	sld [smem:$0x3FFB];
	_ =	sdelay $0x3  }
0x94: {  	_ =	strace s5  }
0x95: {  	s5 =	sld [smem:$0x3FFC];
	_ =	sdelay $0x3  }
0x96: {  	_ =	strace s5  }
0x97: {  	s5 =	sld [smem:$0x3FFD];
	_ =	sdelay $0x3  }
0x98: {  	_ =	strace s5  }
0x99: {  	_ =	strace $0x8FFFFFFF  }
0x9a: {  	s19 =	sld [smem:$0x3FDB];
	_ =	sdelay $0x1  }
0x9b: {  	s6 =	simm.s32 $_scs_section_size  }
0x9c: {  	s7 =	simm.s32 $_size__tile_overlayer_lowered;
	s8 =	simm.s32 $_tile_overlayer_lowered  }
0x9d: {  	s22 =	simm.s32 $0x1BFF;
	s21 =	sshll.u32 s8, $0x1;
	s5 =	sadd.s32 s6, s19  }
0x9e: {  	s9 =	simm.s32 $0x0;
	s20 =	sshll.u32 s7, $0x1;
	s7 =	sadd.s32 s21, s5  }
0x9f: {  	[timem:s9], [sflag:s22] =	dma.local [hbm:s7], s20  }
0xa0: {  	_ =	swait.ge [sflag:s22], s20  }
0xa1: {  	s6 =	ssub.s32 $0x0, s20;
	[sflag:s22] =	ssyncset.done $0x0  }
0xa2: {  	[sflag:s22] =	ssyncadd.s32 s6;
	_ =	sdelay $0x1  }
0xa3: {  	s23 =	simm.s32 $0x1B8B  }
0xa4: {  	_ =	swait.ge [sflag:s23], $0x1  }
0xa5: {  	[sflag:s23] =	ssyncset.done $0x0  }
0xa6: {  	s25 =	simm.s32 $0x1B8E;
	s24 =	sld [smem:$0x3FFE];
	[sflag:s23] =	ssyncadd.s32 $0xFFFFFFFF  }
0xa7: {  	s26 =	simm.s32 $execute0_lowered;
	[smem:$0x3FD2] =	sst s25  }
0xa8: {  	s7 =	sshll.u32 s26, $0x1;
	_ =	strace $0x80000046;
	[dreg:$0x1] =	wrdreg $0xFFFFFFFF  }
0xa9: {  	s28 =	simm.s32 $_size_execute0_lowered;
	s5 =	sadd.s32 s5, s7;
	[dreg:$0x0] =	wrdreg $0x0  }
0xaa: {  	s7 =	sshll.u32 s28, $0x1;
	[dreg:$0x2] =	wrdreg s5  }
0xab: {  	[dreg:$0x3] =	wrdreg s7  }
0xac: {  	[dreg:$0x4] =	wrdreg $0xC0  }
0xad: {  	_ =	task [dreg:s9], $0x5FFFF  }
0xae: {  	[dreg:$0x1] =	wrdreg $0xFFFFFFFF  }
0xaf: {  	[dreg:$0x0] =	wrdreg $0x60  }
0xb0: {  	[dreg:$0x2] =	wrdreg s2  }
0xb1: {  	[dreg:$0x3] =	wrdreg s4  }
0xb2: {  	[dreg:$0x4] =	wrdreg s18  }
0xb3: {  	[dreg:$0x5] =	wrdreg s24  }
0xb4: {  	[dreg:$0x6] =	wrdreg $0x9  }
0xb5: {  	_ =	task.clear_ibuf [dreg:s9], $0x7FFFF;
	_ =	strace $0x90000046  }
0xb6: {  	s29 =	simm.s32 $0x9;
	_ =	strace $0x80000048  }
0xb7: {  	_ =	swait.ge [sflag:s29], $0x1  }
0xb8: {  	[sflag:s29] =	ssyncadd.s32 $0xFFFFFFFF  }
0xb9: {  	_ =	strace $0x90000048  }
0xba: {  	_ =	sfence  }
0xbb: {  	s30 =	sld [smem:$0x0];
	_ =	sdelay $0x2  }
0xbc: {  	s31 =	sshll.u32 s1, $0xD;
	s1 =	sshrl.u32 s1, $0x2  }
0xbd: {  	s3 =	sand.u32 $0x4000, s31;
	s1 =	sadd.s32 s1, s30  }
0xbe: {  	s0 =	sor.u32 s3, s0;
	s1 =	sshll.u32 s1, $0x11  }
0xbf: {  	s0 =	sor.u32 s1, s0  }
0xc0: {  	s0 =	sadd.s32 $0x8F2B, s0  }
0xc1: {  	[sflag:s0] =	ssyncadd.remote.s32 $0x1  }
0xc2: {  	_ =	sfence.sel $0xFFFF  }
0xc3: {  	[dreg:$0x0] =	wrdreg $0xFFFFFFFF;
	(pc) =	sbr.abs _section_cstart, $3  }
0xc4: {  	[dreg:$0x1] =	wrdreg $0xFFFFFFFF  }
0xc5: {  	_ =	task.clear_ibuf [dreg:s9], $0x2FFFF;
	_ =	strace $0x9FFFFFFF  }
0xc6: {  	(tm) =	ssettm $0x7FFFFFFF  }
0xc7: {  	_ =	shalt  }
tec
execute0_lowered:
.L_overlay_start_1:
0x0: {  	(tag) =	ssettag $0x1  }
0x1: {  	s0 =	rddreg [dreg:$0x0]  }
0x2: {  	s1 =	rddreg [dreg:$0x1]  }
0x3: {  	s3 =	rddreg [dreg:$0x2];
	v1 =	vlaneseq.u32;
	v0 =	vimm.f32 $0.0e+00;
	v2 =	vimm.s32 $0xB80  }
0x4: {  	s2 =	rddreg [dreg:$0x3];
	vm0 =	vcmask $0x300;
	v3 =	vimm.s32 $0x1B80;
	vm1 =	vcmask $0x704  }
0x5: {  	s4 =	srdreg.scid;
	s6 =	stileid.u32;
	vm15 =	vcmask $0xB08;
	v2 =	vsel vm0, $0x0, v2;
	v3 =	vsel vm0, $0x1000, v3  }
0x6: {  	s9 =	simm.s32 $0x400;
	s10 =	simm.s32 $0xC3800;
	vm4 =	vcmask $0xF0C;
	s11 =	simm.s32 $0x80;
	v2 =	vsel vm1, $0x80, v2;
	v3 =	vsel vm1, $0x1080, v3  }
0x7: {  	s12 =	simm.s32 $0x8080;
	vm5 =	vcmask $0x1310;
	s30 =	simm.s32 $0x4880;
	s31 =	simm.s32 $0xC880;
	v2 =	vsel vm15, $0x100, v2;
	v3 =	vsel vm15, $0x1100, v3  }
0x8: {  	vm6 =	vcmask $0x1714;
	s13 =	simm.s32 $0x5880;
	s14 =	simm.s32 $0xD880;
	s15 =	simm.s32 $0x6080;
	v2 =	vsel vm4, $0x180, v2;
	v3 =	vsel vm4, $0x1180, v3  }
0x9: {  	vm7 =	vcmask $0x1B18;
	s16 =	simm.s32 $0xE080;
	s17 =	simm.s32 $0x6880;
	s18 =	simm.s32 $0xE880;
	v2 =	vsel vm5, $0x200, v2;
	v3 =	vsel vm5, $0x1200, v3  }
0xa: {  	vm8 =	vcmask $0x1F1C;
	s19 =	simm.s32 $0x7080;
	s20 =	simm.s32 $0xF080;
	s21 =	simm.s32 $0x7880;
	v2 =	vsel vm6, $0x280, v2;
	v3 =	vsel vm6, $0x1280, v3  }
0xb: {  	vm9 =	vcmask $0x2320;
	s22 =	simm.s32 $0xF880;
	s23 =	simm.s32 $0x1;
	s24 =	simm.s32 $0x2;
	v2 =	vsel vm7, $0x300, v2;
	v3 =	vsel vm7, $0x1300, v3  }
0xc: {  	vm10 =	vcmask $0x2724;
	s25 =	simm.s32 $0x0;
	s5 =	sand.u32 $0x1, s4;
	s4 =	simm.s32 $0x0;
	v2 =	vsel vm8, $0x380, v2;
	v3 =	vsel vm8, $0x1380, v3  }
0xd: {  	vm11 =	vcmask $0x2B28;
	s6 =	sshll.u32 s6, $0x6;
	s7 =	sshll.u32 s5, $0x5;
	[smem:$0x7FF] =	sst s4;
	v2 =	vsel vm9, $0x800, v2;
	v3 =	vsel vm9, $0x1800, v3  }
0xe: {  	vm12 =	vcmask $0x2F2C;
	s5 =	ssub.s32 $0x2, s5;
	s6 =	sor.u32 s7, s6;
	_ =	strace $0x80000047;
	v2 =	vsel vm10, $0x880, v2;
	v3 =	vsel vm10, $0x1880, v3  }
0xf: {  	vm13 =	vcmask $0x3330;
	s8 =	sshrl.u32 s5, $0x1;
	s7 =	sshll.u32 s6, $0x5;
	s6 =	sshrl.u32 s6, $0x3;
	v2 =	vsel vm11, $0x900, v2;
	v3 =	vsel vm11, $0x1900, v3  }
0x10: {  	vm14 =	vcmask $0x3734;
	s5 =	ssub.s32 s5, s8;
	s8 =	simm.s32 $0x3;
	s0 =	sadd.s32 s0, s6;
	v2 =	vsel vm12, $0x980, v2;
	v3 =	vsel vm12, $0x1980, v3  }
0x11: {  	v1 =	vmul.u32 $0x800, v1;
	s2 =	sadd.s32 s7, s2;
	s29 =	smax.u32 s5, $0x1;
	[dreg:$0x5] =	wrdreg s0;
	v2 =	vsel vm13, $0xA00, v2;
	v3 =	vsel vm13, $0x1A00, v3  }
0x12: {  	vm15 =	vcmask $0x3B38;
	s5 =	simm.s32 $0x10080;
	s28 =	sadd.s32 $0xC00, s2;
	[dreg:$0x7] =	wrdreg s29;
	v4 =	vsel vm14, $0xA80, v2;
	v5 =	vsel vm14, $0x1A80, v3  }
0x13: {  	s0 =	simm.s32 $0x5080;
	s2 =	simm.s32 $0xD080;
	[dreg:$0x6] =	wrdreg s28;
	v2 =	vimm.s32 $0xFFFFFF81;
	v3 =	vsel vm15, $0xB00, v4;
	v4 =	vsel vm15, $0x1B00, v5  }
.LBB2_1:
0x14: {  	s6 =	rddreg [dreg:$0x5]  }
0x15: {  	[tilespmem:s4], [sflag:$0x3] =	stream.linear.gather [hbm4b:s6+s4], $0x20, $0x38;
	[tilespmem:$0x12080] =	vst v63  }
0x16: {  	_ =	swait.ge [sflag:s8], $0x20  }
0x17: {  	[sflag:s8] =	ssyncset.done $0x0  }
0x18: {  	[sflag:s8] =	ssyncadd.s32 $0xFFFFFFE0  }
0x19: {  	v5 =	vld [tilespmem:$0x0];
	_ =	sdelay $0x4  }
0x1a: {  	v6 =	vand.u32 $0xFFFFFF80, v5  }
0x1b: {  	(v2sf) =	vpush v6, $0x0;
	_ =	sdelay $0x4  }
0x1c: {  	(v2sf) =	vpush v6, $0x1;
	_ =	sdelay $0x4  }
0x1d: {  	(v2sf) =	vpush v6, $0x2;
	_ =	sdelay $0x4  }
0x1e: {  	s26 =	spop (v2sf);
	(v2sf) =	vpush v6, $0x3  }
0x1f: {  	s7 =	sadd.s32 s1, s26  }
0x20: {  	[tilespmem:s11], [sflag:$0x1] =	stream.strided.gather [hbm4b:s7+s9], $0x800, s10, s9, $0x38;
	[tilespmem:$0x12080] =	vst v63  }
0x21: {  	s6 =	sadd.s32 s3, s26  }
0x22: {  	[tilespmem:s12], [sflag:$0x2] =	stream.strided.gather [hbm4b:s6+s9], $0x800, s10, s9, $0x38;
	[tilespmem:$0x12080] =	vst v63  }
0x23: {  	s6 =	spop (v2sf);
	(v2sf) =	vpush v6, $0x4  }
0x24: {  	s26 =	simm.s32 $0x880;
	s7 =	sadd.s32 s1, s6  }
0x25: {  	[tilespmem:s26], [sflag:$0x1] =	stream.strided.gather [hbm4b:s7+s9], $0x800, s10, s9, $0x38;
	[tilespmem:$0x12080] =	vst v63  }
0x26: {  	s6 =	sadd.s32 s3, s6;
	s26 =	simm.s32 $0x8880  }
0x27: {  	[tilespmem:s26], [sflag:$0x2] =	stream.strided.gather [hbm4b:s6+s9], $0x800, s10, s9, $0x38;
	[tilespmem:$0x12080] =	vst v63  }
0x28: {  	(v2sf) =	vpush v6, $0x5;
	s6 =	spop (v2sf)  }
0x29: {  	s26 =	simm.s32 $0x1080;
	s7 =	sadd.s32 s1, s6  }
0x2a: {  	[tilespmem:s26], [sflag:$0x1] =	stream.strided.gather [hbm4b:s7+s9], $0x800, s10, s9, $0x38;
	[tilespmem:$0x12080] =	vst v63  }
0x2b: {  	s6 =	sadd.s32 s3, s6;
	s26 =	simm.s32 $0x9080  }
0x2c: {  	[tilespmem:s26], [sflag:$0x2] =	stream.strided.gather [hbm4b:s6+s9], $0x800, s10, s9, $0x38;
	[tilespmem:$0x12080] =	vst v63  }
0x2d: {  	s6 =	spop (v2sf);
	(v2sf) =	vpush v6, $0x6  }
0x2e: {  	s26 =	simm.s32 $0x1880;
	s7 =	sadd.s32 s1, s6  }
0x2f: {  	[tilespmem:s26], [sflag:$0x1] =	stream.strided.gather [hbm4b:s7+s9], $0x800, s10, s9, $0x38;
	[tilespmem:$0x12080] =	vst v63  }
0x30: {  	s6 =	sadd.s32 s3, s6;
	s26 =	simm.s32 $0x9880  }
0x31: {  	[tilespmem:s26], [sflag:$0x2] =	stream.strided.gather [hbm4b:s6+s9], $0x800, s10, s9, $0x38;
	[tilespmem:$0x12080] =	vst v63  }
0x32: {  	s6 =	spop (v2sf);
	(v2sf) =	vpush v6, $0x7  }
0x33: {  	s26 =	simm.s32 $0x2080;
	s7 =	sadd.s32 s1, s6  }
0x34: {  	[tilespmem:s26], [sflag:$0x1] =	stream.strided.gather [hbm4b:s7+s9], $0x800, s10, s9, $0x38;
	[tilespmem:$0x12080] =	vst v63  }
0x35: {  	s6 =	sadd.s32 s3, s6;
	s26 =	simm.s32 $0xA080  }
0x36: {  	[tilespmem:s26], [sflag:$0x2] =	stream.strided.gather [hbm4b:s6+s9], $0x800, s10, s9, $0x38;
	[tilespmem:$0x12080] =	vst v63  }
0x37: {  	s6 =	spop (v2sf);
	(v2sf) =	vpush v6, $0x8  }
0x38: {  	s26 =	simm.s32 $0x2880;
	s7 =	sadd.s32 s1, s6  }
0x39: {  	[tilespmem:s26], [sflag:$0x1] =	stream.strided.gather [hbm4b:s7+s9], $0x800, s10, s9, $0x38;
	[tilespmem:$0x12080] =	vst v63  }
0x3a: {  	s6 =	sadd.s32 s3, s6;
	s26 =	simm.s32 $0xA880  }
0x3b: {  	[tilespmem:s26], [sflag:$0x2] =	stream.strided.gather [hbm4b:s6+s9], $0x800, s10, s9, $0x38;
	[tilespmem:$0x12080] =	vst v63  }
0x3c: {  	s6 =	spop (v2sf);
	(v2sf) =	vpush v6, $0x9  }
0x3d: {  	s26 =	simm.s32 $0x3080;
	s7 =	sadd.s32 s1, s6  }
0x3e: {  	[tilespmem:s26], [sflag:$0x1] =	stream.strided.gather [hbm4b:s7+s9], $0x800, s10, s9, $0x38;
	[tilespmem:$0x12080] =	vst v63  }
0x3f: {  	s6 =	sadd.s32 s3, s6;
	s26 =	simm.s32 $0xB080  }
0x40: {  	[tilespmem:s26], [sflag:$0x2] =	stream.strided.gather [hbm4b:s6+s9], $0x800, s10, s9, $0x38;
	[tilespmem:$0x12080] =	vst v63  }
0x41: {  	s6 =	spop (v2sf);
	(v2sf) =	vpush v6, $0xA  }
0x42: {  	s26 =	simm.s32 $0x3880;
	s7 =	sadd.s32 s1, s6  }
0x43: {  	[tilespmem:s26], [sflag:$0x1] =	stream.strided.gather [hbm4b:s7+s9], $0x800, s10, s9, $0x38;
	[tilespmem:$0x12080] =	vst v63  }
0x44: {  	s6 =	sadd.s32 s3, s6;
	s26 =	simm.s32 $0xB880  }
0x45: {  	[tilespmem:s26], [sflag:$0x2] =	stream.strided.gather [hbm4b:s6+s9], $0x800, s10, s9, $0x38;
	[tilespmem:$0x12080] =	vst v63  }
0x46: {  	(v2sf) =	vpush v6, $0xB;
	s6 =	spop (v2sf)  }
0x47: {  	s26 =	simm.s32 $0x4080;
	s7 =	sadd.s32 s1, s6  }
0x48: {  	[tilespmem:s26], [sflag:$0x1] =	stream.strided.gather [hbm4b:s7+s9], $0x800, s10, s9, $0x38;
	[tilespmem:$0x12080] =	vst v63  }
0x49: {  	(v2sf) =	vpush v6, $0xC;
	s6 =	sadd.s32 s3, s6;
	s26 =	simm.s32 $0xC080  }
0x4a: {  	[tilespmem:s26], [sflag:$0x2] =	stream.strided.gather [hbm4b:s6+s9], $0x800, s10, s9, $0x38;
	[tilespmem:$0x12080] =	vst v63  }
0x4b: {  	s6 =	spop (v2sf)  }
0x4c: {  	s26 =	sadd.s32 s1, s6  }
0x4d: {  	(v2sf) =	vpush v6, $0xD;
	[tilespmem:s30], [sflag:$0x1] =	stream.strided.gather [hbm4b:s26+s9], $0x800, s10, s9, $0x38;
	[tilespmem:$0x12080] =	vst v63  }
0x4e: {  	s6 =	sadd.s32 s3, s6  }
0x4f: {  	[tilespmem:s31], [sflag:$0x2] =	stream.strided.gather [hbm4b:s6+s9], $0x800, s10, s9, $0x38;
	[tilespmem:$0x12080] =	vst v63  }
0x50: {  	s6 =	spop (v2sf)  }
0x51: {  	(v2sf) =	vpush v6, $0xE;
	s26 =	sadd.s32 s1, s6  }
0x52: {  	[tilespmem:s0], [sflag:$0x1] =	stream.strided.gather [hbm4b:s26+s9], $0x800, s10, s9, $0x38;
	[tilespmem:$0x12080] =	vst v63  }
0x53: {  	s6 =	sadd.s32 s3, s6  }
0x54: {  	[tilespmem:s2], [sflag:$0x2] =	stream.strided.gather [hbm4b:s6+s9], $0x800, s10, s9, $0x38;
	[tilespmem:$0x12080] =	vst v63  }
0x55: {  	s6 =	spop (v2sf);
	(v2sf) =	vpush v6, $0xF  }
0x56: {  	s26 =	sadd.s32 s1, s6  }
0x57: {  	[tilespmem:s13], [sflag:$0x1] =	stream.strided.gather [hbm4b:s26+s9], $0x800, s10, s9, $0x38;
	[tilespmem:$0x12080] =	vst v63  }
0x58: {  	s7 =	spop (v2sf);
	s6 =	sadd.s32 s3, s6  }
0x59: {  	[tilespmem:s14], [sflag:$0x2] =	stream.strided.gather [hbm4b:s6+s9], $0x800, s10, s9, $0x38;
	[tilespmem:$0x12080] =	vst v63  }
0x5a: {  	s26 =	sadd.s32 s1, s7  }
0x5b: {  	[tilespmem:s15], [sflag:$0x1] =	stream.strided.gather [hbm4b:s26+s9], $0x800, s10, s9, $0x38;
	[tilespmem:$0x12080] =	vst v63  }
0x5c: {  	s7 =	sadd.s32 s3, s7;
	s6 =	spop (v2sf)  }
0x5d: {  	[tilespmem:s16], [sflag:$0x2] =	stream.strided.gather [hbm4b:s7+s9], $0x800, s10, s9, $0x38;
	[tilespmem:$0x12080] =	vst v63  }
0x5e: {  	s26 =	sadd.s32 s1, s6  }
0x5f: {  	[tilespmem:s17], [sflag:$0x1] =	stream.strided.gather [hbm4b:s26+s9], $0x800, s10, s9, $0x38;
	[tilespmem:$0x12080] =	vst v63  }
0x60: {  	s6 =	sadd.s32 s3, s6;
	s7 =	spop (v2sf)  }
0x61: {  	[tilespmem:s18], [sflag:$0x2] =	stream.strided.gather [hbm4b:s6+s9], $0x800, s10, s9, $0x38;
	[tilespmem:$0x12080] =	vst v63  }
0x62: {  	s26 =	sadd.s32 s1, s7  }
0x63: {  	[tilespmem:s19], [sflag:$0x1] =	stream.strided.gather [hbm4b:s26+s9], $0x800, s10, s9, $0x38;
	[tilespmem:$0x12080] =	vst v63  }
0x64: {  	s7 =	sadd.s32 s3, s7;
	s6 =	spop (v2sf)  }
0x65: {  	[tilespmem:s20], [sflag:$0x2] =	stream.strided.gather [hbm4b:s7+s9], $0x800, s10, s9, $0x38;
	[tilespmem:$0x12080] =	vst v63  }
0x66: {  	s26 =	sadd.s32 s1, s6  }
0x67: {  	[tilespmem:s21], [sflag:$0x1] =	stream.strided.gather [hbm4b:s26+s9], $0x800, s10, s9, $0x38;
	[tilespmem:$0x12080] =	vst v63  }
0x68: {  	s7 =	sand.u32 $0x1800, s4;
	s26 =	sand.u32 $0x380, s4  }
0x69: {  	s6 =	sadd.s32 s3, s6;
	s7 =	sor.u32 s26, s7  }
0x6a: {  	[tilespmem:s22], [sflag:$0x2] =	stream.strided.gather [hbm4b:s6+s9], $0x800, s10, s9, $0x38;
	[tilespmem:$0x12080] =	vst v63  }
0x6b: {  	s6 =	sadd.s32 $0x10080, s7;
	[tilespmem:s7+$0x10080] =	vst v0  }
0x6c: {  	[tilespmem:s6+$0x40] =	vst v0  }
0x6d: {  	[tilespmem:s6+$0x50] =	vst v0  }
0x6e: {  	[tilespmem:s6+$0x60] =	vst v0  }
0x6f: {  	[tilespmem:s6+$0x70] =	vst v0  }
0x70: {  	[tilespmem:s6+$0x400] =	vst v0  }
0x71: {  	[tilespmem:s6+$0x410] =	vst v0  }
0x72: {  	[tilespmem:s6+$0x420] =	vst v0  }
0x73: {  	[tilespmem:s6+$0x430] =	vst v0  }
0x74: {  	[tilespmem:s6+$0x440] =	vst v0  }
0x75: {  	[tilespmem:s6+$0x450] =	vst v0  }
0x76: {  	[tilespmem:s6+$0x460] =	vst v0  }
0x77: {  	[tilespmem:s6+$0x10] =	vst v0  }
0x78: {  	s26 =	simm.s32 $0x100;
	s7 =	simm.s32 $0x80;
	[tilespmem:s6+$0x20] =	vst v0  }
0x79: {  	s28 =	sand.u32 $0x1800, s26;
	s26 =	simm.s32 $0x200;
	[tilespmem:s6+$0x30] =	vst v0;
	s29 =	sand.u32 $0x380, s7  }
.LBB2_2:
0x7a: {  	p0 =	sne.s32 s26, $0x1F00;
	s28 =	sor.u32 s29, s28;
	[tilespmem:s6+$0x470] =	vst v0  }
0x7b: {  	s6 =	sadd.s32 $0x10080, s28;
	[tilespmem:s28+$0x10080] =	vst v0  }
0x7c: {  	[tilespmem:s6+$0x10] =	vst v0  }
0x7d: {  	[tilespmem:s6+$0x20] =	vst v0  }
0x7e: {  	[tilespmem:s6+$0x30] =	vst v0  }
0x7f: {  	[tilespmem:s6+$0x40] =	vst v0  }
0x80: {  	[tilespmem:s6+$0x50] =	vst v0  }
0x81: {  	[tilespmem:s6+$0x60] =	vst v0  }
0x82: {  	[tilespmem:s6+$0x70] =	vst v0  }
0x83: {  	[tilespmem:s6+$0x400] =	vst v0  }
0x84: {  	[tilespmem:s6+$0x410] =	vst v0  }
.Ltmp0:
0x85: {  	[tilespmem:s6+$0x420] =	vst v0;
	(pc) =	sbr.rel @p0 .LBB2_2-.Ltmp0, $4  }
0x86: {  	[tilespmem:s6+$0x430] =	vst v0  }
0x87: {  	[tilespmem:s6+$0x440] =	vst v0  }
0x88: {  	s7 =	sadd.s32 $0x80, s7;
	[tilespmem:s6+$0x450] =	vst v0  }
0x89: {  	s28 =	sand.u32 $0x1800, s26;
	s29 =	sand.u32 $0x380, s7;
	s26 =	sadd.s32 $0x100, s26;
	[tilespmem:s6+$0x460] =	vst v0  }
0x8a: {  	s7 =	sor.u32 s29, s28;
	[tilespmem:s6+$0x470] =	vst v0  }
0x8b: {  	s26 =	sadd.s32 $0x10080, s7;
	[tilespmem:s7+$0x10080] =	vst v0  }
0x8c: {  	[tilespmem:s26+$0x10] =	vst v0  }
0x8d: {  	[tilespmem:s26+$0x20] =	vst v0  }
0x8e: {  	[tilespmem:s26+$0x30] =	vst v0  }
0x8f: {  	[tilespmem:s26+$0x40] =	vst v0  }
0x90: {  	[tilespmem:s26+$0x50] =	vst v0  }
0x91: {  	[tilespmem:s26+$0x60] =	vst v0  }
0x92: {  	[tilespmem:s26+$0x70] =	vst v0  }
0x93: {  	[tilespmem:s26+$0x400] =	vst v0  }
0x94: {  	[tilespmem:s26+$0x410] =	vst v0  }
0x95: {  	[tilespmem:s26+$0x420] =	vst v0  }
0x96: {  	[tilespmem:s26+$0x430] =	vst v0  }
0x97: {  	[tilespmem:s26+$0x440] =	vst v0  }
0x98: {  	[tilespmem:s26+$0x450] =	vst v0  }
0x99: {  	[tilespmem:s26+$0x460] =	vst v0  }
0x9a: {  	[tilespmem:s26+$0x470] =	vst v0  }
0x9b: {  	_ =	swait.ge [sflag:s23], $0x800  }
0x9c: {  	[sflag:s23] =	ssyncset.done $0x0  }
0x9d: {  	[sflag:s23] =	ssyncadd.s32 $0xFFFFF800  }
0x9e: {  	_ =	swait.ge [sflag:s24], $0x800  }
0x9f: {  	[sflag:s24] =	ssyncset.done $0x0  }
0xa0: {  	[sflag:s24] =	ssyncadd.s32 $0xFFFFF800  }
0xa1: {  	_ =	swait.ge [sflag:s23], $0x800  }
0xa2: {  	[sflag:s23] =	ssyncset.done $0x0  }
0xa3: {  	[sflag:s23] =	ssyncadd.s32 $0xFFFFF800  }
0xa4: {  	_ =	swait.ge [sflag:s24], $0x800  }
0xa5: {  	[sflag:s24] =	ssyncset.done $0x0  }
0xa6: {  	[sflag:s24] =	ssyncadd.s32 $0xFFFFF800  }
0xa7: {  	_ =	swait.ge [sflag:s23], $0x800  }
0xa8: {  	[sflag:s23] =	ssyncset.done $0x0  }
0xa9: {  	[sflag:s23] =	ssyncadd.s32 $0xFFFFF800  }
0xaa: {  	_ =	swait.ge [sflag:s24], $0x800  }
0xab: {  	[sflag:s24] =	ssyncset.done $0x0  }
0xac: {  	[sflag:s24] =	ssyncadd.s32 $0xFFFFF800  }
0xad: {  	_ =	swait.ge [sflag:s23], $0x800  }
0xae: {  	[sflag:s23] =	ssyncset.done $0x0  }
0xaf: {  	[sflag:s23] =	ssyncadd.s32 $0xFFFFF800  }
0xb0: {  	_ =	swait.ge [sflag:s24], $0x800  }
0xb1: {  	[sflag:s24] =	ssyncset.done $0x0  }
0xb2: {  	[sflag:s24] =	ssyncadd.s32 $0xFFFFF800  }
0xb3: {  	_ =	swait.ge [sflag:s23], $0x800  }
0xb4: {  	[sflag:s23] =	ssyncset.done $0x0  }
0xb5: {  	[sflag:s23] =	ssyncadd.s32 $0xFFFFF800  }
0xb6: {  	_ =	swait.ge [sflag:s24], $0x800  }
0xb7: {  	[sflag:s24] =	ssyncset.done $0x0  }
0xb8: {  	[sflag:s24] =	ssyncadd.s32 $0xFFFFF800  }
0xb9: {  	_ =	swait.ge [sflag:s23], $0x800  }
0xba: {  	[sflag:s23] =	ssyncset.done $0x0  }
0xbb: {  	[sflag:s23] =	ssyncadd.s32 $0xFFFFF800  }
0xbc: {  	_ =	swait.ge [sflag:s24], $0x800  }
0xbd: {  	[sflag:s24] =	ssyncset.done $0x0  }
0xbe: {  	[sflag:s24] =	ssyncadd.s32 $0xFFFFF800  }
0xbf: {  	_ =	swait.ge [sflag:s23], $0x800  }
0xc0: {  	[sflag:s23] =	ssyncset.done $0x0  }
0xc1: {  	[sflag:s23] =	ssyncadd.s32 $0xFFFFF800  }
0xc2: {  	_ =	swait.ge [sflag:s24], $0x800  }
0xc3: {  	[sflag:s24] =	ssyncset.done $0x0  }
0xc4: {  	[sflag:s24] =	ssyncadd.s32 $0xFFFFF800  }
0xc5: {  	_ =	swait.ge [sflag:s23], $0x800  }
0xc6: {  	[sflag:s23] =	ssyncset.done $0x0  }
0xc7: {  	[sflag:s23] =	ssyncadd.s32 $0xFFFFF800  }
0xc8: {  	_ =	swait.ge [sflag:s24], $0x800  }
0xc9: {  	[sflag:s24] =	ssyncset.done $0x0  }
0xca: {  	[sflag:s24] =	ssyncadd.s32 $0xFFFFF800  }
0xcb: {  	_ =	swait.ge [sflag:s23], $0x800  }
0xcc: {  	[sflag:s23] =	ssyncset.done $0x0  }
0xcd: {  	[sflag:s23] =	ssyncadd.s32 $0xFFFFF800  }
0xce: {  	_ =	swait.ge [sflag:s24], $0x800  }
0xcf: {  	[sflag:s24] =	ssyncset.done $0x0  }
0xd0: {  	[sflag:s24] =	ssyncadd.s32 $0xFFFFF800  }
0xd1: {  	_ =	swait.ge [sflag:s23], $0x800  }
0xd2: {  	[sflag:s23] =	ssyncset.done $0x0  }
0xd3: {  	[sflag:s23] =	ssyncadd.s32 $0xFFFFF800  }
0xd4: {  	_ =	swait.ge [sflag:s24], $0x800  }
0xd5: {  	[sflag:s24] =	ssyncset.done $0x0  }
0xd6: {  	[sflag:s24] =	ssyncadd.s32 $0xFFFFF800  }
0xd7: {  	_ =	swait.ge [sflag:s23], $0x800  }
0xd8: {  	[sflag:s23] =	ssyncset.done $0x0  }
0xd9: {  	[sflag:s23] =	ssyncadd.s32 $0xFFFFF800  }
0xda: {  	_ =	swait.ge [sflag:s24], $0x800  }
0xdb: {  	[sflag:s24] =	ssyncset.done $0x0  }
0xdc: {  	[sflag:s24] =	ssyncadd.s32 $0xFFFFF800  }
0xdd: {  	_ =	swait.ge [sflag:s23], $0x800  }
0xde: {  	[sflag:s23] =	ssyncset.done $0x0  }
0xdf: {  	[sflag:s23] =	ssyncadd.s32 $0xFFFFF800  }
0xe0: {  	_ =	swait.ge [sflag:s24], $0x800  }
0xe1: {  	[sflag:s24] =	ssyncset.done $0x0  }
0xe2: {  	[sflag:s24] =	ssyncadd.s32 $0xFFFFF800  }
0xe3: {  	_ =	swait.ge [sflag:s23], $0x800  }
0xe4: {  	[sflag:s23] =	ssyncset.done $0x0  }
0xe5: {  	[sflag:s23] =	ssyncadd.s32 $0xFFFFF800  }
0xe6: {  	_ =	swait.ge [sflag:s24], $0x800  }
0xe7: {  	[sflag:s24] =	ssyncset.done $0x0  }
0xe8: {  	[sflag:s24] =	ssyncadd.s32 $0xFFFFF800  }
0xe9: {  	_ =	swait.ge [sflag:s23], $0x800  }
0xea: {  	[sflag:s23] =	ssyncset.done $0x0  }
0xeb: {  	[sflag:s23] =	ssyncadd.s32 $0xFFFFF800  }
0xec: {  	_ =	swait.ge [sflag:s24], $0x800  }
0xed: {  	[sflag:s24] =	ssyncset.done $0x0  }
0xee: {  	[sflag:s24] =	ssyncadd.s32 $0xFFFFF800  }
0xef: {  	_ =	swait.ge [sflag:s23], $0x800  }
0xf0: {  	[sflag:s23] =	ssyncset.done $0x0  }
0xf1: {  	[sflag:s23] =	ssyncadd.s32 $0xFFFFF800  }
0xf2: {  	_ =	swait.ge [sflag:s24], $0x800  }
0xf3: {  	[sflag:s24] =	ssyncset.done $0x0  }
0xf4: {  	v5 =	vand.u32 $0x7F, v5;
	[sflag:s24] =	ssyncadd.s32 $0xFFFFF800  }
0xf5: {  	v7 =	vor.u32 v1, v5;
	s26 =	simm.s32 $0x0;
	_ =	swait.ge [sflag:s23], $0x800  }
0xf6: {  	v6 =	vor.u32 s26, v7;
	[sflag:s23] =	ssyncset.done $0x0  }
0xf7: {  	[sflag:s23] =	ssyncadd.s32 $0xFFFFF800  }
0xf8: {  	_ =	swait.ge [sflag:s24], $0x800  }
0xf9: {  	[sflag:s24] =	ssyncset.done $0x0  }
0xfa: {  	[sflag:s24] =	ssyncadd.s32 $0xFFFFF800  }
0xfb: {  	v5 =	vld.idx.msk [tilespmem:v6+s11+$0x0], $0xffff;
	_ =	sdelay $0x4  }
0xfc: {  	v8 =	vsub.f32 $0.0e+00, v5;
	_ =	sdelay $0x1  }
0xfd: {  	v8 =	vmul.f32 $1.442695020e+00, v8;
	_ =	sdelay $0x1  }
0xfe: {  	(erf) = vpow2.f32 v8;
	_ =	sdelay $0x8  }
0xff: {  	v8 =	vpop (erf)  }
0x100: {  	v8 =	vadd.f32 $1.000000000e+00, v8;
	_ =	sdelay $0x1  }
0x101: {  	(erf) = vrcp.f32 v8;
	_ =	sdelay $0x2  }
0x102: {  	v8 =	vld.idx.msk [tilespmem:v6+s12+$0x0], $0xffff;
	_ =	sdelay $0x4  }
0x103: {  	vm0 =	vne.s32 v8, $0xFFFFFFFF  }
0x104: {  	v6 =	vsel vm0, $0x3F800000, v0;
	v9 =	vpop (erf)  }
0x105: {  	v9 =	vmul.f32 v9, v6;
	_ =	sdelay $0x1  }
0x106: {  	v9 =	vsub.f32 $1.000000000e+00, v9;
	_ =	sdelay $0x1  }
0x107: {  	v9 =	vmax.f32 v9, $1.000000010e-07  }
0x108: {  	v10 =	vand.u32 $0x7FFFFF, v9  }
0x109: {  	v10 =	vor.u32 $0x3F800000, v10  }
0x10a: {  	v11 =	vmul.f32 $5.000000000e-01, v10  }
0x10b: {  	vm1 =	vgt.f32 v10, $1.414213540e+00  }
0x10c: {  	v10 =	vsel vm1, v11, v10  }
0x10d: {  	v10 =	vadd.f32 $-1.000000000e+00, v10;
	_ =	sdelay $0x1  }
0x10e: {  	v11 =	vadd.f32 $2.000000000e+00, v10;
	_ =	sdelay $0x1  }
0x10f: {  	(erf) = vrcp.f32 v11;
	_ =	sdelay $0x8  }
0x110: {  	v11 =	vpop (erf)  }
0x111: {  	v10 =	vmul.f32 v11, v10;
	_ =	sdelay $0x1  }
0x112: {  	v11 =	vmul.f32 v10, v10;
	_ =	sdelay $0x1  }
0x113: {  	v12 =	vmul.f32 $1.428571490e-01, v11;
	_ =	sdelay $0x1  }
0x114: {  	v12 =	vadd.f32 $2.000000030e-01, v12;
	_ =	sdelay $0x1  }
0x115: {  	v12 =	vmul.f32 v12, v11;
	_ =	sdelay $0x1  }
0x116: {  	v13 =	vshll.u32 v8, $0x3;
	v12 =	vadd.f32 $3.333333430e-01, v12  }
0x117: {  	v8 =	vand.u32 $0x7F, v8;
	v13 =	vand.u32 $0xFFFFFC00, v13  }
0x118: {  	v9 =	vshrl.u32 v9, $0x17;
	v14 =	vsel vm1, $0xFFFFFF82, v2;
	v11 =	vmul.f32 v12, v11  }
0x119: {  	v8 =	vor.u32 v8, v13;
	v9 =	vadd.s32 v9, v14  }
0x11a: {  	v9 =	vcvt.s32.f32 v9;
	v10 =	vadd.f32 v10, v10;
	v11 =	vadd.f32 $1.000000000e+00, v11  }
0x11b: {  	s7 =	simm.s32 $0x80;
	v8 =	vadd.s32 v3, v8  }
0x11c: {  	v9 =	vmul.f32 $6.931471820e-01, v9;
	v10 =	vmul.f32 v11, v10;
	v11 =	vor.u32 s7, v7;
	_ =	sdelay $0x1  }
0x11d: {  	v9 =	vadd.f32 v10, v9;
	_ =	sdelay $0x1  }
0x11e: {  	[tilespmem:v8+s5+$0x0] =	vst.idx.add.f32.msk vm0, v9  }
0x11f: {  	v8 =	vld.idx.msk [tilespmem:v11+s11+$0x0], $0xffff;
	_ =	sdelay $0x4  }
0x120: {  	v9 =	vsub.f32 $0.0e+00, v8;
	_ =	sdelay $0x1  }
0x121: {  	v9 =	vmul.f32 $1.442695020e+00, v9;
	_ =	sdelay $0x1  }
0x122: {  	(erf) = vpow2.f32 v9;
	_ =	sdelay $0x8  }
0x123: {  	v9 =	vpop (erf)  }
0x124: {  	v9 =	vadd.f32 $1.000000000e+00, v9;
	_ =	sdelay $0x1  }
0x125: {  	(erf) = vrcp.f32 v9;
	_ =	sdelay $0x2  }
0x126: {  	v9 =	vld.idx.msk [tilespmem:v11+s12+$0x0], $0xffff;
	_ =	sdelay $0x4  }
0x127: {  	vm0 =	vne.s32 v9, $0xFFFFFFFF  }
0x128: {  	v10 =	vsel vm0, $0x3F800000, v0;
	v11 =	vpop (erf)  }
0x129: {  	v11 =	vmul.f32 v11, v10;
	_ =	sdelay $0x1  }
0x12a: {  	v11 =	vsub.f32 $1.000000000e+00, v11;
	_ =	sdelay $0x1  }
0x12b: {  	v11 =	vmax.f32 v11, $1.000000010e-07  }
0x12c: {  	v42 =	vand.u32 $0x7FFFFF, v11  }
0x12d: {  	v12 =	vor.u32 $0x3F800000, v42  }
0x12e: {  	v43 =	vmul.f32 $5.000000000e-01, v12  }
0x12f: {  	vm1 =	vgt.f32 v12, $1.414213540e+00  }
0x130: {  	v12 =	vsel vm1, v43, v12  }
0x131: {  	v12 =	vadd.f32 $-1.000000000e+00, v12;
	_ =	sdelay $0x1  }
0x132: {  	v44 =	vadd.f32 $2.000000000e+00, v12;
	_ =	sdelay $0x1  }
0x133: {  	(erf) = vrcp.f32 v44;
	_ =	sdelay $0x8  }
0x134: {  	v13 =	vpop (erf)  }
0x135: {  	v12 =	vmul.f32 v13, v12;
	_ =	sdelay $0x1  }
0x136: {  	v13 =	vmul.f32 v12, v12;
	_ =	sdelay $0x1  }
0x137: {  	v45 =	vmul.f32 $1.428571490e-01, v13;
	_ =	sdelay $0x1  }
0x138: {  	v14 =	vadd.f32 $2.000000030e-01, v45;
	_ =	sdelay $0x1  }
0x139: {  	v14 =	vmul.f32 v14, v13;
	_ =	sdelay $0x1  }
0x13a: {  	v15 =	vshll.u32 v9, $0x3;
	v14 =	vadd.f32 $3.333333430e-01, v14  }
0x13b: {  	v9 =	vand.u32 $0x7F, v9;
	v15 =	vand.u32 $0xFFFFFC00, v15  }
0x13c: {  	v11 =	vshrl.u32 v11, $0x17;
	v16 =	vsel vm1, $0xFFFFFF82, v2;
	v13 =	vmul.f32 v14, v13  }
0x13d: {  	v9 =	vor.u32 v9, v15;
	v11 =	vadd.s32 v11, v16  }
0x13e: {  	v11 =	vcvt.s32.f32 v11;
	v12 =	vadd.f32 v12, v12;
	v13 =	vadd.f32 $1.000000000e+00, v13  }
0x13f: {  	s26 =	simm.s32 $0x100;
	v9 =	vadd.s32 v3, v9  }
0x140: {  	v46 =	vor.u32 s26, v7;
	v11 =	vmul.f32 $6.931471820e-01, v11;
	v12 =	vmul.f32 v13, v12;
	_ =	sdelay $0x1  }
0x141: {  	v11 =	vadd.f32 v12, v11;
	_ =	sdelay $0x1  }
0x142: {  	[tilespmem:v9+s5+$0x0] =	vst.idx.add.f32.msk vm0, v11  }
0x143: {  	v9 =	vld.idx.msk [tilespmem:v46+s11+$0x0], $0xffff;
	_ =	sdelay $0x4  }
0x144: {  	v11 =	vsub.f32 $0.0e+00, v9;
	_ =	sdelay $0x1  }
0x145: {  	v11 =	vmul.f32 $1.442695020e+00, v11;
	_ =	sdelay $0x1  }
0x146: {  	(erf) = vpow2.f32 v11;
	_ =	sdelay $0x8  }
0x147: {  	v11 =	vpop (erf)  }
0x148: {  	v11 =	vadd.f32 $1.000000000e+00, v11;
	_ =	sdelay $0x1  }
0x149: {  	(erf) = vrcp.f32 v11;
	_ =	sdelay $0x2  }
0x14a: {  	v11 =	vld.idx.msk [tilespmem:v46+s12+$0x0], $0xffff;
	_ =	sdelay $0x4  }
0x14b: {  	vm0 =	vne.s32 v11, $0xFFFFFFFF  }
0x14c: {  	v47 =	vsel vm0, $0x3F800000, v0;
	v48 =	vpop (erf)  }
0x14d: {  	v13 =	vmul.f32 v48, v47;
	_ =	sdelay $0x1  }
0x14e: {  	v13 =	vsub.f32 $1.000000000e+00, v13;
	_ =	sdelay $0x1  }
0x14f: {  	v13 =	vmax.f32 v13, $1.000000010e-07  }
0x150: {  	v49 =	vand.u32 $0x7FFFFF, v13  }
0x151: {  	v14 =	vor.u32 $0x3F800000, v49  }
0x152: {  	v50 =	vmul.f32 $5.000000000e-01, v14  }
0x153: {  	vm1 =	vgt.f32 v14, $1.414213540e+00  }
0x154: {  	v14 =	vsel vm1, v50, v14  }
0x155: {  	v14 =	vadd.f32 $-1.000000000e+00, v14;
	_ =	sdelay $0x1  }
0x156: {  	v51 =	vadd.f32 $2.000000000e+00, v14;
	_ =	sdelay $0x1  }
0x157: {  	(erf) = vrcp.f32 v51;
	_ =	sdelay $0x8  }
0x158: {  	v15 =	vpop (erf)  }
0x159: {  	v14 =	vmul.f32 v15, v14;
	_ =	sdelay $0x1  }
0x15a: {  	v15 =	vmul.f32 v14, v14;
	_ =	sdelay $0x1  }
0x15b: {  	v52 =	vmul.f32 $1.428571490e-01, v15;
	_ =	sdelay $0x1  }
0x15c: {  	v16 =	vadd.f32 $2.000000030e-01, v52;
	_ =	sdelay $0x1  }
0x15d: {  	v16 =	vmul.f32 v16, v15;
	_ =	sdelay $0x1  }
0x15e: {  	v17 =	vshll.u32 v11, $0x3;
	v16 =	vadd.f32 $3.333333430e-01, v16  }
0x15f: {  	v11 =	vand.u32 $0x7F, v11;
	v17 =	vand.u32 $0xFFFFFC00, v17  }
0x160: {  	v13 =	vshrl.u32 v13, $0x17;
	v18 =	vsel vm1, $0xFFFFFF82, v2;
	v15 =	vmul.f32 v16, v15  }
0x161: {  	v11 =	vor.u32 v11, v17;
	v13 =	vadd.s32 v13, v18  }
0x162: {  	v13 =	vcvt.s32.f32 v13;
	v14 =	vadd.f32 v14, v14;
	v15 =	vadd.f32 $1.000000000e+00, v15  }
0x163: {  	s7 =	simm.s32 $0x180;
	v11 =	vadd.s32 v3, v11  }
0x164: {  	v53 =	vor.u32 s7, v7;
	v13 =	vmul.f32 $6.931471820e-01, v13;
	v14 =	vmul.f32 v15, v14;
	_ =	sdelay $0x1  }
0x165: {  	v13 =	vadd.f32 v14, v13;
	_ =	sdelay $0x1  }
0x166: {  	[tilespmem:v11+s5+$0x0] =	vst.idx.add.f32.msk vm0, v13  }
0x167: {  	v11 =	vld.idx.msk [tilespmem:v53+s11+$0x0], $0xffff;
	_ =	sdelay $0x4  }
0x168: {  	v54 =	vsub.f32 $0.0e+00, v11;
	_ =	sdelay $0x1  }
0x169: {  	v13 =	vmul.f32 $1.442695020e+00, v54;
	_ =	sdelay $0x1  }
0x16a: {  	(erf) = vpow2.f32 v13;
	_ =	sdelay $0x8  }
0x16b: {  	v13 =	vpop (erf)  }
0x16c: {  	v13 =	vadd.f32 $1.000000000e+00, v13;
	_ =	sdelay $0x1  }
0x16d: {  	(erf) = vrcp.f32 v13;
	_ =	sdelay $0x2  }
0x16e: {  	v55 =	vld.idx.msk [tilespmem:v53+s12+$0x0], $0xffff;
	_ =	sdelay $0x4  }
0x16f: {  	vm0 =	vne.s32 v55, $0xFFFFFFFF  }
0x170: {  	v56 =	vsel vm0, $0x3F800000, v0;
	v57 =	vpop (erf)  }
0x171: {  	v15 =	vmul.f32 v57, v56;
	_ =	sdelay $0x1  }
0x172: {  	v15 =	vsub.f32 $1.000000000e+00, v15;
	_ =	sdelay $0x1  }
0x173: {  	v15 =	vmax.f32 v15, $1.000000010e-07  }
0x174: {  	v58 =	vand.u32 $0x7FFFFF, v15  }
0x175: {  	v16 =	vor.u32 $0x3F800000, v58  }
0x176: {  	v59 =	vmul.f32 $5.000000000e-01, v16  }
0x177: {  	vm1 =	vgt.f32 v16, $1.414213540e+00  }
0x178: {  	v16 =	vsel vm1, v59, v16  }
0x179: {  	v16 =	vadd.f32 $-1.000000000e+00, v16;
	_ =	sdelay $0x1  }
0x17a: {  	v60 =	vadd.f32 $2.000000000e+00, v16;
	_ =	sdelay $0x1  }
0x17b: {  	(erf) = vrcp.f32 v60;
	_ =	sdelay $0x8  }
0x17c: {  	v17 =	vpop (erf)  }
0x17d: {  	v16 =	vmul.f32 v17, v16;
	_ =	sdelay $0x1  }
0x17e: {  	v17 =	vmul.f32 v16, v16;
	_ =	sdelay $0x1  }
0x17f: {  	v5 =	vmul.f32 v5, v5;
	v61 =	vmul.f32 $1.428571490e-01, v17  }
0x180: {  	v8 =	vmul.f32 v8, v8  }
0x181: {  	v19 =	vimm.f32 $0.0e+00;
	v5 =	vmul.f32 v6, v5;
	v18 =	vadd.f32 $2.000000030e-01, v61  }
0x182: {  	v6 =	vadd.f32 v6, v19;
	v8 =	vmul.f32 v10, v8  }
0x183: {  	v5 =	vadd.f32 v5, v19;
	v9 =	vmul.f32 v9, v9;
	v18 =	vmul.f32 v18, v17  }
0x184: {  	v6 =	vadd.f32 v10, v6  }
0x185: {  	v5 =	vadd.f32 v8, v5;
	v8 =	vmul.f32 v47, v9;
	v18 =	vadd.f32 $3.333333430e-01, v18  }
0x186: {  	v6 =	vadd.f32 v47, v6  }
0x187: {  	v8 =	vadd.f32 v8, v5;
	v10 =	vshll.u32 v55, $0x3;
	v9 =	vmul.f32 v18, v17  }
0x188: {  	v11 =	vmul.f32 v11, v11;
	v5 =	vand.u32 $0xFFFFFC00, v10;
	v15 =	vshrl.u32 v15, $0x17  }
0x189: {  	v62 =	vsel vm1, $0xFFFFFF82, v2;
	v16 =	vadd.f32 v16, v16;
	v9 =	vadd.f32 $1.000000000e+00, v9  }
0x18a: {  	v11 =	vmul.f32 v56, v11;
	v13 =	vand.u32 $0x7F, v55;
	v15 =	vadd.s32 v15, v62  }
0x18b: {  	v15 =	vcvt.s32.f32 v15;
	v63 =	vmul.f32 v9, v16;
	v9 =	vor.u32 v13, v5  }
0x18c: {  	s26 =	simm.s32 $0x200;
	v5 =	vadd.f32 v56, v6;
	v6 =	vadd.f32 v11, v8;
	v8 =	vadd.s32 v3, v9  }
0x18d: {  	v10 =	vmul.f32 $6.931471820e-01, v15;
	v9 =	vor.u32 s26, v7  }
0x18e: {  	s6 =	simm.s32 $0x8  }
0x18f: {  	s29 =	simm.s32 $0x280;
	s28 =	simm.s32 $0x300;
	s7 =	simm.s32 $0x380;
	v10 =	vadd.f32 v63, v10  }
.LBB2_4:
0x190: {  	_ = 	snop  }
0x191: {  	p0 =	slt.u32 s6, $0xC;
	s26 =	smov.u32 s6;
	s6 =	sadd.s32 $0x4, s6;
	[tilespmem:v8+s5+$0x0] =	vst.idx.add.f32.msk vm0, v10  }
0x192: {  	v8 =	vld.idx.msk [tilespmem:v9+s11+$0x0], $0xffff;
	_ =	sdelay $0x5  }
0x193: {  	v10 =	vsub.f32 $0.0e+00, v8;
	_ =	sdelay $0x1  }
0x194: {  	v10 =	vmul.f32 $1.442695020e+00, v10;
	_ =	sdelay $0x1  }
0x195: {  	(erf) = vpow2.f32 v10;
	_ =	sdelay $0x8  }
0x196: {  	v10 =	vpop (erf)  }
0x197: {  	v10 =	vadd.f32 $1.000000000e+00, v10;
	_ =	sdelay $0x1  }
0x198: {  	(erf) = vrcp.f32 v10;
	_ =	sdelay $0x1  }
0x199: {  	v9 =	vld.idx.msk [tilespmem:v9+s12+$0x0], $0xffff;
	_ =	sdelay $0x5  }
0x19a: {  	v11 =	vmul.f32 v8, v8;
	vm0 =	vne.s32 v9, $0xFFFFFFFF;
	v10 =	vshll.u32 v9, $0x3  }
0x19b: {  	v9 =	vand.u32 $0x7F, v9;
	v8 =	vsel vm0, $0x3F800000, v0;
	v10 =	vand.u32 $0xFFFFFC00, v10;
	v12 =	vpop (erf)  }
0x19c: {  	v10 =	vor.u32 v9, v10;
	v9 =	vmul.f32 v8, v11;
	v12 =	vmul.f32 v12, v8;
	_ =	sdelay $0x1  }
0x19d: {  	v11 =	vsub.f32 $1.000000000e+00, v12;
	_ =	sdelay $0x1  }
0x19e: {  	v11 =	vmax.f32 v11, $1.000000010e-07  }
0x19f: {  	v12 =	vand.u32 $0x7FFFFF, v11  }
0x1a0: {  	v12 =	vor.u32 $0x3F800000, v12  }
0x1a1: {  	v13 =	vmul.f32 $5.000000000e-01, v12  }
0x1a2: {  	vm1 =	vgt.f32 v12, $1.414213540e+00  }
0x1a3: {  	v11 =	vshrl.u32 v11, $0x17;
	v12 =	vsel vm1, v13, v12;
	v13 =	vsel vm1, $0xFFFFFF82, v2  }
0x1a4: {  	v11 =	vadd.s32 v11, v13;
	v12 =	vadd.f32 $-1.000000000e+00, v12  }
0x1a5: {  	v11 =	vcvt.s32.f32 v11  }
0x1a6: {  	v13 =	vadd.f32 $2.000000000e+00, v12;
	_ =	sdelay $0x1  }
0x1a7: {  	(erf) = vrcp.f32 v13;
	_ =	sdelay $0x8  }
0x1a8: {  	v13 =	vpop (erf)  }
0x1a9: {  	v12 =	vmul.f32 v13, v12;
	_ =	sdelay $0x1  }
0x1aa: {  	v13 =	vmul.f32 v12, v12;
	_ =	sdelay $0x1  }
0x1ab: {  	v14 =	vmul.f32 $1.428571490e-01, v13;
	_ =	sdelay $0x1  }
0x1ac: {  	v14 =	vadd.f32 $2.000000030e-01, v14;
	_ =	sdelay $0x1  }
0x1ad: {  	v14 =	vmul.f32 v14, v13;
	_ =	sdelay $0x1  }
0x1ae: {  	v14 =	vadd.f32 $3.333333430e-01, v14;
	_ =	sdelay $0x1  }
0x1af: {  	v13 =	vmul.f32 v14, v13;
	_ =	sdelay $0x1  }
0x1b0: {  	v12 =	vadd.f32 v12, v12;
	v13 =	vadd.f32 $1.000000000e+00, v13  }
0x1b1: {  	v10 =	vadd.s32 v3, v10  }
0x1b2: {  	v11 =	vmul.f32 $6.931471820e-01, v11;
	v12 =	vmul.f32 v13, v12;
	v13 =	vor.u32 s29, v7;
	_ =	sdelay $0x1  }
0x1b3: {  	v11 =	vadd.f32 v12, v11;
	_ =	sdelay $0x1  }
0x1b4: {  	[tilespmem:v10+s5+$0x0] =	vst.idx.add.f32.msk vm0, v11  }
0x1b5: {  	v10 =	vld.idx.msk [tilespmem:v13+s11+$0x0], $0xffff;
	_ =	sdelay $0x5  }
0x1b6: {  	v11 =	vsub.f32 $0.0e+00, v10;
	_ =	sdelay $0x1  }
0x1b7: {  	v11 =	vmul.f32 $1.442695020e+00, v11;
	_ =	sdelay $0x1  }
0x1b8: {  	(erf) = vpow2.f32 v11;
	_ =	sdelay $0x8  }
0x1b9: {  	v11 =	vpop (erf)  }
0x1ba: {  	v11 =	vadd.f32 $1.000000000e+00, v11;
	_ =	sdelay $0x1  }
0x1bb: {  	(erf) = vrcp.f32 v11;
	_ =	sdelay $0x1  }
0x1bc: {  	v12 =	vld.idx.msk [tilespmem:v13+s12+$0x0], $0xffff;
	_ =	sdelay $0x5  }
0x1bd: {  	vm0 =	vne.s32 v12, $0xFFFFFFFF;
	v13 =	vshll.u32 v12, $0x3  }
0x1be: {  	v12 =	vand.u32 $0x7F, v12;
	v11 =	vsel vm0, $0x3F800000, v0;
	v13 =	vand.u32 $0xFFFFFC00, v13;
	v14 =	vpop (erf)  }
0x1bf: {  	v12 =	vor.u32 v12, v13;
	v14 =	vmul.f32 v14, v11;
	_ =	sdelay $0x1  }
0x1c0: {  	v13 =	vsub.f32 $1.000000000e+00, v14;
	_ =	sdelay $0x1  }
0x1c1: {  	v13 =	vmax.f32 v13, $1.000000010e-07  }
0x1c2: {  	v14 =	vand.u32 $0x7FFFFF, v13  }
0x1c3: {  	v14 =	vor.u32 $0x3F800000, v14  }
0x1c4: {  	v15 =	vmul.f32 $5.000000000e-01, v14  }
0x1c5: {  	vm1 =	vgt.f32 v14, $1.414213540e+00  }
0x1c6: {  	v13 =	vshrl.u32 v13, $0x17;
	v14 =	vsel vm1, v15, v14;
	v15 =	vsel vm1, $0xFFFFFF82, v2  }
0x1c7: {  	v13 =	vadd.s32 v13, v15;
	v14 =	vadd.f32 $-1.000000000e+00, v14  }
0x1c8: {  	v13 =	vcvt.s32.f32 v13  }
0x1c9: {  	v15 =	vadd.f32 $2.000000000e+00, v14;
	_ =	sdelay $0x1  }
0x1ca: {  	(erf) = vrcp.f32 v15;
	_ =	sdelay $0x8  }
0x1cb: {  	v15 =	vpop (erf)  }
0x1cc: {  	v14 =	vmul.f32 v15, v14;
	_ =	sdelay $0x1  }
0x1cd: {  	v15 =	vmul.f32 v14, v14;
	_ =	sdelay $0x1  }
0x1ce: {  	v16 =	vmul.f32 $1.428571490e-01, v15;
	_ =	sdelay $0x1  }
0x1cf: {  	v16 =	vadd.f32 $2.000000030e-01, v16;
	_ =	sdelay $0x1  }
0x1d0: {  	v16 =	vmul.f32 v16, v15;
	_ =	sdelay $0x1  }
0x1d1: {  	v16 =	vadd.f32 $3.333333430e-01, v16;
	_ =	sdelay $0x1  }
0x1d2: {  	v15 =	vmul.f32 v16, v15;
	_ =	sdelay $0x1  }
0x1d3: {  	v14 =	vadd.f32 v14, v14;
	v15 =	vadd.f32 $1.000000000e+00, v15  }
0x1d4: {  	v12 =	vadd.s32 v3, v12  }
0x1d5: {  	v13 =	vmul.f32 $6.931471820e-01, v13;
	v14 =	vmul.f32 v15, v14;
	v15 =	vor.u32 s28, v7;
	_ =	sdelay $0x1  }
0x1d6: {  	v13 =	vadd.f32 v14, v13;
	_ =	sdelay $0x1  }
0x1d7: {  	[tilespmem:v12+s5+$0x0] =	vst.idx.add.f32.msk vm0, v13  }
0x1d8: {  	v12 =	vld.idx.msk [tilespmem:v15+s11+$0x0], $0xffff;
	_ =	sdelay $0x5  }
0x1d9: {  	v13 =	vsub.f32 $0.0e+00, v12;
	_ =	sdelay $0x1  }
0x1da: {  	v13 =	vmul.f32 $1.442695020e+00, v13;
	_ =	sdelay $0x1  }
0x1db: {  	(erf) = vpow2.f32 v13;
	_ =	sdelay $0x8  }
0x1dc: {  	v13 =	vpop (erf)  }
0x1dd: {  	v13 =	vadd.f32 $1.000000000e+00, v13;
	_ =	sdelay $0x1  }
0x1de: {  	(erf) = vrcp.f32 v13;
	_ =	sdelay $0x1  }
0x1df: {  	v13 =	vld.idx.msk [tilespmem:v15+s12+$0x0], $0xffff;
	_ =	sdelay $0x5  }
0x1e0: {  	v15 =	vmul.f32 v12, v12;
	vm0 =	vne.s32 v13, $0xFFFFFFFF;
	v14 =	vshll.u32 v13, $0x3  }
0x1e1: {  	v13 =	vand.u32 $0x7F, v13;
	v12 =	vsel vm0, $0x3F800000, v0;
	v14 =	vand.u32 $0xFFFFFC00, v14;
	v16 =	vpop (erf)  }
0x1e2: {  	v13 =	vor.u32 v13, v14;
	v14 =	vmul.f32 v12, v15;
	v16 =	vmul.f32 v16, v12;
	_ =	sdelay $0x1  }
0x1e3: {  	v15 =	vsub.f32 $1.000000000e+00, v16;
	_ =	sdelay $0x1  }
0x1e4: {  	v15 =	vmax.f32 v15, $1.000000010e-07  }
0x1e5: {  	v16 =	vand.u32 $0x7FFFFF, v15  }
0x1e6: {  	v16 =	vor.u32 $0x3F800000, v16  }
0x1e7: {  	v17 =	vmul.f32 $5.000000000e-01, v16  }
0x1e8: {  	vm1 =	vgt.f32 v16, $1.414213540e+00  }
0x1e9: {  	v15 =	vshrl.u32 v15, $0x17;
	v16 =	vsel vm1, v17, v16;
	v17 =	vsel vm1, $0xFFFFFF82, v2  }
0x1ea: {  	v15 =	vadd.s32 v15, v17;
	v16 =	vadd.f32 $-1.000000000e+00, v16  }
0x1eb: {  	v15 =	vcvt.s32.f32 v15  }
0x1ec: {  	v17 =	vadd.f32 $2.000000000e+00, v16;
	_ =	sdelay $0x1  }
0x1ed: {  	(erf) = vrcp.f32 v17;
	_ =	sdelay $0x8  }
0x1ee: {  	v17 =	vpop (erf)  }
0x1ef: {  	v16 =	vmul.f32 v17, v16;
	_ =	sdelay $0x1  }
0x1f0: {  	v17 =	vmul.f32 v16, v16;
	_ =	sdelay $0x1  }
0x1f1: {  	v18 =	vmul.f32 $1.428571490e-01, v17;
	_ =	sdelay $0x1  }
0x1f2: {  	v18 =	vadd.f32 $2.000000030e-01, v18;
	_ =	sdelay $0x1  }
0x1f3: {  	v18 =	vmul.f32 v18, v17;
	_ =	sdelay $0x1  }
0x1f4: {  	v18 =	vadd.f32 $3.333333430e-01, v18;
	_ =	sdelay $0x1  }
0x1f5: {  	v17 =	vmul.f32 v18, v17;
	_ =	sdelay $0x1  }
0x1f6: {  	v16 =	vadd.f32 v16, v16;
	v17 =	vadd.f32 $1.000000000e+00, v17  }
0x1f7: {  	v13 =	vadd.s32 v3, v13  }
0x1f8: {  	v15 =	vmul.f32 $6.931471820e-01, v15;
	v16 =	vmul.f32 v17, v16;
	v17 =	vor.u32 s7, v7;
	_ =	sdelay $0x1  }
0x1f9: {  	v15 =	vadd.f32 v16, v15;
	_ =	sdelay $0x1  }
0x1fa: {  	[tilespmem:v13+s5+$0x0] =	vst.idx.add.f32.msk vm0, v15  }
0x1fb: {  	v13 =	vld.idx.msk [tilespmem:v17+s11+$0x0], $0xffff  }
0x1fc: {  	v15 =	vld.idx.msk [tilespmem:v17+s12+$0x0], $0xffff;
	_ =	sdelay $0x4  }
0x1fd: {  	v16 =	vsub.f32 $0.0e+00, v13  }
0x1fe: {  	v17 =	vshll.u32 v15, $0x3  }
0x1ff: {  	v18 =	vand.u32 $0x7F, v15;
	v16 =	vmul.f32 $1.442695020e+00, v16;
	v17 =	vand.u32 $0xFFFFFC00, v17  }
0x200: {  	v17 =	vor.u32 v18, v17  }
0x201: {  	(erf) = vpow2.f32 v16;
	_ =	sdelay $0x8  }
0x202: {  	v16 =	vpop (erf)  }
0x203: {  	v16 =	vadd.f32 $1.000000000e+00, v16;
	_ =	sdelay $0x1  }
0x204: {  	(erf) = vrcp.f32 v16;
	_ =	sdelay $0x2  }
0x205: {  	v10 =	vmul.f32 v10, v10  }
0x206: {  	v5 =	vadd.f32 v8, v5  }
0x207: {  	v6 =	vadd.f32 v9, v6;
	v8 =	vmul.f32 v11, v10  }
0x208: {  	v5 =	vadd.f32 v11, v5  }
0x209: {  	v6 =	vadd.f32 v8, v6  }
0x20a: {  	v5 =	vadd.f32 v12, v5;
	v8 =	vmul.f32 v13, v13;
	vm0 =	vne.s32 v15, $0xFFFFFFFF  }
0x20b: {  	v6 =	vadd.f32 v14, v6;
	v9 =	vsel vm0, $0x3F800000, v0;
	v10 =	vpop (erf)  }
0x20c: {  	v8 =	vmul.f32 v9, v8;
	v5 =	vadd.f32 v9, v5;
	v10 =	vmul.f32 v10, v9;
	_ =	sdelay $0x1  }
0x20d: {  	v6 =	vadd.f32 v8, v6;
	v9 =	vsub.f32 $1.000000000e+00, v10;
	_ =	sdelay $0x1  }
0x20e: {  	v8 =	vmax.f32 v9, $1.000000010e-07  }
0x20f: {  	v9 =	vand.u32 $0x7FFFFF, v8  }
0x210: {  	v9 =	vor.u32 $0x3F800000, v9  }
0x211: {  	v10 =	vmul.f32 $5.000000000e-01, v9  }
0x212: {  	vm1 =	vgt.f32 v9, $1.414213540e+00  }
0x213: {  	v8 =	vshrl.u32 v8, $0x17;
	v9 =	vsel vm1, v10, v9;
	v10 =	vsel vm1, $0xFFFFFF82, v2  }
0x214: {  	v8 =	vadd.s32 v8, v10;
	v9 =	vadd.f32 $-1.000000000e+00, v9  }
0x215: {  	v10 =	vcvt.s32.f32 v8  }
0x216: {  	v8 =	vadd.f32 $2.000000000e+00, v9;
	_ =	sdelay $0x1  }
0x217: {  	(erf) = vrcp.f32 v8;
	_ =	sdelay $0x8  }
0x218: {  	v8 =	vpop (erf)  }
0x219: {  	v8 =	vmul.f32 v8, v9;
	_ =	sdelay $0x1  }
0x21a: {  	v9 =	vmul.f32 v8, v8;
	_ =	sdelay $0x1  }
0x21b: {  	v11 =	vmul.f32 $1.428571490e-01, v9;
	_ =	sdelay $0x1  }
0x21c: {  	v11 =	vadd.f32 $2.000000030e-01, v11;
	_ =	sdelay $0x1  }
0x21d: {  	v11 =	vmul.f32 v11, v9;
	_ =	sdelay $0x1  }
0x21e: {  	v11 =	vadd.f32 $3.333333430e-01, v11;
	_ =	sdelay $0x1  }
0x21f: {  	v9 =	vmul.f32 v11, v9;
	_ =	sdelay $0x1  }
.Ltmp1:
0x220: {  	v12 =	vadd.f32 v8, v8;
	v11 =	vadd.f32 $1.000000000e+00, v9;
	(pc) =	sbr.rel @p0 .LBB2_4-.Ltmp1, $4  }
0x221: {  	s7 =	sshll.u32 s26, $0x7;
	v8 =	vadd.s32 v3, v17  }
0x222: {  	s29 =	sadd.s32 $0x80, s7;
	s28 =	sadd.s32 $0x100, s7;
	v10 =	vmul.f32 $6.931471820e-01, v10;
	v9 =	vor.u32 s7, v7;
	s7 =	sadd.s32 $0x180, s7;
	v11 =	vmul.f32 v11, v12  }
0x223: {  	_ = 	snop  }
0x224: {  	v10 =	vadd.f32 v11, v10  }
0x225: {  	_ =	sdelay $0x4  }
0x226: {  	[tilespmem:v8+s5+$0x0] =	vst.idx.add.f32.msk vm0, v10  }
0x227: {  	v8 =	vld.idx.msk [tilespmem:v9+s11+$0x0], $0xffff;
	_ =	sdelay $0x4  }
0x228: {  	v10 =	vsub.f32 $0.0e+00, v8;
	_ =	sdelay $0x1  }
0x229: {  	v10 =	vmul.f32 $1.442695020e+00, v10;
	_ =	sdelay $0x1  }
0x22a: {  	(erf) = vpow2.f32 v10;
	_ =	sdelay $0x8  }
0x22b: {  	v10 =	vpop (erf)  }
0x22c: {  	v10 =	vadd.f32 $1.000000000e+00, v10;
	_ =	sdelay $0x1  }
0x22d: {  	(erf) = vrcp.f32 v10;
	_ =	sdelay $0x2  }
0x22e: {  	v10 =	vld.idx.msk [tilespmem:v9+s12+$0x0], $0xffff;
	_ =	sdelay $0x4  }
0x22f: {  	vm0 =	vne.s32 v10, $0xFFFFFFFF  }
0x230: {  	v9 =	vsel vm0, $0x3F800000, v0;
	v11 =	vpop (erf)  }
0x231: {  	v11 =	vmul.f32 v11, v9;
	_ =	sdelay $0x1  }
0x232: {  	v11 =	vsub.f32 $1.000000000e+00, v11;
	_ =	sdelay $0x1  }
0x233: {  	v11 =	vmax.f32 v11, $1.000000010e-07  }
0x234: {  	v12 =	vand.u32 $0x7FFFFF, v11  }
0x235: {  	v12 =	vor.u32 $0x3F800000, v12  }
0x236: {  	v13 =	vmul.f32 $5.000000000e-01, v12  }
0x237: {  	vm1 =	vgt.f32 v12, $1.414213540e+00  }
0x238: {  	v12 =	vsel vm1, v13, v12  }
0x239: {  	v12 =	vadd.f32 $-1.000000000e+00, v12;
	_ =	sdelay $0x1  }
0x23a: {  	v35 =	vadd.f32 $2.000000000e+00, v12;
	_ =	sdelay $0x1  }
0x23b: {  	(erf) = vrcp.f32 v35;
	_ =	sdelay $0x8  }
0x23c: {  	v13 =	vpop (erf)  }
0x23d: {  	v12 =	vmul.f32 v13, v12;
	_ =	sdelay $0x1  }
0x23e: {  	v13 =	vmul.f32 v12, v12;
	_ =	sdelay $0x1  }
0x23f: {  	v14 =	vmul.f32 $1.428571490e-01, v13;
	_ =	sdelay $0x1  }
0x240: {  	v14 =	vadd.f32 $2.000000030e-01, v14;
	_ =	sdelay $0x1  }
0x241: {  	v14 =	vmul.f32 v14, v13;
	_ =	sdelay $0x1  }
0x242: {  	v15 =	vshll.u32 v10, $0x3;
	v14 =	vadd.f32 $3.333333430e-01, v14  }
0x243: {  	v10 =	vand.u32 $0x7F, v10;
	v15 =	vand.u32 $0xFFFFFC00, v15  }
0x244: {  	v11 =	vshrl.u32 v11, $0x17;
	v16 =	vsel vm1, $0xFFFFFF82, v2;
	v13 =	vmul.f32 v14, v13  }
0x245: {  	v10 =	vor.u32 v10, v15;
	v11 =	vadd.s32 v11, v16  }
0x246: {  	v11 =	vcvt.s32.f32 v11;
	v12 =	vadd.f32 v12, v12;
	v13 =	vadd.f32 $1.000000000e+00, v13  }
0x247: {  	v10 =	vadd.s32 v3, v10  }
0x248: {  	v36 =	vor.u32 s29, v7;
	v11 =	vmul.f32 $6.931471820e-01, v11;
	v12 =	vmul.f32 v13, v12;
	_ =	sdelay $0x1  }
0x249: {  	v11 =	vadd.f32 v12, v11;
	_ =	sdelay $0x1  }
0x24a: {  	[tilespmem:v10+s5+$0x0] =	vst.idx.add.f32.msk vm0, v11  }
0x24b: {  	v10 =	vld.idx.msk [tilespmem:v36+s11+$0x0], $0xffff;
	_ =	sdelay $0x4  }
0x24c: {  	v11 =	vsub.f32 $0.0e+00, v10;
	_ =	sdelay $0x1  }
0x24d: {  	v11 =	vmul.f32 $1.442695020e+00, v11;
	_ =	sdelay $0x1  }
0x24e: {  	(erf) = vpow2.f32 v11;
	_ =	sdelay $0x8  }
0x24f: {  	v11 =	vpop (erf)  }
0x250: {  	v11 =	vadd.f32 $1.000000000e+00, v11;
	_ =	sdelay $0x1  }
0x251: {  	(erf) = vrcp.f32 v11;
	_ =	sdelay $0x2  }
0x252: {  	v37 =	vld.idx.msk [tilespmem:v36+s12+$0x0], $0xffff;
	_ =	sdelay $0x4  }
0x253: {  	vm0 =	vne.s32 v37, $0xFFFFFFFF  }
0x254: {  	v11 =	vsel vm0, $0x3F800000, v0;
	v38 =	vpop (erf)  }
0x255: {  	v13 =	vmul.f32 v38, v11;
	_ =	sdelay $0x1  }
0x256: {  	v13 =	vsub.f32 $1.000000000e+00, v13;
	_ =	sdelay $0x1  }
0x257: {  	v13 =	vmax.f32 v13, $1.000000010e-07  }
0x258: {  	v39 =	vand.u32 $0x7FFFFF, v13  }
0x259: {  	v14 =	vor.u32 $0x3F800000, v39  }
0x25a: {  	v40 =	vmul.f32 $5.000000000e-01, v14  }
0x25b: {  	vm1 =	vgt.f32 v14, $1.414213540e+00  }
0x25c: {  	v14 =	vsel vm1, v40, v14  }
0x25d: {  	v14 =	vadd.f32 $-1.000000000e+00, v14;
	_ =	sdelay $0x1  }
0x25e: {  	v41 =	vadd.f32 $2.000000000e+00, v14;
	_ =	sdelay $0x1  }
0x25f: {  	(erf) = vrcp.f32 v41;
	_ =	sdelay $0x8  }
0x260: {  	v15 =	vpop (erf)  }
0x261: {  	v14 =	vmul.f32 v15, v14;
	_ =	sdelay $0x1  }
0x262: {  	v15 =	vmul.f32 v14, v14;
	_ =	sdelay $0x1  }
0x263: {  	v42 =	vmul.f32 $1.428571490e-01, v15;
	_ =	sdelay $0x1  }
0x264: {  	v16 =	vadd.f32 $2.000000030e-01, v42;
	_ =	sdelay $0x1  }
0x265: {  	v16 =	vmul.f32 v16, v15;
	_ =	sdelay $0x1  }
0x266: {  	v17 =	vshll.u32 v37, $0x3;
	v16 =	vadd.f32 $3.333333430e-01, v16  }
0x267: {  	v12 =	vand.u32 $0x7F, v37;
	v17 =	vand.u32 $0xFFFFFC00, v17  }
0x268: {  	v13 =	vshrl.u32 v13, $0x17;
	v18 =	vsel vm1, $0xFFFFFF82, v2;
	v15 =	vmul.f32 v16, v15  }
0x269: {  	v12 =	vor.u32 v12, v17;
	v13 =	vadd.s32 v13, v18  }
0x26a: {  	v13 =	vcvt.s32.f32 v13;
	v14 =	vadd.f32 v14, v14;
	v15 =	vadd.f32 $1.000000000e+00, v15  }
0x26b: {  	v12 =	vadd.s32 v3, v12  }
0x26c: {  	v43 =	vor.u32 s28, v7;
	v13 =	vmul.f32 $6.931471820e-01, v13;
	v14 =	vmul.f32 v15, v14;
	_ =	sdelay $0x1  }
0x26d: {  	v13 =	vadd.f32 v14, v13;
	_ =	sdelay $0x1  }
0x26e: {  	[tilespmem:v12+s5+$0x0] =	vst.idx.add.f32.msk vm0, v13  }
0x26f: {  	v12 =	vld.idx.msk [tilespmem:v43+s11+$0x0], $0xffff;
	_ =	sdelay $0x4  }
0x270: {  	v44 =	vsub.f32 $0.0e+00, v12;
	_ =	sdelay $0x1  }
0x271: {  	v13 =	vmul.f32 $1.442695020e+00, v44;
	_ =	sdelay $0x1  }
0x272: {  	(erf) = vpow2.f32 v13;
	_ =	sdelay $0x8  }
0x273: {  	v13 =	vpop (erf)  }
0x274: {  	v13 =	vadd.f32 $1.000000000e+00, v13;
	_ =	sdelay $0x1  }
0x275: {  	(erf) = vrcp.f32 v13;
	_ =	sdelay $0x2  }
0x276: {  	v45 =	vld.idx.msk [tilespmem:v43+s12+$0x0], $0xffff;
	_ =	sdelay $0x4  }
0x277: {  	vm0 =	vne.s32 v45, $0xFFFFFFFF  }
0x278: {  	v13 =	vsel vm0, $0x3F800000, v0;
	v46 =	vpop (erf)  }
0x279: {  	v15 =	vmul.f32 v46, v13;
	_ =	sdelay $0x1  }
0x27a: {  	v15 =	vsub.f32 $1.000000000e+00, v15;
	_ =	sdelay $0x1  }
0x27b: {  	v15 =	vmax.f32 v15, $1.000000010e-07  }
0x27c: {  	v47 =	vand.u32 $0x7FFFFF, v15  }
0x27d: {  	v16 =	vor.u32 $0x3F800000, v47  }
0x27e: {  	v48 =	vmul.f32 $5.000000000e-01, v16  }
0x27f: {  	vm1 =	vgt.f32 v16, $1.414213540e+00  }
0x280: {  	v16 =	vsel vm1, v48, v16  }
0x281: {  	v16 =	vadd.f32 $-1.000000000e+00, v16;
	_ =	sdelay $0x1  }
0x282: {  	v49 =	vadd.f32 $2.000000000e+00, v16;
	_ =	sdelay $0x1  }
0x283: {  	(erf) = vrcp.f32 v49;
	_ =	sdelay $0x8  }
0x284: {  	v17 =	vpop (erf)  }
0x285: {  	v16 =	vmul.f32 v17, v16;
	_ =	sdelay $0x1  }
0x286: {  	v17 =	vmul.f32 v16, v16;
	_ =	sdelay $0x1  }
0x287: {  	v50 =	vmul.f32 $1.428571490e-01, v17;
	_ =	sdelay $0x1  }
0x288: {  	v18 =	vadd.f32 $2.000000030e-01, v50;
	_ =	sdelay $0x1  }
0x289: {  	v18 =	vmul.f32 v18, v17;
	_ =	sdelay $0x1  }
0x28a: {  	v19 =	vshll.u32 v45, $0x3;
	v18 =	vadd.f32 $3.333333430e-01, v18  }
0x28b: {  	v14 =	vand.u32 $0x7F, v45;
	v19 =	vand.u32 $0xFFFFFC00, v19  }
0x28c: {  	v15 =	vshrl.u32 v15, $0x17;
	v20 =	vsel vm1, $0xFFFFFF82, v2;
	v17 =	vmul.f32 v18, v17  }
0x28d: {  	v14 =	vor.u32 v14, v19;
	v15 =	vadd.s32 v15, v20  }
0x28e: {  	v15 =	vcvt.s32.f32 v15;
	v16 =	vadd.f32 v16, v16;
	v17 =	vadd.f32 $1.000000000e+00, v17  }
0x28f: {  	v14 =	vadd.s32 v3, v14  }
0x290: {  	v7 =	vor.u32 s7, v7;
	v15 =	vmul.f32 $6.931471820e-01, v15;
	v16 =	vmul.f32 v17, v16;
	_ =	sdelay $0x1  }
0x291: {  	v15 =	vadd.f32 v16, v15;
	_ =	sdelay $0x1  }
0x292: {  	[tilespmem:v14+s5+$0x0] =	vst.idx.add.f32.msk vm0, v15  }
0x293: {  	v14 =	vld.idx.msk [tilespmem:v7+s11+$0x0], $0xffff;
	_ =	sdelay $0x4  }
0x294: {  	v51 =	vsub.f32 $0.0e+00, v14;
	_ =	sdelay $0x1  }
0x295: {  	v15 =	vmul.f32 $1.442695020e+00, v51;
	_ =	sdelay $0x1  }
0x296: {  	(erf) = vpow2.f32 v15;
	_ =	sdelay $0x8  }
0x297: {  	v15 =	vpop (erf)  }
0x298: {  	v15 =	vadd.f32 $1.000000000e+00, v15;
	_ =	sdelay $0x1  }
0x299: {  	(erf) = vrcp.f32 v15;
	_ =	sdelay $0x2  }
0x29a: {  	v7 =	vld.idx.msk [tilespmem:v7+s12+$0x0], $0xffff;
	_ =	sdelay $0x4  }
0x29b: {  	vm0 =	vne.s32 v7, $0xFFFFFFFF  }
0x29c: {  	v15 =	vsel vm0, $0x3F800000, v0;
	v52 =	vpop (erf)  }
0x29d: {  	v16 =	vmul.f32 v52, v15;
	_ =	sdelay $0x1  }
0x29e: {  	v16 =	vsub.f32 $1.000000000e+00, v16;
	_ =	sdelay $0x1  }
0x29f: {  	v16 =	vmax.f32 v16, $1.000000010e-07  }
0x2a0: {  	v53 =	vand.u32 $0x7FFFFF, v16  }
0x2a1: {  	v17 =	vor.u32 $0x3F800000, v53  }
0x2a2: {  	v54 =	vmul.f32 $5.000000000e-01, v17  }
0x2a3: {  	vm1 =	vgt.f32 v17, $1.414213540e+00  }
0x2a4: {  	v17 =	vsel vm1, v54, v17  }
0x2a5: {  	v17 =	vadd.f32 $-1.000000000e+00, v17;
	_ =	sdelay $0x1  }
0x2a6: {  	v55 =	vadd.f32 $2.000000000e+00, v17;
	_ =	sdelay $0x1  }
0x2a7: {  	(erf) = vrcp.f32 v55;
	_ =	sdelay $0x8  }
0x2a8: {  	v18 =	vpop (erf)  }
0x2a9: {  	v17 =	vmul.f32 v18, v17;
	_ =	sdelay $0x1  }
0x2aa: {  	v18 =	vmul.f32 v17, v17;
	_ =	sdelay $0x1  }
0x2ab: {  	v56 =	vmul.f32 $1.428571490e-01, v18;
	_ =	sdelay $0x1  }
0x2ac: {  	v19 =	vadd.f32 $2.000000030e-01, v56;
	_ =	sdelay $0x1  }
0x2ad: {  	v19 =	vmul.f32 v19, v18;
	_ =	sdelay $0x1  }
0x2ae: {  	v57 =	vshll.u32 v7, $0x3;
	v19 =	vadd.f32 $3.333333430e-01, v19  }
0x2af: {  	v7 =	vand.u32 $0x7F, v7;
	v20 =	vand.u32 $0xFFFFFC00, v57  }
0x2b0: {  	v16 =	vshrl.u32 v16, $0x17;
	v21 =	vsel vm1, $0xFFFFFF82, v2;
	v18 =	vmul.f32 v19, v18  }
0x2b1: {  	v7 =	vor.u32 v7, v20;
	v16 =	vadd.s32 v16, v21  }
0x2b2: {  	v16 =	vcvt.s32.f32 v16;
	v17 =	vadd.f32 v17, v17;
	v18 =	vadd.f32 $1.000000000e+00, v18  }
0x2b3: {  	v7 =	vadd.s32 v3, v7  }
0x2b4: {  	v16 =	vmul.f32 $6.931471820e-01, v16;
	v17 =	vmul.f32 v18, v17;
	_ =	sdelay $0x1  }
0x2b5: {  	v16 =	vadd.f32 v17, v16;
	_ =	sdelay $0x1  }
0x2b6: {  	[tilespmem:v7+s5+$0x0] =	vst.idx.add.f32.msk vm0, v16  }
0x2b7: {  	v7 =	vld [tilespmem:$0x10];
	_ =	sdelay $0x4  }
0x2b8: {  	v58 =	vand.u32 $0xFFFFFF80, v7  }
0x2b9: {  	(v2sf) =	vpush v58, $0x0;
	_ =	sdelay $0x4  }
0x2ba: {  	(v2sf) =	vpush v58, $0x1;
	_ =	sdelay $0x4  }
0x2bb: {  	(v2sf) =	vpush v58, $0x2;
	_ =	sdelay $0x4  }
0x2bc: {  	s6 =	spop (v2sf);
	(v2sf) =	vpush v58, $0x3  }
0x2bd: {  	s26 =	sadd.s32 s1, s6  }
0x2be: {  	[tilespmem:s11], [sflag:$0x1] =	stream.strided.gather [hbm4b:s26+s9], $0x800, s10, s9, $0x38;
	[tilespmem:$0x12080] =	vst v63  }
0x2bf: {  	s6 =	sadd.s32 s3, s6  }
0x2c0: {  	[tilespmem:s12], [sflag:$0x2] =	stream.strided.gather [hbm4b:s6+s9], $0x800, s10, s9, $0x38;
	[tilespmem:$0x12080] =	vst v63  }
0x2c1: {  	s6 =	spop (v2sf);
	(v2sf) =	vpush v58, $0x4  }
0x2c2: {  	s26 =	simm.s32 $0x880;
	s7 =	sadd.s32 s1, s6  }
0x2c3: {  	[tilespmem:s26], [sflag:$0x1] =	stream.strided.gather [hbm4b:s7+s9], $0x800, s10, s9, $0x38;
	[tilespmem:$0x12080] =	vst v63  }
0x2c4: {  	s6 =	sadd.s32 s3, s6;
	s26 =	simm.s32 $0x8880  }
0x2c5: {  	[tilespmem:s26], [sflag:$0x2] =	stream.strided.gather [hbm4b:s6+s9], $0x800, s10, s9, $0x38;
	[tilespmem:$0x12080] =	vst v63  }
0x2c6: {  	(v2sf) =	vpush v58, $0x5;
	s6 =	spop (v2sf)  }
0x2c7: {  	s26 =	simm.s32 $0x1080;
	s7 =	sadd.s32 s1, s6  }
0x2c8: {  	[tilespmem:s26], [sflag:$0x1] =	stream.strided.gather [hbm4b:s7+s9], $0x800, s10, s9, $0x38;
	[tilespmem:$0x12080] =	vst v63  }
0x2c9: {  	s6 =	sadd.s32 s3, s6;
	s26 =	simm.s32 $0x9080  }
0x2ca: {  	[tilespmem:s26], [sflag:$0x2] =	stream.strided.gather [hbm4b:s6+s9], $0x800, s10, s9, $0x38;
	[tilespmem:$0x12080] =	vst v63  }
0x2cb: {  	s6 =	spop (v2sf);
	(v2sf) =	vpush v58, $0x6  }
0x2cc: {  	s26 =	simm.s32 $0x1880;
	s7 =	sadd.s32 s1, s6  }
0x2cd: {  	[tilespmem:s26], [sflag:$0x1] =	stream.strided.gather [hbm4b:s7+s9], $0x800, s10, s9, $0x38;
	[tilespmem:$0x12080] =	vst v63  }
0x2ce: {  	s6 =	sadd.s32 s3, s6;
	s26 =	simm.s32 $0x9880  }
0x2cf: {  	[tilespmem:s26], [sflag:$0x2] =	stream.strided.gather [hbm4b:s6+s9], $0x800, s10, s9, $0x38;
	[tilespmem:$0x12080] =	vst v63  }
0x2d0: {  	s6 =	spop (v2sf);
	(v2sf) =	vpush v58, $0x7  }
0x2d1: {  	s26 =	simm.s32 $0x2080;
	s7 =	sadd.s32 s1, s6  }
0x2d2: {  	[tilespmem:s26], [sflag:$0x1] =	stream.strided.gather [hbm4b:s7+s9], $0x800, s10, s9, $0x38;
	[tilespmem:$0x12080] =	vst v63  }
0x2d3: {  	s6 =	sadd.s32 s3, s6;
	s26 =	simm.s32 $0xA080  }
0x2d4: {  	[tilespmem:s26], [sflag:$0x2] =	stream.strided.gather [hbm4b:s6+s9], $0x800, s10, s9, $0x38;
	[tilespmem:$0x12080] =	vst v63  }
0x2d5: {  	s6 =	spop (v2sf);
	(v2sf) =	vpush v58, $0x8  }
0x2d6: {  	s26 =	simm.s32 $0x2880;
	s7 =	sadd.s32 s1, s6  }
0x2d7: {  	[tilespmem:s26], [sflag:$0x1] =	stream.strided.gather [hbm4b:s7+s9], $0x800, s10, s9, $0x38;
	[tilespmem:$0x12080] =	vst v63  }
0x2d8: {  	s6 =	sadd.s32 s3, s6;
	s26 =	simm.s32 $0xA880  }
0x2d9: {  	[tilespmem:s26], [sflag:$0x2] =	stream.strided.gather [hbm4b:s6+s9], $0x800, s10, s9, $0x38;
	[tilespmem:$0x12080] =	vst v63  }
0x2da: {  	s6 =	spop (v2sf);
	(v2sf) =	vpush v58, $0x9  }
0x2db: {  	s26 =	simm.s32 $0x3080;
	s7 =	sadd.s32 s1, s6  }
0x2dc: {  	[tilespmem:s26], [sflag:$0x1] =	stream.strided.gather [hbm4b:s7+s9], $0x800, s10, s9, $0x38;
	[tilespmem:$0x12080] =	vst v63  }
0x2dd: {  	s6 =	sadd.s32 s3, s6;
	s26 =	simm.s32 $0xB080  }
0x2de: {  	[tilespmem:s26], [sflag:$0x2] =	stream.strided.gather [hbm4b:s6+s9], $0x800, s10, s9, $0x38;
	[tilespmem:$0x12080] =	vst v63  }
0x2df: {  	s6 =	spop (v2sf);
	(v2sf) =	vpush v58, $0xA  }
0x2e0: {  	s26 =	simm.s32 $0x3880;
	s7 =	sadd.s32 s1, s6  }
0x2e1: {  	[tilespmem:s26], [sflag:$0x1] =	stream.strided.gather [hbm4b:s7+s9], $0x800, s10, s9, $0x38;
	[tilespmem:$0x12080] =	vst v63  }
0x2e2: {  	s6 =	sadd.s32 s3, s6;
	s26 =	simm.s32 $0xB880  }
0x2e3: {  	[tilespmem:s26], [sflag:$0x2] =	stream.strided.gather [hbm4b:s6+s9], $0x800, s10, s9, $0x38;
	[tilespmem:$0x12080] =	vst v63  }
0x2e4: {  	(v2sf) =	vpush v58, $0xB;
	s6 =	spop (v2sf)  }
0x2e5: {  	s26 =	simm.s32 $0x4080;
	s7 =	sadd.s32 s1, s6  }
0x2e6: {  	[tilespmem:s26], [sflag:$0x1] =	stream.strided.gather [hbm4b:s7+s9], $0x800, s10, s9, $0x38;
	[tilespmem:$0x12080] =	vst v63  }
0x2e7: {  	(v2sf) =	vpush v58, $0xC;
	s6 =	sadd.s32 s3, s6;
	s26 =	simm.s32 $0xC080  }
0x2e8: {  	[tilespmem:s26], [sflag:$0x2] =	stream.strided.gather [hbm4b:s6+s9], $0x800, s10, s9, $0x38;
	[tilespmem:$0x12080] =	vst v63  }
0x2e9: {  	s6 =	spop (v2sf)  }
0x2ea: {  	s26 =	sadd.s32 s1, s6  }
0x2eb: {  	(v2sf) =	vpush v58, $0xD;
	[tilespmem:s30], [sflag:$0x1] =	stream.strided.gather [hbm4b:s26+s9], $0x800, s10, s9, $0x38;
	[tilespmem:$0x12080] =	vst v63  }
0x2ec: {  	s6 =	sadd.s32 s3, s6  }
0x2ed: {  	[tilespmem:s31], [sflag:$0x2] =	stream.strided.gather [hbm4b:s6+s9], $0x800, s10, s9, $0x38;
	[tilespmem:$0x12080] =	vst v63  }
0x2ee: {  	s6 =	spop (v2sf)  }
0x2ef: {  	(v2sf) =	vpush v58, $0xE;
	s26 =	sadd.s32 s1, s6  }
0x2f0: {  	[tilespmem:s0], [sflag:$0x1] =	stream.strided.gather [hbm4b:s26+s9], $0x800, s10, s9, $0x38;
	[tilespmem:$0x12080] =	vst v63  }
0x2f1: {  	s6 =	sadd.s32 s3, s6  }
0x2f2: {  	[tilespmem:s2], [sflag:$0x2] =	stream.strided.gather [hbm4b:s6+s9], $0x800, s10, s9, $0x38;
	[tilespmem:$0x12080] =	vst v63  }
0x2f3: {  	s6 =	spop (v2sf);
	(v2sf) =	vpush v58, $0xF  }
0x2f4: {  	s26 =	sadd.s32 s1, s6  }
0x2f5: {  	[tilespmem:s13], [sflag:$0x1] =	stream.strided.gather [hbm4b:s26+s9], $0x800, s10, s9, $0x38;
	[tilespmem:$0x12080] =	vst v63  }
0x2f6: {  	s7 =	spop (v2sf);
	s6 =	sadd.s32 s3, s6  }
0x2f7: {  	[tilespmem:s14], [sflag:$0x2] =	stream.strided.gather [hbm4b:s6+s9], $0x800, s10, s9, $0x38;
	[tilespmem:$0x12080] =	vst v63  }
0x2f8: {  	s26 =	sadd.s32 s1, s7  }
0x2f9: {  	[tilespmem:s15], [sflag:$0x1] =	stream.strided.gather [hbm4b:s26+s9], $0x800, s10, s9, $0x38;
	[tilespmem:$0x12080] =	vst v63  }
0x2fa: {  	s7 =	sadd.s32 s3, s7;
	s6 =	spop (v2sf)  }
0x2fb: {  	[tilespmem:s16], [sflag:$0x2] =	stream.strided.gather [hbm4b:s7+s9], $0x800, s10, s9, $0x38;
	[tilespmem:$0x12080] =	vst v63  }
0x2fc: {  	s26 =	sadd.s32 s1, s6  }
0x2fd: {  	[tilespmem:s17], [sflag:$0x1] =	stream.strided.gather [hbm4b:s26+s9], $0x800, s10, s9, $0x38;
	[tilespmem:$0x12080] =	vst v63  }
0x2fe: {  	s6 =	sadd.s32 s3, s6;
	s7 =	spop (v2sf)  }
0x2ff: {  	[tilespmem:s18], [sflag:$0x2] =	stream.strided.gather [hbm4b:s6+s9], $0x800, s10, s9, $0x38;
	[tilespmem:$0x12080] =	vst v63  }
0x300: {  	s26 =	sadd.s32 s1, s7  }
0x301: {  	[tilespmem:s19], [sflag:$0x1] =	stream.strided.gather [hbm4b:s26+s9], $0x800, s10, s9, $0x38;
	[tilespmem:$0x12080] =	vst v63  }
0x302: {  	s7 =	sadd.s32 s3, s7;
	s6 =	spop (v2sf)  }
0x303: {  	[tilespmem:s20], [sflag:$0x2] =	stream.strided.gather [hbm4b:s7+s9], $0x800, s10, s9, $0x38;
	[tilespmem:$0x12080] =	vst v63  }
0x304: {  	s26 =	sadd.s32 s1, s6  }
0x305: {  	[tilespmem:s21], [sflag:$0x1] =	stream.strided.gather [hbm4b:s26+s9], $0x800, s10, s9, $0x38;
	[tilespmem:$0x12080] =	vst v63  }
0x306: {  	s6 =	sadd.s32 s3, s6  }
0x307: {  	[tilespmem:s22], [sflag:$0x2] =	stream.strided.gather [hbm4b:s6+s9], $0x800, s10, s9, $0x38;
	[tilespmem:$0x12080] =	vst v63  }
0x308: {  	_ =	swait.ge [sflag:s23], $0x800  }
0x309: {  	[sflag:s23] =	ssyncset.done $0x0  }
0x30a: {  	[sflag:s23] =	ssyncadd.s32 $0xFFFFF800  }
0x30b: {  	_ =	swait.ge [sflag:s24], $0x800  }
0x30c: {  	[sflag:s24] =	ssyncset.done $0x0  }
0x30d: {  	[sflag:s24] =	ssyncadd.s32 $0xFFFFF800  }
0x30e: {  	_ =	swait.ge [sflag:s23], $0x800  }
0x30f: {  	[sflag:s23] =	ssyncset.done $0x0  }
0x310: {  	[sflag:s23] =	ssyncadd.s32 $0xFFFFF800  }
0x311: {  	_ =	swait.ge [sflag:s24], $0x800  }
0x312: {  	[sflag:s24] =	ssyncset.done $0x0  }
0x313: {  	[sflag:s24] =	ssyncadd.s32 $0xFFFFF800  }
0x314: {  	_ =	swait.ge [sflag:s23], $0x800  }
0x315: {  	[sflag:s23] =	ssyncset.done $0x0  }
0x316: {  	[sflag:s23] =	ssyncadd.s32 $0xFFFFF800  }
0x317: {  	_ =	swait.ge [sflag:s24], $0x800  }
0x318: {  	[sflag:s24] =	ssyncset.done $0x0  }
0x319: {  	[sflag:s24] =	ssyncadd.s32 $0xFFFFF800  }
0x31a: {  	_ =	swait.ge [sflag:s23], $0x800  }
0x31b: {  	[sflag:s23] =	ssyncset.done $0x0  }
0x31c: {  	[sflag:s23] =	ssyncadd.s32 $0xFFFFF800  }
0x31d: {  	_ =	swait.ge [sflag:s24], $0x800  }
0x31e: {  	[sflag:s24] =	ssyncset.done $0x0  }
0x31f: {  	[sflag:s24] =	ssyncadd.s32 $0xFFFFF800  }
0x320: {  	_ =	swait.ge [sflag:s23], $0x800  }
0x321: {  	[sflag:s23] =	ssyncset.done $0x0  }
0x322: {  	[sflag:s23] =	ssyncadd.s32 $0xFFFFF800  }
0x323: {  	_ =	swait.ge [sflag:s24], $0x800  }
0x324: {  	[sflag:s24] =	ssyncset.done $0x0  }
0x325: {  	[sflag:s24] =	ssyncadd.s32 $0xFFFFF800  }
0x326: {  	_ =	swait.ge [sflag:s23], $0x800  }
0x327: {  	[sflag:s23] =	ssyncset.done $0x0  }
0x328: {  	[sflag:s23] =	ssyncadd.s32 $0xFFFFF800  }
0x329: {  	_ =	swait.ge [sflag:s24], $0x800  }
0x32a: {  	[sflag:s24] =	ssyncset.done $0x0  }
0x32b: {  	[sflag:s24] =	ssyncadd.s32 $0xFFFFF800  }
0x32c: {  	_ =	swait.ge [sflag:s23], $0x800  }
0x32d: {  	[sflag:s23] =	ssyncset.done $0x0  }
0x32e: {  	[sflag:s23] =	ssyncadd.s32 $0xFFFFF800  }
0x32f: {  	_ =	swait.ge [sflag:s24], $0x800  }
0x330: {  	[sflag:s24] =	ssyncset.done $0x0  }
0x331: {  	[sflag:s24] =	ssyncadd.s32 $0xFFFFF800  }
0x332: {  	_ =	swait.ge [sflag:s23], $0x800  }
0x333: {  	[sflag:s23] =	ssyncset.done $0x0  }
0x334: {  	[sflag:s23] =	ssyncadd.s32 $0xFFFFF800  }
0x335: {  	_ =	swait.ge [sflag:s24], $0x800  }
0x336: {  	[sflag:s24] =	ssyncset.done $0x0  }
0x337: {  	[sflag:s24] =	ssyncadd.s32 $0xFFFFF800  }
0x338: {  	_ =	swait.ge [sflag:s23], $0x800  }
0x339: {  	[sflag:s23] =	ssyncset.done $0x0  }
0x33a: {  	[sflag:s23] =	ssyncadd.s32 $0xFFFFF800  }
0x33b: {  	_ =	swait.ge [sflag:s24], $0x800  }
0x33c: {  	[sflag:s24] =	ssyncset.done $0x0  }
0x33d: {  	[sflag:s24] =	ssyncadd.s32 $0xFFFFF800  }
0x33e: {  	_ =	swait.ge [sflag:s23], $0x800  }
0x33f: {  	[sflag:s23] =	ssyncset.done $0x0  }
0x340: {  	[sflag:s23] =	ssyncadd.s32 $0xFFFFF800  }
0x341: {  	_ =	swait.ge [sflag:s24], $0x800  }
0x342: {  	[sflag:s24] =	ssyncset.done $0x0  }
0x343: {  	[sflag:s24] =	ssyncadd.s32 $0xFFFFF800  }
0x344: {  	_ =	swait.ge [sflag:s23], $0x800  }
0x345: {  	[sflag:s23] =	ssyncset.done $0x0  }
0x346: {  	[sflag:s23] =	ssyncadd.s32 $0xFFFFF800  }
0x347: {  	_ =	swait.ge [sflag:s24], $0x800  }
0x348: {  	[sflag:s24] =	ssyncset.done $0x0  }
0x349: {  	[sflag:s24] =	ssyncadd.s32 $0xFFFFF800  }
0x34a: {  	_ =	swait.ge [sflag:s23], $0x800  }
0x34b: {  	[sflag:s23] =	ssyncset.done $0x0  }
0x34c: {  	[sflag:s23] =	ssyncadd.s32 $0xFFFFF800  }
0x34d: {  	_ =	swait.ge [sflag:s24], $0x800  }
0x34e: {  	[sflag:s24] =	ssyncset.done $0x0  }
0x34f: {  	[sflag:s24] =	ssyncadd.s32 $0xFFFFF800  }
0x350: {  	_ =	swait.ge [sflag:s23], $0x800  }
0x351: {  	[sflag:s23] =	ssyncset.done $0x0  }
0x352: {  	[sflag:s23] =	ssyncadd.s32 $0xFFFFF800  }
0x353: {  	_ =	swait.ge [sflag:s24], $0x800  }
0x354: {  	[sflag:s24] =	ssyncset.done $0x0  }
0x355: {  	[sflag:s24] =	ssyncadd.s32 $0xFFFFF800  }
0x356: {  	_ =	swait.ge [sflag:s23], $0x800  }
0x357: {  	[sflag:s23] =	ssyncset.done $0x0  }
0x358: {  	[sflag:s23] =	ssyncadd.s32 $0xFFFFF800  }
0x359: {  	_ =	swait.ge [sflag:s24], $0x800  }
0x35a: {  	[sflag:s24] =	ssyncset.done $0x0  }
0x35b: {  	[sflag:s24] =	ssyncadd.s32 $0xFFFFF800  }
0x35c: {  	_ =	swait.ge [sflag:s23], $0x800  }
0x35d: {  	[sflag:s23] =	ssyncset.done $0x0  }
0x35e: {  	[sflag:s23] =	ssyncadd.s32 $0xFFFFF800  }
0x35f: {  	_ =	swait.ge [sflag:s24], $0x800  }
0x360: {  	[sflag:s24] =	ssyncset.done $0x0  }
0x361: {  	v7 =	vand.u32 $0x7F, v7;
	[sflag:s24] =	ssyncadd.s32 $0xFFFFF800  }
0x362: {  	v7 =	vor.u32 v1, v7;
	s26 =	simm.s32 $0x0;
	_ =	swait.ge [sflag:s23], $0x800  }
0x363: {  	v59 =	vor.u32 s26, v7;
	[sflag:s23] =	ssyncset.done $0x0  }
0x364: {  	[sflag:s23] =	ssyncadd.s32 $0xFFFFF800  }
0x365: {  	_ =	swait.ge [sflag:s24], $0x800  }
0x366: {  	[sflag:s24] =	ssyncset.done $0x0  }
0x367: {  	[sflag:s24] =	ssyncadd.s32 $0xFFFFF800  }
0x368: {  	v60 =	vld.idx.msk [tilespmem:v59+s11+$0x0], $0xffff;
	_ =	sdelay $0x4  }
0x369: {  	v61 =	vsub.f32 $0.0e+00, v60;
	_ =	sdelay $0x1  }
0x36a: {  	v18 =	vmul.f32 $1.442695020e+00, v61;
	_ =	sdelay $0x1  }
0x36b: {  	(erf) = vpow2.f32 v18;
	_ =	sdelay $0x8  }
0x36c: {  	v18 =	vpop (erf)  }
0x36d: {  	v18 =	vadd.f32 $1.000000000e+00, v18;
	_ =	sdelay $0x1  }
0x36e: {  	(erf) = vrcp.f32 v18;
	_ =	sdelay $0x2  }
0x36f: {  	v62 =	vld.idx.msk [tilespmem:v59+s12+$0x0], $0xffff;
	_ =	sdelay $0x4  }
0x370: {  	vm0 =	vne.s32 v62, $0xFFFFFFFF  }
0x371: {  	v63 =	vsel vm0, $0x3F800000, v0;
	v27 =	vpop (erf)  }
0x372: {  	v19 =	vmul.f32 v27, v63;
	_ =	sdelay $0x1  }
0x373: {  	v19 =	vsub.f32 $1.000000000e+00, v19;
	_ =	sdelay $0x1  }
0x374: {  	v19 =	vmax.f32 v19, $1.000000010e-07  }
0x375: {  	v28 =	vand.u32 $0x7FFFFF, v19  }
0x376: {  	v20 =	vor.u32 $0x3F800000, v28  }
0x377: {  	v29 =	vmul.f32 $5.000000000e-01, v20  }
0x378: {  	vm1 =	vgt.f32 v20, $1.414213540e+00  }
0x379: {  	v20 =	vsel vm1, v29, v20  }
0x37a: {  	v20 =	vadd.f32 $-1.000000000e+00, v20;
	_ =	sdelay $0x1  }
0x37b: {  	v30 =	vadd.f32 $2.000000000e+00, v20;
	_ =	sdelay $0x1  }
0x37c: {  	(erf) = vrcp.f32 v30;
	_ =	sdelay $0x8  }
0x37d: {  	v21 =	vpop (erf)  }
0x37e: {  	v20 =	vmul.f32 v21, v20;
	_ =	sdelay $0x1  }
0x37f: {  	v21 =	vmul.f32 v20, v20;
	_ =	sdelay $0x1  }
0x380: {  	v22 =	vmul.f32 $1.428571490e-01, v21;
	_ =	sdelay $0x1  }
0x381: {  	v22 =	vadd.f32 $2.000000030e-01, v22;
	_ =	sdelay $0x1  }
0x382: {  	v22 =	vmul.f32 v22, v21;
	_ =	sdelay $0x1  }
0x383: {  	v23 =	vshll.u32 v62, $0x3;
	v22 =	vadd.f32 $3.333333430e-01, v22  }
0x384: {  	v23 =	vand.u32 $0xFFFFFC00, v23;
	v18 =	vand.u32 $0x7F, v62  }
0x385: {  	v19 =	vshrl.u32 v19, $0x17;
	v24 =	vsel vm1, $0xFFFFFF82, v2;
	v21 =	vmul.f32 v22, v21  }
0x386: {  	v18 =	vor.u32 v18, v23;
	v19 =	vadd.s32 v19, v24  }
0x387: {  	v19 =	vcvt.s32.f32 v19;
	v20 =	vadd.f32 v20, v20;
	v21 =	vadd.f32 $1.000000000e+00, v21  }
0x388: {  	s7 =	simm.s32 $0x80;
	v18 =	vadd.s32 v4, v18  }
0x389: {  	v31 =	vor.u32 s7, v7;
	v19 =	vmul.f32 $6.931471820e-01, v19;
	v20 =	vmul.f32 v21, v20;
	_ =	sdelay $0x1  }
0x38a: {  	v19 =	vadd.f32 v20, v19;
	_ =	sdelay $0x1  }
0x38b: {  	[tilespmem:v18+s5+$0x0] =	vst.idx.add.f32.msk vm0, v19  }
0x38c: {  	v18 =	vld.idx.msk [tilespmem:v31+s11+$0x0], $0xffff;
	_ =	sdelay $0x4  }
0x38d: {  	v32 =	vsub.f32 $0.0e+00, v18;
	_ =	sdelay $0x1  }
0x38e: {  	v19 =	vmul.f32 $1.442695020e+00, v32;
	_ =	sdelay $0x1  }
0x38f: {  	(erf) = vpow2.f32 v19;
	_ =	sdelay $0x8  }
0x390: {  	v19 =	vpop (erf)  }
0x391: {  	v19 =	vadd.f32 $1.000000000e+00, v19;
	_ =	sdelay $0x1  }
0x392: {  	(erf) = vrcp.f32 v19;
	_ =	sdelay $0x2  }
0x393: {  	v33 =	vld.idx.msk [tilespmem:v31+s12+$0x0], $0xffff;
	_ =	sdelay $0x4  }
0x394: {  	vm0 =	vne.s32 v33, $0xFFFFFFFF  }
0x395: {  	v34 =	vsel vm0, $0x3F800000, v0;
	v35 =	vpop (erf)  }
0x396: {  	v21 =	vmul.f32 v35, v34;
	_ =	sdelay $0x1  }
0x397: {  	v21 =	vsub.f32 $1.000000000e+00, v21;
	_ =	sdelay $0x1  }
0x398: {  	v21 =	vmax.f32 v21, $1.000000010e-07  }
0x399: {  	v36 =	vand.u32 $0x7FFFFF, v21  }
0x39a: {  	v22 =	vor.u32 $0x3F800000, v36  }
0x39b: {  	v37 =	vmul.f32 $5.000000000e-01, v22  }
0x39c: {  	vm1 =	vgt.f32 v22, $1.414213540e+00  }
0x39d: {  	v22 =	vsel vm1, v37, v22  }
0x39e: {  	v22 =	vadd.f32 $-1.000000000e+00, v22;
	_ =	sdelay $0x1  }
0x39f: {  	v38 =	vadd.f32 $2.000000000e+00, v22;
	_ =	sdelay $0x1  }
0x3a0: {  	(erf) = vrcp.f32 v38;
	_ =	sdelay $0x8  }
0x3a1: {  	v23 =	vpop (erf)  }
0x3a2: {  	v22 =	vmul.f32 v23, v22;
	_ =	sdelay $0x1  }
0x3a3: {  	v23 =	vmul.f32 v22, v22;
	_ =	sdelay $0x1  }
0x3a4: {  	v39 =	vmul.f32 $1.428571490e-01, v23;
	_ =	sdelay $0x1  }
0x3a5: {  	v24 =	vadd.f32 $2.000000030e-01, v39;
	_ =	sdelay $0x1  }
0x3a6: {  	v24 =	vmul.f32 v24, v23;
	_ =	sdelay $0x1  }
0x3a7: {  	v25 =	vshll.u32 v33, $0x3;
	v24 =	vadd.f32 $3.333333430e-01, v24  }
0x3a8: {  	v20 =	vand.u32 $0x7F, v33;
	v25 =	vand.u32 $0xFFFFFC00, v25  }
0x3a9: {  	v21 =	vshrl.u32 v21, $0x17;
	v26 =	vsel vm1, $0xFFFFFF82, v2;
	v23 =	vmul.f32 v24, v23  }
0x3aa: {  	v20 =	vor.u32 v20, v25;
	v21 =	vadd.s32 v21, v26  }
0x3ab: {  	v21 =	vcvt.s32.f32 v21;
	v22 =	vadd.f32 v22, v22;
	v23 =	vadd.f32 $1.000000000e+00, v23  }
0x3ac: {  	s26 =	simm.s32 $0x100;
	v20 =	vadd.s32 v4, v20  }
0x3ad: {  	v40 =	vor.u32 s26, v7;
	v21 =	vmul.f32 $6.931471820e-01, v21;
	v22 =	vmul.f32 v23, v22;
	_ =	sdelay $0x1  }
0x3ae: {  	v21 =	vadd.f32 v22, v21;
	_ =	sdelay $0x1  }
0x3af: {  	[tilespmem:v20+s5+$0x0] =	vst.idx.add.f32.msk vm0, v21  }
0x3b0: {  	v20 =	vld.idx.msk [tilespmem:v40+s11+$0x0], $0xffff;
	_ =	sdelay $0x4  }
0x3b1: {  	v41 =	vsub.f32 $0.0e+00, v20;
	_ =	sdelay $0x1  }
0x3b2: {  	v21 =	vmul.f32 $1.442695020e+00, v41;
	_ =	sdelay $0x1  }
0x3b3: {  	(erf) = vpow2.f32 v21;
	_ =	sdelay $0x8  }
0x3b4: {  	v21 =	vpop (erf)  }
0x3b5: {  	v21 =	vadd.f32 $1.000000000e+00, v21;
	_ =	sdelay $0x1  }
0x3b6: {  	(erf) = vrcp.f32 v21;
	_ =	sdelay $0x2  }
0x3b7: {  	v42 =	vld.idx.msk [tilespmem:v40+s12+$0x0], $0xffff;
	_ =	sdelay $0x4  }
0x3b8: {  	vm0 =	vne.s32 v42, $0xFFFFFFFF  }
0x3b9: {  	v43 =	vsel vm0, $0x3F800000, v0;
	v44 =	vpop (erf)  }
0x3ba: {  	v23 =	vmul.f32 v44, v43;
	_ =	sdelay $0x1  }
0x3bb: {  	v23 =	vsub.f32 $1.000000000e+00, v23;
	_ =	sdelay $0x1  }
0x3bc: {  	v23 =	vmax.f32 v23, $1.000000010e-07  }
0x3bd: {  	v45 =	vand.u32 $0x7FFFFF, v23  }
0x3be: {  	v24 =	vor.u32 $0x3F800000, v45  }
0x3bf: {  	v46 =	vmul.f32 $5.000000000e-01, v24  }
0x3c0: {  	vm1 =	vgt.f32 v24, $1.414213540e+00  }
0x3c1: {  	v24 =	vsel vm1, v46, v24  }
0x3c2: {  	v24 =	vadd.f32 $-1.000000000e+00, v24;
	_ =	sdelay $0x1  }
0x3c3: {  	v47 =	vadd.f32 $2.000000000e+00, v24;
	_ =	sdelay $0x1  }
0x3c4: {  	(erf) = vrcp.f32 v47;
	_ =	sdelay $0x8  }
0x3c5: {  	v25 =	vpop (erf)  }
0x3c6: {  	v24 =	vmul.f32 v25, v24;
	_ =	sdelay $0x1  }
0x3c7: {  	v25 =	vmul.f32 v24, v24;
	_ =	sdelay $0x1  }
0x3c8: {  	v48 =	vmul.f32 $1.428571490e-01, v25;
	_ =	sdelay $0x1  }
0x3c9: {  	v26 =	vadd.f32 $2.000000030e-01, v48;
	_ =	sdelay $0x1  }
0x3ca: {  	v26 =	vmul.f32 v26, v25;
	_ =	sdelay $0x1  }
0x3cb: {  	v27 =	vshll.u32 v42, $0x3;
	v26 =	vadd.f32 $3.333333430e-01, v26  }
0x3cc: {  	v27 =	vand.u32 $0xFFFFFC00, v27;
	v21 =	vand.u32 $0x7F, v42  }
0x3cd: {  	v23 =	vshrl.u32 v23, $0x17;
	v49 =	vsel vm1, $0xFFFFFF82, v2;
	v25 =	vmul.f32 v26, v25  }
0x3ce: {  	v21 =	vor.u32 v21, v27;
	v23 =	vadd.s32 v23, v49  }
0x3cf: {  	v23 =	vcvt.s32.f32 v23;
	v24 =	vadd.f32 v24, v24;
	v25 =	vadd.f32 $1.000000000e+00, v25  }
0x3d0: {  	s7 =	simm.s32 $0x180;
	v21 =	vadd.s32 v4, v21  }
0x3d1: {  	v50 =	vor.u32 s7, v7;
	v23 =	vmul.f32 $6.931471820e-01, v23;
	v24 =	vmul.f32 v25, v24;
	_ =	sdelay $0x1  }
0x3d2: {  	v23 =	vadd.f32 v24, v23;
	_ =	sdelay $0x1  }
0x3d3: {  	[tilespmem:v21+s5+$0x0] =	vst.idx.add.f32.msk vm0, v23  }
0x3d4: {  	v21 =	vld.idx.msk [tilespmem:v50+s11+$0x0], $0xffff;
	_ =	sdelay $0x4  }
0x3d5: {  	v51 =	vsub.f32 $0.0e+00, v21;
	_ =	sdelay $0x1  }
0x3d6: {  	v23 =	vmul.f32 $1.442695020e+00, v51;
	_ =	sdelay $0x1  }
0x3d7: {  	(erf) = vpow2.f32 v23;
	_ =	sdelay $0x8  }
0x3d8: {  	v23 =	vpop (erf)  }
0x3d9: {  	v23 =	vadd.f32 $1.000000000e+00, v23;
	_ =	sdelay $0x1  }
0x3da: {  	(erf) = vrcp.f32 v23;
	_ =	sdelay $0x2  }
0x3db: {  	v52 =	vld.idx.msk [tilespmem:v50+s12+$0x0], $0xffff;
	_ =	sdelay $0x4  }
0x3dc: {  	vm0 =	vne.s32 v52, $0xFFFFFFFF  }
0x3dd: {  	v53 =	vsel vm0, $0x3F800000, v0;
	v54 =	vpop (erf)  }
0x3de: {  	v25 =	vmul.f32 v54, v53;
	_ =	sdelay $0x1  }
0x3df: {  	v25 =	vsub.f32 $1.000000000e+00, v25;
	_ =	sdelay $0x1  }
0x3e0: {  	v25 =	vmax.f32 v25, $1.000000010e-07  }
0x3e1: {  	v55 =	vand.u32 $0x7FFFFF, v25  }
0x3e2: {  	v26 =	vor.u32 $0x3F800000, v55  }
0x3e3: {  	v56 =	vmul.f32 $5.000000000e-01, v26  }
0x3e4: {  	vm1 =	vgt.f32 v26, $1.414213540e+00  }
0x3e5: {  	v26 =	vsel vm1, v56, v26  }
0x3e6: {  	v26 =	vadd.f32 $-1.000000000e+00, v26;
	_ =	sdelay $0x1  }
0x3e7: {  	v57 =	vadd.f32 $2.000000000e+00, v26;
	_ =	sdelay $0x1  }
0x3e8: {  	(erf) = vrcp.f32 v57;
	_ =	sdelay $0x6  }
0x3e9: {  	v8 =	vmul.f32 v8, v8  }
0x3ea: {  	v5 =	vadd.f32 v9, v5  }
0x3eb: {  	v8 =	vmul.f32 v9, v8;
	v10 =	vmul.f32 v10, v10;
	v27 =	vpop (erf)  }
0x3ec: {  	v5 =	vadd.f32 v11, v5;
	v26 =	vmul.f32 v27, v26  }
0x3ed: {  	v6 =	vadd.f32 v8, v6;
	v8 =	vmul.f32 v11, v10;
	v9 =	vmul.f32 v12, v12  }
0x3ee: {  	v5 =	vadd.f32 v13, v5;
	v10 =	vmul.f32 v26, v26  }
0x3ef: {  	v6 =	vadd.f32 v8, v6;
	v9 =	vmul.f32 v13, v9;
	v8 =	vmul.f32 v14, v14  }
0x3f0: {  	v5 =	vadd.f32 v15, v5;
	v11 =	vmul.f32 $1.428571490e-01, v10  }
0x3f1: {  	v6 =	vadd.f32 v9, v6;
	v8 =	vmul.f32 v15, v8  }
0x3f2: {  	v5 =	vadd.f32 v63, v5;
	v9 =	vadd.f32 $2.000000030e-01, v11  }
0x3f3: {  	v6 =	vadd.f32 v8, v6;
	v11 =	vmul.f32 v60, v60  }
0x3f4: {  	v5 =	vadd.f32 v34, v5;
	v58 =	vmul.f32 v20, v20;
	v8 =	vmul.f32 v9, v10  }
0x3f5: {  	v9 =	vmul.f32 v63, v11;
	v11 =	vmul.f32 v18, v18  }
0x3f6: {  	v5 =	vadd.f32 v43, v5;
	v59 =	vand.u32 $0x7F, v52;
	v8 =	vadd.f32 $3.333333430e-01, v8  }
0x3f7: {  	v61 =	vsel vm1, $0xFFFFFF82, v2;
	v6 =	vadd.f32 v9, v6;
	v9 =	vmul.f32 v34, v11  }
0x3f8: {  	v62 =	vadd.f32 v26, v26;
	v60 =	vshrl.u32 v25, $0x17;
	v8 =	vmul.f32 v8, v10  }
0x3f9: {  	v13 =	vadd.s32 v60, v61;
	v11 =	vmul.f32 v43, v58;
	v6 =	vadd.f32 v9, v6  }
0x3fa: {  	v10 =	vshll.u32 v52, $0x3;
	v9 =	vmul.f32 v21, v21;
	v8 =	vadd.f32 $1.000000000e+00, v8  }
0x3fb: {  	v13 =	vcvt.s32.f32 v13;
	v11 =	vadd.f32 v11, v6;
	v6 =	vand.u32 $0xFFFFFC00, v10  }
0x3fc: {  	v9 =	vmul.f32 v53, v9;
	v63 =	vmul.f32 v8, v62;
	v8 =	vor.u32 v59, v6  }
0x3fd: {  	s26 =	simm.s32 $0x200;
	v10 =	vmul.f32 $6.931471820e-01, v13;
	v8 =	vadd.s32 v4, v8  }
0x3fe: {  	v6 =	vadd.f32 v53, v5;
	v5 =	vadd.f32 v9, v11;
	v9 =	vor.u32 s26, v7  }
0x3ff: {  	s29 =	simm.s32 $0x280  }
0x400: {  	s28 =	simm.s32 $0x300;
	s7 =	simm.s32 $0x380;
	s6 =	simm.s32 $0x8;
	v10 =	vadd.f32 v63, v10  }
.LBB2_6:
0x401: {  	_ = 	snop  }
0x402: {  	p0 =	slt.u32 s6, $0xC;
	s26 =	smov.u32 s6;
	s6 =	sadd.s32 $0x4, s6;
	[tilespmem:v8+s5+$0x0] =	vst.idx.add.f32.msk vm0, v10  }
0x403: {  	v8 =	vld.idx.msk [tilespmem:v9+s11+$0x0], $0xffff;
	_ =	sdelay $0x5  }
0x404: {  	v10 =	vsub.f32 $0.0e+00, v8;
	_ =	sdelay $0x1  }
0x405: {  	v10 =	vmul.f32 $1.442695020e+00, v10;
	_ =	sdelay $0x1  }
0x406: {  	(erf) = vpow2.f32 v10;
	_ =	sdelay $0x8  }
0x407: {  	v10 =	vpop (erf)  }
0x408: {  	v10 =	vadd.f32 $1.000000000e+00, v10;
	_ =	sdelay $0x1  }
0x409: {  	(erf) = vrcp.f32 v10;
	_ =	sdelay $0x1  }
0x40a: {  	v9 =	vld.idx.msk [tilespmem:v9+s12+$0x0], $0xffff;
	_ =	sdelay $0x5  }
0x40b: {  	v11 =	vmul.f32 v8, v8;
	vm0 =	vne.s32 v9, $0xFFFFFFFF;
	v10 =	vshll.u32 v9, $0x3  }
0x40c: {  	v9 =	vand.u32 $0x7F, v9;
	v8 =	vsel vm0, $0x3F800000, v0;
	v10 =	vand.u32 $0xFFFFFC00, v10;
	v12 =	vpop (erf)  }
0x40d: {  	v10 =	vor.u32 v9, v10;
	v9 =	vmul.f32 v8, v11;
	v12 =	vmul.f32 v12, v8;
	_ =	sdelay $0x1  }
0x40e: {  	v11 =	vsub.f32 $1.000000000e+00, v12;
	_ =	sdelay $0x1  }
0x40f: {  	v11 =	vmax.f32 v11, $1.000000010e-07  }
0x410: {  	v12 =	vand.u32 $0x7FFFFF, v11  }
0x411: {  	v12 =	vor.u32 $0x3F800000, v12  }
0x412: {  	v13 =	vmul.f32 $5.000000000e-01, v12  }
0x413: {  	vm1 =	vgt.f32 v12, $1.414213540e+00  }
0x414: {  	v11 =	vshrl.u32 v11, $0x17;
	v12 =	vsel vm1, v13, v12;
	v13 =	vsel vm1, $0xFFFFFF82, v2  }
0x415: {  	v11 =	vadd.s32 v11, v13;
	v12 =	vadd.f32 $-1.000000000e+00, v12  }
0x416: {  	v11 =	vcvt.s32.f32 v11  }
0x417: {  	v13 =	vadd.f32 $2.000000000e+00, v12;
	_ =	sdelay $0x1  }
0x418: {  	(erf) = vrcp.f32 v13;
	_ =	sdelay $0x8  }
0x419: {  	v13 =	vpop (erf)  }
0x41a: {  	v12 =	vmul.f32 v13, v12;
	_ =	sdelay $0x1  }
0x41b: {  	v13 =	vmul.f32 v12, v12;
	_ =	sdelay $0x1  }
0x41c: {  	v14 =	vmul.f32 $1.428571490e-01, v13;
	_ =	sdelay $0x1  }
0x41d: {  	v14 =	vadd.f32 $2.000000030e-01, v14;
	_ =	sdelay $0x1  }
0x41e: {  	v14 =	vmul.f32 v14, v13;
	_ =	sdelay $0x1  }
0x41f: {  	v14 =	vadd.f32 $3.333333430e-01, v14;
	_ =	sdelay $0x1  }
0x420: {  	v13 =	vmul.f32 v14, v13;
	_ =	sdelay $0x1  }
0x421: {  	v12 =	vadd.f32 v12, v12;
	v13 =	vadd.f32 $1.000000000e+00, v13  }
0x422: {  	v10 =	vadd.s32 v4, v10  }
0x423: {  	v11 =	vmul.f32 $6.931471820e-01, v11;
	v12 =	vmul.f32 v13, v12;
	v13 =	vor.u32 s29, v7;
	_ =	sdelay $0x1  }
0x424: {  	v11 =	vadd.f32 v12, v11;
	_ =	sdelay $0x1  }
0x425: {  	[tilespmem:v10+s5+$0x0] =	vst.idx.add.f32.msk vm0, v11  }
0x426: {  	v10 =	vld.idx.msk [tilespmem:v13+s11+$0x0], $0xffff;
	_ =	sdelay $0x5  }
0x427: {  	v11 =	vsub.f32 $0.0e+00, v10;
	_ =	sdelay $0x1  }
0x428: {  	v11 =	vmul.f32 $1.442695020e+00, v11;
	_ =	sdelay $0x1  }
0x429: {  	(erf) = vpow2.f32 v11;
	_ =	sdelay $0x8  }
0x42a: {  	v11 =	vpop (erf)  }
0x42b: {  	v11 =	vadd.f32 $1.000000000e+00, v11;
	_ =	sdelay $0x1  }
0x42c: {  	(erf) = vrcp.f32 v11;
	_ =	sdelay $0x1  }
0x42d: {  	v12 =	vld.idx.msk [tilespmem:v13+s12+$0x0], $0xffff;
	_ =	sdelay $0x5  }
0x42e: {  	vm0 =	vne.s32 v12, $0xFFFFFFFF;
	v13 =	vshll.u32 v12, $0x3  }
0x42f: {  	v12 =	vand.u32 $0x7F, v12;
	v11 =	vsel vm0, $0x3F800000, v0;
	v13 =	vand.u32 $0xFFFFFC00, v13;
	v14 =	vpop (erf)  }
0x430: {  	v12 =	vor.u32 v12, v13;
	v14 =	vmul.f32 v14, v11;
	_ =	sdelay $0x1  }
0x431: {  	v13 =	vsub.f32 $1.000000000e+00, v14;
	_ =	sdelay $0x1  }
0x432: {  	v13 =	vmax.f32 v13, $1.000000010e-07  }
0x433: {  	v14 =	vand.u32 $0x7FFFFF, v13  }
0x434: {  	v14 =	vor.u32 $0x3F800000, v14  }
0x435: {  	v15 =	vmul.f32 $5.000000000e-01, v14  }
0x436: {  	vm1 =	vgt.f32 v14, $1.414213540e+00  }
0x437: {  	v13 =	vshrl.u32 v13, $0x17;
	v14 =	vsel vm1, v15, v14;
	v15 =	vsel vm1, $0xFFFFFF82, v2  }
0x438: {  	v13 =	vadd.s32 v13, v15;
	v14 =	vadd.f32 $-1.000000000e+00, v14  }
0x439: {  	v13 =	vcvt.s32.f32 v13  }
0x43a: {  	v15 =	vadd.f32 $2.000000000e+00, v14;
	_ =	sdelay $0x1  }
0x43b: {  	(erf) = vrcp.f32 v15;
	_ =	sdelay $0x8  }
0x43c: {  	v15 =	vpop (erf)  }
0x43d: {  	v14 =	vmul.f32 v15, v14;
	_ =	sdelay $0x1  }
0x43e: {  	v15 =	vmul.f32 v14, v14;
	_ =	sdelay $0x1  }
0x43f: {  	v16 =	vmul.f32 $1.428571490e-01, v15;
	_ =	sdelay $0x1  }
0x440: {  	v16 =	vadd.f32 $2.000000030e-01, v16;
	_ =	sdelay $0x1  }
0x441: {  	v16 =	vmul.f32 v16, v15;
	_ =	sdelay $0x1  }
0x442: {  	v16 =	vadd.f32 $3.333333430e-01, v16;
	_ =	sdelay $0x1  }
0x443: {  	v15 =	vmul.f32 v16, v15;
	_ =	sdelay $0x1  }
0x444: {  	v14 =	vadd.f32 v14, v14;
	v15 =	vadd.f32 $1.000000000e+00, v15  }
0x445: {  	v12 =	vadd.s32 v4, v12  }
0x446: {  	v13 =	vmul.f32 $6.931471820e-01, v13;
	v14 =	vmul.f32 v15, v14;
	v15 =	vor.u32 s28, v7;
	_ =	sdelay $0x1  }
0x447: {  	v13 =	vadd.f32 v14, v13;
	_ =	sdelay $0x1  }
0x448: {  	[tilespmem:v12+s5+$0x0] =	vst.idx.add.f32.msk vm0, v13  }
0x449: {  	v12 =	vld.idx.msk [tilespmem:v15+s11+$0x0], $0xffff;
	_ =	sdelay $0x5  }
0x44a: {  	v13 =	vsub.f32 $0.0e+00, v12;
	_ =	sdelay $0x1  }
0x44b: {  	v13 =	vmul.f32 $1.442695020e+00, v13;
	_ =	sdelay $0x1  }
0x44c: {  	(erf) = vpow2.f32 v13;
	_ =	sdelay $0x8  }
0x44d: {  	v13 =	vpop (erf)  }
0x44e: {  	v13 =	vadd.f32 $1.000000000e+00, v13;
	_ =	sdelay $0x1  }
0x44f: {  	(erf) = vrcp.f32 v13;
	_ =	sdelay $0x1  }
0x450: {  	v13 =	vld.idx.msk [tilespmem:v15+s12+$0x0], $0xffff;
	_ =	sdelay $0x5  }
0x451: {  	v15 =	vmul.f32 v12, v12;
	vm0 =	vne.s32 v13, $0xFFFFFFFF;
	v14 =	vshll.u32 v13, $0x3  }
0x452: {  	v13 =	vand.u32 $0x7F, v13;
	v12 =	vsel vm0, $0x3F800000, v0;
	v14 =	vand.u32 $0xFFFFFC00, v14;
	v16 =	vpop (erf)  }
0x453: {  	v13 =	vor.u32 v13, v14;
	v14 =	vmul.f32 v12, v15;
	v16 =	vmul.f32 v16, v12;
	_ =	sdelay $0x1  }
0x454: {  	v15 =	vsub.f32 $1.000000000e+00, v16;
	_ =	sdelay $0x1  }
0x455: {  	v15 =	vmax.f32 v15, $1.000000010e-07  }
0x456: {  	v16 =	vand.u32 $0x7FFFFF, v15  }
0x457: {  	v16 =	vor.u32 $0x3F800000, v16  }
0x458: {  	v17 =	vmul.f32 $5.000000000e-01, v16  }
0x459: {  	vm1 =	vgt.f32 v16, $1.414213540e+00  }
0x45a: {  	v15 =	vshrl.u32 v15, $0x17;
	v16 =	vsel vm1, v17, v16;
	v17 =	vsel vm1, $0xFFFFFF82, v2  }
0x45b: {  	v15 =	vadd.s32 v15, v17;
	v16 =	vadd.f32 $-1.000000000e+00, v16  }
0x45c: {  	v15 =	vcvt.s32.f32 v15  }
0x45d: {  	v17 =	vadd.f32 $2.000000000e+00, v16;
	_ =	sdelay $0x1  }
0x45e: {  	(erf) = vrcp.f32 v17;
	_ =	sdelay $0x8  }
0x45f: {  	v17 =	vpop (erf)  }
0x460: {  	v16 =	vmul.f32 v17, v16;
	_ =	sdelay $0x1  }
0x461: {  	v17 =	vmul.f32 v16, v16;
	_ =	sdelay $0x1  }
0x462: {  	v18 =	vmul.f32 $1.428571490e-01, v17;
	_ =	sdelay $0x1  }
0x463: {  	v18 =	vadd.f32 $2.000000030e-01, v18;
	_ =	sdelay $0x1  }
0x464: {  	v18 =	vmul.f32 v18, v17;
	_ =	sdelay $0x1  }
0x465: {  	v18 =	vadd.f32 $3.333333430e-01, v18;
	_ =	sdelay $0x1  }
0x466: {  	v17 =	vmul.f32 v18, v17;
	_ =	sdelay $0x1  }
0x467: {  	v16 =	vadd.f32 v16, v16;
	v17 =	vadd.f32 $1.000000000e+00, v17  }
0x468: {  	v13 =	vadd.s32 v4, v13  }
0x469: {  	v15 =	vmul.f32 $6.931471820e-01, v15;
	v16 =	vmul.f32 v17, v16;
	v17 =	vor.u32 s7, v7;
	_ =	sdelay $0x1  }
0x46a: {  	v15 =	vadd.f32 v16, v15;
	_ =	sdelay $0x1  }
0x46b: {  	[tilespmem:v13+s5+$0x0] =	vst.idx.add.f32.msk vm0, v15  }
0x46c: {  	v13 =	vld.idx.msk [tilespmem:v17+s11+$0x0], $0xffff  }
0x46d: {  	v15 =	vld.idx.msk [tilespmem:v17+s12+$0x0], $0xffff;
	_ =	sdelay $0x4  }
0x46e: {  	v16 =	vsub.f32 $0.0e+00, v13  }
0x46f: {  	v17 =	vshll.u32 v15, $0x3  }
0x470: {  	v18 =	vand.u32 $0x7F, v15;
	v16 =	vmul.f32 $1.442695020e+00, v16;
	v17 =	vand.u32 $0xFFFFFC00, v17  }
0x471: {  	v17 =	vor.u32 v18, v17  }
0x472: {  	(erf) = vpow2.f32 v16;
	_ =	sdelay $0x8  }
0x473: {  	v16 =	vpop (erf)  }
0x474: {  	v16 =	vadd.f32 $1.000000000e+00, v16;
	_ =	sdelay $0x1  }
0x475: {  	(erf) = vrcp.f32 v16;
	_ =	sdelay $0x2  }
0x476: {  	v10 =	vmul.f32 v10, v10  }
0x477: {  	v6 =	vadd.f32 v8, v6  }
0x478: {  	v5 =	vadd.f32 v9, v5;
	v8 =	vmul.f32 v11, v10  }
0x479: {  	v6 =	vadd.f32 v11, v6  }
0x47a: {  	v5 =	vadd.f32 v8, v5  }
0x47b: {  	v6 =	vadd.f32 v12, v6;
	v8 =	vmul.f32 v13, v13;
	vm0 =	vne.s32 v15, $0xFFFFFFFF  }
0x47c: {  	v5 =	vadd.f32 v14, v5;
	v9 =	vsel vm0, $0x3F800000, v0;
	v10 =	vpop (erf)  }
0x47d: {  	v8 =	vmul.f32 v9, v8;
	v6 =	vadd.f32 v9, v6;
	v10 =	vmul.f32 v10, v9;
	_ =	sdelay $0x1  }
0x47e: {  	v5 =	vadd.f32 v8, v5;
	v9 =	vsub.f32 $1.000000000e+00, v10;
	_ =	sdelay $0x1  }
0x47f: {  	v8 =	vmax.f32 v9, $1.000000010e-07  }
0x480: {  	v9 =	vand.u32 $0x7FFFFF, v8  }
0x481: {  	v9 =	vor.u32 $0x3F800000, v9  }
0x482: {  	v10 =	vmul.f32 $5.000000000e-01, v9  }
0x483: {  	vm1 =	vgt.f32 v9, $1.414213540e+00  }
0x484: {  	v8 =	vshrl.u32 v8, $0x17;
	v9 =	vsel vm1, v10, v9;
	v10 =	vsel vm1, $0xFFFFFF82, v2  }
0x485: {  	v8 =	vadd.s32 v8, v10;
	v9 =	vadd.f32 $-1.000000000e+00, v9  }
0x486: {  	v10 =	vcvt.s32.f32 v8  }
0x487: {  	v8 =	vadd.f32 $2.000000000e+00, v9;
	_ =	sdelay $0x1  }
0x488: {  	(erf) = vrcp.f32 v8;
	_ =	sdelay $0x8  }
0x489: {  	v8 =	vpop (erf)  }
0x48a: {  	v8 =	vmul.f32 v8, v9;
	_ =	sdelay $0x1  }
0x48b: {  	v9 =	vmul.f32 v8, v8;
	_ =	sdelay $0x1  }
0x48c: {  	v11 =	vmul.f32 $1.428571490e-01, v9;
	_ =	sdelay $0x1  }
0x48d: {  	v11 =	vadd.f32 $2.000000030e-01, v11;
	_ =	sdelay $0x1  }
0x48e: {  	v11 =	vmul.f32 v11, v9;
	_ =	sdelay $0x1  }
0x48f: {  	v11 =	vadd.f32 $3.333333430e-01, v11;
	_ =	sdelay $0x1  }
0x490: {  	v9 =	vmul.f32 v11, v9;
	_ =	sdelay $0x1  }
.Ltmp2:
0x491: {  	v12 =	vadd.f32 v8, v8;
	v11 =	vadd.f32 $1.000000000e+00, v9;
	(pc) =	sbr.rel @p0 .LBB2_6-.Ltmp2, $4  }
0x492: {  	s7 =	sshll.u32 s26, $0x7;
	v8 =	vadd.s32 v4, v17  }
0x493: {  	s29 =	sadd.s32 $0x80, s7;
	s28 =	sadd.s32 $0x100, s7;
	v10 =	vmul.f32 $6.931471820e-01, v10;
	v9 =	vor.u32 s7, v7;
	s7 =	sadd.s32 $0x180, s7;
	v11 =	vmul.f32 v11, v12  }
0x494: {  	_ = 	snop  }
0x495: {  	v10 =	vadd.f32 v11, v10  }
0x496: {  	_ =	sdelay $0x4  }
0x497: {  	[tilespmem:v8+s5+$0x0] =	vst.idx.add.f32.msk vm0, v10  }
0x498: {  	v8 =	vld.idx.msk [tilespmem:v9+s11+$0x0], $0xffff;
	_ =	sdelay $0x4  }
0x499: {  	v27 =	vsub.f32 $0.0e+00, v8;
	_ =	sdelay $0x1  }
0x49a: {  	v10 =	vmul.f32 $1.442695020e+00, v27;
	_ =	sdelay $0x1  }
0x49b: {  	(erf) = vpow2.f32 v10;
	_ =	sdelay $0x8  }
0x49c: {  	v10 =	vpop (erf)  }
0x49d: {  	v10 =	vadd.f32 $1.000000000e+00, v10;
	_ =	sdelay $0x1  }
0x49e: {  	(erf) = vrcp.f32 v10;
	_ =	sdelay $0x2  }
0x49f: {  	v28 =	vld.idx.msk [tilespmem:v9+s12+$0x0], $0xffff;
	_ =	sdelay $0x4  }
0x4a0: {  	vm9 =	vne.s32 v28, $0xFFFFFFFF  }
0x4a1: {  	v29 =	vsel vm9, $0x3F800000, v0;
	v11 =	vpop (erf)  }
0x4a2: {  	v11 =	vmul.f32 v11, v29;
	_ =	sdelay $0x1  }
0x4a3: {  	v11 =	vsub.f32 $1.000000000e+00, v11;
	_ =	sdelay $0x1  }
0x4a4: {  	v11 =	vmax.f32 v11, $1.000000010e-07  }
0x4a5: {  	v12 =	vand.u32 $0x7FFFFF, v11  }
0x4a6: {  	v12 =	vor.u32 $0x3F800000, v12  }
0x4a7: {  	v13 =	vmul.f32 $5.000000000e-01, v12  }
0x4a8: {  	vm1 =	vgt.f32 v12, $1.414213540e+00  }
0x4a9: {  	v12 =	vsel vm1, v13, v12  }
0x4aa: {  	v12 =	vadd.f32 $-1.000000000e+00, v12;
	_ =	sdelay $0x1  }
0x4ab: {  	v30 =	vadd.f32 $2.000000000e+00, v12;
	_ =	sdelay $0x1  }
0x4ac: {  	(erf) = vrcp.f32 v30;
	_ =	sdelay $0x8  }
0x4ad: {  	v13 =	vpop (erf)  }
0x4ae: {  	v12 =	vmul.f32 v13, v12;
	_ =	sdelay $0x1  }
0x4af: {  	v13 =	vmul.f32 v12, v12;
	_ =	sdelay $0x1  }
0x4b0: {  	v14 =	vmul.f32 $1.428571490e-01, v13;
	_ =	sdelay $0x1  }
0x4b1: {  	v14 =	vadd.f32 $2.000000030e-01, v14;
	_ =	sdelay $0x1  }
0x4b2: {  	v14 =	vmul.f32 v14, v13;
	_ =	sdelay $0x1  }
0x4b3: {  	v15 =	vshll.u32 v28, $0x3;
	v14 =	vadd.f32 $3.333333430e-01, v14  }
0x4b4: {  	v15 =	vand.u32 $0xFFFFFC00, v15;
	v10 =	vand.u32 $0x7F, v28  }
0x4b5: {  	v11 =	vshrl.u32 v11, $0x17;
	v16 =	vsel vm1, $0xFFFFFF82, v2;
	v13 =	vmul.f32 v14, v13  }
0x4b6: {  	v10 =	vor.u32 v10, v15;
	v11 =	vadd.s32 v11, v16  }
0x4b7: {  	v11 =	vcvt.s32.f32 v11;
	v12 =	vadd.f32 v12, v12;
	v13 =	vadd.f32 $1.000000000e+00, v13  }
0x4b8: {  	v10 =	vadd.s32 v4, v10  }
0x4b9: {  	v31 =	vor.u32 s29, v7;
	v11 =	vmul.f32 $6.931471820e-01, v11;
	v12 =	vmul.f32 v13, v12;
	_ =	sdelay $0x1  }
0x4ba: {  	v11 =	vadd.f32 v12, v11;
	_ =	sdelay $0x1  }
0x4bb: {  	[tilespmem:v10+s5+$0x0] =	vst.idx.add.f32.msk vm9, v11  }
0x4bc: {  	v11 =	vld.idx.msk [tilespmem:v31+s11+$0x0], $0xffff;
	_ =	sdelay $0x4  }
0x4bd: {  	v32 =	vsub.f32 $0.0e+00, v11;
	_ =	sdelay $0x1  }
0x4be: {  	v10 =	vmul.f32 $1.442695020e+00, v32;
	_ =	sdelay $0x1  }
0x4bf: {  	(erf) = vpow2.f32 v10;
	_ =	sdelay $0x8  }
0x4c0: {  	v10 =	vpop (erf)  }
0x4c1: {  	v10 =	vadd.f32 $1.000000000e+00, v10;
	_ =	sdelay $0x1  }
0x4c2: {  	(erf) = vrcp.f32 v10;
	_ =	sdelay $0x2  }
0x4c3: {  	v33 =	vld.idx.msk [tilespmem:v31+s12+$0x0], $0xffff;
	_ =	sdelay $0x4  }
0x4c4: {  	vm10 =	vne.s32 v33, $0xFFFFFFFF  }
0x4c5: {  	v34 =	vsel vm10, $0x3F800000, v0;
	v35 =	vpop (erf)  }
0x4c6: {  	v13 =	vmul.f32 v35, v34;
	_ =	sdelay $0x1  }
0x4c7: {  	v13 =	vsub.f32 $1.000000000e+00, v13;
	_ =	sdelay $0x1  }
0x4c8: {  	v13 =	vmax.f32 v13, $1.000000010e-07  }
0x4c9: {  	v36 =	vand.u32 $0x7FFFFF, v13  }
0x4ca: {  	v14 =	vor.u32 $0x3F800000, v36  }
0x4cb: {  	v37 =	vmul.f32 $5.000000000e-01, v14  }
0x4cc: {  	vm11 =	vgt.f32 v14, $1.414213540e+00  }
0x4cd: {  	v14 =	vsel vm11, v37, v14  }
0x4ce: {  	v14 =	vadd.f32 $-1.000000000e+00, v14;
	_ =	sdelay $0x1  }
0x4cf: {  	v38 =	vadd.f32 $2.000000000e+00, v14;
	_ =	sdelay $0x1  }
0x4d0: {  	(erf) = vrcp.f32 v38;
	_ =	sdelay $0x8  }
0x4d1: {  	v15 =	vpop (erf)  }
0x4d2: {  	v14 =	vmul.f32 v15, v14;
	_ =	sdelay $0x1  }
0x4d3: {  	v15 =	vmul.f32 v14, v14;
	_ =	sdelay $0x1  }
0x4d4: {  	v39 =	vmul.f32 $1.428571490e-01, v15;
	_ =	sdelay $0x1  }
0x4d5: {  	v16 =	vadd.f32 $2.000000030e-01, v39;
	_ =	sdelay $0x1  }
0x4d6: {  	v16 =	vmul.f32 v16, v15;
	_ =	sdelay $0x1  }
0x4d7: {  	v17 =	vshll.u32 v33, $0x3;
	v16 =	vadd.f32 $3.333333430e-01, v16  }
0x4d8: {  	v12 =	vand.u32 $0x7F, v33;
	v17 =	vand.u32 $0xFFFFFC00, v17  }
0x4d9: {  	v13 =	vshrl.u32 v13, $0x17;
	v18 =	vsel vm11, $0xFFFFFF82, v2;
	v15 =	vmul.f32 v16, v15  }
0x4da: {  	v12 =	vor.u32 v12, v17;
	v13 =	vadd.s32 v13, v18  }
0x4db: {  	v13 =	vcvt.s32.f32 v13;
	v14 =	vadd.f32 v14, v14;
	v15 =	vadd.f32 $1.000000000e+00, v15  }
0x4dc: {  	v12 =	vadd.s32 v4, v12  }
0x4dd: {  	v40 =	vor.u32 s28, v7;
	v13 =	vmul.f32 $6.931471820e-01, v13;
	v14 =	vmul.f32 v15, v14;
	_ =	sdelay $0x1  }
0x4de: {  	v13 =	vadd.f32 v14, v13;
	_ =	sdelay $0x1  }
0x4df: {  	[tilespmem:v12+s5+$0x0] =	vst.idx.add.f32.msk vm10, v13  }
0x4e0: {  	v12 =	vld.idx.msk [tilespmem:v40+s11+$0x0], $0xffff;
	_ =	sdelay $0x4  }
0x4e1: {  	v41 =	vsub.f32 $0.0e+00, v12;
	_ =	sdelay $0x1  }
0x4e2: {  	v13 =	vmul.f32 $1.442695020e+00, v41;
	_ =	sdelay $0x1  }
0x4e3: {  	(erf) = vpow2.f32 v13;
	_ =	sdelay $0x8  }
0x4e4: {  	v13 =	vpop (erf)  }
0x4e5: {  	v13 =	vadd.f32 $1.000000000e+00, v13;
	_ =	sdelay $0x1  }
0x4e6: {  	(erf) = vrcp.f32 v13;
	_ =	sdelay $0x2  }
0x4e7: {  	v42 =	vld.idx.msk [tilespmem:v40+s12+$0x0], $0xffff;
	_ =	sdelay $0x4  }
0x4e8: {  	vm12 =	vne.s32 v42, $0xFFFFFFFF  }
0x4e9: {  	v43 =	vsel vm12, $0x3F800000, v0;
	v44 =	vpop (erf)  }
0x4ea: {  	v15 =	vmul.f32 v44, v43;
	_ =	sdelay $0x1  }
0x4eb: {  	v15 =	vsub.f32 $1.000000000e+00, v15;
	_ =	sdelay $0x1  }
0x4ec: {  	v15 =	vmax.f32 v15, $1.000000010e-07  }
0x4ed: {  	v45 =	vand.u32 $0x7FFFFF, v15  }
0x4ee: {  	v16 =	vor.u32 $0x3F800000, v45  }
0x4ef: {  	v46 =	vmul.f32 $5.000000000e-01, v16  }
0x4f0: {  	vm13 =	vgt.f32 v16, $1.414213540e+00  }
0x4f1: {  	v16 =	vsel vm13, v46, v16  }
0x4f2: {  	v16 =	vadd.f32 $-1.000000000e+00, v16;
	_ =	sdelay $0x1  }
0x4f3: {  	v47 =	vadd.f32 $2.000000000e+00, v16;
	_ =	sdelay $0x1  }
0x4f4: {  	(erf) = vrcp.f32 v47;
	_ =	sdelay $0x8  }
0x4f5: {  	v17 =	vpop (erf)  }
0x4f6: {  	v16 =	vmul.f32 v17, v16;
	_ =	sdelay $0x1  }
0x4f7: {  	v17 =	vmul.f32 v16, v16;
	_ =	sdelay $0x1  }
0x4f8: {  	v48 =	vmul.f32 $1.428571490e-01, v17;
	_ =	sdelay $0x1  }
0x4f9: {  	v18 =	vadd.f32 $2.000000030e-01, v48;
	_ =	sdelay $0x1  }
0x4fa: {  	v18 =	vmul.f32 v18, v17;
	_ =	sdelay $0x1  }
0x4fb: {  	v19 =	vshll.u32 v42, $0x3;
	v18 =	vadd.f32 $3.333333430e-01, v18  }
0x4fc: {  	v19 =	vand.u32 $0xFFFFFC00, v19;
	v13 =	vand.u32 $0x7F, v42  }
0x4fd: {  	v15 =	vshrl.u32 v15, $0x17;
	v20 =	vsel vm13, $0xFFFFFF82, v2;
	v17 =	vmul.f32 v18, v17  }
0x4fe: {  	v13 =	vor.u32 v13, v19;
	v15 =	vadd.s32 v15, v20  }
0x4ff: {  	v15 =	vcvt.s32.f32 v15;
	v16 =	vadd.f32 v16, v16;
	v17 =	vadd.f32 $1.000000000e+00, v17  }
0x500: {  	v13 =	vadd.s32 v4, v13  }
0x501: {  	v7 =	vor.u32 s7, v7;
	v15 =	vmul.f32 $6.931471820e-01, v15;
	v16 =	vmul.f32 v17, v16;
	_ =	sdelay $0x1  }
0x502: {  	v15 =	vadd.f32 v16, v15;
	_ =	sdelay $0x1  }
0x503: {  	[tilespmem:v13+s5+$0x0] =	vst.idx.add.f32.msk vm12, v15  }
0x504: {  	v13 =	vld.idx.msk [tilespmem:v7+s11+$0x0], $0xffff;
	_ =	sdelay $0x4  }
0x505: {  	v49 =	vsub.f32 $0.0e+00, v13;
	_ =	sdelay $0x1  }
0x506: {  	v15 =	vmul.f32 $1.442695020e+00, v49;
	_ =	sdelay $0x1  }
0x507: {  	(erf) = vpow2.f32 v15;
	_ =	sdelay $0x8  }
0x508: {  	v15 =	vpop (erf)  }
0x509: {  	v15 =	vadd.f32 $1.000000000e+00, v15;
	_ =	sdelay $0x1  }
0x50a: {  	(erf) = vrcp.f32 v15;
	_ =	sdelay $0x2  }
0x50b: {  	v7 =	vld.idx.msk [tilespmem:v7+s12+$0x0], $0xffff;
	_ =	sdelay $0x4  }
0x50c: {  	vm14 =	vne.s32 v7, $0xFFFFFFFF  }
0x50d: {  	v50 =	vsel vm14, $0x3F800000, v0;
	v51 =	vpop (erf)  }
0x50e: {  	v16 =	vmul.f32 v51, v50;
	_ =	sdelay $0x1  }
0x50f: {  	v16 =	vsub.f32 $1.000000000e+00, v16;
	_ =	sdelay $0x1  }
0x510: {  	v16 =	vmax.f32 v16, $1.000000010e-07  }
0x511: {  	v52 =	vand.u32 $0x7FFFFF, v16  }
0x512: {  	v17 =	vor.u32 $0x3F800000, v52  }
0x513: {  	v53 =	vmul.f32 $5.000000000e-01, v17  }
0x514: {  	vm15 =	vgt.f32 v17, $1.414213540e+00  }
0x515: {  	v17 =	vsel vm15, v53, v17  }
0x516: {  	v17 =	vadd.f32 $-1.000000000e+00, v17;
	_ =	sdelay $0x1  }
0x517: {  	v54 =	vadd.f32 $2.000000000e+00, v17;
	_ =	sdelay $0x1  }
0x518: {  	(erf) = vrcp.f32 v54;
	_ =	sdelay $0x8  }
0x519: {  	v18 =	vpop (erf)  }
0x51a: {  	v17 =	vmul.f32 v18, v17;
	_ =	sdelay $0x1  }
0x51b: {  	v18 =	vmul.f32 v17, v17;
	_ =	sdelay $0x1  }
0x51c: {  	v55 =	vmul.f32 $1.428571490e-01, v18  }
0x51d: {  	v8 =	vmul.f32 v8, v8  }
0x51e: {  	v19 =	vadd.f32 $2.000000030e-01, v55  }
0x51f: {  	v8 =	vmul.f32 v29, v8;
	v11 =	vmul.f32 v11, v11  }
0x520: {  	v19 =	vmul.f32 v19, v18  }
0x521: {  	v5 =	vadd.f32 v8, v5;
	v59 =	vmul.f32 v34, v11  }
0x522: {  	v6 =	vadd.f32 v29, v6;
	v56 =	vshll.u32 v7, $0x3;
	v19 =	vadd.f32 $3.333333430e-01, v19  }
0x523: {  	v5 =	vadd.f32 v59, v5;
	v7 =	vand.u32 $0x7F, v7;
	v20 =	vand.u32 $0xFFFFFC00, v56  }
0x524: {  	v16 =	vshrl.u32 v16, $0x17;
	v58 =	vsel vm15, $0xFFFFFF82, v2;
	v57 =	vmul.f32 v19, v18  }
0x525: {  	v12 =	vmul.f32 v12, v12;
	v7 =	vor.u32 v7, v20;
	v60 =	vadd.s32 v16, v58  }
0x526: {  	v11 =	vcvt.s32.f32 v60;
	v61 =	vadd.f32 v17, v17;
	v9 =	vadd.f32 $1.000000000e+00, v57  }
0x527: {  	v12 =	vmul.f32 v43, v12;
	v62 =	vmul.f32 v13, v13;
	v7 =	vadd.s32 v4, v7  }
0x528: {  	v6 =	vadd.f32 v34, v6;
	v63 =	vmul.f32 $6.931471820e-01, v11;
	v9 =	vmul.f32 v9, v61  }
0x529: {  	v5 =	vadd.f32 v12, v5;
	v8 =	vmul.f32 v50, v62  }
0x52a: {  	v6 =	vadd.f32 v43, v6;
	v9 =	vadd.f32 v9, v63  }
0x52b: {  	v5 =	vadd.f32 v8, v5  }
0x52c: {  	v6 =	vadd.f32 v50, v6;
	[tilespmem:v7+s5+$0x0] =	vst.idx.add.f32.msk vm14, v9  }
0x52d: {  	[tilespmem:$0x104D0] =	vst v5  }
0x52e: {  	s6 =	rddreg [dreg:$0x6];
	[tilespmem:$0x104E0] =	vst v6  }
0x52f: {  	[hbm4b:s6+s4] =	stream.linear.scatter [tilespmem:s5], [sflag:$0x3], $0x2000, $0x38;
	[tilespmem:$0x12080] =	vst v63  }
0x530: {  	_ =	swait.ge [sflag:s8], $0x2000  }
0x531: {  	s25 =	sadd.s32 $0x1, s25;
	s29 =	rddreg [dreg:$0x7]  }
0x532: {  	p0 =	sne.s32 s25, s29  }
.Ltmp3:
0x533: {  	_ = 	snop;
	(pc) =	sbr.rel @p0 .LBB2_1-.Ltmp3, $3  }
0x534: {  	_ =	sdelay $0x1  }
0x535: {  	[sflag:s8] =	ssyncset.done $0x0  }
0x536: {  	[sflag:s8] =	ssyncadd.s32 $0xFFFFE000  }
0x537: {  	_ =	sfence.sel $0x180000  }
0x538: {  	[bflag:$0x0] =	sbarrier.arrive $0xFFFF  }
0x539: {  	_ =	strace $0x90000047  }
0x53a: {  	s0 =	stileid.u32;
	[bflag:$0x2] =	sbarrier.arrive $0xFFFF  }
0x53b: {  	p0 =	sne.s32 s0, $0x0;
	s0 =	rddreg [dreg:$0x4]  }
0x53c: {  	s0 =	sadd.s32 @!p0 $0x100000, s0  }
0x53d: {  	[sflag:s0] =	ssyncadd.tile.s32 @!p0 $0x1;
	_ =	shalt  }
.Lfunc_end2:
_tile_overlayer_lowered:
.L_overlay_start_2:
0x53e: {  	(tag) =	ssettag $0x2  }
0x53f: {  	s0 =	rddreg [dreg:$0x0];
	s2 =	stileid.u32  }
0x540: {  	s1 =	rddreg [dreg:$0x1];
	p0 =	sne.s32 s2, $0x0  }
0x541: {  	s3 =	rddreg [dreg:$0x2];
	[bflag:$0x3] =	sbarrier.arrive $0xFFFF;
	s2 =	simm.s32 @!p0 $0x1C03  }
0x542: {  	[timem:s3], [sflag:s2] =	dma.local @!p0 [hbm:s0], s1  }
0x543: {  	s0 =	simm.s32 @!p0 $0x3  }
0x544: {  	_ =	swait.ge @!p0 [sflag:s0], s1  }
0x545: {  	s1 =	ssub.s32 @!p0 $0x0, s1;
	[sflag:s0] =	ssyncset.done @!p0 $0x0  }
0x546: {  	[sflag:s0] =	ssyncadd.s32 @!p0 s1  }
0x547: {  	[bflag:$0x3] =	sbarrier.arrive $0xFFFF  }
0x548: {  	_ =	shalt  }

</sc_bundles>
